<compile_context>
chip_gen: v7x
topology: tpu7x:2x2x1
jax: 0.10.2.dev20260603
libtpu: 0.0.44.dev20260713+nightly
codegen_flags: <defaults>
</compile_context>

<pallas_src>
import functools

import jax
import jax.numpy as jnp
from jax import lax
from jax.experimental import pallas as pl
from jax.experimental.pallas import tpu as pltpu
from jax.experimental.pallas import tpu_sc as plsc

N = 10000
E = 320000
D = 128
NPAD = 10240
CHUNK = 80
NTILES = 32
EPT = E // NTILES
NCHUNK = EPT // CHUNK
NGROUP = 5
GC = NCHUNK // NGROUP


def _iota_fill(zidx, base):
    for k in range(CHUNK // 16):
        zidx[pl.ds(k * 16, 16)] = lax.iota(jnp.int32, 16) + (base + k * 16)


def _fill_rows(rows, val):
    def body(i, _):
        rows[i // 8, pl.ds((i % 8) * 16, 16)] = jnp.full((16,), val,
                                                         jnp.float32)
        return 0
    lax.fori_loop(0, CHUNK * 8, body, 0)


def _zero_acc(zidx, rows, acc, zbase):
    for j in range(NPAD // 16 // CHUNK):
        _iota_fill(zidx, zbase + j * CHUNK)
        pltpu.sync_copy(rows, acc.at[zidx])


def _readout(zidx, rows, acc, out_ref, c, zbase, sem):
    for j in range(NPAD // 16 // CHUNK):
        ro = zbase + j * CHUNK
        _iota_fill(zidx, ro)
        pltpu.async_copy(acc.at[zidx], rows, sem).wait()
        pltpu.sync_copy(rows, out_ref.at[c, pl.ds(ro, CHUNK)])


def _agg_body(with_deg, *refs):
    if with_deg:
        (x_hbm, src_hbm, dst_hbm, sum_out, deg_out,
         idx, zidx, rows, rows_b, acc, sem, sem_b) = refs
    else:
        (x_hbm, src_hbm, dst_hbm, sum_out,
         idx, zidx, rows, rows_b, acc, sem, sem_b) = refs
        deg_out = None
    c = lax.axis_index("c")
    s = lax.axis_index("s")
    tid = c * 16 + s
    zbase = s * (NPAD // 16)

    _fill_rows(rows, 0.0)
    _zero_acc(zidx, rows, acc, zbase)
    plsc.subcore_barrier()

    def group_body(g, _):
        pltpu.sync_copy(src_hbm.at[tid, g], idx.at[0])
        pltpu.sync_copy(dst_hbm.at[tid, g], idx.at[1])

        ga = pltpu.async_copy(x_hbm.at[idx.at[0, 0]], rows, sem)

        def pair_body(p, _):
            i0 = 2 * p
            pltpu.async_copy(x_hbm.at[idx.at[0, i0 + 1]], rows_b, sem_b)
            pltpu.make_async_copy(x_hbm.at[idx.at[0, i0]], rows, sem).wait()
            pltpu.sync_copy(rows, acc.at[idx.at[1, i0]], add=True)
            pltpu.async_copy(x_hbm.at[idx.at[0, i0 + 2]], rows, sem)
            pltpu.make_async_copy(
                x_hbm.at[idx.at[0, i0 + 1]], rows_b, sem_b).wait()
            pltpu.sync_copy(rows_b, acc.at[idx.at[1, i0 + 1]], add=True)
            return 0
        lax.fori_loop(0, (GC - 1) // 2, pair_body, 0)

        pltpu.make_async_copy(
            x_hbm.at[idx.at[0, GC - 1]], rows, sem).wait()
        pltpu.sync_copy(rows, acc.at[idx.at[1, GC - 1]], add=True)
        del ga
        return 0
    lax.fori_loop(0, NGROUP, group_body, 0)

    plsc.subcore_barrier()
    _readout(zidx, rows, acc, sum_out, c, zbase, sem)

    if with_deg:
        plsc.subcore_barrier()
        _fill_rows(rows, 0.0)
        _zero_acc(zidx, rows, acc, zbase)
        plsc.subcore_barrier()
        _fill_rows(rows, 1.0)

        def dgroup_body(g, _):
            pltpu.sync_copy(dst_hbm.at[tid, g], idx.at[1])

            def dchunk_body(i, _):
                pltpu.sync_copy(rows, acc.at[idx.at[1, i]], add=True)
                return 0
            lax.fori_loop(0, GC, dchunk_body, 0)
            return 0
        lax.fori_loop(0, NGROUP, dgroup_body, 0)

        plsc.subcore_barrier()
        _readout(zidx, rows, acc, deg_out, c, zbase, sem)


def _make_agg(with_deg):
    mesh = plsc.VectorSubcoreMesh(core_axis_name="c", subcore_axis_name="s")
    out_type = [jax.ShapeDtypeStruct((2, NPAD, D), jnp.float32)]
    if with_deg:
        out_type.append(jax.ShapeDtypeStruct((2, NPAD, D), jnp.float32))
    scratch = [
        pltpu.VMEM((2, GC, CHUNK), jnp.int32),
        pltpu.VMEM((CHUNK,), jnp.int32),
        pltpu.VMEM((CHUNK, D), jnp.float32),
        pltpu.VMEM((CHUNK, D), jnp.float32),
        pltpu.VMEM_SHARED((NPAD, D), jnp.float32),
        pltpu.SemaphoreType.DMA,
        pltpu.SemaphoreType.DMA,
    ]
    return pl.kernel(
        functools.partial(_agg_body, with_deg),
        out_type=tuple(out_type) if with_deg else out_type[0],
        mesh=mesh,
        scratch_types=scratch,
    )


def _linear1_body(sum_ref, deg_ref, x_ref, wl_ref, bl_ref, wr_ref,
                  h_ref, dg_ref):
    tot = sum_ref[0] + sum_ref[1]
    dg = jnp.clip(deg_ref[0, :, :1] + deg_ref[1, :, :1], 1.0, None)
    mean = tot / dg
    acc = lax.dot_general(mean, wl_ref[...], (((1,), (1,)), ((), ())),
                          preferred_element_type=jnp.float32)
    acc = acc + lax.dot_general(x_ref[...], wr_ref[...], (((1,), (1,)), ((), ())),
                                preferred_element_type=jnp.float32)
    acc = acc + bl_ref[...]
    h_ref[...] = jnp.maximum(acc, 0.0)
    dg_ref[...] = jnp.broadcast_to(dg, dg_ref.shape)


def _linear2_body(sum_ref, dg_ref, x_ref, wl_ref, bl_ref, wr_ref, out_ref):
    tot = sum_ref[0] + sum_ref[1]
    mean = tot / dg_ref[:, :1]
    acc = lax.dot_general(mean, wl_ref[...], (((1,), (1,)), ((), ())),
                          preferred_element_type=jnp.float32)
    acc = acc + lax.dot_general(x_ref[...], wr_ref[...], (((1,), (1,)), ((), ())),
                                preferred_element_type=jnp.float32)
    out_ref[...] = acc + bl_ref[...]


_BLK = 1280


def _make_linear1():
    return pl.pallas_call(
        _linear1_body,
        grid=(NPAD // _BLK,),
        in_specs=[
            pl.BlockSpec((2, _BLK, D), lambda i: (0, i, 0)),
            pl.BlockSpec((2, _BLK, D), lambda i: (0, i, 0)),
            pl.BlockSpec((_BLK, D), lambda i: (i, 0)),
            pl.BlockSpec((D, D), lambda i: (0, 0)),
            pl.BlockSpec((1, D), lambda i: (0, 0)),
            pl.BlockSpec((D, D), lambda i: (0, 0)),
        ],
        out_specs=[
            pl.BlockSpec((_BLK, D), lambda i: (i, 0)),
            pl.BlockSpec((_BLK, D), lambda i: (i, 0)),
        ],
        out_shape=[
            jax.ShapeDtypeStruct((NPAD, D), jnp.float32),
            jax.ShapeDtypeStruct((NPAD, D), jnp.float32),
        ],
    )


def _make_linear2():
    return pl.pallas_call(
        _linear2_body,
        grid=(NPAD // _BLK,),
        in_specs=[
            pl.BlockSpec((2, _BLK, D), lambda i: (0, i, 0)),
            pl.BlockSpec((_BLK, D), lambda i: (i, 0)),
            pl.BlockSpec((_BLK, D), lambda i: (i, 0)),
            pl.BlockSpec((D, D), lambda i: (0, 0)),
            pl.BlockSpec((1, D), lambda i: (0, 0)),
            pl.BlockSpec((D, D), lambda i: (0, 0)),
        ],
        out_specs=pl.BlockSpec((_BLK, D), lambda i: (i, 0)),
        out_shape=jax.ShapeDtypeStruct((NPAD, D), jnp.float32),
    )


def kernel(x, edge_index, Wl1, bl1, Wr1, Wl2, bl2, Wr2):
    ei = edge_index.astype(jnp.int32)
    src = ei[0].reshape(NTILES, NGROUP, GC, CHUNK)
    dst = ei[1].reshape(NTILES, NGROUP, GC, CHUNK)

    x_p = jnp.concatenate(
        [x, jnp.zeros((NPAD - N, D), jnp.float32)], axis=0)

    sum1, deg = _make_agg(True)(x_p, src, dst)
    h, dg = _make_linear1()(sum1, deg, x_p, Wl1, bl1.reshape(1, D), Wr1)
    sum2 = _make_agg(False)(h, src, dst)
    out = _make_linear2()(sum2, dg, h, Wl2, bl2.reshape(1, D), Wr2)
    return out[:N]

# --- scband reference (transcript-rebuilt; emitter-appended) ---
"""Pipeline reference for scband-pure-sage-13151189860446 (READ-ONLY COPY).

The authoritative reference and input builder live on the scoring server;
editing this copy changes nothing except your own understanding.
"""

import jax, jax.numpy as jnp
import numpy as np

N_NODES = 10000
N_EDGES = 320000
D = 128


def setup_inputs(seed: int = 0) -> dict:
    key = jax.random.key(seed)
    ks = jax.random.split(key, 10)
    x = jax.random.normal(ks[0], (N_NODES, D), dtype=jnp.float32)
    edge_index = jax.random.randint(ks[1], (2, N_EDGES), 0, N_NODES, dtype=jnp.int64)
    s = 1.0 / np.sqrt(D)
    Wl1 = jax.random.uniform(ks[2], (D, D), jnp.float32, -s, s)
    bl1 = jax.random.uniform(ks[3], (D,), jnp.float32, -s, s)
    Wr1 = jax.random.uniform(ks[4], (D, D), jnp.float32, -s, s)
    Wl2 = jax.random.uniform(ks[5], (D, D), jnp.float32, -s, s)
    bl2 = jax.random.uniform(ks[6], (D,), jnp.float32, -s, s)
    Wr2 = jax.random.uniform(ks[7], (D, D), jnp.float32, -s, s)
    return {"x": x, "edge_index": edge_index, "Wl1": Wl1, "bl1": bl1, "Wr1": Wr1,
            "Wl2": Wl2, "bl2": bl2, "Wr2": Wr2}


def _sage_conv(x, edge_index, Wl, bl, Wr):
    # PyG SAGEConv with aggr='mean': out = lin_l(mean_{j in N(i)} x_j) + lin_r(x_i)
    src = edge_index[0]
    dst = edge_index[1]
    n = x.shape[0]
    msgs = jnp.take(x, src, axis=0)                      # gather
    summed = jax.ops.segment_sum(msgs, dst, num_segments=n)  # scatter-add
    deg = jax.ops.segment_sum(jnp.ones((msgs.shape[0],), dtype=x.dtype), dst, num_segments=n)
    mean = summed / jnp.clip(deg, 1.0, None)[:, None]
    return mean @ Wl.T + bl + x @ Wr.T


def reference(x, edge_index, Wl1, bl1, Wr1, Wl2, bl2, Wr2):
    # layer 1
    h = _sage_conv(x, edge_index, Wl1, bl1, Wr1)
    h = jax.nn.relu(h)
    # dropout p=0.5 is identity in eval mode
    # layer 2
    out = _sage_conv(h, edge_index, Wl2, bl2, Wr2)
    return out

if __name__ == "__main__":
    import jax
    _d = setup_inputs()
    print(jax.jit(kernel)(*tuple(_d.values())))

</pallas_src>

<mosaic_0001>
#map = affine_map<(d0, d1) -> (0, 0)>
#map1 = affine_map<(d0, d1) -> (0, 0, 0, 0)>
#map2 = affine_map<(d0, d1) -> (0, 0, 0)>
module attributes {stable_mosaic.version = 14 : i64} {
  func.func @_agg_body(%arg0: i32, %arg1: i32, %arg2: memref<10240x128xf32, #tpu.memory_space<hbm>>, %arg3: memref<32x5x25x80xi32, #tpu.memory_space<hbm>>, %arg4: memref<32x5x25x80xi32, #tpu.memory_space<hbm>>, %arg5: memref<2x10240x128xf32, #tpu.memory_space<hbm>>, %arg6: memref<2x10240x128xf32, #tpu.memory_space<hbm>>, %arg7: memref<2x25x80xi32, #tpu.memory_space<vmem>>, %arg8: memref<80xi32, #tpu.memory_space<vmem>>, %arg9: memref<80x128xf32, #tpu.memory_space<vmem>>, %arg10: memref<80x128xf32, #tpu.memory_space<vmem>>, %arg11: memref<10240x128xf32, #tpu.memory_space<vmem_shared>>, %arg12: memref<!tpu.dma_semaphore, #tpu.memory_space<semaphore_mem>>, %arg13: memref<!tpu.dma_semaphore, #tpu.memory_space<semaphore_mem>>) attributes {dimension_semantics = [#tpu.dimension_semantics<core_parallel>, #tpu.dimension_semantics<subcore_parallel>], iteration_bounds = array<i64: 2, 16>, scalar_prefetch = 0 : i64, scratch_operands = 7 : i64, tpu.core_type = #tpu.core_type<sc_vector_subcore>, window_params = [{transform_indices = #map}, {transform_indices = #map1}, {transform_indices = #map1}, {transform_indices = #map2}, {transform_indices = #map2}]} {
    %mul3A = arith.constant 16 : i32
    %mul3A_0 = arith.muli %arg0, %mul3A : i32
    %add3A = arith.addi %mul3A_0, %arg1 : i32
    %mul3A_1 = arith.constant 640 : i32
    %mul3A_2 = arith.muli %arg1, %mul3A_1 : i32
    %scan3A = arith.constant 0 : i32
    %scan3A_3 = arith.constant 0 : i32
    %scan3A_4 = arith.constant 640 : i32
    %scan3A_5 = arith.addi %scan3A_3, %scan3A_4 : i32
    %scan3A_6 = arith.constant 1 : i32
    %scan3A_7 = scf.for %scan3A_1637 = %scan3A_3 to %scan3A_5 step %scan3A_6 iter_args(%scan3A_1638 = %scan3A) -> (i32)  : i32 {
      %broadcast_in_dim3A = arith.constant 0.000000e+00 : f32
      %broadcast_in_dim3A_1639 = vector.broadcast %broadcast_in_dim3A : f32 to vector<16xf32>
      %jit3A = arith.constant 8 : i32
      %div3A = arith.divsi %scan3A_1637, %jit3A : i32
      %sign3A = arith.constant 0 : i32
      %sign3A_1640 = arith.cmpi sgt, %scan3A_1637, %sign3A : i32
      %sign3A_1641 = arith.extui %sign3A_1640 : i1 to i32
      %sign3A_1642 = arith.constant 0 : i32
      %sign3A_1643 = arith.cmpi slt, %scan3A_1637, %sign3A_1642 : i32
      %sign3A_1644 = arith.extui %sign3A_1643 : i1 to i32
      %sign3A_1645 = arith.subi %sign3A_1641, %sign3A_1644 : i32
      %sign3A_1646 = arith.constant 0 : i32
      %sign3A_1647 = arith.cmpi sgt, %jit3A, %sign3A_1646 : i32
      %sign3A_1648 = arith.extui %sign3A_1647 : i1 to i32
      %sign3A_1649 = arith.constant 0 : i32
      %sign3A_1650 = arith.cmpi slt, %jit3A, %sign3A_1649 : i32
      %sign3A_1651 = arith.extui %sign3A_1650 : i1 to i32
      %sign3A_1652 = arith.subi %sign3A_1648, %sign3A_1651 : i32
      %ne3A = arith.cmpi ne, %sign3A_1645, %sign3A_1652 : i32
      %rem3A = arith.remsi %scan3A_1637, %jit3A : i32
      %ne3A_1653 = arith.constant 0 : i32
      %ne3A_1654 = arith.cmpi ne, %rem3A, %ne3A_1653 : i32
      %and3A = arith.andi %ne3A, %ne3A_1654 : i1
      %sub3A = arith.constant 1 : i32
      %sub3A_1655 = arith.subi %div3A, %sub3A : i32
      %select_n3A = arith.select %and3A, %sub3A_1655, %div3A : i32
      %jit3A_1656 = arith.constant 8 : i32
      %eq3A = arith.constant 0 : i32
      %eq3A_1657 = arith.cmpi eq, %jit3A_1656, %eq3A : i32
      %jit3A_1658 = arith.constant 1 : i32
      %select_n3A_1659 = arith.select %eq3A_1657, %jit3A_1658, %jit3A_1656 : i32
      %rem3A_1660 = arith.remsi %scan3A_1637, %select_n3A_1659 : i32
      %ne3A_1661 = arith.constant 0 : i32
      %ne3A_1662 = arith.cmpi ne, %rem3A_1660, %ne3A_1661 : i32
      %lt3A = arith.constant 0 : i32
      %lt3A_1663 = arith.cmpi slt, %rem3A_1660, %lt3A : i32
      %lt3A_1664 = arith.constant 0 : i32
      %lt3A_1665 = arith.cmpi slt, %select_n3A_1659, %lt3A_1664 : i32
      %ne3A_1666 = arith.xori %lt3A_1663, %lt3A_1665 : i1
      %and3A_1667 = arith.andi %ne3A_1666, %ne3A_1662 : i1
      %add3A_1668 = arith.addi %rem3A_1660, %select_n3A_1659 : i32
      %select_n3A_1669 = arith.select %and3A_1667, %add3A_1668, %rem3A_1660 : i32
      %mul3A_1670 = arith.constant 16 : i32
      %mul3A_1671 = arith.muli %select_n3A_1669, %mul3A_1670 : i32
      %swap3A_1672 = arith.index_cast %select_n3A : i32 to index
      %swap3A_1673 = arith.index_cast %mul3A_1671 : i32 to index
      %swap3A_1674 = tpu.vector_load %arg9[%swap3A_1672, %swap3A_1673] {strides = array<i32>} : memref<80x128xf32, #tpu.memory_space<vmem>>, vector<1x16xf32>,
      %swap3A_1675 = vector.shape_cast %swap3A_1674 : vector<1x16xf32> to vector<16xf32>
      %swap3A_1676 = vector.shape_cast %broadcast_in_dim3A_1639 : vector<16xf32> to vector<1x16xf32>
      tpu.vector_store %arg9[%swap3A_1672, %swap3A_1673], %swap3A_1676 {strides = array<i32>} : memref<80x128xf32, #tpu.memory_space<vmem>>, vector<1x16xf32>,
      %scan3A_1677 = arith.constant 0 : i32
      scf.yield %scan3A_1677 : i32
    }
    %scan3A_8 = arith.constant 640 : i32
    %add3A_9 = arith.constant 0 : i32
    %add3A_10 = arith.addi %mul3A_2, %add3A_9 : i32
    %iota3A = tpu.iota {dimensions = array<i32: 0>} : vector<16xi32>
    %add3A_11 = arith.constant 0 : i32
    %add3A_12 = arith.addi %add3A_10, %add3A_11 : i32
    %add3A_13 = vector.broadcast %add3A_12 : i32 to vector<16xi32>
    %add3A_14 = arith.addi %iota3A, %add3A_13 : vector<16xi32>
    %swap3A = arith.constant 0 : index
    %swap3A_15 = tpu.vector_load %arg8[%swap3A] {strides = array<i32>} : memref<80xi32, #tpu.memory_space<vmem>>, vector<16xi32>,
    %swap3A_16 = vector.shape_cast %swap3A_15 : vector<16xi32> to vector<16xi32>
    %swap3A_17 = vector.shape_cast %add3A_14 : vector<16xi32> to vector<16xi32>
    tpu.vector_store %arg8[%swap3A], %swap3A_17 {strides = array<i32>} : memref<80xi32, #tpu.memory_space<vmem>>, vector<16xi32>,
    %iota3A_18 = tpu.iota {dimensions = array<i32: 0>} : vector<16xi32>
    %add3A_19 = arith.constant 16 : i32
    %add3A_20 = arith.addi %add3A_10, %add3A_19 : i32
    %add3A_21 = vector.broadcast %add3A_20 : i32 to vector<16xi32>
    %add3A_22 = arith.addi %iota3A_18, %add3A_21 : vector<16xi32>
    %swap3A_23 = arith.constant 16 : index
    %swap3A_24 = tpu.vector_load %arg8[%swap3A_23] {strides = array<i32>} : memref<80xi32, #tpu.memory_space<vmem>>, vector<16xi32>,
    %swap3A_25 = vector.shape_cast %swap3A_24 : vector<16xi32> to vector<16xi32>
    %swap3A_26 = vector.shape_cast %add3A_22 : vector<16xi32> to vector<16xi32>
    tpu.vector_store %arg8[%swap3A_23], %swap3A_26 {strides = array<i32>} : memref<80xi32, #tpu.memory_space<vmem>>, vector<16xi32>,
    %iota3A_27 = tpu.iota {dimensions = array<i32: 0>} : vector<16xi32>
    %add3A_28 = arith.constant 32 : i32
    %add3A_29 = arith.addi %add3A_10, %add3A_28 : i32
    %add3A_30 = vector.broadcast %add3A_29 : i32 to vector<16xi32>
    %add3A_31 = arith.addi %iota3A_27, %add3A_30 : vector<16xi32>
    %swap3A_32 = arith.constant 32 : index
    %swap3A_33 = tpu.vector_load %arg8[%swap3A_32] {strides = array<i32>} : memref<80xi32, #tpu.memory_space<vmem>>, vector<16xi32>,
    %swap3A_34 = vector.shape_cast %swap3A_33 : vector<16xi32> to vector<16xi32>
    %swap3A_35 = vector.shape_cast %add3A_31 : vector<16xi32> to vector<16xi32>
    tpu.vector_store %arg8[%swap3A_32], %swap3A_35 {strides = array<i32>} : memref<80xi32, #tpu.memory_space<vmem>>, vector<16xi32>,
    %iota3A_36 = tpu.iota {dimensions = array<i32: 0>} : vector<16xi32>
    %add3A_37 = arith.constant 48 : i32
    %add3A_38 = arith.addi %add3A_10, %add3A_37 : i32
    %add3A_39 = vector.broadcast %add3A_38 : i32 to vector<16xi32>
    %add3A_40 = arith.addi %iota3A_36, %add3A_39 : vector<16xi32>
    %swap3A_41 = arith.constant 48 : index
    %swap3A_42 = tpu.vector_load %arg8[%swap3A_41] {strides = array<i32>} : memref<80xi32, #tpu.memory_space<vmem>>, vector<16xi32>,
    %swap3A_43 = vector.shape_cast %swap3A_42 : vector<16xi32> to vector<16xi32>
    %swap3A_44 = vector.shape_cast %add3A_40 : vector<16xi32> to vector<16xi32>
    tpu.vector_store %arg8[%swap3A_41], %swap3A_44 {strides = array<i32>} : memref<80xi32, #tpu.memory_space<vmem>>, vector<16xi32>,
    %iota3A_45 = tpu.iota {dimensions = array<i32: 0>} : vector<16xi32>
    %add3A_46 = arith.constant 64 : i32
    %add3A_47 = arith.addi %add3A_10, %add3A_46 : i32
    %add3A_48 = vector.broadcast %add3A_47 : i32 to vector<16xi32>
    %add3A_49 = arith.addi %iota3A_45, %add3A_48 : vector<16xi32>
    %swap3A_50 = arith.constant 64 : index
    %swap3A_51 = tpu.vector_load %arg8[%swap3A_50] {strides = array<i32>} : memref<80xi32, #tpu.memory_space<vmem>>, vector<16xi32>,
    %swap3A_52 = vector.shape_cast %swap3A_51 : vector<16xi32> to vector<16xi32>
    %swap3A_53 = vector.shape_cast %add3A_49 : vector<16xi32> to vector<16xi32>
    tpu.vector_store %arg8[%swap3A_50], %swap3A_53 {strides = array<i32>} : memref<80xi32, #tpu.memory_space<vmem>>, vector<16xi32>,
    "tpu.region"() ({
      %run_scoped3A = tpu.sem_alloc : memref<!tpu.dma_semaphore, #tpu.memory_space<semaphore_mem>>
      %dma_start3A_1637 = arith.constant 0 : i32
      %dma_start3A_1638 = arith.constant 0 : i32
      %dma_start3A_1639 = tpu.memref_slice %arg11[%dma_start3A_1637, %dma_start3A_1638] : memref<10240x128xf32, #tpu.memory_space<vmem_shared>> -> memref<10240x128xf32, #tpu.memory_space<vmem_shared>>
      tpu.enqueue_indirect_dma source(%arg9 : memref<80x128xf32, #tpu.memory_space<vmem>>) target(%dma_start3A_1639 : memref<10240x128xf32, #tpu.memory_space<vmem_shared>>) offsets(%arg8 : memref<80xi32, #tpu.memory_space<vmem>>) semaphore(%run_scoped3A : memref<!tpu.dma_semaphore, #tpu.memory_space<semaphore_mem>>)
      %dma_wait3A_1640 = arith.constant 0 : i32
      %dma_wait3A_1641 = arith.constant 0 : i32
      %dma_wait3A_1642 = tpu.memref_slice %arg11[%dma_wait3A_1640, %dma_wait3A_1641] : memref<10240x128xf32, #tpu.memory_space<vmem_shared>> -> memref<10240x128xf32, #tpu.memory_space<vmem_shared>>
      tpu.wait_indirect_dma semaphore(%run_scoped3A : memref<!tpu.dma_semaphore, #tpu.memory_space<semaphore_mem>>) src(%arg9 : memref<80x128xf32, #tpu.memory_space<vmem>>) dst(%dma_wait3A_1642 : memref<10240x128xf32, #tpu.memory_space<vmem_shared>>)
      tpu.yield
    }) : () -> ()
    %add3A_54 = arith.constant 80 : i32
    %add3A_55 = arith.addi %mul3A_2, %add3A_54 : i32
    %iota3A_56 = tpu.iota {dimensions = array<i32: 0>} : vector<16xi32>
    %add3A_57 = arith.constant 0 : i32
    %add3A_58 = arith.addi %add3A_55, %add3A_57 : i32
    %add3A_59 = vector.broadcast %add3A_58 : i32 to vector<16xi32>
    %add3A_60 = arith.addi %iota3A_56, %add3A_59 : vector<16xi32>
    %swap3A_61 = arith.constant 0 : index
    %swap3A_62 = tpu.vector_load %arg8[%swap3A_61] {strides = array<i32>} : memref<80xi32, #tpu.memory_space<vmem>>, vector<16xi32>,
    %swap3A_63 = vector.shape_cast %swap3A_62 : vector<16xi32> to vector<16xi32>
    %swap3A_64 = vector.shape_cast %add3A_60 : vector<16xi32> to vector<16xi32>
    tpu.vector_store %arg8[%swap3A_61], %swap3A_64 {strides = array<i32>} : memref<80xi32, #tpu.memory_space<vmem>>, vector<16xi32>,
    %iota3A_65 = tpu.iota {dimensions = array<i32: 0>} : vector<16xi32>
    %add3A_66 = arith.constant 16 : i32
    %add3A_67 = arith.addi %add3A_55, %add3A_66 : i32
    %add3A_68 = vector.broadcast %add3A_67 : i32 to vector<16xi32>
    %add3A_69 = arith.addi %iota3A_65, %add3A_68 : vector<16xi32>
    %swap3A_70 = arith.constant 16 : index
    %swap3A_71 = tpu.vector_load %arg8[%swap3A_70] {strides = array<i32>} : memref<80xi32, #tpu.memory_space<vmem>>, vector<16xi32>,
    %swap3A_72 = vector.shape_cast %swap3A_71 : vector<16xi32> to vector<16xi32>
    %swap3A_73 = vector.shape_cast %add3A_69 : vector<16xi32> to vector<16xi32>
    tpu.vector_store %arg8[%swap3A_70], %swap3A_73 {strides = array<i32>} : memref<80xi32, #tpu.memory_space<vmem>>, vector<16xi32>,
    %iota3A_74 = tpu.iota {dimensions = array<i32: 0>} : vector<16xi32>
    %add3A_75 = arith.constant 32 : i32
    %add3A_76 = arith.addi %add3A_55, %add3A_75 : i32
    %add3A_77 = vector.broadcast %add3A_76 : i32 to vector<16xi32>
    %add3A_78 = arith.addi %iota3A_74, %add3A_77 : vector<16xi32>
    %swap3A_79 = arith.constant 32 : index
    %swap3A_80 = tpu.vector_load %arg8[%swap3A_79] {strides = array<i32>} : memref<80xi32, #tpu.memory_space<vmem>>, vector<16xi32>,
    %swap3A_81 = vector.shape_cast %swap3A_80 : vector<16xi32> to vector<16xi32>
    %swap3A_82 = vector.shape_cast %add3A_78 : vector<16xi32> to vector<16xi32>
    tpu.vector_store %arg8[%swap3A_79], %swap3A_82 {strides = array<i32>} : memref<80xi32, #tpu.memory_space<vmem>>, vector<16xi32>,
    %iota3A_83 = tpu.iota {dimensions = array<i32: 0>} : vector<16xi32>
    %add3A_84 = arith.constant 48 : i32
    %add3A_85 = arith.addi %add3A_55, %add3A_84 : i32
    %add3A_86 = vector.broadcast %add3A_85 : i32 to vector<16xi32>
    %add3A_87 = arith.addi %iota3A_83, %add3A_86 : vector<16xi32>
    %swap3A_88 = arith.constant 48 : index
    %swap3A_89 = tpu.vector_load %arg8[%swap3A_88] {strides = array<i32>} : memref<80xi32, #tpu.memory_space<vmem>>, vector<16xi32>,
    %swap3A_90 = vector.shape_cast %swap3A_89 : vector<16xi32> to vector<16xi32>
    %swap3A_91 = vector.shape_cast %add3A_87 : vector<16xi32> to vector<16xi32>
    tpu.vector_store %arg8[%swap3A_88], %swap3A_91 {strides = array<i32>} : memref<80xi32, #tpu.memory_space<vmem>>, vector<16xi32>,
    %iota3A_92 = tpu.iota {dimensions = array<i32: 0>} : vector<16xi32>
    %add3A_93 = arith.constant 64 : i32
    %add3A_94 = arith.addi %add3A_55, %add3A_93 : i32
    %add3A_95 = vector.broadcast %add3A_94 : i32 to vector<16xi32>
    %add3A_96 = arith.addi %iota3A_92, %add3A_95 : vector<16xi32>
    %swap3A_97 = arith.constant 64 : index
    %swap3A_98 = tpu.vector_load %arg8[%swap3A_97] {strides = array<i32>} : memref<80xi32, #tpu.memory_space<vmem>>, vector<16xi32>,
    %swap3A_99 = vector.shape_cast %swap3A_98 : vector<16xi32> to vector<16xi32>
    %swap3A_100 = vector.shape_cast %add3A_96 : vector<16xi32> to vector<16xi32>
    tpu.vector_store %arg8[%swap3A_97], %swap3A_100 {strides = array<i32>} : memref<80xi32, #tpu.memory_space<vmem>>, vector<16xi32>,
    "tpu.region"() ({
      %run_scoped3A = tpu.sem_alloc : memref<!tpu.dma_semaphore, #tpu.memory_space<semaphore_mem>>
      %dma_start3A_1637 = arith.constant 0 : i32
      %dma_start3A_1638 = arith.constant 0 : i32
      %dma_start3A_1639 = tpu.memref_slice %arg11[%dma_start3A_1637, %dma_start3A_1638] : memref<10240x128xf32, #tpu.memory_space<vmem_shared>> -> memref<10240x128xf32, #tpu.memory_space<vmem_shared>>
      tpu.enqueue_indirect_dma source(%arg9 : memref<80x128xf32, #tpu.memory_space<vmem>>) target(%dma_start3A_1639 : memref<10240x128xf32, #tpu.memory_space<vmem_shared>>) offsets(%arg8 : memref<80xi32, #tpu.memory_space<vmem>>) semaphore(%run_scoped3A : memref<!tpu.dma_semaphore, #tpu.memory_space<semaphore_mem>>)
      %dma_wait3A_1640 = arith.constant 0 : i32
      %dma_wait3A_1641 = arith.constant 0 : i32
      %dma_wait3A_1642 = tpu.memref_slice %arg11[%dma_wait3A_1640, %dma_wait3A_1641] : memref<10240x128xf32, #tpu.memory_space<vmem_shared>> -> memref<10240x128xf32, #tpu.memory_space<vmem_shared>>
      tpu.wait_indirect_dma semaphore(%run_scoped3A : memref<!tpu.dma_semaphore, #tpu.memory_space<semaphore_mem>>) src(%arg9 : memref<80x128xf32, #tpu.memory_space<vmem>>) dst(%dma_wait3A_1642 : memref<10240x128xf32, #tpu.memory_space<vmem_shared>>)
      tpu.yield
    }) : () -> ()
    %add3A_101 = arith.constant 160 : i32
    %add3A_102 = arith.addi %mul3A_2, %add3A_101 : i32
    %iota3A_103 = tpu.iota {dimensions = array<i32: 0>} : vector<16xi32>
    %add3A_104 = arith.constant 0 : i32
    %add3A_105 = arith.addi %add3A_102, %add3A_104 : i32
    %add3A_106 = vector.broadcast %add3A_105 : i32 to vector<16xi32>
    %add3A_107 = arith.addi %iota3A_103, %add3A_106 : vector<16xi32>
    %swap3A_108 = arith.constant 0 : index
    %swap3A_109 = tpu.vector_load %arg8[%swap3A_108] {strides = array<i32>} : memref<80xi32, #tpu.memory_space<vmem>>, vector<16xi32>,
    %swap3A_110 = vector.shape_cast %swap3A_109 : vector<16xi32> to vector<16xi32>
    %swap3A_111 = vector.shape_cast %add3A_107 : vector<16xi32> to vector<16xi32>
    tpu.vector_store %arg8[%swap3A_108], %swap3A_111 {strides = array<i32>} : memref<80xi32, #tpu.memory_space<vmem>>, vector<16xi32>,
    %iota3A_112 = tpu.iota {dimensions = array<i32: 0>} : vector<16xi32>
    %add3A_113 = arith.constant 16 : i32
    %add3A_114 = arith.addi %add3A_102, %add3A_113 : i32
    %add3A_115 = vector.broadcast %add3A_114 : i32 to vector<16xi32>
    %add3A_116 = arith.addi %iota3A_112, %add3A_115 : vector<16xi32>
    %swap3A_117 = arith.constant 16 : index
    %swap3A_118 = tpu.vector_load %arg8[%swap3A_117] {strides = array<i32>} : memref<80xi32, #tpu.memory_space<vmem>>, vector<16xi32>,
    %swap3A_119 = vector.shape_cast %swap3A_118 : vector<16xi32> to vector<16xi32>
    %swap3A_120 = vector.shape_cast %add3A_116 : vector<16xi32> to vector<16xi32>
    tpu.vector_store %arg8[%swap3A_117], %swap3A_120 {strides = array<i32>} : memref<80xi32, #tpu.memory_space<vmem>>, vector<16xi32>,
    %iota3A_121 = tpu.iota {dimensions = array<i32: 0>} : vector<16xi32>
    %add3A_122 = arith.constant 32 : i32
    %add3A_123 = arith.addi %add3A_102, %add3A_122 : i32
    %add3A_124 = vector.broadcast %add3A_123 : i32 to vector<16xi32>
    %add3A_125 = arith.addi %iota3A_121, %add3A_124 : vector<16xi32>
    %swap3A_126 = arith.constant 32 : index
    %swap3A_127 = tpu.vector_load %arg8[%swap3A_126] {strides = array<i32>} : memref<80xi32, #tpu.memory_space<vmem>>, vector<16xi32>,
    %swap3A_128 = vector.shape_cast %swap3A_127 : vector<16xi32> to vector<16xi32>
    %swap3A_129 = vector.shape_cast %add3A_125 : vector<16xi32> to vector<16xi32>
    tpu.vector_store %arg8[%swap3A_126], %swap3A_129 {strides = array<i32>} : memref<80xi32, #tpu.memory_space<vmem>>, vector<16xi32>,
    %iota3A_130 = tpu.iota {dimensions = array<i32: 0>} : vector<16xi32>
    %add3A_131 = arith.constant 48 : i32
    %add3A_132 = arith.addi %add3A_102, %add3A_131 : i32
    %add3A_133 = vector.broadcast %add3A_132 : i32 to vector<16xi32>
    %add3A_134 = arith.addi %iota3A_130, %add3A_133 : vector<16xi32>
    %swap3A_135 = arith.constant 48 : index
    %swap3A_136 = tpu.vector_load %arg8[%swap3A_135] {strides = array<i32>} : memref<80xi32, #tpu.memory_space<vmem>>, vector<16xi32>,
    %swap3A_137 = vector.shape_cast %swap3A_136 : vector<16xi32> to vector<16xi32>
    %swap3A_138 = vector.shape_cast %add3A_134 : vector<16xi32> to vector<16xi32>
    tpu.vector_store %arg8[%swap3A_135], %swap3A_138 {strides = array<i32>} : memref<80xi32, #tpu.memory_space<vmem>>, vector<16xi32>,
    %iota3A_139 = tpu.iota {dimensions = array<i32: 0>} : vector<16xi32>
    %add3A_140 = arith.constant 64 : i32
    %add3A_141 = arith.addi %add3A_102, %add3A_140 : i32
    %add3A_142 = vector.broadcast %add3A_141 : i32 to vector<16xi32>
    %add3A_143 = arith.addi %iota3A_139, %add3A_142 : vector<16xi32>
    %swap3A_144 = arith.constant 64 : index
    %swap3A_145 = tpu.vector_load %arg8[%swap3A_144] {strides = array<i32>} : memref<80xi32, #tpu.memory_space<vmem>>, vector<16xi32>,
    %swap3A_146 = vector.shape_cast %swap3A_145 : vector<16xi32> to vector<16xi32>
    %swap3A_147 = vector.shape_cast %add3A_143 : vector<16xi32> to vector<16xi32>
    tpu.vector_store %arg8[%swap3A_144], %swap3A_147 {strides = array<i32>} : memref<80xi32, #tpu.memory_space<vmem>>, vector<16xi32>,
    "tpu.region"() ({
      %run_scoped3A = tpu.sem_alloc : memref<!tpu.dma_semaphore, #tpu.memory_space<semaphore_mem>>
      %dma_start3A_1637 = arith.constant 0 : i32
      %dma_start3A_1638 = arith.constant 0 : i32
      %dma_start3A_1639 = tpu.memref_slice %arg11[%dma_start3A_1637, %dma_start3A_1638] : memref<10240x128xf32, #tpu.memory_space<vmem_shared>> -> memref<10240x128xf32, #tpu.memory_space<vmem_shared>>
      tpu.enqueue_indirect_dma source(%arg9 : memref<80x128xf32, #tpu.memory_space<vmem>>) target(%dma_start3A_1639 : memref<10240x128xf32, #tpu.memory_space<vmem_shared>>) offsets(%arg8 : memref<80xi32, #tpu.memory_space<vmem>>) semaphore(%run_scoped3A : memref<!tpu.dma_semaphore, #tpu.memory_space<semaphore_mem>>)
      %dma_wait3A_1640 = arith.constant 0 : i32
      %dma_wait3A_1641 = arith.constant 0 : i32
      %dma_wait3A_1642 = tpu.memref_slice %arg11[%dma_wait3A_1640, %dma_wait3A_1641] : memref<10240x128xf32, #tpu.memory_space<vmem_shared>> -> memref<10240x128xf32, #tpu.memory_space<vmem_shared>>
      tpu.wait_indirect_dma semaphore(%run_scoped3A : memref<!tpu.dma_semaphore, #tpu.memory_space<semaphore_mem>>) src(%arg9 : memref<80x128xf32, #tpu.memory_space<vmem>>) dst(%dma_wait3A_1642 : memref<10240x128xf32, #tpu.memory_space<vmem_shared>>)
      tpu.yield
    }) : () -> ()
    %add3A_148 = arith.constant 240 : i32
    %add3A_149 = arith.addi %mul3A_2, %add3A_148 : i32
    %iota3A_150 = tpu.iota {dimensions = array<i32: 0>} : vector<16xi32>
    %add3A_151 = arith.constant 0 : i32
    %add3A_152 = arith.addi %add3A_149, %add3A_151 : i32
    %add3A_153 = vector.broadcast %add3A_152 : i32 to vector<16xi32>
    %add3A_154 = arith.addi %iota3A_150, %add3A_153 : vector<16xi32>
    %swap3A_155 = arith.constant 0 : index
    %swap3A_156 = tpu.vector_load %arg8[%swap3A_155] {strides = array<i32>} : memref<80xi32, #tpu.memory_space<vmem>>, vector<16xi32>,
    %swap3A_157 = vector.shape_cast %swap3A_156 : vector<16xi32> to vector<16xi32>
    %swap3A_158 = vector.shape_cast %add3A_154 : vector<16xi32> to vector<16xi32>
    tpu.vector_store %arg8[%swap3A_155], %swap3A_158 {strides = array<i32>} : memref<80xi32, #tpu.memory_space<vmem>>, vector<16xi32>,
    %iota3A_159 = tpu.iota {dimensions = array<i32: 0>} : vector<16xi32>
    %add3A_160 = arith.constant 16 : i32
    %add3A_161 = arith.addi %add3A_149, %add3A_160 : i32
    %add3A_162 = vector.broadcast %add3A_161 : i32 to vector<16xi32>
    %add3A_163 = arith.addi %iota3A_159, %add3A_162 : vector<16xi32>
    %swap3A_164 = arith.constant 16 : index
    %swap3A_165 = tpu.vector_load %arg8[%swap3A_164] {strides = array<i32>} : memref<80xi32, #tpu.memory_space<vmem>>, vector<16xi32>,
    %swap3A_166 = vector.shape_cast %swap3A_165 : vector<16xi32> to vector<16xi32>
    %swap3A_167 = vector.shape_cast %add3A_163 : vector<16xi32> to vector<16xi32>
    tpu.vector_store %arg8[%swap3A_164], %swap3A_167 {strides = array<i32>} : memref<80xi32, #tpu.memory_space<vmem>>, vector<16xi32>,
    %iota3A_168 = tpu.iota {dimensions = array<i32: 0>} : vector<16xi32>
    %add3A_169 = arith.constant 32 : i32
    %add3A_170 = arith.addi %add3A_149, %add3A_169 : i32
    %add3A_171 = vector.broadcast %add3A_170 : i32 to vector<16xi32>
    %add3A_172 = arith.addi %iota3A_168, %add3A_171 : vector<16xi32>
    %swap3A_173 = arith.constant 32 : index
    %swap3A_174 = tpu.vector_load %arg8[%swap3A_173] {strides = array<i32>} : memref<80xi32, #tpu.memory_space<vmem>>, vector<16xi32>,
    %swap3A_175 = vector.shape_cast %swap3A_174 : vector<16xi32> to vector<16xi32>
    %swap3A_176 = vector.shape_cast %add3A_172 : vector<16xi32> to vector<16xi32>
    tpu.vector_store %arg8[%swap3A_173], %swap3A_176 {strides = array<i32>} : memref<80xi32, #tpu.memory_space<vmem>>, vector<16xi32>,
    %iota3A_177 = tpu.iota {dimensions = array<i32: 0>} : vector<16xi32>
    %add3A_178 = arith.constant 48 : i32
    %add3A_179 = arith.addi %add3A_149, %add3A_178 : i32
    %add3A_180 = vector.broadcast %add3A_179 : i32 to vector<16xi32>
    %add3A_181 = arith.addi %iota3A_177, %add3A_180 : vector<16xi32>
    %swap3A_182 = arith.constant 48 : index
    %swap3A_183 = tpu.vector_load %arg8[%swap3A_182] {strides = array<i32>} : memref<80xi32, #tpu.memory_space<vmem>>, vector<16xi32>,
    %swap3A_184 = vector.shape_cast %swap3A_183 : vector<16xi32> to vector<16xi32>
    %swap3A_185 = vector.shape_cast %add3A_181 : vector<16xi32> to vector<16xi32>
    tpu.vector_store %arg8[%swap3A_182], %swap3A_185 {strides = array<i32>} : memref<80xi32, #tpu.memory_space<vmem>>, vector<16xi32>,
    %iota3A_186 = tpu.iota {dimensions = array<i32: 0>} : vector<16xi32>
    %add3A_187 = arith.constant 64 : i32
    %add3A_188 = arith.addi %add3A_149, %add3A_187 : i32
    %add3A_189 = vector.broadcast %add3A_188 : i32 to vector<16xi32>
    %add3A_190 = arith.addi %iota3A_186, %add3A_189 : vector<16xi32>
    %swap3A_191 = arith.constant 64 : index
    %swap3A_192 = tpu.vector_load %arg8[%swap3A_191] {strides = array<i32>} : memref<80xi32, #tpu.memory_space<vmem>>, vector<16xi32>,
    %swap3A_193 = vector.shape_cast %swap3A_192 : vector<16xi32> to vector<16xi32>
    %swap3A_194 = vector.shape_cast %add3A_190 : vector<16xi32> to vector<16xi32>
    tpu.vector_store %arg8[%swap3A_191], %swap3A_194 {strides = array<i32>} : memref<80xi32, #tpu.memory_space<vmem>>, vector<16xi32>,
    "tpu.region"() ({
      %run_scoped3A = tpu.sem_alloc : memref<!tpu.dma_semaphore, #tpu.memory_space<semaphore_mem>>
      %dma_start3A_1637 = arith.constant 0 : i32
      %dma_start3A_1638 = arith.constant 0 : i32
      %dma_start3A_1639 = tpu.memref_slice %arg11[%dma_start3A_1637, %dma_start3A_1638] : memref<10240x128xf32, #tpu.memory_space<vmem_shared>> -> memref<10240x128xf32, #tpu.memory_space<vmem_shared>>
      tpu.enqueue_indirect_dma source(%arg9 : memref<80x128xf32, #tpu.memory_space<vmem>>) target(%dma_start3A_1639 : memref<10240x128xf32, #tpu.memory_space<vmem_shared>>) offsets(%arg8 : memref<80xi32, #tpu.memory_space<vmem>>) semaphore(%run_scoped3A : memref<!tpu.dma_semaphore, #tpu.memory_space<semaphore_mem>>)
      %dma_wait3A_1640 = arith.constant 0 : i32
      %dma_wait3A_1641 = arith.constant 0 : i32
      %dma_wait3A_1642 = tpu.memref_slice %arg11[%dma_wait3A_1640, %dma_wait3A_1641] : memref<10240x128xf32, #tpu.memory_space<vmem_shared>> -> memref<10240x128xf32, #tpu.memory_space<vmem_shared>>
      tpu.wait_indirect_dma semaphore(%run_scoped3A : memref<!tpu.dma_semaphore, #tpu.memory_space<semaphore_mem>>) src(%arg9 : memref<80x128xf32, #tpu.memory_space<vmem>>) dst(%dma_wait3A_1642 : memref<10240x128xf32, #tpu.memory_space<vmem_shared>>)
      tpu.yield
    }) : () -> ()
    %add3A_195 = arith.constant 320 : i32
    %add3A_196 = arith.addi %mul3A_2, %add3A_195 : i32
    %iota3A_197 = tpu.iota {dimensions = array<i32: 0>} : vector<16xi32>
    %add3A_198 = arith.constant 0 : i32
    %add3A_199 = arith.addi %add3A_196, %add3A_198 : i32
    %add3A_200 = vector.broadcast %add3A_199 : i32 to vector<16xi32>
    %add3A_201 = arith.addi %iota3A_197, %add3A_200 : vector<16xi32>
    %swap3A_202 = arith.constant 0 : index
    %swap3A_203 = tpu.vector_load %arg8[%swap3A_202] {strides = array<i32>} : memref<80xi32, #tpu.memory_space<vmem>>, vector<16xi32>,
    %swap3A_204 = vector.shape_cast %swap3A_203 : vector<16xi32> to vector<16xi32>
    %swap3A_205 = vector.shape_cast %add3A_201 : vector<16xi32> to vector<16xi32>
    tpu.vector_store %arg8[%swap3A_202], %swap3A_205 {strides = array<i32>} : memref<80xi32, #tpu.memory_space<vmem>>, vector<16xi32>,
    %iota3A_206 = tpu.iota {dimensions = array<i32: 0>} : vector<16xi32>
    %add3A_207 = arith.constant 16 : i32
    %add3A_208 = arith.addi %add3A_196, %add3A_207 : i32
    %add3A_209 = vector.broadcast %add3A_208 : i32 to vector<16xi32>
    %add3A_210 = arith.addi %iota3A_206, %add3A_209 : vector<16xi32>
    %swap3A_211 = arith.constant 16 : index
    %swap3A_212 = tpu.vector_load %arg8[%swap3A_211] {strides = array<i32>} : memref<80xi32, #tpu.memory_space<vmem>>, vector<16xi32>,
    %swap3A_213 = vector.shape_cast %swap3A_212 : vector<16xi32> to vector<16xi32>
    %swap3A_214 = vector.shape_cast %add3A_210 : vector<16xi32> to vector<16xi32>
    tpu.vector_store %arg8[%swap3A_211], %swap3A_214 {strides = array<i32>} : memref<80xi32, #tpu.memory_space<vmem>>, vector<16xi32>,
    %iota3A_215 = tpu.iota {dimensions = array<i32: 0>} : vector<16xi32>
    %add3A_216 = arith.constant 32 : i32
    %add3A_217 = arith.addi %add3A_196, %add3A_216 : i32
    %add3A_218 = vector.broadcast %add3A_217 : i32 to vector<16xi32>
    %add3A_219 = arith.addi %iota3A_215, %add3A_218 : vector<16xi32>
    %swap3A_220 = arith.constant 32 : index
    %swap3A_221 = tpu.vector_load %arg8[%swap3A_220] {strides = array<i32>} : memref<80xi32, #tpu.memory_space<vmem>>, vector<16xi32>,
    %swap3A_222 = vector.shape_cast %swap3A_221 : vector<16xi32> to vector<16xi32>
    %swap3A_223 = vector.shape_cast %add3A_219 : vector<16xi32> to vector<16xi32>
    tpu.vector_store %arg8[%swap3A_220], %swap3A_223 {strides = array<i32>} : memref<80xi32, #tpu.memory_space<vmem>>, vector<16xi32>,
    %iota3A_224 = tpu.iota {dimensions = array<i32: 0>} : vector<16xi32>
    %add3A_225 = arith.constant 48 : i32
    %add3A_226 = arith.addi %add3A_196, %add3A_225 : i32
    %add3A_227 = vector.broadcast %add3A_226 : i32 to vector<16xi32>
    %add3A_228 = arith.addi %iota3A_224, %add3A_227 : vector<16xi32>
    %swap3A_229 = arith.constant 48 : index
    %swap3A_230 = tpu.vector_load %arg8[%swap3A_229] {strides = array<i32>} : memref<80xi32, #tpu.memory_space<vmem>>, vector<16xi32>,
    %swap3A_231 = vector.shape_cast %swap3A_230 : vector<16xi32> to vector<16xi32>
    %swap3A_232 = vector.shape_cast %add3A_228 : vector<16xi32> to vector<16xi32>
    tpu.vector_store %arg8[%swap3A_229], %swap3A_232 {strides = array<i32>} : memref<80xi32, #tpu.memory_space<vmem>>, vector<16xi32>,
    %iota3A_233 = tpu.iota {dimensions = array<i32: 0>} : vector<16xi32>
    %add3A_234 = arith.constant 64 : i32
    %add3A_235 = arith.addi %add3A_196, %add3A_234 : i32
    %add3A_236 = vector.broadcast %add3A_235 : i32 to vector<16xi32>
    %add3A_237 = arith.addi %iota3A_233, %add3A_236 : vector<16xi32>
    %swap3A_238 = arith.constant 64 : index
    %swap3A_239 = tpu.vector_load %arg8[%swap3A_238] {strides = array<i32>} : memref<80xi32, #tpu.memory_space<vmem>>, vector<16xi32>,
    %swap3A_240 = vector.shape_cast %swap3A_239 : vector<16xi32> to vector<16xi32>
    %swap3A_241 = vector.shape_cast %add3A_237 : vector<16xi32> to vector<16xi32>
    tpu.vector_store %arg8[%swap3A_238], %swap3A_241 {strides = array<i32>} : memref<80xi32, #tpu.memory_space<vmem>>, vector<16xi32>,
    "tpu.region"() ({
      %run_scoped3A = tpu.sem_alloc : memref<!tpu.dma_semaphore, #tpu.memory_space<semaphore_mem>>
      %dma_start3A_1637 = arith.constant 0 : i32
      %dma_start3A_1638 = arith.constant 0 : i32
      %dma_start3A_1639 = tpu.memref_slice %arg11[%dma_start3A_1637, %dma_start3A_1638] : memref<10240x128xf32, #tpu.memory_space<vmem_shared>> -> memref<10240x128xf32, #tpu.memory_space<vmem_shared>>
      tpu.enqueue_indirect_dma source(%arg9 : memref<80x128xf32, #tpu.memory_space<vmem>>) target(%dma_start3A_1639 : memref<10240x128xf32, #tpu.memory_space<vmem_shared>>) offsets(%arg8 : memref<80xi32, #tpu.memory_space<vmem>>) semaphore(%run_scoped3A : memref<!tpu.dma_semaphore, #tpu.memory_space<semaphore_mem>>)
      %dma_wait3A_1640 = arith.constant 0 : i32
      %dma_wait3A_1641 = arith.constant 0 : i32
      %dma_wait3A_1642 = tpu.memref_slice %arg11[%dma_wait3A_1640, %dma_wait3A_1641] : memref<10240x128xf32, #tpu.memory_space<vmem_shared>> -> memref<10240x128xf32, #tpu.memory_space<vmem_shared>>
      tpu.wait_indirect_dma semaphore(%run_scoped3A : memref<!tpu.dma_semaphore, #tpu.memory_space<semaphore_mem>>) src(%arg9 : memref<80x128xf32, #tpu.memory_space<vmem>>) dst(%dma_wait3A_1642 : memref<10240x128xf32, #tpu.memory_space<vmem_shared>>)
      tpu.yield
    }) : () -> ()
    %add3A_242 = arith.constant 400 : i32
    %add3A_243 = arith.addi %mul3A_2, %add3A_242 : i32
    %iota3A_244 = tpu.iota {dimensions = array<i32: 0>} : vector<16xi32>
    %add3A_245 = arith.constant 0 : i32
    %add3A_246 = arith.addi %add3A_243, %add3A_245 : i32
    %add3A_247 = vector.broadcast %add3A_246 : i32 to vector<16xi32>
    %add3A_248 = arith.addi %iota3A_244, %add3A_247 : vector<16xi32>
    %swap3A_249 = arith.constant 0 : index
    %swap3A_250 = tpu.vector_load %arg8[%swap3A_249] {strides = array<i32>} : memref<80xi32, #tpu.memory_space<vmem>>, vector<16xi32>,
    %swap3A_251 = vector.shape_cast %swap3A_250 : vector<16xi32> to vector<16xi32>
    %swap3A_252 = vector.shape_cast %add3A_248 : vector<16xi32> to vector<16xi32>
    tpu.vector_store %arg8[%swap3A_249], %swap3A_252 {strides = array<i32>} : memref<80xi32, #tpu.memory_space<vmem>>, vector<16xi32>,
    %iota3A_253 = tpu.iota {dimensions = array<i32: 0>} : vector<16xi32>
    %add3A_254 = arith.constant 16 : i32
    %add3A_255 = arith.addi %add3A_243, %add3A_254 : i32
    %add3A_256 = vector.broadcast %add3A_255 : i32 to vector<16xi32>
    %add3A_257 = arith.addi %iota3A_253, %add3A_256 : vector<16xi32>
    %swap3A_258 = arith.constant 16 : index
    %swap3A_259 = tpu.vector_load %arg8[%swap3A_258] {strides = array<i32>} : memref<80xi32, #tpu.memory_space<vmem>>, vector<16xi32>,
    %swap3A_260 = vector.shape_cast %swap3A_259 : vector<16xi32> to vector<16xi32>
    %swap3A_261 = vector.shape_cast %add3A_257 : vector<16xi32> to vector<16xi32>
    tpu.vector_store %arg8[%swap3A_258], %swap3A_261 {strides = array<i32>} : memref<80xi32, #tpu.memory_space<vmem>>, vector<16xi32>,
    %iota3A_262 = tpu.iota {dimensions = array<i32: 0>} : vector<16xi32>
    %add3A_263 = arith.constant 32 : i32
    %add3A_264 = arith.addi %add3A_243, %add3A_263 : i32
    %add3A_265 = vector.broadcast %add3A_264 : i32 to vector<16xi32>
    %add3A_266 = arith.addi %iota3A_262, %add3A_265 : vector<16xi32>
    %swap3A_267 = arith.constant 32 : index
    %swap3A_268 = tpu.vector_load %arg8[%swap3A_267] {strides = array<i32>} : memref<80xi32, #tpu.memory_space<vmem>>, vector<16xi32>,
    %swap3A_269 = vector.shape_cast %swap3A_268 : vector<16xi32> to vector<16xi32>
    %swap3A_270 = vector.shape_cast %add3A_266 : vector<16xi32> to vector<16xi32>
    tpu.vector_store %arg8[%swap3A_267], %swap3A_270 {strides = array<i32>} : memref<80xi32, #tpu.memory_space<vmem>>, vector<16xi32>,
    %iota3A_271 = tpu.iota {dimensions = array<i32: 0>} : vector<16xi32>
    %add3A_272 = arith.constant 48 : i32
    %add3A_273 = arith.addi %add3A_243, %add3A_272 : i32
    %add3A_274 = vector.broadcast %add3A_273 : i32 to vector<16xi32>
    %add3A_275 = arith.addi %iota3A_271, %add3A_274 : vector<16xi32>
    %swap3A_276 = arith.constant 48 : index
    %swap3A_277 = tpu.vector_load %arg8[%swap3A_276] {strides = array<i32>} : memref<80xi32, #tpu.memory_space<vmem>>, vector<16xi32>,
    %swap3A_278 = vector.shape_cast %swap3A_277 : vector<16xi32> to vector<16xi32>
    %swap3A_279 = vector.shape_cast %add3A_275 : vector<16xi32> to vector<16xi32>
    tpu.vector_store %arg8[%swap3A_276], %swap3A_279 {strides = array<i32>} : memref<80xi32, #tpu.memory_space<vmem>>, vector<16xi32>,
    %iota3A_280 = tpu.iota {dimensions = array<i32: 0>} : vector<16xi32>
    %add3A_281 = arith.constant 64 : i32
    %add3A_282 = arith.addi %add3A_243, %add3A_281 : i32
    %add3A_283 = vector.broadcast %add3A_282 : i32 to vector<16xi32>
    %add3A_284 = arith.addi %iota3A_280, %add3A_283 : vector<16xi32>
    %swap3A_285 = arith.constant 64 : index
    %swap3A_286 = tpu.vector_load %arg8[%swap3A_285] {strides = array<i32>} : memref<80xi32, #tpu.memory_space<vmem>>, vector<16xi32>,
    %swap3A_287 = vector.shape_cast %swap3A_286 : vector<16xi32> to vector<16xi32>
    %swap3A_288 = vector.shape_cast %add3A_284 : vector<16xi32> to vector<16xi32>
    tpu.vector_store %arg8[%swap3A_285], %swap3A_288 {strides = array<i32>} : memref<80xi32, #tpu.memory_space<vmem>>, vector<16xi32>,
    "tpu.region"() ({
      %run_scoped3A = tpu.sem_alloc : memref<!tpu.dma_semaphore, #tpu.memory_space<semaphore_mem>>
      %dma_start3A_1637 = arith.constant 0 : i32
      %dma_start3A_1638 = arith.constant 0 : i32
      %dma_start3A_1639 = tpu.memref_slice %arg11[%dma_start3A_1637, %dma_start3A_1638] : memref<10240x128xf32, #tpu.memory_space<vmem_shared>> -> memref<10240x128xf32, #tpu.memory_space<vmem_shared>>
      tpu.enqueue_indirect_dma source(%arg9 : memref<80x128xf32, #tpu.memory_space<vmem>>) target(%dma_start3A_1639 : memref<10240x128xf32, #tpu.memory_space<vmem_shared>>) offsets(%arg8 : memref<80xi32, #tpu.memory_space<vmem>>) semaphore(%run_scoped3A : memref<!tpu.dma_semaphore, #tpu.memory_space<semaphore_mem>>)
      %dma_wait3A_1640 = arith.constant 0 : i32
      %dma_wait3A_1641 = arith.constant 0 : i32
      %dma_wait3A_1642 = tpu.memref_slice %arg11[%dma_wait3A_1640, %dma_wait3A_1641] : memref<10240x128xf32, #tpu.memory_space<vmem_shared>> -> memref<10240x128xf32, #tpu.memory_space<vmem_shared>>
      tpu.wait_indirect_dma semaphore(%run_scoped3A : memref<!tpu.dma_semaphore, #tpu.memory_space<semaphore_mem>>) src(%arg9 : memref<80x128xf32, #tpu.memory_space<vmem>>) dst(%dma_wait3A_1642 : memref<10240x128xf32, #tpu.memory_space<vmem_shared>>)
      tpu.yield
    }) : () -> ()
    %add3A_289 = arith.constant 480 : i32
    %add3A_290 = arith.addi %mul3A_2, %add3A_289 : i32
    %iota3A_291 = tpu.iota {dimensions = array<i32: 0>} : vector<16xi32>
    %add3A_292 = arith.constant 0 : i32
    %add3A_293 = arith.addi %add3A_290, %add3A_292 : i32
    %add3A_294 = vector.broadcast %add3A_293 : i32 to vector<16xi32>
    %add3A_295 = arith.addi %iota3A_291, %add3A_294 : vector<16xi32>
    %swap3A_296 = arith.constant 0 : index
    %swap3A_297 = tpu.vector_load %arg8[%swap3A_296] {strides = array<i32>} : memref<80xi32, #tpu.memory_space<vmem>>, vector<16xi32>,
    %swap3A_298 = vector.shape_cast %swap3A_297 : vector<16xi32> to vector<16xi32>
    %swap3A_299 = vector.shape_cast %add3A_295 : vector<16xi32> to vector<16xi32>
    tpu.vector_store %arg8[%swap3A_296], %swap3A_299 {strides = array<i32>} : memref<80xi32, #tpu.memory_space<vmem>>, vector<16xi32>,
    %iota3A_300 = tpu.iota {dimensions = array<i32: 0>} : vector<16xi32>
    %add3A_301 = arith.constant 16 : i32
    %add3A_302 = arith.addi %add3A_290, %add3A_301 : i32
    %add3A_303 = vector.broadcast %add3A_302 : i32 to vector<16xi32>
    %add3A_304 = arith.addi %iota3A_300, %add3A_303 : vector<16xi32>
    %swap3A_305 = arith.constant 16 : index
    %swap3A_306 = tpu.vector_load %arg8[%swap3A_305] {strides = array<i32>} : memref<80xi32, #tpu.memory_space<vmem>>, vector<16xi32>,
    %swap3A_307 = vector.shape_cast %swap3A_306 : vector<16xi32> to vector<16xi32>
    %swap3A_308 = vector.shape_cast %add3A_304 : vector<16xi32> to vector<16xi32>
    tpu.vector_store %arg8[%swap3A_305], %swap3A_308 {strides = array<i32>} : memref<80xi32, #tpu.memory_space<vmem>>, vector<16xi32>,
    %iota3A_309 = tpu.iota {dimensions = array<i32: 0>} : vector<16xi32>
    %add3A_310 = arith.constant 32 : i32
    %add3A_311 = arith.addi %add3A_290, %add3A_310 : i32
    %add3A_312 = vector.broadcast %add3A_311 : i32 to vector<16xi32>
    %add3A_313 = arith.addi %iota3A_309, %add3A_312 : vector<16xi32>
    %swap3A_314 = arith.constant 32 : index
    %swap3A_315 = tpu.vector_load %arg8[%swap3A_314] {strides = array<i32>} : memref<80xi32, #tpu.memory_space<vmem>>, vector<16xi32>,
    %swap3A_316 = vector.shape_cast %swap3A_315 : vector<16xi32> to vector<16xi32>
    %swap3A_317 = vector.shape_cast %add3A_313 : vector<16xi32> to vector<16xi32>
    tpu.vector_store %arg8[%swap3A_314], %swap3A_317 {strides = array<i32>} : memref<80xi32, #tpu.memory_space<vmem>>, vector<16xi32>,
    %iota3A_318 = tpu.iota {dimensions = array<i32: 0>} : vector<16xi32>
    %add3A_319 = arith.constant 48 : i32
    %add3A_320 = arith.addi %add3A_290, %add3A_319 : i32
    %add3A_321 = vector.broadcast %add3A_320 : i32 to vector<16xi32>
    %add3A_322 = arith.addi %iota3A_318, %add3A_321 : vector<16xi32>
    %swap3A_323 = arith.constant 48 : index
    %swap3A_324 = tpu.vector_load %arg8[%swap3A_323] {strides = array<i32>} : memref<80xi32, #tpu.memory_space<vmem>>, vector<16xi32>,
    %swap3A_325 = vector.shape_cast %swap3A_324 : vector<16xi32> to vector<16xi32>
    %swap3A_326 = vector.shape_cast %add3A_322 : vector<16xi32> to vector<16xi32>
    tpu.vector_store %arg8[%swap3A_323], %swap3A_326 {strides = array<i32>} : memref<80xi32, #tpu.memory_space<vmem>>, vector<16xi32>,
    %iota3A_327 = tpu.iota {dimensions = array<i32: 0>} : vector<16xi32>
    %add3A_328 = arith.constant 64 : i32
    %add3A_329 = arith.addi %add3A_290, %add3A_328 : i32
    %add3A_330 = vector.broadcast %add3A_329 : i32 to vector<16xi32>
    %add3A_331 = arith.addi %iota3A_327, %add3A_330 : vector<16xi32>
    %swap3A_332 = arith.constant 64 : index
    %swap3A_333 = tpu.vector_load %arg8[%swap3A_332] {strides = array<i32>} : memref<80xi32, #tpu.memory_space<vmem>>, vector<16xi32>,
    %swap3A_334 = vector.shape_cast %swap3A_333 : vector<16xi32> to vector<16xi32>
    %swap3A_335 = vector.shape_cast %add3A_331 : vector<16xi32> to vector<16xi32>
    tpu.vector_store %arg8[%swap3A_332], %swap3A_335 {strides = array<i32>} : memref<80xi32, #tpu.memory_space<vmem>>, vector<16xi32>,
    "tpu.region"() ({
      %run_scoped3A = tpu.sem_alloc : memref<!tpu.dma_semaphore, #tpu.memory_space<semaphore_mem>>
      %dma_start3A_1637 = arith.constant 0 : i32
      %dma_start3A_1638 = arith.constant 0 : i32
      %dma_start3A_1639 = tpu.memref_slice %arg11[%dma_start3A_1637, %dma_start3A_1638] : memref<10240x128xf32, #tpu.memory_space<vmem_shared>> -> memref<10240x128xf32, #tpu.memory_space<vmem_shared>>
      tpu.enqueue_indirect_dma source(%arg9 : memref<80x128xf32, #tpu.memory_space<vmem>>) target(%dma_start3A_1639 : memref<10240x128xf32, #tpu.memory_space<vmem_shared>>) offsets(%arg8 : memref<80xi32, #tpu.memory_space<vmem>>) semaphore(%run_scoped3A : memref<!tpu.dma_semaphore, #tpu.memory_space<semaphore_mem>>)
      %dma_wait3A_1640 = arith.constant 0 : i32
      %dma_wait3A_1641 = arith.constant 0 : i32
      %dma_wait3A_1642 = tpu.memref_slice %arg11[%dma_wait3A_1640, %dma_wait3A_1641] : memref<10240x128xf32, #tpu.memory_space<vmem_shared>> -> memref<10240x128xf32, #tpu.memory_space<vmem_shared>>
      tpu.wait_indirect_dma semaphore(%run_scoped3A : memref<!tpu.dma_semaphore, #tpu.memory_space<semaphore_mem>>) src(%arg9 : memref<80x128xf32, #tpu.memory_space<vmem>>) dst(%dma_wait3A_1642 : memref<10240x128xf32, #tpu.memory_space<vmem_shared>>)
      tpu.yield
    }) : () -> ()
    %add3A_336 = arith.constant 560 : i32
    %add3A_337 = arith.addi %mul3A_2, %add3A_336 : i32
    %iota3A_338 = tpu.iota {dimensions = array<i32: 0>} : vector<16xi32>
    %add3A_339 = arith.constant 0 : i32
    %add3A_340 = arith.addi %add3A_337, %add3A_339 : i32
    %add3A_341 = vector.broadcast %add3A_340 : i32 to vector<16xi32>
    %add3A_342 = arith.addi %iota3A_338, %add3A_341 : vector<16xi32>
    %swap3A_343 = arith.constant 0 : index
    %swap3A_344 = tpu.vector_load %arg8[%swap3A_343] {strides = array<i32>} : memref<80xi32, #tpu.memory_space<vmem>>, vector<16xi32>,
    %swap3A_345 = vector.shape_cast %swap3A_344 : vector<16xi32> to vector<16xi32>
    %swap3A_346 = vector.shape_cast %add3A_342 : vector<16xi32> to vector<16xi32>
    tpu.vector_store %arg8[%swap3A_343], %swap3A_346 {strides = array<i32>} : memref<80xi32, #tpu.memory_space<vmem>>, vector<16xi32>,
    %iota3A_347 = tpu.iota {dimensions = array<i32: 0>} : vector<16xi32>
    %add3A_348 = arith.constant 16 : i32
    %add3A_349 = arith.addi %add3A_337, %add3A_348 : i32
    %add3A_350 = vector.broadcast %add3A_349 : i32 to vector<16xi32>
    %add3A_351 = arith.addi %iota3A_347, %add3A_350 : vector<16xi32>
    %swap3A_352 = arith.constant 16 : index
    %swap3A_353 = tpu.vector_load %arg8[%swap3A_352] {strides = array<i32>} : memref<80xi32, #tpu.memory_space<vmem>>, vector<16xi32>,
    %swap3A_354 = vector.shape_cast %swap3A_353 : vector<16xi32> to vector<16xi32>
    %swap3A_355 = vector.shape_cast %add3A_351 : vector<16xi32> to vector<16xi32>
    tpu.vector_store %arg8[%swap3A_352], %swap3A_355 {strides = array<i32>} : memref<80xi32, #tpu.memory_space<vmem>>, vector<16xi32>,
    %iota3A_356 = tpu.iota {dimensions = array<i32: 0>} : vector<16xi32>
    %add3A_357 = arith.constant 32 : i32
    %add3A_358 = arith.addi %add3A_337, %add3A_357 : i32
    %add3A_359 = vector.broadcast %add3A_358 : i32 to vector<16xi32>
    %add3A_360 = arith.addi %iota3A_356, %add3A_359 : vector<16xi32>
    %swap3A_361 = arith.constant 32 : index
    %swap3A_362 = tpu.vector_load %arg8[%swap3A_361] {strides = array<i32>} : memref<80xi32, #tpu.memory_space<vmem>>, vector<16xi32>,
    %swap3A_363 = vector.shape_cast %swap3A_362 : vector<16xi32> to vector<16xi32>
    %swap3A_364 = vector.shape_cast %add3A_360 : vector<16xi32> to vector<16xi32>
    tpu.vector_store %arg8[%swap3A_361], %swap3A_364 {strides = array<i32>} : memref<80xi32, #tpu.memory_space<vmem>>, vector<16xi32>,
    %iota3A_365 = tpu.iota {dimensions = array<i32: 0>} : vector<16xi32>
    %add3A_366 = arith.constant 48 : i32
    %add3A_367 = arith.addi %add3A_337, %add3A_366 : i32
    %add3A_368 = vector.broadcast %add3A_367 : i32 to vector<16xi32>
    %add3A_369 = arith.addi %iota3A_365, %add3A_368 : vector<16xi32>
    %swap3A_370 = arith.constant 48 : index
    %swap3A_371 = tpu.vector_load %arg8[%swap3A_370] {strides = array<i32>} : memref<80xi32, #tpu.memory_space<vmem>>, vector<16xi32>,
    %swap3A_372 = vector.shape_cast %swap3A_371 : vector<16xi32> to vector<16xi32>
    %swap3A_373 = vector.shape_cast %add3A_369 : vector<16xi32> to vector<16xi32>
    tpu.vector_store %arg8[%swap3A_370], %swap3A_373 {strides = array<i32>} : memref<80xi32, #tpu.memory_space<vmem>>, vector<16xi32>,
    %iota3A_374 = tpu.iota {dimensions = array<i32: 0>} : vector<16xi32>
    %add3A_375 = arith.constant 64 : i32
    %add3A_376 = arith.addi %add3A_337, %add3A_375 : i32
    %add3A_377 = vector.broadcast %add3A_376 : i32 to vector<16xi32>
    %add3A_378 = arith.addi %iota3A_374, %add3A_377 : vector<16xi32>
    %swap3A_379 = arith.constant 64 : index
    %swap3A_380 = tpu.vector_load %arg8[%swap3A_379] {strides = array<i32>} : memref<80xi32, #tpu.memory_space<vmem>>, vector<16xi32>,
    %swap3A_381 = vector.shape_cast %swap3A_380 : vector<16xi32> to vector<16xi32>
    %swap3A_382 = vector.shape_cast %add3A_378 : vector<16xi32> to vector<16xi32>
    tpu.vector_store %arg8[%swap3A_379], %swap3A_382 {strides = array<i32>} : memref<80xi32, #tpu.memory_space<vmem>>, vector<16xi32>,
    "tpu.region"() ({
      %run_scoped3A = tpu.sem_alloc : memref<!tpu.dma_semaphore, #tpu.memory_space<semaphore_mem>>
      %dma_start3A_1637 = arith.constant 0 : i32
      %dma_start3A_1638 = arith.constant 0 : i32
      %dma_start3A_1639 = tpu.memref_slice %arg11[%dma_start3A_1637, %dma_start3A_1638] : memref<10240x128xf32, #tpu.memory_space<vmem_shared>> -> memref<10240x128xf32, #tpu.memory_space<vmem_shared>>
      tpu.enqueue_indirect_dma source(%arg9 : memref<80x128xf32, #tpu.memory_space<vmem>>) target(%dma_start3A_1639 : memref<10240x128xf32, #tpu.memory_space<vmem_shared>>) offsets(%arg8 : memref<80xi32, #tpu.memory_space<vmem>>) semaphore(%run_scoped3A : memref<!tpu.dma_semaphore, #tpu.memory_space<semaphore_mem>>)
      %dma_wait3A_1640 = arith.constant 0 : i32
      %dma_wait3A_1641 = arith.constant 0 : i32
      %dma_wait3A_1642 = tpu.memref_slice %arg11[%dma_wait3A_1640, %dma_wait3A_1641] : memref<10240x128xf32, #tpu.memory_space<vmem_shared>> -> memref<10240x128xf32, #tpu.memory_space<vmem_shared>>
      tpu.wait_indirect_dma semaphore(%run_scoped3A : memref<!tpu.dma_semaphore, #tpu.memory_space<semaphore_mem>>) src(%arg9 : memref<80x128xf32, #tpu.memory_space<vmem>>) dst(%dma_wait3A_1642 : memref<10240x128xf32, #tpu.memory_space<vmem_shared>>)
      tpu.yield
    }) : () -> ()
    %barrier3A = arith.constant 0 : index
    tpu.barrier barrier_id(%barrier3A)
    %scan3A_383 = arith.constant 0 : i32
    %scan3A_384 = arith.constant 0 : i32
    %scan3A_385 = arith.constant 5 : i32
    %scan3A_386 = arith.addi %scan3A_384, %scan3A_385 : i32
    %scan3A_387 = arith.constant 1 : i32
    %scan3A_388 = scf.for %scan3A_1637 = %scan3A_384 to %scan3A_386 step %scan3A_387 iter_args(%scan3A_1638 = %scan3A_383) -> (i32)  : i32 {
      %run_scoped3A = arith.constant 0 : i32
      "tpu.region"() ({
        %run_scoped3A_1666 = tpu.sem_alloc : memref<!tpu.dma_semaphore, #tpu.memory_space<semaphore_mem>>
        %dma_start3A_1667 = arith.constant 0 : i32
        %dma_start3A_1668 = arith.constant 0 : i32
        %dma_start3A_1669 = tpu.memref_slice %arg7[%run_scoped3A, %dma_start3A_1667, %dma_start3A_1668] : memref<2x25x80xi32, #tpu.memory_space<vmem>> -> memref<1x25x80xi32, #tpu.memory_space<vmem>>
        %dma_start3A_1670 = tpu.memref_squeeze %dma_start3A_1669 : memref<1x25x80xi32, #tpu.memory_space<vmem>> -> memref<25x80xi32, #tpu.memory_space<vmem>>
        %dma_start3A_1671 = arith.constant 0 : i32
        %dma_start3A_1672 = arith.constant 0 : i32
        %dma_start3A_1673 = tpu.memref_slice %arg3[%add3A, %scan3A_1637, %dma_start3A_1671, %dma_start3A_1672] : memref<32x5x25x80xi32, #tpu.memory_space<hbm>> -> memref<1x1x25x80xi32, #tpu.memory_space<hbm>>
        %dma_start3A_1674 = tpu.memref_squeeze %dma_start3A_1673 : memref<1x1x25x80xi32, #tpu.memory_space<hbm>> -> memref<25x80xi32, #tpu.memory_space<hbm>>
        %dma_start3A_1675 = arith.constant 0 : i32
        %dma_start3A_1676 = arith.constant 0 : i32
        %dma_start3A_1677 = tpu.memref_slice %arg7[%run_scoped3A, %dma_start3A_1675, %dma_start3A_1676] : memref<2x25x80xi32, #tpu.memory_space<vmem>> -> memref<1x25x80xi32, #tpu.memory_space<vmem>>
        %dma_start3A_1678 = tpu.memref_squeeze %dma_start3A_1677 : memref<1x25x80xi32, #tpu.memory_space<vmem>> -> memref<25x80xi32, #tpu.memory_space<vmem>>
        %dma_start3A_1679 = arith.constant 0 : i32
        %dma_start3A_1680 = arith.constant 0 : i32
        %dma_start3A_1681 = tpu.memref_slice %arg3[%add3A, %scan3A_1637, %dma_start3A_1679, %dma_start3A_1680] : memref<32x5x25x80xi32, #tpu.memory_space<hbm>> -> memref<1x1x25x80xi32, #tpu.memory_space<hbm>>
        %dma_start3A_1682 = tpu.memref_squeeze %dma_start3A_1681 : memref<1x1x25x80xi32, #tpu.memory_space<hbm>> -> memref<25x80xi32, #tpu.memory_space<hbm>>
        tpu.enqueue_dma source(%dma_start3A_1682 : memref<25x80xi32, #tpu.memory_space<hbm>>) target(%dma_start3A_1678 : memref<25x80xi32, #tpu.memory_space<vmem>>) target_semaphore(%run_scoped3A_1666 : memref<!tpu.dma_semaphore, #tpu.memory_space<semaphore_mem>>)
        %dma_wait3A_1683 = arith.constant 0 : i32
        %dma_wait3A_1684 = arith.constant 0 : i32
        %dma_wait3A_1685 = tpu.memref_slice %arg7[%run_scoped3A, %dma_wait3A_1683, %dma_wait3A_1684] : memref<2x25x80xi32, #tpu.memory_space<vmem>> -> memref<1x25x80xi32, #tpu.memory_space<vmem>>
        %dma_wait3A_1686 = tpu.memref_squeeze %dma_wait3A_1685 : memref<1x25x80xi32, #tpu.memory_space<vmem>> -> memref<25x80xi32, #tpu.memory_space<vmem>>
        %dma_wait3A_1687 = arith.constant 0 : i32
        %dma_wait3A_1688 = arith.constant 0 : i32
        %dma_wait3A_1689 = tpu.memref_slice %arg3[%add3A, %scan3A_1637, %dma_wait3A_1687, %dma_wait3A_1688] : memref<32x5x25x80xi32, #tpu.memory_space<hbm>> -> memref<1x1x25x80xi32, #tpu.memory_space<hbm>>
        %dma_wait3A_1690 = tpu.memref_squeeze %dma_wait3A_1689 : memref<1x1x25x80xi32, #tpu.memory_space<hbm>> -> memref<25x80xi32, #tpu.memory_space<hbm>>
        %dma_wait3A_1691 = arith.constant 0 : i32
        %dma_wait3A_1692 = arith.constant 0 : i32
        %dma_wait3A_1693 = tpu.memref_slice %arg7[%run_scoped3A, %dma_wait3A_1691, %dma_wait3A_1692] : memref<2x25x80xi32, #tpu.memory_space<vmem>> -> memref<1x25x80xi32, #tpu.memory_space<vmem>>
        %dma_wait3A_1694 = tpu.memref_squeeze %dma_wait3A_1693 : memref<1x25x80xi32, #tpu.memory_space<vmem>> -> memref<25x80xi32, #tpu.memory_space<vmem>>
        %dma_wait3A_1695 = arith.constant 0 : i32
        %dma_wait3A_1696 = arith.constant 0 : i32
        %dma_wait3A_1697 = tpu.memref_slice %arg3[%add3A, %scan3A_1637, %dma_wait3A_1695, %dma_wait3A_1696] : memref<32x5x25x80xi32, #tpu.memory_space<hbm>> -> memref<1x1x25x80xi32, #tpu.memory_space<hbm>>
        %dma_wait3A_1698 = tpu.memref_squeeze %dma_wait3A_1697 : memref<1x1x25x80xi32, #tpu.memory_space<hbm>> -> memref<25x80xi32, #tpu.memory_space<hbm>>
        tpu.wait_dma2 semaphore(%run_scoped3A_1666 : memref<!tpu.dma_semaphore, #tpu.memory_space<semaphore_mem>>) src(%dma_wait3A_1698 : memref<25x80xi32, #tpu.memory_space<hbm>>) dst(%dma_wait3A_1694 : memref<25x80xi32, #tpu.memory_space<vmem>>)
        tpu.yield
      }) : () -> ()
      %run_scoped3A_1639 = arith.constant 1 : i32
      "tpu.region"() ({
        %run_scoped3A_1666 = tpu.sem_alloc : memref<!tpu.dma_semaphore, #tpu.memory_space<semaphore_mem>>
        %dma_start3A_1667 = arith.constant 0 : i32
        %dma_start3A_1668 = arith.constant 0 : i32
        %dma_start3A_1669 = tpu.memref_slice %arg7[%run_scoped3A_1639, %dma_start3A_1667, %dma_start3A_1668] : memref<2x25x80xi32, #tpu.memory_space<vmem>> -> memref<1x25x80xi32, #tpu.memory_space<vmem>>
        %dma_start3A_1670 = tpu.memref_squeeze %dma_start3A_1669 : memref<1x25x80xi32, #tpu.memory_space<vmem>> -> memref<25x80xi32, #tpu.memory_space<vmem>>
        %dma_start3A_1671 = arith.constant 0 : i32
        %dma_start3A_1672 = arith.constant 0 : i32
        %dma_start3A_1673 = tpu.memref_slice %arg4[%add3A, %scan3A_1637, %dma_start3A_1671, %dma_start3A_1672] : memref<32x5x25x80xi32, #tpu.memory_space<hbm>> -> memref<1x1x25x80xi32, #tpu.memory_space<hbm>>
        %dma_start3A_1674 = tpu.memref_squeeze %dma_start3A_1673 : memref<1x1x25x80xi32, #tpu.memory_space<hbm>> -> memref<25x80xi32, #tpu.memory_space<hbm>>
        %dma_start3A_1675 = arith.constant 0 : i32
        %dma_start3A_1676 = arith.constant 0 : i32
        %dma_start3A_1677 = tpu.memref_slice %arg7[%run_scoped3A_1639, %dma_start3A_1675, %dma_start3A_1676] : memref<2x25x80xi32, #tpu.memory_space<vmem>> -> memref<1x25x80xi32, #tpu.memory_space<vmem>>
        %dma_start3A_1678 = tpu.memref_squeeze %dma_start3A_1677 : memref<1x25x80xi32, #tpu.memory_space<vmem>> -> memref<25x80xi32, #tpu.memory_space<vmem>>
        %dma_start3A_1679 = arith.constant 0 : i32
        %dma_start3A_1680 = arith.constant 0 : i32
        %dma_start3A_1681 = tpu.memref_slice %arg4[%add3A, %scan3A_1637, %dma_start3A_1679, %dma_start3A_1680] : memref<32x5x25x80xi32, #tpu.memory_space<hbm>> -> memref<1x1x25x80xi32, #tpu.memory_space<hbm>>
        %dma_start3A_1682 = tpu.memref_squeeze %dma_start3A_1681 : memref<1x1x25x80xi32, #tpu.memory_space<hbm>> -> memref<25x80xi32, #tpu.memory_space<hbm>>
        tpu.enqueue_dma source(%dma_start3A_1682 : memref<25x80xi32, #tpu.memory_space<hbm>>) target(%dma_start3A_1678 : memref<25x80xi32, #tpu.memory_space<vmem>>) target_semaphore(%run_scoped3A_1666 : memref<!tpu.dma_semaphore, #tpu.memory_space<semaphore_mem>>)
        %dma_wait3A_1683 = arith.constant 0 : i32
        %dma_wait3A_1684 = arith.constant 0 : i32
        %dma_wait3A_1685 = tpu.memref_slice %arg7[%run_scoped3A_1639, %dma_wait3A_1683, %dma_wait3A_1684] : memref<2x25x80xi32, #tpu.memory_space<vmem>> -> memref<1x25x80xi32, #tpu.memory_space<vmem>>
        %dma_wait3A_1686 = tpu.memref_squeeze %dma_wait3A_1685 : memref<1x25x80xi32, #tpu.memory_space<vmem>> -> memref<25x80xi32, #tpu.memory_space<vmem>>
        %dma_wait3A_1687 = arith.constant 0 : i32
        %dma_wait3A_1688 = arith.constant 0 : i32
        %dma_wait3A_1689 = tpu.memref_slice %arg4[%add3A, %scan3A_1637, %dma_wait3A_1687, %dma_wait3A_1688] : memref<32x5x25x80xi32, #tpu.memory_space<hbm>> -> memref<1x1x25x80xi32, #tpu.memory_space<hbm>>
        %dma_wait3A_1690 = tpu.memref_squeeze %dma_wait3A_1689 : memref<1x1x25x80xi32, #tpu.memory_space<hbm>> -> memref<25x80xi32, #tpu.memory_space<hbm>>
        %dma_wait3A_1691 = arith.constant 0 : i32
        %dma_wait3A_1692 = arith.constant 0 : i32
        %dma_wait3A_1693 = tpu.memref_slice %arg7[%run_scoped3A_1639, %dma_wait3A_1691, %dma_wait3A_1692] : memref<2x25x80xi32, #tpu.memory_space<vmem>> -> memref<1x25x80xi32, #tpu.memory_space<vmem>>
        %dma_wait3A_1694 = tpu.memref_squeeze %dma_wait3A_1693 : memref<1x25x80xi32, #tpu.memory_space<vmem>> -> memref<25x80xi32, #tpu.memory_space<vmem>>
        %dma_wait3A_1695 = arith.constant 0 : i32
        %dma_wait3A_1696 = arith.constant 0 : i32
        %dma_wait3A_1697 = tpu.memref_slice %arg4[%add3A, %scan3A_1637, %dma_wait3A_1695, %dma_wait3A_1696] : memref<32x5x25x80xi32, #tpu.memory_space<hbm>> -> memref<1x1x25x80xi32, #tpu.memory_space<hbm>>
        %dma_wait3A_1698 = tpu.memref_squeeze %dma_wait3A_1697 : memref<1x1x25x80xi32, #tpu.memory_space<hbm>> -> memref<25x80xi32, #tpu.memory_space<hbm>>
        tpu.wait_dma2 semaphore(%run_scoped3A_1666 : memref<!tpu.dma_semaphore, #tpu.memory_space<semaphore_mem>>) src(%dma_wait3A_1698 : memref<25x80xi32, #tpu.memory_space<hbm>>) dst(%dma_wait3A_1694 : memref<25x80xi32, #tpu.memory_space<vmem>>)
        tpu.yield
      }) : () -> ()
      %dma_start3A_1640 = arith.constant 0 : i32
      %dma_start3A_1641 = arith.constant 0 : i32
      %dma_start3A_1642 = arith.constant 0 : i32
      %dma_start3A_1643 = tpu.memref_slice %arg7[%dma_start3A_1640, %dma_start3A_1641, %dma_start3A_1642] : memref<2x25x80xi32, #tpu.memory_space<vmem>> -> memref<1x1x80xi32, #tpu.memory_space<vmem>>
      %dma_start3A_1644 = tpu.memref_squeeze %dma_start3A_1643 : memref<1x1x80xi32, #tpu.memory_space<vmem>> -> memref<80xi32, #tpu.memory_space<vmem>>
      %dma_start3A_1645 = arith.constant 0 : i32
      %dma_start3A_1646 = arith.constant 0 : i32
      %dma_start3A_1647 = tpu.memref_slice %arg2[%dma_start3A_1645, %dma_start3A_1646] : memref<10240x128xf32, #tpu.memory_space<hbm>> -> memref<10240x128xf32, #tpu.memory_space<hbm>>
      tpu.enqueue_indirect_dma source(%dma_start3A_1647 : memref<10240x128xf32, #tpu.memory_space<hbm>>) target(%arg9 : memref<80x128xf32, #tpu.memory_space<vmem>>) offsets(%dma_start3A_1644 : memref<80xi32, #tpu.memory_space<vmem>>) semaphore(%arg12 : memref<!tpu.dma_semaphore, #tpu.memory_space<semaphore_mem>>)
      %scan3A_1648 = arith.constant 0 : i32
      %scan3A_1649 = arith.constant 0 : i32
      %scan3A_1650 = arith.constant 12 : i32
      %scan3A_1651 = arith.addi %scan3A_1649, %scan3A_1650 : i32
      %scan3A_1652 = arith.constant 1 : i32
      %scan3A_1653 = scf.for %scan3A_1666 = %scan3A_1649 to %scan3A_1651 step %scan3A_1652 iter_args(%scan3A_1667 = %scan3A_1648) -> (i32)  : i32 {
        %mul3A_1668 = arith.constant 2 : i32
        %mul3A_1669 = arith.muli %mul3A_1668, %scan3A_1666 : i32
        %add3A_1670 = arith.constant 1 : i32
        %add3A_1671 = arith.addi %mul3A_1669, %add3A_1670 : i32
        %dma_start3A_1672 = arith.constant 0 : i32
        %dma_start3A_1673 = arith.constant 0 : i32
        %dma_start3A_1674 = tpu.memref_slice %arg7[%dma_start3A_1672, %add3A_1671, %dma_start3A_1673] : memref<2x25x80xi32, #tpu.memory_space<vmem>> -> memref<1x1x80xi32, #tpu.memory_space<vmem>>
        %dma_start3A_1675 = tpu.memref_squeeze %dma_start3A_1674 : memref<1x1x80xi32, #tpu.memory_space<vmem>> -> memref<80xi32, #tpu.memory_space<vmem>>
        %dma_start3A_1676 = arith.constant 0 : i32
        %dma_start3A_1677 = arith.constant 0 : i32
        %dma_start3A_1678 = tpu.memref_slice %arg2[%dma_start3A_1676, %dma_start3A_1677] : memref<10240x128xf32, #tpu.memory_space<hbm>> -> memref<10240x128xf32, #tpu.memory_space<hbm>>
        tpu.enqueue_indirect_dma source(%dma_start3A_1678 : memref<10240x128xf32, #tpu.memory_space<hbm>>) target(%arg10 : memref<80x128xf32, #tpu.memory_space<vmem>>) offsets(%dma_start3A_1675 : memref<80xi32, #tpu.memory_space<vmem>>) semaphore(%arg13 : memref<!tpu.dma_semaphore, #tpu.memory_space<semaphore_mem>>)
        %dma_wait3A_1679 = arith.constant 0 : i32
        %dma_wait3A_1680 = arith.constant 0 : i32
        %dma_wait3A_1681 = tpu.memref_slice %arg7[%dma_wait3A_1679, %mul3A_1669, %dma_wait3A_1680] : memref<2x25x80xi32, #tpu.memory_space<vmem>> -> memref<1x1x80xi32, #tpu.memory_space<vmem>>
        %dma_wait3A_1682 = tpu.memref_squeeze %dma_wait3A_1681 : memref<1x1x80xi32, #tpu.memory_space<vmem>> -> memref<80xi32, #tpu.memory_space<vmem>>
        %dma_wait3A_1683 = arith.constant 0 : i32
        %dma_wait3A_1684 = arith.constant 0 : i32
        %dma_wait3A_1685 = tpu.memref_slice %arg2[%dma_wait3A_1683, %dma_wait3A_1684] : memref<10240x128xf32, #tpu.memory_space<hbm>> -> memref<10240x128xf32, #tpu.memory_space<hbm>>
        tpu.wait_indirect_dma semaphore(%arg12 : memref<!tpu.dma_semaphore, #tpu.memory_space<semaphore_mem>>) src(%dma_wait3A_1685 : memref<10240x128xf32, #tpu.memory_space<hbm>>) dst(%arg9 : memref<80x128xf32, #tpu.memory_space<vmem>>)
        %run_scoped3A_1686 = arith.constant 1 : i32
        "tpu.region"() ({
          %run_scoped3A_1709 = tpu.sem_alloc : memref<!tpu.dma_semaphore, #tpu.memory_space<semaphore_mem>>
          %dma_start3A_1710 = arith.constant 0 : i32
          %dma_start3A_1711 = tpu.memref_slice %arg7[%run_scoped3A_1686, %mul3A_1669, %dma_start3A_1710] : memref<2x25x80xi32, #tpu.memory_space<vmem>> -> memref<1x1x80xi32, #tpu.memory_space<vmem>>
          %dma_start3A_1712 = tpu.memref_squeeze %dma_start3A_1711 : memref<1x1x80xi32, #tpu.memory_space<vmem>> -> memref<80xi32, #tpu.memory_space<vmem>>
          %dma_start3A_1713 = arith.constant 0 : i32
          %dma_start3A_1714 = arith.constant 0 : i32
          %dma_start3A_1715 = tpu.memref_slice %arg11[%dma_start3A_1713, %dma_start3A_1714] : memref<10240x128xf32, #tpu.memory_space<vmem_shared>> -> memref<10240x128xf32, #tpu.memory_space<vmem_shared>>
          tpu.enqueue_indirect_dma source(%arg9 : memref<80x128xf32, #tpu.memory_space<vmem>>) target(%dma_start3A_1715 : memref<10240x128xf32, #tpu.memory_space<vmem_shared>>) offsets(%dma_start3A_1712 : memref<80xi32, #tpu.memory_space<vmem>>) semaphore(%run_scoped3A_1709 : memref<!tpu.dma_semaphore, #tpu.memory_space<semaphore_mem>>) {add = true}
          %dma_wait3A_1716 = arith.constant 0 : i32
          %dma_wait3A_1717 = tpu.memref_slice %arg7[%run_scoped3A_1686, %mul3A_1669, %dma_wait3A_1716] : memref<2x25x80xi32, #tpu.memory_space<vmem>> -> memref<1x1x80xi32, #tpu.memory_space<vmem>>
          %dma_wait3A_1718 = tpu.memref_squeeze %dma_wait3A_1717 : memref<1x1x80xi32, #tpu.memory_space<vmem>> -> memref<80xi32, #tpu.memory_space<vmem>>
          %dma_wait3A_1719 = arith.constant 0 : i32
          %dma_wait3A_1720 = arith.constant 0 : i32
          %dma_wait3A_1721 = tpu.memref_slice %arg11[%dma_wait3A_1719, %dma_wait3A_1720] : memref<10240x128xf32, #tpu.memory_space<vmem_shared>> -> memref<10240x128xf32, #tpu.memory_space<vmem_shared>>
          tpu.wait_indirect_dma semaphore(%run_scoped3A_1709 : memref<!tpu.dma_semaphore, #tpu.memory_space<semaphore_mem>>) src(%arg9 : memref<80x128xf32, #tpu.memory_space<vmem>>) dst(%dma_wait3A_1721 : memref<10240x128xf32, #tpu.memory_space<vmem_shared>>)
          tpu.yield
        }) : () -> ()
        %add3A_1687 = arith.constant 2 : i32
        %add3A_1688 = arith.addi %mul3A_1669, %add3A_1687 : i32
        %dma_start3A_1689 = arith.constant 0 : i32
        %dma_start3A_1690 = arith.constant 0 : i32
        %dma_start3A_1691 = tpu.memref_slice %arg7[%dma_start3A_1689, %add3A_1688, %dma_start3A_1690] : memref<2x25x80xi32, #tpu.memory_space<vmem>> -> memref<1x1x80xi32, #tpu.memory_space<vmem>>
        %dma_start3A_1692 = tpu.memref_squeeze %dma_start3A_1691 : memref<1x1x80xi32, #tpu.memory_space<vmem>> -> memref<80xi32, #tpu.memory_space<vmem>>
        %dma_start3A_1693 = arith.constant 0 : i32
        %dma_start3A_1694 = arith.constant 0 : i32
        %dma_start3A_1695 = tpu.memref_slice %arg2[%dma_start3A_1693, %dma_start3A_1694] : memref<10240x128xf32, #tpu.memory_space<hbm>> -> memref<10240x128xf32, #tpu.memory_space<hbm>>
        tpu.enqueue_indirect_dma source(%dma_start3A_1695 : memref<10240x128xf32, #tpu.memory_space<hbm>>) target(%arg9 : memref<80x128xf32, #tpu.memory_space<vmem>>) offsets(%dma_start3A_1692 : memref<80xi32, #tpu.memory_space<vmem>>) semaphore(%arg12 : memref<!tpu.dma_semaphore, #tpu.memory_space<semaphore_mem>>)
        %add3A_1696 = arith.constant 1 : i32
        %add3A_1697 = arith.addi %mul3A_1669, %add3A_1696 : i32
        %dma_wait3A_1698 = arith.constant 0 : i32
        %dma_wait3A_1699 = arith.constant 0 : i32
        %dma_wait3A_1700 = tpu.memref_slice %arg7[%dma_wait3A_1698, %add3A_1697, %dma_wait3A_1699] : memref<2x25x80xi32, #tpu.memory_space<vmem>> -> memref<1x1x80xi32, #tpu.memory_space<vmem>>
        %dma_wait3A_1701 = tpu.memref_squeeze %dma_wait3A_1700 : memref<1x1x80xi32, #tpu.memory_space<vmem>> -> memref<80xi32, #tpu.memory_space<vmem>>
        %dma_wait3A_1702 = arith.constant 0 : i32
        %dma_wait3A_1703 = arith.constant 0 : i32
        %dma_wait3A_1704 = tpu.memref_slice %arg2[%dma_wait3A_1702, %dma_wait3A_1703] : memref<10240x128xf32, #tpu.memory_space<hbm>> -> memref<10240x128xf32, #tpu.memory_space<hbm>>
        tpu.wait_indirect_dma semaphore(%arg13 : memref<!tpu.dma_semaphore, #tpu.memory_space<semaphore_mem>>) src(%dma_wait3A_1704 : memref<10240x128xf32, #tpu.memory_space<hbm>>) dst(%arg10 : memref<80x128xf32, #tpu.memory_space<vmem>>)
        %add3A_1705 = arith.constant 1 : i32
        %add3A_1706 = arith.addi %mul3A_1669, %add3A_1705 : i32
        %run_scoped3A_1707 = arith.constant 1 : i32
        "tpu.region"() ({
          %run_scoped3A_1709 = tpu.sem_alloc : memref<!tpu.dma_semaphore, #tpu.memory_space<semaphore_mem>>
          %dma_start3A_1710 = arith.constant 0 : i32
          %dma_start3A_1711 = tpu.memref_slice %arg7[%run_scoped3A_1707, %add3A_1706, %dma_start3A_1710] : memref<2x25x80xi32, #tpu.memory_space<vmem>> -> memref<1x1x80xi32, #tpu.memory_space<vmem>>
          %dma_start3A_1712 = tpu.memref_squeeze %dma_start3A_1711 : memref<1x1x80xi32, #tpu.memory_space<vmem>> -> memref<80xi32, #tpu.memory_space<vmem>>
          %dma_start3A_1713 = arith.constant 0 : i32
          %dma_start3A_1714 = arith.constant 0 : i32
          %dma_start3A_1715 = tpu.memref_slice %arg11[%dma_start3A_1713, %dma_start3A_1714] : memref<10240x128xf32, #tpu.memory_space<vmem_shared>> -> memref<10240x128xf32, #tpu.memory_space<vmem_shared>>
          tpu.enqueue_indirect_dma source(%arg10 : memref<80x128xf32, #tpu.memory_space<vmem>>) target(%dma_start3A_1715 : memref<10240x128xf32, #tpu.memory_space<vmem_shared>>) offsets(%dma_start3A_1712 : memref<80xi32, #tpu.memory_space<vmem>>) semaphore(%run_scoped3A_1709 : memref<!tpu.dma_semaphore, #tpu.memory_space<semaphore_mem>>) {add = true}
          %dma_wait3A_1716 = arith.constant 0 : i32
          %dma_wait3A_1717 = tpu.memref_slice %arg7[%run_scoped3A_1707, %add3A_1706, %dma_wait3A_1716] : memref<2x25x80xi32, #tpu.memory_space<vmem>> -> memref<1x1x80xi32, #tpu.memory_space<vmem>>
          %dma_wait3A_1718 = tpu.memref_squeeze %dma_wait3A_1717 : memref<1x1x80xi32, #tpu.memory_space<vmem>> -> memref<80xi32, #tpu.memory_space<vmem>>
          %dma_wait3A_1719 = arith.constant 0 : i32
          %dma_wait3A_1720 = arith.constant 0 : i32
          %dma_wait3A_1721 = tpu.memref_slice %arg11[%dma_wait3A_1719, %dma_wait3A_1720] : memref<10240x128xf32, #tpu.memory_space<vmem_shared>> -> memref<10240x128xf32, #tpu.memory_space<vmem_shared>>
          tpu.wait_indirect_dma semaphore(%run_scoped3A_1709 : memref<!tpu.dma_semaphore, #tpu.memory_space<semaphore_mem>>) src(%arg10 : memref<80x128xf32, #tpu.memory_space<vmem>>) dst(%dma_wait3A_1721 : memref<10240x128xf32, #tpu.memory_space<vmem_shared>>)
          tpu.yield
        }) : () -> ()
        %scan3A_1708 = arith.constant 0 : i32
        scf.yield %scan3A_1708 : i32
      }
      %scan3A_1654 = arith.constant 12 : i32
      %dma_wait3A_1655 = arith.constant 0 : i32
      %dma_wait3A_1656 = arith.constant 24 : i32
      %dma_wait3A_1657 = arith.constant 0 : i32
      %dma_wait3A_1658 = tpu.memref_slice %arg7[%dma_wait3A_1655, %dma_wait3A_1656, %dma_wait3A_1657] : memref<2x25x80xi32, #tpu.memory_space<vmem>> -> memref<1x1x80xi32, #tpu.memory_space<vmem>>
      %dma_wait3A_1659 = tpu.memref_squeeze %dma_wait3A_1658 : memref<1x1x80xi32, #tpu.memory_space<vmem>> -> memref<80xi32, #tpu.memory_space<vmem>>
      %dma_wait3A_1660 = arith.constant 0 : i32
      %dma_wait3A_1661 = arith.constant 0 : i32
      %dma_wait3A_1662 = tpu.memref_slice %arg2[%dma_wait3A_1660, %dma_wait3A_1661] : memref<10240x128xf32, #tpu.memory_space<hbm>> -> memref<10240x128xf32, #tpu.memory_space<hbm>>
      tpu.wait_indirect_dma semaphore(%arg12 : memref<!tpu.dma_semaphore, #tpu.memory_space<semaphore_mem>>) src(%dma_wait3A_1662 : memref<10240x128xf32, #tpu.memory_space<hbm>>) dst(%arg9 : memref<80x128xf32, #tpu.memory_space<vmem>>)
      %run_scoped3A_1663 = arith.constant 1 : i32
      %run_scoped3A_1664 = arith.constant 24 : i32
      "tpu.region"() ({
        %run_scoped3A_1666 = tpu.sem_alloc : memref<!tpu.dma_semaphore, #tpu.memory_space<semaphore_mem>>
        %dma_start3A_1667 = arith.constant 0 : i32
        %dma_start3A_1668 = tpu.memref_slice %arg7[%run_scoped3A_1663, %run_scoped3A_1664, %dma_start3A_1667] : memref<2x25x80xi32, #tpu.memory_space<vmem>> -> memref<1x1x80xi32, #tpu.memory_space<vmem>>
        %dma_start3A_1669 = tpu.memref_squeeze %dma_start3A_1668 : memref<1x1x80xi32, #tpu.memory_space<vmem>> -> memref<80xi32, #tpu.memory_space<vmem>>
        %dma_start3A_1670 = arith.constant 0 : i32
        %dma_start3A_1671 = arith.constant 0 : i32
        %dma_start3A_1672 = tpu.memref_slice %arg11[%dma_start3A_1670, %dma_start3A_1671] : memref<10240x128xf32, #tpu.memory_space<vmem_shared>> -> memref<10240x128xf32, #tpu.memory_space<vmem_shared>>
        tpu.enqueue_indirect_dma source(%arg9 : memref<80x128xf32, #tpu.memory_space<vmem>>) target(%dma_start3A_1672 : memref<10240x128xf32, #tpu.memory_space<vmem_shared>>) offsets(%dma_start3A_1669 : memref<80xi32, #tpu.memory_space<vmem>>) semaphore(%run_scoped3A_1666 : memref<!tpu.dma_semaphore, #tpu.memory_space<semaphore_mem>>) {add = true}
        %dma_wait3A_1673 = arith.constant 0 : i32
        %dma_wait3A_1674 = tpu.memref_slice %arg7[%run_scoped3A_1663, %run_scoped3A_1664, %dma_wait3A_1673] : memref<2x25x80xi32, #tpu.memory_space<vmem>> -> memref<1x1x80xi32, #tpu.memory_space<vmem>>
        %dma_wait3A_1675 = tpu.memref_squeeze %dma_wait3A_1674 : memref<1x1x80xi32, #tpu.memory_space<vmem>> -> memref<80xi32, #tpu.memory_space<vmem>>
        %dma_wait3A_1676 = arith.constant 0 : i32
        %dma_wait3A_1677 = arith.constant 0 : i32
        %dma_wait3A_1678 = tpu.memref_slice %arg11[%dma_wait3A_1676, %dma_wait3A_1677] : memref<10240x128xf32, #tpu.memory_space<vmem_shared>> -> memref<10240x128xf32, #tpu.memory_space<vmem_shared>>
        tpu.wait_indirect_dma semaphore(%run_scoped3A_1666 : memref<!tpu.dma_semaphore, #tpu.memory_space<semaphore_mem>>) src(%arg9 : memref<80x128xf32, #tpu.memory_space<vmem>>) dst(%dma_wait3A_1678 : memref<10240x128xf32, #tpu.memory_space<vmem_shared>>)
        tpu.yield
      }) : () -> ()
      %scan3A_1665 = arith.constant 0 : i32
      scf.yield %scan3A_1665 : i32
    }
    %scan3A_389 = arith.constant 5 : i32
    %barrier3A_390 = arith.constant 0 : index
    tpu.barrier barrier_id(%barrier3A_390)
    %add3A_391 = arith.constant 0 : i32
    %add3A_392 = arith.addi %mul3A_2, %add3A_391 : i32
    %iota3A_393 = tpu.iota {dimensions = array<i32: 0>} : vector<16xi32>
    %add3A_394 = arith.constant 0 : i32
    %add3A_395 = arith.addi %add3A_392, %add3A_394 : i32
    %add3A_396 = vector.broadcast %add3A_395 : i32 to vector<16xi32>
    %add3A_397 = arith.addi %iota3A_393, %add3A_396 : vector<16xi32>
    %swap3A_398 = arith.constant 0 : index
    %swap3A_399 = tpu.vector_load %arg8[%swap3A_398] {strides = array<i32>} : memref<80xi32, #tpu.memory_space<vmem>>, vector<16xi32>,
    %swap3A_400 = vector.shape_cast %swap3A_399 : vector<16xi32> to vector<16xi32>
    %swap3A_401 = vector.shape_cast %add3A_397 : vector<16xi32> to vector<16xi32>
    tpu.vector_store %arg8[%swap3A_398], %swap3A_401 {strides = array<i32>} : memref<80xi32, #tpu.memory_space<vmem>>, vector<16xi32>,
    %iota3A_402 = tpu.iota {dimensions = array<i32: 0>} : vector<16xi32>
    %add3A_403 = arith.constant 16 : i32
    %add3A_404 = arith.addi %add3A_392, %add3A_403 : i32
    %add3A_405 = vector.broadcast %add3A_404 : i32 to vector<16xi32>
    %add3A_406 = arith.addi %iota3A_402, %add3A_405 : vector<16xi32>
    %swap3A_407 = arith.constant 16 : index
    %swap3A_408 = tpu.vector_load %arg8[%swap3A_407] {strides = array<i32>} : memref<80xi32, #tpu.memory_space<vmem>>, vector<16xi32>,
    %swap3A_409 = vector.shape_cast %swap3A_408 : vector<16xi32> to vector<16xi32>
    %swap3A_410 = vector.shape_cast %add3A_406 : vector<16xi32> to vector<16xi32>
    tpu.vector_store %arg8[%swap3A_407], %swap3A_410 {strides = array<i32>} : memref<80xi32, #tpu.memory_space<vmem>>, vector<16xi32>,
    %iota3A_411 = tpu.iota {dimensions = array<i32: 0>} : vector<16xi32>
    %add3A_412 = arith.constant 32 : i32
    %add3A_413 = arith.addi %add3A_392, %add3A_412 : i32
    %add3A_414 = vector.broadcast %add3A_413 : i32 to vector<16xi32>
    %add3A_415 = arith.addi %iota3A_411, %add3A_414 : vector<16xi32>
    %swap3A_416 = arith.constant 32 : index
    %swap3A_417 = tpu.vector_load %arg8[%swap3A_416] {strides = array<i32>} : memref<80xi32, #tpu.memory_space<vmem>>, vector<16xi32>,
    %swap3A_418 = vector.shape_cast %swap3A_417 : vector<16xi32> to vector<16xi32>
    %swap3A_419 = vector.shape_cast %add3A_415 : vector<16xi32> to vector<16xi32>
    tpu.vector_store %arg8[%swap3A_416], %swap3A_419 {strides = array<i32>} : memref<80xi32, #tpu.memory_space<vmem>>, vector<16xi32>,
    %iota3A_420 = tpu.iota {dimensions = array<i32: 0>} : vector<16xi32>
    %add3A_421 = arith.constant 48 : i32
    %add3A_422 = arith.addi %add3A_392, %add3A_421 : i32
    %add3A_423 = vector.broadcast %add3A_422 : i32 to vector<16xi32>
    %add3A_424 = arith.addi %iota3A_420, %add3A_423 : vector<16xi32>
    %swap3A_425 = arith.constant 48 : index
    %swap3A_426 = tpu.vector_load %arg8[%swap3A_425] {strides = array<i32>} : memref<80xi32, #tpu.memory_space<vmem>>, vector<16xi32>,
    %swap3A_427 = vector.shape_cast %swap3A_426 : vector<16xi32> to vector<16xi32>
    %swap3A_428 = vector.shape_cast %add3A_424 : vector<16xi32> to vector<16xi32>
    tpu.vector_store %arg8[%swap3A_425], %swap3A_428 {strides = array<i32>} : memref<80xi32, #tpu.memory_space<vmem>>, vector<16xi32>,
    %iota3A_429 = tpu.iota {dimensions = array<i32: 0>} : vector<16xi32>
    %add3A_430 = arith.constant 64 : i32
    %add3A_431 = arith.addi %add3A_392, %add3A_430 : i32
    %add3A_432 = vector.broadcast %add3A_431 : i32 to vector<16xi32>
    %add3A_433 = arith.addi %iota3A_429, %add3A_432 : vector<16xi32>
    %swap3A_434 = arith.constant 64 : index
    %swap3A_435 = tpu.vector_load %arg8[%swap3A_434] {strides = array<i32>} : memref<80xi32, #tpu.memory_space<vmem>>, vector<16xi32>,
    %swap3A_436 = vector.shape_cast %swap3A_435 : vector<16xi32> to vector<16xi32>
    %swap3A_437 = vector.shape_cast %add3A_433 : vector<16xi32> to vector<16xi32>
    tpu.vector_store %arg8[%swap3A_434], %swap3A_437 {strides = array<i32>} : memref<80xi32, #tpu.memory_space<vmem>>, vector<16xi32>,
    %dma_start3A = arith.constant 0 : i32
    %dma_start3A_438 = arith.constant 0 : i32
    %dma_start3A_439 = tpu.memref_slice %arg11[%dma_start3A, %dma_start3A_438] : memref<10240x128xf32, #tpu.memory_space<vmem_shared>> -> memref<10240x128xf32, #tpu.memory_space<vmem_shared>>
    tpu.enqueue_indirect_dma source(%dma_start3A_439 : memref<10240x128xf32, #tpu.memory_space<vmem_shared>>) target(%arg9 : memref<80x128xf32, #tpu.memory_space<vmem>>) offsets(%arg8 : memref<80xi32, #tpu.memory_space<vmem>>) semaphore(%arg12 : memref<!tpu.dma_semaphore, #tpu.memory_space<semaphore_mem>>)
    %dma_wait3A = arith.constant 0 : i32
    %dma_wait3A_440 = arith.constant 0 : i32
    %dma_wait3A_441 = tpu.memref_slice %arg11[%dma_wait3A, %dma_wait3A_440] : memref<10240x128xf32, #tpu.memory_space<vmem_shared>> -> memref<10240x128xf32, #tpu.memory_space<vmem_shared>>
    tpu.wait_indirect_dma semaphore(%arg12 : memref<!tpu.dma_semaphore, #tpu.memory_space<semaphore_mem>>) src(%dma_wait3A_441 : memref<10240x128xf32, #tpu.memory_space<vmem_shared>>) dst(%arg9 : memref<80x128xf32, #tpu.memory_space<vmem>>)
    "tpu.region"() ({
      %run_scoped3A = tpu.sem_alloc : memref<!tpu.dma_semaphore, #tpu.memory_space<semaphore_mem>>
      %dma_start3A_1637 = arith.constant 0 : i32
      %dma_start3A_1638 = tpu.memref_slice %arg5[%arg0, %add3A_392, %dma_start3A_1637] : memref<2x10240x128xf32, #tpu.memory_space<hbm>> -> memref<1x80x128xf32, #tpu.memory_space<hbm>>
      %dma_start3A_1639 = tpu.memref_squeeze %dma_start3A_1638 : memref<1x80x128xf32, #tpu.memory_space<hbm>> -> memref<80x128xf32, #tpu.memory_space<hbm>>
      %dma_start3A_1640 = arith.constant 0 : i32
      %dma_start3A_1641 = tpu.memref_slice %arg5[%arg0, %add3A_392, %dma_start3A_1640] : memref<2x10240x128xf32, #tpu.memory_space<hbm>> -> memref<1x80x128xf32, #tpu.memory_space<hbm>>
      %dma_start3A_1642 = tpu.memref_squeeze %dma_start3A_1641 : memref<1x80x128xf32, #tpu.memory_space<hbm>> -> memref<80x128xf32, #tpu.memory_space<hbm>>
      tpu.enqueue_dma source(%arg9 : memref<80x128xf32, #tpu.memory_space<vmem>>) target(%dma_start3A_1642 : memref<80x128xf32, #tpu.memory_space<hbm>>) target_semaphore(%run_scoped3A : memref<!tpu.dma_semaphore, #tpu.memory_space<semaphore_mem>>)
      %dma_wait3A_1643 = arith.constant 0 : i32
      %dma_wait3A_1644 = tpu.memref_slice %arg5[%arg0, %add3A_392, %dma_wait3A_1643] : memref<2x10240x128xf32, #tpu.memory_space<hbm>> -> memref<1x80x128xf32, #tpu.memory_space<hbm>>
      %dma_wait3A_1645 = tpu.memref_squeeze %dma_wait3A_1644 : memref<1x80x128xf32, #tpu.memory_space<hbm>> -> memref<80x128xf32, #tpu.memory_space<hbm>>
      %dma_wait3A_1646 = arith.constant 0 : i32
      %dma_wait3A_1647 = tpu.memref_slice %arg5[%arg0, %add3A_392, %dma_wait3A_1646] : memref<2x10240x128xf32, #tpu.memory_space<hbm>> -> memref<1x80x128xf32, #tpu.memory_space<hbm>>
      %dma_wait3A_1648 = tpu.memref_squeeze %dma_wait3A_1647 : memref<1x80x128xf32, #tpu.memory_space<hbm>> -> memref<80x128xf32, #tpu.memory_space<hbm>>
      tpu.wait_dma2 semaphore(%run_scoped3A : memref<!tpu.dma_semaphore, #tpu.memory_space<semaphore_mem>>) src(%arg9 : memref<80x128xf32, #tpu.memory_space<vmem>>) dst(%dma_wait3A_1648 : memref<80x128xf32, #tpu.memory_space<hbm>>)
      tpu.yield
    }) : () -> ()
    %add3A_442 = arith.constant 80 : i32
    %add3A_443 = arith.addi %mul3A_2, %add3A_442 : i32
    %iota3A_444 = tpu.iota {dimensions = array<i32: 0>} : vector<16xi32>
    %add3A_445 = arith.constant 0 : i32
    %add3A_446 = arith.addi %add3A_443, %add3A_445 : i32
    %add3A_447 = vector.broadcast %add3A_446 : i32 to vector<16xi32>
    %add3A_448 = arith.addi %iota3A_444, %add3A_447 : vector<16xi32>
    %swap3A_449 = arith.constant 0 : index
    %swap3A_450 = tpu.vector_load %arg8[%swap3A_449] {strides = array<i32>} : memref<80xi32, #tpu.memory_space<vmem>>, vector<16xi32>,
    %swap3A_451 = vector.shape_cast %swap3A_450 : vector<16xi32> to vector<16xi32>
    %swap3A_452 = vector.shape_cast %add3A_448 : vector<16xi32> to vector<16xi32>
    tpu.vector_store %arg8[%swap3A_449], %swap3A_452 {strides = array<i32>} : memref<80xi32, #tpu.memory_space<vmem>>, vector<16xi32>,
    %iota3A_453 = tpu.iota {dimensions = array<i32: 0>} : vector<16xi32>
    %add3A_454 = arith.constant 16 : i32
    %add3A_455 = arith.addi %add3A_443, %add3A_454 : i32
    %add3A_456 = vector.broadcast %add3A_455 : i32 to vector<16xi32>
    %add3A_457 = arith.addi %iota3A_453, %add3A_456 : vector<16xi32>
    %swap3A_458 = arith.constant 16 : index
    %swap3A_459 = tpu.vector_load %arg8[%swap3A_458] {strides = array<i32>} : memref<80xi32, #tpu.memory_space<vmem>>, vector<16xi32>,
    %swap3A_460 = vector.shape_cast %swap3A_459 : vector<16xi32> to vector<16xi32>
    %swap3A_461 = vector.shape_cast %add3A_457 : vector<16xi32> to vector<16xi32>
    tpu.vector_store %arg8[%swap3A_458], %swap3A_461 {strides = array<i32>} : memref<80xi32, #tpu.memory_space<vmem>>, vector<16xi32>,
    %iota3A_462 = tpu.iota {dimensions = array<i32: 0>} : vector<16xi32>
    %add3A_463 = arith.constant 32 : i32
    %add3A_464 = arith.addi %add3A_443, %add3A_463 : i32
    %add3A_465 = vector.broadcast %add3A_464 : i32 to vector<16xi32>
    %add3A_466 = arith.addi %iota3A_462, %add3A_465 : vector<16xi32>
    %swap3A_467 = arith.constant 32 : index
    %swap3A_468 = tpu.vector_load %arg8[%swap3A_467] {strides = array<i32>} : memref<80xi32, #tpu.memory_space<vmem>>, vector<16xi32>,
    %swap3A_469 = vector.shape_cast %swap3A_468 : vector<16xi32> to vector<16xi32>
    %swap3A_470 = vector.shape_cast %add3A_466 : vector<16xi32> to vector<16xi32>
    tpu.vector_store %arg8[%swap3A_467], %swap3A_470 {strides = array<i32>} : memref<80xi32, #tpu.memory_space<vmem>>, vector<16xi32>,
    %iota3A_471 = tpu.iota {dimensions = array<i32: 0>} : vector<16xi32>
    %add3A_472 = arith.constant 48 : i32
    %add3A_473 = arith.addi %add3A_443, %add3A_472 : i32
    %add3A_474 = vector.broadcast %add3A_473 : i32 to vector<16xi32>
    %add3A_475 = arith.addi %iota3A_471, %add3A_474 : vector<16xi32>
    %swap3A_476 = arith.constant 48 : index
    %swap3A_477 = tpu.vector_load %arg8[%swap3A_476] {strides = array<i32>} : memref<80xi32, #tpu.memory_space<vmem>>, vector<16xi32>,
    %swap3A_478 = vector.shape_cast %swap3A_477 : vector<16xi32> to vector<16xi32>
    %swap3A_479 = vector.shape_cast %add3A_475 : vector<16xi32> to vector<16xi32>
    tpu.vector_store %arg8[%swap3A_476], %swap3A_479 {strides = array<i32>} : memref<80xi32, #tpu.memory_space<vmem>>, vector<16xi32>,
    %iota3A_480 = tpu.iota {dimensions = array<i32: 0>} : vector<16xi32>
    %add3A_481 = arith.constant 64 : i32
    %add3A_482 = arith.addi %add3A_443, %add3A_481 : i32
    %add3A_483 = vector.broadcast %add3A_482 : i32 to vector<16xi32>
    %add3A_484 = arith.addi %iota3A_480, %add3A_483 : vector<16xi32>
    %swap3A_485 = arith.constant 64 : index
    %swap3A_486 = tpu.vector_load %arg8[%swap3A_485] {strides = array<i32>} : memref<80xi32, #tpu.memory_space<vmem>>, vector<16xi32>,
    %swap3A_487 = vector.shape_cast %swap3A_486 : vector<16xi32> to vector<16xi32>
    %swap3A_488 = vector.shape_cast %add3A_484 : vector<16xi32> to vector<16xi32>
    tpu.vector_store %arg8[%swap3A_485], %swap3A_488 {strides = array<i32>} : memref<80xi32, #tpu.memory_space<vmem>>, vector<16xi32>,
    %dma_start3A_489 = arith.constant 0 : i32
    %dma_start3A_490 = arith.constant 0 : i32
    %dma_start3A_491 = tpu.memref_slice %arg11[%dma_start3A_489, %dma_start3A_490] : memref<10240x128xf32, #tpu.memory_space<vmem_shared>> -> memref<10240x128xf32, #tpu.memory_space<vmem_shared>>
    tpu.enqueue_indirect_dma source(%dma_start3A_491 : memref<10240x128xf32, #tpu.memory_space<vmem_shared>>) target(%arg9 : memref<80x128xf32, #tpu.memory_space<vmem>>) offsets(%arg8 : memref<80xi32, #tpu.memory_space<vmem>>) semaphore(%arg12 : memref<!tpu.dma_semaphore, #tpu.memory_space<semaphore_mem>>)
    %dma_wait3A_492 = arith.constant 0 : i32
    %dma_wait3A_493 = arith.constant 0 : i32
    %dma_wait3A_494 = tpu.memref_slice %arg11[%dma_wait3A_492, %dma_wait3A_493] : memref<10240x128xf32, #tpu.memory_space<vmem_shared>> -> memref<10240x128xf32, #tpu.memory_space<vmem_shared>>
    tpu.wait_indirect_dma semaphore(%arg12 : memref<!tpu.dma_semaphore, #tpu.memory_space<semaphore_mem>>) src(%dma_wait3A_494 : memref<10240x128xf32, #tpu.memory_space<vmem_shared>>) dst(%arg9 : memref<80x128xf32, #tpu.memory_space<vmem>>)
    "tpu.region"() ({
      %run_scoped3A = tpu.sem_alloc : memref<!tpu.dma_semaphore, #tpu.memory_space<semaphore_mem>>
      %dma_start3A_1637 = arith.constant 0 : i32
      %dma_start3A_1638 = tpu.memref_slice %arg5[%arg0, %add3A_443, %dma_start3A_1637] : memref<2x10240x128xf32, #tpu.memory_space<hbm>> -> memref<1x80x128xf32, #tpu.memory_space<hbm>>
      %dma_start3A_1639 = tpu.memref_squeeze %dma_start3A_1638 : memref<1x80x128xf32, #tpu.memory_space<hbm>> -> memref<80x128xf32, #tpu.memory_space<hbm>>
      %dma_start3A_1640 = arith.constant 0 : i32
      %dma_start3A_1641 = tpu.memref_slice %arg5[%arg0, %add3A_443, %dma_start3A_1640] : memref<2x10240x128xf32, #tpu.memory_space<hbm>> -> memref<1x80x128xf32, #tpu.memory_space<hbm>>
      %dma_start3A_1642 = tpu.memref_squeeze %dma_start3A_1641 : memref<1x80x128xf32, #tpu.memory_space<hbm>> -> memref<80x128xf32, #tpu.memory_space<hbm>>
      tpu.enqueue_dma source(%arg9 : memref<80x128xf32, #tpu.memory_space<vmem>>) target(%dma_start3A_1642 : memref<80x128xf32, #tpu.memory_space<hbm>>) target_semaphore(%run_scoped3A : memref<!tpu.dma_semaphore, #tpu.memory_space<semaphore_mem>>)
      %dma_wait3A_1643 = arith.constant 0 : i32
      %dma_wait3A_1644 = tpu.memref_slice %arg5[%arg0, %add3A_443, %dma_wait3A_1643] : memref<2x10240x128xf32, #tpu.memory_space<hbm>> -> memref<1x80x128xf32, #tpu.memory_space<hbm>>
      %dma_wait3A_1645 = tpu.memref_squeeze %dma_wait3A_1644 : memref<1x80x128xf32, #tpu.memory_space<hbm>> -> memref<80x128xf32, #tpu.memory_space<hbm>>
      %dma_wait3A_1646 = arith.constant 0 : i32
      %dma_wait3A_1647 = tpu.memref_slice %arg5[%arg0, %add3A_443, %dma_wait3A_1646] : memref<2x10240x128xf32, #tpu.memory_space<hbm>> -> memref<1x80x128xf32, #tpu.memory_space<hbm>>
      %dma_wait3A_1648 = tpu.memref_squeeze %dma_wait3A_1647 : memref<1x80x128xf32, #tpu.memory_space<hbm>> -> memref<80x128xf32, #tpu.memory_space<hbm>>
      tpu.wait_dma2 semaphore(%run_scoped3A : memref<!tpu.dma_semaphore, #tpu.memory_space<semaphore_mem>>) src(%arg9 : memref<80x128xf32, #tpu.memory_space<vmem>>) dst(%dma_wait3A_1648 : memref<80x128xf32, #tpu.memory_space<hbm>>)
      tpu.yield
    }) : () -> ()
    %add3A_495 = arith.constant 160 : i32
    %add3A_496 = arith.addi %mul3A_2, %add3A_495 : i32
    %iota3A_497 = tpu.iota {dimensions = array<i32: 0>} : vector<16xi32>
    %add3A_498 = arith.constant 0 : i32
    %add3A_499 = arith.addi %add3A_496, %add3A_498 : i32
    %add3A_500 = vector.broadcast %add3A_499 : i32 to vector<16xi32>
    %add3A_501 = arith.addi %iota3A_497, %add3A_500 : vector<16xi32>
    %swap3A_502 = arith.constant 0 : index
    %swap3A_503 = tpu.vector_load %arg8[%swap3A_502] {strides = array<i32>} : memref<80xi32, #tpu.memory_space<vmem>>, vector<16xi32>,
    %swap3A_504 = vector.shape_cast %swap3A_503 : vector<16xi32> to vector<16xi32>
    %swap3A_505 = vector.shape_cast %add3A_501 : vector<16xi32> to vector<16xi32>
    tpu.vector_store %arg8[%swap3A_502], %swap3A_505 {strides = array<i32>} : memref<80xi32, #tpu.memory_space<vmem>>, vector<16xi32>,
    %iota3A_506 = tpu.iota {dimensions = array<i32: 0>} : vector<16xi32>
    %add3A_507 = arith.constant 16 : i32
    %add3A_508 = arith.addi %add3A_496, %add3A_507 : i32
    %add3A_509 = vector.broadcast %add3A_508 : i32 to vector<16xi32>
    %add3A_510 = arith.addi %iota3A_506, %add3A_509 : vector<16xi32>
    %swap3A_511 = arith.constant 16 : index
    %swap3A_512 = tpu.vector_load %arg8[%swap3A_511] {strides = array<i32>} : memref<80xi32, #tpu.memory_space<vmem>>, vector<16xi32>,
    %swap3A_513 = vector.shape_cast %swap3A_512 : vector<16xi32> to vector<16xi32>
    %swap3A_514 = vector.shape_cast %add3A_510 : vector<16xi32> to vector<16xi32>
    tpu.vector_store %arg8[%swap3A_511], %swap3A_514 {strides = array<i32>} : memref<80xi32, #tpu.memory_space<vmem>>, vector<16xi32>,
    %iota3A_515 = tpu.iota {dimensions = array<i32: 0>} : vector<16xi32>
    %add3A_516 = arith.constant 32 : i32
    %add3A_517 = arith.addi %add3A_496, %add3A_516 : i32
    %add3A_518 = vector.broadcast %add3A_517 : i32 to vector<16xi32>
    %add3A_519 = arith.addi %iota3A_515, %add3A_518 : vector<16xi32>
    %swap3A_520 = arith.constant 32 : index
    %swap3A_521 = tpu.vector_load %arg8[%swap3A_520] {strides = array<i32>} : memref<80xi32, #tpu.memory_space<vmem>>, vector<16xi32>,
    %swap3A_522 = vector.shape_cast %swap3A_521 : vector<16xi32> to vector<16xi32>
    %swap3A_523 = vector.shape_cast %add3A_519 : vector<16xi32> to vector<16xi32>
    tpu.vector_store %arg8[%swap3A_520], %swap3A_523 {strides = array<i32>} : memref<80xi32, #tpu.memory_space<vmem>>, vector<16xi32>,
    %iota3A_524 = tpu.iota {dimensions = array<i32: 0>} : vector<16xi32>
    %add3A_525 = arith.constant 48 : i32
    %add3A_526 = arith.addi %add3A_496, %add3A_525 : i32
    %add3A_527 = vector.broadcast %add3A_526 : i32 to vector<16xi32>
    %add3A_528 = arith.addi %iota3A_524, %add3A_527 : vector<16xi32>
    %swap3A_529 = arith.constant 48 : index
    %swap3A_530 = tpu.vector_load %arg8[%swap3A_529] {strides = array<i32>} : memref<80xi32, #tpu.memory_space<vmem>>, vector<16xi32>,
    %swap3A_531 = vector.shape_cast %swap3A_530 : vector<16xi32> to vector<16xi32>
    %swap3A_532 = vector.shape_cast %add3A_528 : vector<16xi32> to vector<16xi32>
    tpu.vector_store %arg8[%swap3A_529], %swap3A_532 {strides = array<i32>} : memref<80xi32, #tpu.memory_space<vmem>>, vector<16xi32>,
    %iota3A_533 = tpu.iota {dimensions = array<i32: 0>} : vector<16xi32>
    %add3A_534 = arith.constant 64 : i32
    %add3A_535 = arith.addi %add3A_496, %add3A_534 : i32
    %add3A_536 = vector.broadcast %add3A_535 : i32 to vector<16xi32>
    %add3A_537 = arith.addi %iota3A_533, %add3A_536 : vector<16xi32>
    %swap3A_538 = arith.constant 64 : index
    %swap3A_539 = tpu.vector_load %arg8[%swap3A_538] {strides = array<i32>} : memref<80xi32, #tpu.memory_space<vmem>>, vector<16xi32>,
    %swap3A_540 = vector.shape_cast %swap3A_539 : vector<16xi32> to vector<16xi32>
    %swap3A_541 = vector.shape_cast %add3A_537 : vector<16xi32> to vector<16xi32>
    tpu.vector_store %arg8[%swap3A_538], %swap3A_541 {strides = array<i32>} : memref<80xi32, #tpu.memory_space<vmem>>, vector<16xi32>,
    %dma_start3A_542 = arith.constant 0 : i32
    %dma_start3A_543 = arith.constant 0 : i32
    %dma_start3A_544 = tpu.memref_slice %arg11[%dma_start3A_542, %dma_start3A_543] : memref<10240x128xf32, #tpu.memory_space<vmem_shared>> -> memref<10240x128xf32, #tpu.memory_space<vmem_shared>>
    tpu.enqueue_indirect_dma source(%dma_start3A_544 : memref<10240x128xf32, #tpu.memory_space<vmem_shared>>) target(%arg9 : memref<80x128xf32, #tpu.memory_space<vmem>>) offsets(%arg8 : memref<80xi32, #tpu.memory_space<vmem>>) semaphore(%arg12 : memref<!tpu.dma_semaphore, #tpu.memory_space<semaphore_mem>>)
    %dma_wait3A_545 = arith.constant 0 : i32
    %dma_wait3A_546 = arith.constant 0 : i32
    %dma_wait3A_547 = tpu.memref_slice %arg11[%dma_wait3A_545, %dma_wait3A_546] : memref<10240x128xf32, #tpu.memory_space<vmem_shared>> -> memref<10240x128xf32, #tpu.memory_space<vmem_shared>>
    tpu.wait_indirect_dma semaphore(%arg12 : memref<!tpu.dma_semaphore, #tpu.memory_space<semaphore_mem>>) src(%dma_wait3A_547 : memref<10240x128xf32, #tpu.memory_space<vmem_shared>>) dst(%arg9 : memref<80x128xf32, #tpu.memory_space<vmem>>)
    "tpu.region"() ({
      %run_scoped3A = tpu.sem_alloc : memref<!tpu.dma_semaphore, #tpu.memory_space<semaphore_mem>>
      %dma_start3A_1637 = arith.constant 0 : i32
      %dma_start3A_1638 = tpu.memref_slice %arg5[%arg0, %add3A_496, %dma_start3A_1637] : memref<2x10240x128xf32, #tpu.memory_space<hbm>> -> memref<1x80x128xf32, #tpu.memory_space<hbm>>
      %dma_start3A_1639 = tpu.memref_squeeze %dma_start3A_1638 : memref<1x80x128xf32, #tpu.memory_space<hbm>> -> memref<80x128xf32, #tpu.memory_space<hbm>>
      %dma_start3A_1640 = arith.constant 0 : i32
      %dma_start3A_1641 = tpu.memref_slice %arg5[%arg0, %add3A_496, %dma_start3A_1640] : memref<2x10240x128xf32, #tpu.memory_space<hbm>> -> memref<1x80x128xf32, #tpu.memory_space<hbm>>
      %dma_start3A_1642 = tpu.memref_squeeze %dma_start3A_1641 : memref<1x80x128xf32, #tpu.memory_space<hbm>> -> memref<80x128xf32, #tpu.memory_space<hbm>>
      tpu.enqueue_dma source(%arg9 : memref<80x128xf32, #tpu.memory_space<vmem>>) target(%dma_start3A_1642 : memref<80x128xf32, #tpu.memory_space<hbm>>) target_semaphore(%run_scoped3A : memref<!tpu.dma_semaphore, #tpu.memory_space<semaphore_mem>>)
      %dma_wait3A_1643 = arith.constant 0 : i32
      %dma_wait3A_1644 = tpu.memref_slice %arg5[%arg0, %add3A_496, %dma_wait3A_1643] : memref<2x10240x128xf32, #tpu.memory_space<hbm>> -> memref<1x80x128xf32, #tpu.memory_space<hbm>>
      %dma_wait3A_1645 = tpu.memref_squeeze %dma_wait3A_1644 : memref<1x80x128xf32, #tpu.memory_space<hbm>> -> memref<80x128xf32, #tpu.memory_space<hbm>>
      %dma_wait3A_1646 = arith.constant 0 : i32
      %dma_wait3A_1647 = tpu.memref_slice %arg5[%arg0, %add3A_496, %dma_wait3A_1646] : memref<2x10240x128xf32, #tpu.memory_space<hbm>> -> memref<1x80x128xf32, #tpu.memory_space<hbm>>
      %dma_wait3A_1648 = tpu.memref_squeeze %dma_wait3A_1647 : memref<1x80x128xf32, #tpu.memory_space<hbm>> -> memref<80x128xf32, #tpu.memory_space<hbm>>
      tpu.wait_dma2 semaphore(%run_scoped3A : memref<!tpu.dma_semaphore, #tpu.memory_space<semaphore_mem>>) src(%arg9 : memref<80x128xf32, #tpu.memory_space<vmem>>) dst(%dma_wait3A_1648 : memref<80x128xf32, #tpu.memory_space<hbm>>)
      tpu.yield
    }) : () -> ()
    %add3A_548 = arith.constant 240 : i32
    %add3A_549 = arith.addi %mul3A_2, %add3A_548 : i32
    %iota3A_550 = tpu.iota {dimensions = array<i32: 0>} : vector<16xi32>
    %add3A_551 = arith.constant 0 : i32
    %add3A_552 = arith.addi %add3A_549, %add3A_551 : i32
    %add3A_553 = vector.broadcast %add3A_552 : i32 to vector<16xi32>
    %add3A_554 = arith.addi %iota3A_550, %add3A_553 : vector<16xi32>
    %swap3A_555 = arith.constant 0 : index
    %swap3A_556 = tpu.vector_load %arg8[%swap3A_555] {strides = array<i32>} : memref<80xi32, #tpu.memory_space<vmem>>, vector<16xi32>,
    %swap3A_557 = vector.shape_cast %swap3A_556 : vector<16xi32> to vector<16xi32>
    %swap3A_558 = vector.shape_cast %add3A_554 : vector<16xi32> to vector<16xi32>
    tpu.vector_store %arg8[%swap3A_555], %swap3A_558 {strides = array<i32>} : memref<80xi32, #tpu.memory_space<vmem>>, vector<16xi32>,
    %iota3A_559 = tpu.iota {dimensions = array<i32: 0>} : vector<16xi32>
    %add3A_560 = arith.constant 16 : i32
    %add3A_561 = arith.addi %add3A_549, %add3A_560 : i32
    %add3A_562 = vector.broadcast %add3A_561 : i32 to vector<16xi32>
    %add3A_563 = arith.addi %iota3A_559, %add3A_562 : vector<16xi32>
    %swap3A_564 = arith.constant 16 : index
    %swap3A_565 = tpu.vector_load %arg8[%swap3A_564] {strides = array<i32>} : memref<80xi32, #tpu.memory_space<vmem>>, vector<16xi32>,
    %swap3A_566 = vector.shape_cast %swap3A_565 : vector<16xi32> to vector<16xi32>
    %swap3A_567 = vector.shape_cast %add3A_563 : vector<16xi32> to vector<16xi32>
    tpu.vector_store %arg8[%swap3A_564], %swap3A_567 {strides = array<i32>} : memref<80xi32, #tpu.memory_space<vmem>>, vector<16xi32>,
    %iota3A_568 = tpu.iota {dimensions = array<i32: 0>} : vector<16xi32>
    %add3A_569 = arith.constant 32 : i32
    %add3A_570 = arith.addi %add3A_549, %add3A_569 : i32
    %add3A_571 = vector.broadcast %add3A_570 : i32 to vector<16xi32>
    %add3A_572 = arith.addi %iota3A_568, %add3A_571 : vector<16xi32>
    %swap3A_573 = arith.constant 32 : index
    %swap3A_574 = tpu.vector_load %arg8[%swap3A_573] {strides = array<i32>} : memref<80xi32, #tpu.memory_space<vmem>>, vector<16xi32>,
    %swap3A_575 = vector.shape_cast %swap3A_574 : vector<16xi32> to vector<16xi32>
    %swap3A_576 = vector.shape_cast %add3A_572 : vector<16xi32> to vector<16xi32>
    tpu.vector_store %arg8[%swap3A_573], %swap3A_576 {strides = array<i32>} : memref<80xi32, #tpu.memory_space<vmem>>, vector<16xi32>,
    %iota3A_577 = tpu.iota {dimensions = array<i32: 0>} : vector<16xi32>
    %add3A_578 = arith.constant 48 : i32
    %add3A_579 = arith.addi %add3A_549, %add3A_578 : i32
    %add3A_580 = vector.broadcast %add3A_579 : i32 to vector<16xi32>
    %add3A_581 = arith.addi %iota3A_577, %add3A_580 : vector<16xi32>
    %swap3A_582 = arith.constant 48 : index
    %swap3A_583 = tpu.vector_load %arg8[%swap3A_582] {strides = array<i32>} : memref<80xi32, #tpu.memory_space<vmem>>, vector<16xi32>,
    %swap3A_584 = vector.shape_cast %swap3A_583 : vector<16xi32> to vector<16xi32>
    %swap3A_585 = vector.shape_cast %add3A_581 : vector<16xi32> to vector<16xi32>
    tpu.vector_store %arg8[%swap3A_582], %swap3A_585 {strides = array<i32>} : memref<80xi32, #tpu.memory_space<vmem>>, vector<16xi32>,
    %iota3A_586 = tpu.iota {dimensions = array<i32: 0>} : vector<16xi32>
    %add3A_587 = arith.constant 64 : i32
    %add3A_588 = arith.addi %add3A_549, %add3A_587 : i32
    %add3A_589 = vector.broadcast %add3A_588 : i32 to vector<16xi32>
    %add3A_590 = arith.addi %iota3A_586, %add3A_589 : vector<16xi32>
    %swap3A_591 = arith.constant 64 : index
    %swap3A_592 = tpu.vector_load %arg8[%swap3A_591] {strides = array<i32>} : memref<80xi32, #tpu.memory_space<vmem>>, vector<16xi32>,
    %swap3A_593 = vector.shape_cast %swap3A_592 : vector<16xi32> to vector<16xi32>
    %swap3A_594 = vector.shape_cast %add3A_590 : vector<16xi32> to vector<16xi32>
    tpu.vector_store %arg8[%swap3A_591], %swap3A_594 {strides = array<i32>} : memref<80xi32, #tpu.memory_space<vmem>>, vector<16xi32>,
    %dma_start3A_595 = arith.constant 0 : i32
    %dma_start3A_596 = arith.constant 0 : i32
    %dma_start3A_597 = tpu.memref_slice %arg11[%dma_start3A_595, %dma_start3A_596] : memref<10240x128xf32, #tpu.memory_space<vmem_shared>> -> memref<10240x128xf32, #tpu.memory_space<vmem_shared>>
    tpu.enqueue_indirect_dma source(%dma_start3A_597 : memref<10240x128xf32, #tpu.memory_space<vmem_shared>>) target(%arg9 : memref<80x128xf32, #tpu.memory_space<vmem>>) offsets(%arg8 : memref<80xi32, #tpu.memory_space<vmem>>) semaphore(%arg12 : memref<!tpu.dma_semaphore, #tpu.memory_space<semaphore_mem>>)
    %dma_wait3A_598 = arith.constant 0 : i32
    %dma_wait3A_599 = arith.constant 0 : i32
    %dma_wait3A_600 = tpu.memref_slice %arg11[%dma_wait3A_598, %dma_wait3A_599] : memref<10240x128xf32, #tpu.memory_space<vmem_shared>> -> memref<10240x128xf32, #tpu.memory_space<vmem_shared>>
    tpu.wait_indirect_dma semaphore(%arg12 : memref<!tpu.dma_semaphore, #tpu.memory_space<semaphore_mem>>) src(%dma_wait3A_600 : memref<10240x128xf32, #tpu.memory_space<vmem_shared>>) dst(%arg9 : memref<80x128xf32, #tpu.memory_space<vmem>>)
    "tpu.region"() ({
      %run_scoped3A = tpu.sem_alloc : memref<!tpu.dma_semaphore, #tpu.memory_space<semaphore_mem>>
      %dma_start3A_1637 = arith.constant 0 : i32
      %dma_start3A_1638 = tpu.memref_slice %arg5[%arg0, %add3A_549, %dma_start3A_1637] : memref<2x10240x128xf32, #tpu.memory_space<hbm>> -> memref<1x80x128xf32, #tpu.memory_space<hbm>>
      %dma_start3A_1639 = tpu.memref_squeeze %dma_start3A_1638 : memref<1x80x128xf32, #tpu.memory_space<hbm>> -> memref<80x128xf32, #tpu.memory_space<hbm>>
      %dma_start3A_1640 = arith.constant 0 : i32
      %dma_start3A_1641 = tpu.memref_slice %arg5[%arg0, %add3A_549, %dma_start3A_1640] : memref<2x10240x128xf32, #tpu.memory_space<hbm>> -> memref<1x80x128xf32, #tpu.memory_space<hbm>>
      %dma_start3A_1642 = tpu.memref_squeeze %dma_start3A_1641 : memref<1x80x128xf32, #tpu.memory_space<hbm>> -> memref<80x128xf32, #tpu.memory_space<hbm>>
      tpu.enqueue_dma source(%arg9 : memref<80x128xf32, #tpu.memory_space<vmem>>) target(%dma_start3A_1642 : memref<80x128xf32, #tpu.memory_space<hbm>>) target_semaphore(%run_scoped3A : memref<!tpu.dma_semaphore, #tpu.memory_space<semaphore_mem>>)
      %dma_wait3A_1643 = arith.constant 0 : i32
      %dma_wait3A_1644 = tpu.memref_slice %arg5[%arg0, %add3A_549, %dma_wait3A_1643] : memref<2x10240x128xf32, #tpu.memory_space<hbm>> -> memref<1x80x128xf32, #tpu.memory_space<hbm>>
      %dma_wait3A_1645 = tpu.memref_squeeze %dma_wait3A_1644 : memref<1x80x128xf32, #tpu.memory_space<hbm>> -> memref<80x128xf32, #tpu.memory_space<hbm>>
      %dma_wait3A_1646 = arith.constant 0 : i32
      %dma_wait3A_1647 = tpu.memref_slice %arg5[%arg0, %add3A_549, %dma_wait3A_1646] : memref<2x10240x128xf32, #tpu.memory_space<hbm>> -> memref<1x80x128xf32, #tpu.memory_space<hbm>>
      %dma_wait3A_1648 = tpu.memref_squeeze %dma_wait3A_1647 : memref<1x80x128xf32, #tpu.memory_space<hbm>> -> memref<80x128xf32, #tpu.memory_space<hbm>>
      tpu.wait_dma2 semaphore(%run_scoped3A : memref<!tpu.dma_semaphore, #tpu.memory_space<semaphore_mem>>) src(%arg9 : memref<80x128xf32, #tpu.memory_space<vmem>>) dst(%dma_wait3A_1648 : memref<80x128xf32, #tpu.memory_space<hbm>>)
      tpu.yield
    }) : () -> ()
    %add3A_601 = arith.constant 320 : i32
    %add3A_602 = arith.addi %mul3A_2, %add3A_601 : i32
    %iota3A_603 = tpu.iota {dimensions = array<i32: 0>} : vector<16xi32>
    %add3A_604 = arith.constant 0 : i32
    %add3A_605 = arith.addi %add3A_602, %add3A_604 : i32
    %add3A_606 = vector.broadcast %add3A_605 : i32 to vector<16xi32>
    %add3A_607 = arith.addi %iota3A_603, %add3A_606 : vector<16xi32>
    %swap3A_608 = arith.constant 0 : index
    %swap3A_609 = tpu.vector_load %arg8[%swap3A_608] {strides = array<i32>} : memref<80xi32, #tpu.memory_space<vmem>>, vector<16xi32>,
    %swap3A_610 = vector.shape_cast %swap3A_609 : vector<16xi32> to vector<16xi32>
    %swap3A_611 = vector.shape_cast %add3A_607 : vector<16xi32> to vector<16xi32>
    tpu.vector_store %arg8[%swap3A_608], %swap3A_611 {strides = array<i32>} : memref<80xi32, #tpu.memory_space<vmem>>, vector<16xi32>,
    %iota3A_612 = tpu.iota {dimensions = array<i32: 0>} : vector<16xi32>
    %add3A_613 = arith.constant 16 : i32
    %add3A_614 = arith.addi %add3A_602, %add3A_613 : i32
    %add3A_615 = vector.broadcast %add3A_614 : i32 to vector<16xi32>
    %add3A_616 = arith.addi %iota3A_612, %add3A_615 : vector<16xi32>
    %swap3A_617 = arith.constant 16 : index
    %swap3A_618 = tpu.vector_load %arg8[%swap3A_617] {strides = array<i32>} : memref<80xi32, #tpu.memory_space<vmem>>, vector<16xi32>,
    %swap3A_619 = vector.shape_cast %swap3A_618 : vector<16xi32> to vector<16xi32>
    %swap3A_620 = vector.shape_cast %add3A_616 : vector<16xi32> to vector<16xi32>
    tpu.vector_store %arg8[%swap3A_617], %swap3A_620 {strides = array<i32>} : memref<80xi32, #tpu.memory_space<vmem>>, vector<16xi32>,
    %iota3A_621 = tpu.iota {dimensions = array<i32: 0>} : vector<16xi32>
    %add3A_622 = arith.constant 32 : i32
    %add3A_623 = arith.addi %add3A_602, %add3A_622 : i32
    %add3A_624 = vector.broadcast %add3A_623 : i32 to vector<16xi32>
    %add3A_625 = arith.addi %iota3A_621, %add3A_624 : vector<16xi32>
    %swap3A_626 = arith.constant 32 : index
    %swap3A_627 = tpu.vector_load %arg8[%swap3A_626] {strides = array<i32>} : memref<80xi32, #tpu.memory_space<vmem>>, vector<16xi32>,
    %swap3A_628 = vector.shape_cast %swap3A_627 : vector<16xi32> to vector<16xi32>
    %swap3A_629 = vector.shape_cast %add3A_625 : vector<16xi32> to vector<16xi32>
    tpu.vector_store %arg8[%swap3A_626], %swap3A_629 {strides = array<i32>} : memref<80xi32, #tpu.memory_space<vmem>>, vector<16xi32>,
    %iota3A_630 = tpu.iota {dimensions = array<i32: 0>} : vector<16xi32>
    %add3A_631 = arith.constant 48 : i32
    %add3A_632 = arith.addi %add3A_602, %add3A_631 : i32
    %add3A_633 = vector.broadcast %add3A_632 : i32 to vector<16xi32>
    %add3A_634 = arith.addi %iota3A_630, %add3A_633 : vector<16xi32>
    %swap3A_635 = arith.constant 48 : index
    %swap3A_636 = tpu.vector_load %arg8[%swap3A_635] {strides = array<i32>} : memref<80xi32, #tpu.memory_space<vmem>>, vector<16xi32>,
    %swap3A_637 = vector.shape_cast %swap3A_636 : vector<16xi32> to vector<16xi32>
    %swap3A_638 = vector.shape_cast %add3A_634 : vector<16xi32> to vector<16xi32>
    tpu.vector_store %arg8[%swap3A_635], %swap3A_638 {strides = array<i32>} : memref<80xi32, #tpu.memory_space<vmem>>, vector<16xi32>,
    %iota3A_639 = tpu.iota {dimensions = array<i32: 0>} : vector<16xi32>
    %add3A_640 = arith.constant 64 : i32
    %add3A_641 = arith.addi %add3A_602, %add3A_640 : i32
    %add3A_642 = vector.broadcast %add3A_641 : i32 to vector<16xi32>
    %add3A_643 = arith.addi %iota3A_639, %add3A_642 : vector<16xi32>
    %swap3A_644 = arith.constant 64 : index
    %swap3A_645 = tpu.vector_load %arg8[%swap3A_644] {strides = array<i32>} : memref<80xi32, #tpu.memory_space<vmem>>, vector<16xi32>,
    %swap3A_646 = vector.shape_cast %swap3A_645 : vector<16xi32> to vector<16xi32>
    %swap3A_647 = vector.shape_cast %add3A_643 : vector<16xi32> to vector<16xi32>
    tpu.vector_store %arg8[%swap3A_644], %swap3A_647 {strides = array<i32>} : memref<80xi32, #tpu.memory_space<vmem>>, vector<16xi32>,
    %dma_start3A_648 = arith.constant 0 : i32
    %dma_start3A_649 = arith.constant 0 : i32
    %dma_start3A_650 = tpu.memref_slice %arg11[%dma_start3A_648, %dma_start3A_649] : memref<10240x128xf32, #tpu.memory_space<vmem_shared>> -> memref<10240x128xf32, #tpu.memory_space<vmem_shared>>
    tpu.enqueue_indirect_dma source(%dma_start3A_650 : memref<10240x128xf32, #tpu.memory_space<vmem_shared>>) target(%arg9 : memref<80x128xf32, #tpu.memory_space<vmem>>) offsets(%arg8 : memref<80xi32, #tpu.memory_space<vmem>>) semaphore(%arg12 : memref<!tpu.dma_semaphore, #tpu.memory_space<semaphore_mem>>)
    %dma_wait3A_651 = arith.constant 0 : i32
    %dma_wait3A_652 = arith.constant 0 : i32
    %dma_wait3A_653 = tpu.memref_slice %arg11[%dma_wait3A_651, %dma_wait3A_652] : memref<10240x128xf32, #tpu.memory_space<vmem_shared>> -> memref<10240x128xf32, #tpu.memory_space<vmem_shared>>
    tpu.wait_indirect_dma semaphore(%arg12 : memref<!tpu.dma_semaphore, #tpu.memory_space<semaphore_mem>>) src(%dma_wait3A_653 : memref<10240x128xf32, #tpu.memory_space<vmem_shared>>) dst(%arg9 : memref<80x128xf32, #tpu.memory_space<vmem>>)
    "tpu.region"() ({
      %run_scoped3A = tpu.sem_alloc : memref<!tpu.dma_semaphore, #tpu.memory_space<semaphore_mem>>
      %dma_start3A_1637 = arith.constant 0 : i32
      %dma_start3A_1638 = tpu.memref_slice %arg5[%arg0, %add3A_602, %dma_start3A_1637] : memref<2x10240x128xf32, #tpu.memory_space<hbm>> -> memref<1x80x128xf32, #tpu.memory_space<hbm>>
      %dma_start3A_1639 = tpu.memref_squeeze %dma_start3A_1638 : memref<1x80x128xf32, #tpu.memory_space<hbm>> -> memref<80x128xf32, #tpu.memory_space<hbm>>
      %dma_start3A_1640 = arith.constant 0 : i32
      %dma_start3A_1641 = tpu.memref_slice %arg5[%arg0, %add3A_602, %dma_start3A_1640] : memref<2x10240x128xf32, #tpu.memory_space<hbm>> -> memref<1x80x128xf32, #tpu.memory_space<hbm>>
      %dma_start3A_1642 = tpu.memref_squeeze %dma_start3A_1641 : memref<1x80x128xf32, #tpu.memory_space<hbm>> -> memref<80x128xf32, #tpu.memory_space<hbm>>
      tpu.enqueue_dma source(%arg9 : memref<80x128xf32, #tpu.memory_space<vmem>>) target(%dma_start3A_1642 : memref<80x128xf32, #tpu.memory_space<hbm>>) target_semaphore(%run_scoped3A : memref<!tpu.dma_semaphore, #tpu.memory_space<semaphore_mem>>)
      %dma_wait3A_1643 = arith.constant 0 : i32
      %dma_wait3A_1644 = tpu.memref_slice %arg5[%arg0, %add3A_602, %dma_wait3A_1643] : memref<2x10240x128xf32, #tpu.memory_space<hbm>> -> memref<1x80x128xf32, #tpu.memory_space<hbm>>
      %dma_wait3A_1645 = tpu.memref_squeeze %dma_wait3A_1644 : memref<1x80x128xf32, #tpu.memory_space<hbm>> -> memref<80x128xf32, #tpu.memory_space<hbm>>
      %dma_wait3A_1646 = arith.constant 0 : i32
      %dma_wait3A_1647 = tpu.memref_slice %arg5[%arg0, %add3A_602, %dma_wait3A_1646] : memref<2x10240x128xf32, #tpu.memory_space<hbm>> -> memref<1x80x128xf32, #tpu.memory_space<hbm>>
      %dma_wait3A_1648 = tpu.memref_squeeze %dma_wait3A_1647 : memref<1x80x128xf32, #tpu.memory_space<hbm>> -> memref<80x128xf32, #tpu.memory_space<hbm>>
      tpu.wait_dma2 semaphore(%run_scoped3A : memref<!tpu.dma_semaphore, #tpu.memory_space<semaphore_mem>>) src(%arg9 : memref<80x128xf32, #tpu.memory_space<vmem>>) dst(%dma_wait3A_1648 : memref<80x128xf32, #tpu.memory_space<hbm>>)
      tpu.yield
    }) : () -> ()
    %add3A_654 = arith.constant 400 : i32
    %add3A_655 = arith.addi %mul3A_2, %add3A_654 : i32
    %iota3A_656 = tpu.iota {dimensions = array<i32: 0>} : vector<16xi32>
    %add3A_657 = arith.constant 0 : i32
    %add3A_658 = arith.addi %add3A_655, %add3A_657 : i32
    %add3A_659 = vector.broadcast %add3A_658 : i32 to vector<16xi32>
    %add3A_660 = arith.addi %iota3A_656, %add3A_659 : vector<16xi32>
    %swap3A_661 = arith.constant 0 : index
    %swap3A_662 = tpu.vector_load %arg8[%swap3A_661] {strides = array<i32>} : memref<80xi32, #tpu.memory_space<vmem>>, vector<16xi32>,
    %swap3A_663 = vector.shape_cast %swap3A_662 : vector<16xi32> to vector<16xi32>
    %swap3A_664 = vector.shape_cast %add3A_660 : vector<16xi32> to vector<16xi32>
    tpu.vector_store %arg8[%swap3A_661], %swap3A_664 {strides = array<i32>} : memref<80xi32, #tpu.memory_space<vmem>>, vector<16xi32>,
    %iota3A_665 = tpu.iota {dimensions = array<i32: 0>} : vector<16xi32>
    %add3A_666 = arith.constant 16 : i32
    %add3A_667 = arith.addi %add3A_655, %add3A_666 : i32
    %add3A_668 = vector.broadcast %add3A_667 : i32 to vector<16xi32>
    %add3A_669 = arith.addi %iota3A_665, %add3A_668 : vector<16xi32>
    %swap3A_670 = arith.constant 16 : index
    %swap3A_671 = tpu.vector_load %arg8[%swap3A_670] {strides = array<i32>} : memref<80xi32, #tpu.memory_space<vmem>>, vector<16xi32>,
    %swap3A_672 = vector.shape_cast %swap3A_671 : vector<16xi32> to vector<16xi32>
    %swap3A_673 = vector.shape_cast %add3A_669 : vector<16xi32> to vector<16xi32>
    tpu.vector_store %arg8[%swap3A_670], %swap3A_673 {strides = array<i32>} : memref<80xi32, #tpu.memory_space<vmem>>, vector<16xi32>,
    %iota3A_674 = tpu.iota {dimensions = array<i32: 0>} : vector<16xi32>
    %add3A_675 = arith.constant 32 : i32
    %add3A_676 = arith.addi %add3A_655, %add3A_675 : i32
    %add3A_677 = vector.broadcast %add3A_676 : i32 to vector<16xi32>
    %add3A_678 = arith.addi %iota3A_674, %add3A_677 : vector<16xi32>
    %swap3A_679 = arith.constant 32 : index
    %swap3A_680 = tpu.vector_load %arg8[%swap3A_679] {strides = array<i32>} : memref<80xi32, #tpu.memory_space<vmem>>, vector<16xi32>,
    %swap3A_681 = vector.shape_cast %swap3A_680 : vector<16xi32> to vector<16xi32>
    %swap3A_682 = vector.shape_cast %add3A_678 : vector<16xi32> to vector<16xi32>
    tpu.vector_store %arg8[%swap3A_679], %swap3A_682 {strides = array<i32>} : memref<80xi32, #tpu.memory_space<vmem>>, vector<16xi32>,
    %iota3A_683 = tpu.iota {dimensions = array<i32: 0>} : vector<16xi32>
    %add3A_684 = arith.constant 48 : i32
    %add3A_685 = arith.addi %add3A_655, %add3A_684 : i32
    %add3A_686 = vector.broadcast %add3A_685 : i32 to vector<16xi32>
    %add3A_687 = arith.addi %iota3A_683, %add3A_686 : vector<16xi32>
    %swap3A_688 = arith.constant 48 : index
    %swap3A_689 = tpu.vector_load %arg8[%swap3A_688] {strides = array<i32>} : memref<80xi32, #tpu.memory_space<vmem>>, vector<16xi32>,
    %swap3A_690 = vector.shape_cast %swap3A_689 : vector<16xi32> to vector<16xi32>
    %swap3A_691 = vector.shape_cast %add3A_687 : vector<16xi32> to vector<16xi32>
    tpu.vector_store %arg8[%swap3A_688], %swap3A_691 {strides = array<i32>} : memref<80xi32, #tpu.memory_space<vmem>>, vector<16xi32>,
    %iota3A_692 = tpu.iota {dimensions = array<i32: 0>} : vector<16xi32>
    %add3A_693 = arith.constant 64 : i32
    %add3A_694 = arith.addi %add3A_655, %add3A_693 : i32
    %add3A_695 = vector.broadcast %add3A_694 : i32 to vector<16xi32>
    %add3A_696 = arith.addi %iota3A_692, %add3A_695 : vector<16xi32>
    %swap3A_697 = arith.constant 64 : index
    %swap3A_698 = tpu.vector_load %arg8[%swap3A_697] {strides = array<i32>} : memref<80xi32, #tpu.memory_space<vmem>>, vector<16xi32>,
    %swap3A_699 = vector.shape_cast %swap3A_698 : vector<16xi32> to vector<16xi32>
    %swap3A_700 = vector.shape_cast %add3A_696 : vector<16xi32> to vector<16xi32>
    tpu.vector_store %arg8[%swap3A_697], %swap3A_700 {strides = array<i32>} : memref<80xi32, #tpu.memory_space<vmem>>, vector<16xi32>,
    %dma_start3A_701 = arith.constant 0 : i32
    %dma_start3A_702 = arith.constant 0 : i32
    %dma_start3A_703 = tpu.memref_slice %arg11[%dma_start3A_701, %dma_start3A_702] : memref<10240x128xf32, #tpu.memory_space<vmem_shared>> -> memref<10240x128xf32, #tpu.memory_space<vmem_shared>>
    tpu.enqueue_indirect_dma source(%dma_start3A_703 : memref<10240x128xf32, #tpu.memory_space<vmem_shared>>) target(%arg9 : memref<80x128xf32, #tpu.memory_space<vmem>>) offsets(%arg8 : memref<80xi32, #tpu.memory_space<vmem>>) semaphore(%arg12 : memref<!tpu.dma_semaphore, #tpu.memory_space<semaphore_mem>>)
    %dma_wait3A_704 = arith.constant 0 : i32
    %dma_wait3A_705 = arith.constant 0 : i32
    %dma_wait3A_706 = tpu.memref_slice %arg11[%dma_wait3A_704, %dma_wait3A_705] : memref<10240x128xf32, #tpu.memory_space<vmem_shared>> -> memref<10240x128xf32, #tpu.memory_space<vmem_shared>>
    tpu.wait_indirect_dma semaphore(%arg12 : memref<!tpu.dma_semaphore, #tpu.memory_space<semaphore_mem>>) src(%dma_wait3A_706 : memref<10240x128xf32, #tpu.memory_space<vmem_shared>>) dst(%arg9 : memref<80x128xf32, #tpu.memory_space<vmem>>)
    "tpu.region"() ({
      %run_scoped3A = tpu.sem_alloc : memref<!tpu.dma_semaphore, #tpu.memory_space<semaphore_mem>>
      %dma_start3A_1637 = arith.constant 0 : i32
      %dma_start3A_1638 = tpu.memref_slice %arg5[%arg0, %add3A_655, %dma_start3A_1637] : memref<2x10240x128xf32, #tpu.memory_space<hbm>> -> memref<1x80x128xf32, #tpu.memory_space<hbm>>
      %dma_start3A_1639 = tpu.memref_squeeze %dma_start3A_1638 : memref<1x80x128xf32, #tpu.memory_space<hbm>> -> memref<80x128xf32, #tpu.memory_space<hbm>>
      %dma_start3A_1640 = arith.constant 0 : i32
      %dma_start3A_1641 = tpu.memref_slice %arg5[%arg0, %add3A_655, %dma_start3A_1640] : memref<2x10240x128xf32, #tpu.memory_space<hbm>> -> memref<1x80x128xf32, #tpu.memory_space<hbm>>
      %dma_start3A_1642 = tpu.memref_squeeze %dma_start3A_1641 : memref<1x80x128xf32, #tpu.memory_space<hbm>> -> memref<80x128xf32, #tpu.memory_space<hbm>>
      tpu.enqueue_dma source(%arg9 : memref<80x128xf32, #tpu.memory_space<vmem>>) target(%dma_start3A_1642 : memref<80x128xf32, #tpu.memory_space<hbm>>) target_semaphore(%run_scoped3A : memref<!tpu.dma_semaphore, #tpu.memory_space<semaphore_mem>>)
      %dma_wait3A_1643 = arith.constant 0 : i32
      %dma_wait3A_1644 = tpu.memref_slice %arg5[%arg0, %add3A_655, %dma_wait3A_1643] : memref<2x10240x128xf32, #tpu.memory_space<hbm>> -> memref<1x80x128xf32, #tpu.memory_space<hbm>>
      %dma_wait3A_1645 = tpu.memref_squeeze %dma_wait3A_1644 : memref<1x80x128xf32, #tpu.memory_space<hbm>> -> memref<80x128xf32, #tpu.memory_space<hbm>>
      %dma_wait3A_1646 = arith.constant 0 : i32
      %dma_wait3A_1647 = tpu.memref_slice %arg5[%arg0, %add3A_655, %dma_wait3A_1646] : memref<2x10240x128xf32, #tpu.memory_space<hbm>> -> memref<1x80x128xf32, #tpu.memory_space<hbm>>
      %dma_wait3A_1648 = tpu.memref_squeeze %dma_wait3A_1647 : memref<1x80x128xf32, #tpu.memory_space<hbm>> -> memref<80x128xf32, #tpu.memory_space<hbm>>
      tpu.wait_dma2 semaphore(%run_scoped3A : memref<!tpu.dma_semaphore, #tpu.memory_space<semaphore_mem>>) src(%arg9 : memref<80x128xf32, #tpu.memory_space<vmem>>) dst(%dma_wait3A_1648 : memref<80x128xf32, #tpu.memory_space<hbm>>)
      tpu.yield
    }) : () -> ()
    %add3A_707 = arith.constant 480 : i32
    %add3A_708 = arith.addi %mul3A_2, %add3A_707 : i32
    %iota3A_709 = tpu.iota {dimensions = array<i32: 0>} : vector<16xi32>
    %add3A_710 = arith.constant 0 : i32
    %add3A_711 = arith.addi %add3A_708, %add3A_710 : i32
    %add3A_712 = vector.broadcast %add3A_711 : i32 to vector<16xi32>
    %add3A_713 = arith.addi %iota3A_709, %add3A_712 : vector<16xi32>
    %swap3A_714 = arith.constant 0 : index
    %swap3A_715 = tpu.vector_load %arg8[%swap3A_714] {strides = array<i32>} : memref<80xi32, #tpu.memory_space<vmem>>, vector<16xi32>,
    %swap3A_716 = vector.shape_cast %swap3A_715 : vector<16xi32> to vector<16xi32>
    %swap3A_717 = vector.shape_cast %add3A_713 : vector<16xi32> to vector<16xi32>
    tpu.vector_store %arg8[%swap3A_714], %swap3A_717 {strides = array<i32>} : memref<80xi32, #tpu.memory_space<vmem>>, vector<16xi32>,
    %iota3A_718 = tpu.iota {dimensions = array<i32: 0>} : vector<16xi32>
    %add3A_719 = arith.constant 16 : i32
    %add3A_720 = arith.addi %add3A_708, %add3A_719 : i32
    %add3A_721 = vector.broadcast %add3A_720 : i32 to vector<16xi32>
    %add3A_722 = arith.addi %iota3A_718, %add3A_721 : vector<16xi32>
    %swap3A_723 = arith.constant 16 : index
    %swap3A_724 = tpu.vector_load %arg8[%swap3A_723] {strides = array<i32>} : memref<80xi32, #tpu.memory_space<vmem>>, vector<16xi32>,
    %swap3A_725 = vector.shape_cast %swap3A_724 : vector<16xi32> to vector<16xi32>
    %swap3A_726 = vector.shape_cast %add3A_722 : vector<16xi32> to vector<16xi32>
    tpu.vector_store %arg8[%swap3A_723], %swap3A_726 {strides = array<i32>} : memref<80xi32, #tpu.memory_space<vmem>>, vector<16xi32>,
    %iota3A_727 = tpu.iota {dimensions = array<i32: 0>} : vector<16xi32>
    %add3A_728 = arith.constant 32 : i32
    %add3A_729 = arith.addi %add3A_708, %add3A_728 : i32
    %add3A_730 = vector.broadcast %add3A_729 : i32 to vector<16xi32>
    %add3A_731 = arith.addi %iota3A_727, %add3A_730 : vector<16xi32>
    %swap3A_732 = arith.constant 32 : index
    %swap3A_733 = tpu.vector_load %arg8[%swap3A_732] {strides = array<i32>} : memref<80xi32, #tpu.memory_space<vmem>>, vector<16xi32>,
    %swap3A_734 = vector.shape_cast %swap3A_733 : vector<16xi32> to vector<16xi32>
    %swap3A_735 = vector.shape_cast %add3A_731 : vector<16xi32> to vector<16xi32>
    tpu.vector_store %arg8[%swap3A_732], %swap3A_735 {strides = array<i32>} : memref<80xi32, #tpu.memory_space<vmem>>, vector<16xi32>,
    %iota3A_736 = tpu.iota {dimensions = array<i32: 0>} : vector<16xi32>
    %add3A_737 = arith.constant 48 : i32
    %add3A_738 = arith.addi %add3A_708, %add3A_737 : i32
    %add3A_739 = vector.broadcast %add3A_738 : i32 to vector<16xi32>
    %add3A_740 = arith.addi %iota3A_736, %add3A_739 : vector<16xi32>
    %swap3A_741 = arith.constant 48 : index
    %swap3A_742 = tpu.vector_load %arg8[%swap3A_741] {strides = array<i32>} : memref<80xi32, #tpu.memory_space<vmem>>, vector<16xi32>,
    %swap3A_743 = vector.shape_cast %swap3A_742 : vector<16xi32> to vector<16xi32>
    %swap3A_744 = vector.shape_cast %add3A_740 : vector<16xi32> to vector<16xi32>
    tpu.vector_store %arg8[%swap3A_741], %swap3A_744 {strides = array<i32>} : memref<80xi32, #tpu.memory_space<vmem>>, vector<16xi32>,
    %iota3A_745 = tpu.iota {dimensions = array<i32: 0>} : vector<16xi32>
    %add3A_746 = arith.constant 64 : i32
    %add3A_747 = arith.addi %add3A_708, %add3A_746 : i32
    %add3A_748 = vector.broadcast %add3A_747 : i32 to vector<16xi32>
    %add3A_749 = arith.addi %iota3A_745, %add3A_748 : vector<16xi32>
    %swap3A_750 = arith.constant 64 : index
    %swap3A_751 = tpu.vector_load %arg8[%swap3A_750] {strides = array<i32>} : memref<80xi32, #tpu.memory_space<vmem>>, vector<16xi32>,
    %swap3A_752 = vector.shape_cast %swap3A_751 : vector<16xi32> to vector<16xi32>
    %swap3A_753 = vector.shape_cast %add3A_749 : vector<16xi32> to vector<16xi32>
    tpu.vector_store %arg8[%swap3A_750], %swap3A_753 {strides = array<i32>} : memref<80xi32, #tpu.memory_space<vmem>>, vector<16xi32>,
    %dma_start3A_754 = arith.constant 0 : i32
    %dma_start3A_755 = arith.constant 0 : i32
    %dma_start3A_756 = tpu.memref_slice %arg11[%dma_start3A_754, %dma_start3A_755] : memref<10240x128xf32, #tpu.memory_space<vmem_shared>> -> memref<10240x128xf32, #tpu.memory_space<vmem_shared>>
    tpu.enqueue_indirect_dma source(%dma_start3A_756 : memref<10240x128xf32, #tpu.memory_space<vmem_shared>>) target(%arg9 : memref<80x128xf32, #tpu.memory_space<vmem>>) offsets(%arg8 : memref<80xi32, #tpu.memory_space<vmem>>) semaphore(%arg12 : memref<!tpu.dma_semaphore, #tpu.memory_space<semaphore_mem>>)
    %dma_wait3A_757 = arith.constant 0 : i32
    %dma_wait3A_758 = arith.constant 0 : i32
    %dma_wait3A_759 = tpu.memref_slice %arg11[%dma_wait3A_757, %dma_wait3A_758] : memref<10240x128xf32, #tpu.memory_space<vmem_shared>> -> memref<10240x128xf32, #tpu.memory_space<vmem_shared>>
    tpu.wait_indirect_dma semaphore(%arg12 : memref<!tpu.dma_semaphore, #tpu.memory_space<semaphore_mem>>) src(%dma_wait3A_759 : memref<10240x128xf32, #tpu.memory_space<vmem_shared>>) dst(%arg9 : memref<80x128xf32, #tpu.memory_space<vmem>>)
    "tpu.region"() ({
      %run_scoped3A = tpu.sem_alloc : memref<!tpu.dma_semaphore, #tpu.memory_space<semaphore_mem>>
      %dma_start3A_1637 = arith.constant 0 : i32
      %dma_start3A_1638 = tpu.memref_slice %arg5[%arg0, %add3A_708, %dma_start3A_1637] : memref<2x10240x128xf32, #tpu.memory_space<hbm>> -> memref<1x80x128xf32, #tpu.memory_space<hbm>>
      %dma_start3A_1639 = tpu.memref_squeeze %dma_start3A_1638 : memref<1x80x128xf32, #tpu.memory_space<hbm>> -> memref<80x128xf32, #tpu.memory_space<hbm>>
      %dma_start3A_1640 = arith.constant 0 : i32
      %dma_start3A_1641 = tpu.memref_slice %arg5[%arg0, %add3A_708, %dma_start3A_1640] : memref<2x10240x128xf32, #tpu.memory_space<hbm>> -> memref<1x80x128xf32, #tpu.memory_space<hbm>>
      %dma_start3A_1642 = tpu.memref_squeeze %dma_start3A_1641 : memref<1x80x128xf32, #tpu.memory_space<hbm>> -> memref<80x128xf32, #tpu.memory_space<hbm>>
      tpu.enqueue_dma source(%arg9 : memref<80x128xf32, #tpu.memory_space<vmem>>) target(%dma_start3A_1642 : memref<80x128xf32, #tpu.memory_space<hbm>>) target_semaphore(%run_scoped3A : memref<!tpu.dma_semaphore, #tpu.memory_space<semaphore_mem>>)
      %dma_wait3A_1643 = arith.constant 0 : i32
      %dma_wait3A_1644 = tpu.memref_slice %arg5[%arg0, %add3A_708, %dma_wait3A_1643] : memref<2x10240x128xf32, #tpu.memory_space<hbm>> -> memref<1x80x128xf32, #tpu.memory_space<hbm>>
      %dma_wait3A_1645 = tpu.memref_squeeze %dma_wait3A_1644 : memref<1x80x128xf32, #tpu.memory_space<hbm>> -> memref<80x128xf32, #tpu.memory_space<hbm>>
      %dma_wait3A_1646 = arith.constant 0 : i32
      %dma_wait3A_1647 = tpu.memref_slice %arg5[%arg0, %add3A_708, %dma_wait3A_1646] : memref<2x10240x128xf32, #tpu.memory_space<hbm>> -> memref<1x80x128xf32, #tpu.memory_space<hbm>>
      %dma_wait3A_1648 = tpu.memref_squeeze %dma_wait3A_1647 : memref<1x80x128xf32, #tpu.memory_space<hbm>> -> memref<80x128xf32, #tpu.memory_space<hbm>>
      tpu.wait_dma2 semaphore(%run_scoped3A : memref<!tpu.dma_semaphore, #tpu.memory_space<semaphore_mem>>) src(%arg9 : memref<80x128xf32, #tpu.memory_space<vmem>>) dst(%dma_wait3A_1648 : memref<80x128xf32, #tpu.memory_space<hbm>>)
      tpu.yield
    }) : () -> ()
    %add3A_760 = arith.constant 560 : i32
    %add3A_761 = arith.addi %mul3A_2, %add3A_760 : i32
    %iota3A_762 = tpu.iota {dimensions = array<i32: 0>} : vector<16xi32>
    %add3A_763 = arith.constant 0 : i32
    %add3A_764 = arith.addi %add3A_761, %add3A_763 : i32
    %add3A_765 = vector.broadcast %add3A_764 : i32 to vector<16xi32>
    %add3A_766 = arith.addi %iota3A_762, %add3A_765 : vector<16xi32>
    %swap3A_767 = arith.constant 0 : index
    %swap3A_768 = tpu.vector_load %arg8[%swap3A_767] {strides = array<i32>} : memref<80xi32, #tpu.memory_space<vmem>>, vector<16xi32>,
    %swap3A_769 = vector.shape_cast %swap3A_768 : vector<16xi32> to vector<16xi32>
    %swap3A_770 = vector.shape_cast %add3A_766 : vector<16xi32> to vector<16xi32>
    tpu.vector_store %arg8[%swap3A_767], %swap3A_770 {strides = array<i32>} : memref<80xi32, #tpu.memory_space<vmem>>, vector<16xi32>,
    %iota3A_771 = tpu.iota {dimensions = array<i32: 0>} : vector<16xi32>
    %add3A_772 = arith.constant 16 : i32
    %add3A_773 = arith.addi %add3A_761, %add3A_772 : i32
    %add3A_774 = vector.broadcast %add3A_773 : i32 to vector<16xi32>
    %add3A_775 = arith.addi %iota3A_771, %add3A_774 : vector<16xi32>
    %swap3A_776 = arith.constant 16 : index
    %swap3A_777 = tpu.vector_load %arg8[%swap3A_776] {strides = array<i32>} : memref<80xi32, #tpu.memory_space<vmem>>, vector<16xi32>,
    %swap3A_778 = vector.shape_cast %swap3A_777 : vector<16xi32> to vector<16xi32>
    %swap3A_779 = vector.shape_cast %add3A_775 : vector<16xi32> to vector<16xi32>
    tpu.vector_store %arg8[%swap3A_776], %swap3A_779 {strides = array<i32>} : memref<80xi32, #tpu.memory_space<vmem>>, vector<16xi32>,
    %iota3A_780 = tpu.iota {dimensions = array<i32: 0>} : vector<16xi32>
    %add3A_781 = arith.constant 32 : i32
    %add3A_782 = arith.addi %add3A_761, %add3A_781 : i32
    %add3A_783 = vector.broadcast %add3A_782 : i32 to vector<16xi32>
    %add3A_784 = arith.addi %iota3A_780, %add3A_783 : vector<16xi32>
    %swap3A_785 = arith.constant 32 : index
    %swap3A_786 = tpu.vector_load %arg8[%swap3A_785] {strides = array<i32>} : memref<80xi32, #tpu.memory_space<vmem>>, vector<16xi32>,
    %swap3A_787 = vector.shape_cast %swap3A_786 : vector<16xi32> to vector<16xi32>
    %swap3A_788 = vector.shape_cast %add3A_784 : vector<16xi32> to vector<16xi32>
    tpu.vector_store %arg8[%swap3A_785], %swap3A_788 {strides = array<i32>} : memref<80xi32, #tpu.memory_space<vmem>>, vector<16xi32>,
    %iota3A_789 = tpu.iota {dimensions = array<i32: 0>} : vector<16xi32>
    %add3A_790 = arith.constant 48 : i32
    %add3A_791 = arith.addi %add3A_761, %add3A_790 : i32
    %add3A_792 = vector.broadcast %add3A_791 : i32 to vector<16xi32>
    %add3A_793 = arith.addi %iota3A_789, %add3A_792 : vector<16xi32>
    %swap3A_794 = arith.constant 48 : index
    %swap3A_795 = tpu.vector_load %arg8[%swap3A_794] {strides = array<i32>} : memref<80xi32, #tpu.memory_space<vmem>>, vector<16xi32>,
    %swap3A_796 = vector.shape_cast %swap3A_795 : vector<16xi32> to vector<16xi32>
    %swap3A_797 = vector.shape_cast %add3A_793 : vector<16xi32> to vector<16xi32>
    tpu.vector_store %arg8[%swap3A_794], %swap3A_797 {strides = array<i32>} : memref<80xi32, #tpu.memory_space<vmem>>, vector<16xi32>,
    %iota3A_798 = tpu.iota {dimensions = array<i32: 0>} : vector<16xi32>
    %add3A_799 = arith.constant 64 : i32
    %add3A_800 = arith.addi %add3A_761, %add3A_799 : i32
    %add3A_801 = vector.broadcast %add3A_800 : i32 to vector<16xi32>
    %add3A_802 = arith.addi %iota3A_798, %add3A_801 : vector<16xi32>
    %swap3A_803 = arith.constant 64 : index
    %swap3A_804 = tpu.vector_load %arg8[%swap3A_803] {strides = array<i32>} : memref<80xi32, #tpu.memory_space<vmem>>, vector<16xi32>,
    %swap3A_805 = vector.shape_cast %swap3A_804 : vector<16xi32> to vector<16xi32>
    %swap3A_806 = vector.shape_cast %add3A_802 : vector<16xi32> to vector<16xi32>
    tpu.vector_store %arg8[%swap3A_803], %swap3A_806 {strides = array<i32>} : memref<80xi32, #tpu.memory_space<vmem>>, vector<16xi32>,
    %dma_start3A_807 = arith.constant 0 : i32
    %dma_start3A_808 = arith.constant 0 : i32
    %dma_start3A_809 = tpu.memref_slice %arg11[%dma_start3A_807, %dma_start3A_808] : memref<10240x128xf32, #tpu.memory_space<vmem_shared>> -> memref<10240x128xf32, #tpu.memory_space<vmem_shared>>
    tpu.enqueue_indirect_dma source(%dma_start3A_809 : memref<10240x128xf32, #tpu.memory_space<vmem_shared>>) target(%arg9 : memref<80x128xf32, #tpu.memory_space<vmem>>) offsets(%arg8 : memref<80xi32, #tpu.memory_space<vmem>>) semaphore(%arg12 : memref<!tpu.dma_semaphore, #tpu.memory_space<semaphore_mem>>)
    %dma_wait3A_810 = arith.constant 0 : i32
    %dma_wait3A_811 = arith.constant 0 : i32
    %dma_wait3A_812 = tpu.memref_slice %arg11[%dma_wait3A_810, %dma_wait3A_811] : memref<10240x128xf32, #tpu.memory_space<vmem_shared>> -> memref<10240x128xf32, #tpu.memory_space<vmem_shared>>
    tpu.wait_indirect_dma semaphore(%arg12 : memref<!tpu.dma_semaphore, #tpu.memory_space<semaphore_mem>>) src(%dma_wait3A_812 : memref<10240x128xf32, #tpu.memory_space<vmem_shared>>) dst(%arg9 : memref<80x128xf32, #tpu.memory_space<vmem>>)
    "tpu.region"() ({
      %run_scoped3A = tpu.sem_alloc : memref<!tpu.dma_semaphore, #tpu.memory_space<semaphore_mem>>
      %dma_start3A_1637 = arith.constant 0 : i32
      %dma_start3A_1638 = tpu.memref_slice %arg5[%arg0, %add3A_761, %dma_start3A_1637] : memref<2x10240x128xf32, #tpu.memory_space<hbm>> -> memref<1x80x128xf32, #tpu.memory_space<hbm>>
      %dma_start3A_1639 = tpu.memref_squeeze %dma_start3A_1638 : memref<1x80x128xf32, #tpu.memory_space<hbm>> -> memref<80x128xf32, #tpu.memory_space<hbm>>
      %dma_start3A_1640 = arith.constant 0 : i32
      %dma_start3A_1641 = tpu.memref_slice %arg5[%arg0, %add3A_761, %dma_start3A_1640] : memref<2x10240x128xf32, #tpu.memory_space<hbm>> -> memref<1x80x128xf32, #tpu.memory_space<hbm>>
      %dma_start3A_1642 = tpu.memref_squeeze %dma_start3A_1641 : memref<1x80x128xf32, #tpu.memory_space<hbm>> -> memref<80x128xf32, #tpu.memory_space<hbm>>
      tpu.enqueue_dma source(%arg9 : memref<80x128xf32, #tpu.memory_space<vmem>>) target(%dma_start3A_1642 : memref<80x128xf32, #tpu.memory_space<hbm>>) target_semaphore(%run_scoped3A : memref<!tpu.dma_semaphore, #tpu.memory_space<semaphore_mem>>)
      %dma_wait3A_1643 = arith.constant 0 : i32
      %dma_wait3A_1644 = tpu.memref_slice %arg5[%arg0, %add3A_761, %dma_wait3A_1643] : memref<2x10240x128xf32, #tpu.memory_space<hbm>> -> memref<1x80x128xf32, #tpu.memory_space<hbm>>
      %dma_wait3A_1645 = tpu.memref_squeeze %dma_wait3A_1644 : memref<1x80x128xf32, #tpu.memory_space<hbm>> -> memref<80x128xf32, #tpu.memory_space<hbm>>
      %dma_wait3A_1646 = arith.constant 0 : i32
      %dma_wait3A_1647 = tpu.memref_slice %arg5[%arg0, %add3A_761, %dma_wait3A_1646] : memref<2x10240x128xf32, #tpu.memory_space<hbm>> -> memref<1x80x128xf32, #tpu.memory_space<hbm>>
      %dma_wait3A_1648 = tpu.memref_squeeze %dma_wait3A_1647 : memref<1x80x128xf32, #tpu.memory_space<hbm>> -> memref<80x128xf32, #tpu.memory_space<hbm>>
      tpu.wait_dma2 semaphore(%run_scoped3A : memref<!tpu.dma_semaphore, #tpu.memory_space<semaphore_mem>>) src(%arg9 : memref<80x128xf32, #tpu.memory_space<vmem>>) dst(%dma_wait3A_1648 : memref<80x128xf32, #tpu.memory_space<hbm>>)
      tpu.yield
    }) : () -> ()
    %barrier3A_813 = arith.constant 0 : index
    tpu.barrier barrier_id(%barrier3A_813)
    %scan3A_814 = arith.constant 0 : i32
    %scan3A_815 = arith.constant 0 : i32
    %scan3A_816 = arith.constant 640 : i32
    %scan3A_817 = arith.addi %scan3A_815, %scan3A_816 : i32
    %scan3A_818 = arith.constant 1 : i32
    %scan3A_819 = scf.for %scan3A_1637 = %scan3A_815 to %scan3A_817 step %scan3A_818 iter_args(%scan3A_1638 = %scan3A_814) -> (i32)  : i32 {
      %broadcast_in_dim3A = arith.constant 0.000000e+00 : f32
      %broadcast_in_dim3A_1639 = vector.broadcast %broadcast_in_dim3A : f32 to vector<16xf32>
      %jit3A = arith.constant 8 : i32
      %div3A = arith.divsi %scan3A_1637, %jit3A : i32
      %sign3A = arith.constant 0 : i32
      %sign3A_1640 = arith.cmpi sgt, %scan3A_1637, %sign3A : i32
      %sign3A_1641 = arith.extui %sign3A_1640 : i1 to i32
      %sign3A_1642 = arith.constant 0 : i32
      %sign3A_1643 = arith.cmpi slt, %scan3A_1637, %sign3A_1642 : i32
      %sign3A_1644 = arith.extui %sign3A_1643 : i1 to i32
      %sign3A_1645 = arith.subi %sign3A_1641, %sign3A_1644 : i32
      %sign3A_1646 = arith.constant 0 : i32
      %sign3A_1647 = arith.cmpi sgt, %jit3A, %sign3A_1646 : i32
      %sign3A_1648 = arith.extui %sign3A_1647 : i1 to i32
      %sign3A_1649 = arith.constant 0 : i32
      %sign3A_1650 = arith.cmpi slt, %jit3A, %sign3A_1649 : i32
      %sign3A_1651 = arith.extui %sign3A_1650 : i1 to i32
      %sign3A_1652 = arith.subi %sign3A_1648, %sign3A_1651 : i32
      %ne3A = arith.cmpi ne, %sign3A_1645, %sign3A_1652 : i32
      %rem3A = arith.remsi %scan3A_1637, %jit3A : i32
      %ne3A_1653 = arith.constant 0 : i32
      %ne3A_1654 = arith.cmpi ne, %rem3A, %ne3A_1653 : i32
      %and3A = arith.andi %ne3A, %ne3A_1654 : i1
      %sub3A = arith.constant 1 : i32
      %sub3A_1655 = arith.subi %div3A, %sub3A : i32
      %select_n3A = arith.select %and3A, %sub3A_1655, %div3A : i32
      %jit3A_1656 = arith.constant 8 : i32
      %eq3A = arith.constant 0 : i32
      %eq3A_1657 = arith.cmpi eq, %jit3A_1656, %eq3A : i32
      %jit3A_1658 = arith.constant 1 : i32
      %select_n3A_1659 = arith.select %eq3A_1657, %jit3A_1658, %jit3A_1656 : i32
      %rem3A_1660 = arith.remsi %scan3A_1637, %select_n3A_1659 : i32
      %ne3A_1661 = arith.constant 0 : i32
      %ne3A_1662 = arith.cmpi ne, %rem3A_1660, %ne3A_1661 : i32
      %lt3A = arith.constant 0 : i32
      %lt3A_1663 = arith.cmpi slt, %rem3A_1660, %lt3A : i32
      %lt3A_1664 = arith.constant 0 : i32
      %lt3A_1665 = arith.cmpi slt, %select_n3A_1659, %lt3A_1664 : i32
      %ne3A_1666 = arith.xori %lt3A_1663, %lt3A_1665 : i1
      %and3A_1667 = arith.andi %ne3A_1666, %ne3A_1662 : i1
      %add3A_1668 = arith.addi %rem3A_1660, %select_n3A_1659 : i32
      %select_n3A_1669 = arith.select %and3A_1667, %add3A_1668, %rem3A_1660 : i32
      %mul3A_1670 = arith.constant 16 : i32
      %mul3A_1671 = arith.muli %select_n3A_1669, %mul3A_1670 : i32
      %swap3A_1672 = arith.index_cast %select_n3A : i32 to index
      %swap3A_1673 = arith.index_cast %mul3A_1671 : i32 to index
      %swap3A_1674 = tpu.vector_load %arg9[%swap3A_1672, %swap3A_1673] {strides = array<i32>} : memref<80x128xf32, #tpu.memory_space<vmem>>, vector<1x16xf32>,
      %swap3A_1675 = vector.shape_cast %swap3A_1674 : vector<1x16xf32> to vector<16xf32>
      %swap3A_1676 = vector.shape_cast %broadcast_in_dim3A_1639 : vector<16xf32> to vector<1x16xf32>
      tpu.vector_store %arg9[%swap3A_1672, %swap3A_1673], %swap3A_1676 {strides = array<i32>} : memref<80x128xf32, #tpu.memory_space<vmem>>, vector<1x16xf32>,
      %scan3A_1677 = arith.constant 0 : i32
      scf.yield %scan3A_1677 : i32
    }
    %scan3A_820 = arith.constant 640 : i32
    %add3A_821 = arith.constant 0 : i32
    %add3A_822 = arith.addi %mul3A_2, %add3A_821 : i32
    %iota3A_823 = tpu.iota {dimensions = array<i32: 0>} : vector<16xi32>
    %add3A_824 = arith.constant 0 : i32
    %add3A_825 = arith.addi %add3A_822, %add3A_824 : i32
    %add3A_826 = vector.broadcast %add3A_825 : i32 to vector<16xi32>
    %add3A_827 = arith.addi %iota3A_823, %add3A_826 : vector<16xi32>
    %swap3A_828 = arith.constant 0 : index
    %swap3A_829 = tpu.vector_load %arg8[%swap3A_828] {strides = array<i32>} : memref<80xi32, #tpu.memory_space<vmem>>, vector<16xi32>,
    %swap3A_830 = vector.shape_cast %swap3A_829 : vector<16xi32> to vector<16xi32>
    %swap3A_831 = vector.shape_cast %add3A_827 : vector<16xi32> to vector<16xi32>
    tpu.vector_store %arg8[%swap3A_828], %swap3A_831 {strides = array<i32>} : memref<80xi32, #tpu.memory_space<vmem>>, vector<16xi32>,
    %iota3A_832 = tpu.iota {dimensions = array<i32: 0>} : vector<16xi32>
    %add3A_833 = arith.constant 16 : i32
    %add3A_834 = arith.addi %add3A_822, %add3A_833 : i32
    %add3A_835 = vector.broadcast %add3A_834 : i32 to vector<16xi32>
    %add3A_836 = arith.addi %iota3A_832, %add3A_835 : vector<16xi32>
    %swap3A_837 = arith.constant 16 : index
    %swap3A_838 = tpu.vector_load %arg8[%swap3A_837] {strides = array<i32>} : memref<80xi32, #tpu.memory_space<vmem>>, vector<16xi32>,
    %swap3A_839 = vector.shape_cast %swap3A_838 : vector<16xi32> to vector<16xi32>
    %swap3A_840 = vector.shape_cast %add3A_836 : vector<16xi32> to vector<16xi32>
    tpu.vector_store %arg8[%swap3A_837], %swap3A_840 {strides = array<i32>} : memref<80xi32, #tpu.memory_space<vmem>>, vector<16xi32>,
    %iota3A_841 = tpu.iota {dimensions = array<i32: 0>} : vector<16xi32>
    %add3A_842 = arith.constant 32 : i32
    %add3A_843 = arith.addi %add3A_822, %add3A_842 : i32
    %add3A_844 = vector.broadcast %add3A_843 : i32 to vector<16xi32>
    %add3A_845 = arith.addi %iota3A_841, %add3A_844 : vector<16xi32>
    %swap3A_846 = arith.constant 32 : index
    %swap3A_847 = tpu.vector_load %arg8[%swap3A_846] {strides = array<i32>} : memref<80xi32, #tpu.memory_space<vmem>>, vector<16xi32>,
    %swap3A_848 = vector.shape_cast %swap3A_847 : vector<16xi32> to vector<16xi32>
    %swap3A_849 = vector.shape_cast %add3A_845 : vector<16xi32> to vector<16xi32>
    tpu.vector_store %arg8[%swap3A_846], %swap3A_849 {strides = array<i32>} : memref<80xi32, #tpu.memory_space<vmem>>, vector<16xi32>,
    %iota3A_850 = tpu.iota {dimensions = array<i32: 0>} : vector<16xi32>
    %add3A_851 = arith.constant 48 : i32
    %add3A_852 = arith.addi %add3A_822, %add3A_851 : i32
    %add3A_853 = vector.broadcast %add3A_852 : i32 to vector<16xi32>
    %add3A_854 = arith.addi %iota3A_850, %add3A_853 : vector<16xi32>
    %swap3A_855 = arith.constant 48 : index
    %swap3A_856 = tpu.vector_load %arg8[%swap3A_855] {strides = array<i32>} : memref<80xi32, #tpu.memory_space<vmem>>, vector<16xi32>,
    %swap3A_857 = vector.shape_cast %swap3A_856 : vector<16xi32> to vector<16xi32>
    %swap3A_858 = vector.shape_cast %add3A_854 : vector<16xi32> to vector<16xi32>
    tpu.vector_store %arg8[%swap3A_855], %swap3A_858 {strides = array<i32>} : memref<80xi32, #tpu.memory_space<vmem>>, vector<16xi32>,
    %iota3A_859 = tpu.iota {dimensions = array<i32: 0>} : vector<16xi32>
    %add3A_860 = arith.constant 64 : i32
    %add3A_861 = arith.addi %add3A_822, %add3A_860 : i32
    %add3A_862 = vector.broadcast %add3A_861 : i32 to vector<16xi32>
    %add3A_863 = arith.addi %iota3A_859, %add3A_862 : vector<16xi32>
    %swap3A_864 = arith.constant 64 : index
    %swap3A_865 = tpu.vector_load %arg8[%swap3A_864] {strides = array<i32>} : memref<80xi32, #tpu.memory_space<vmem>>, vector<16xi32>,
    %swap3A_866 = vector.shape_cast %swap3A_865 : vector<16xi32> to vector<16xi32>
    %swap3A_867 = vector.shape_cast %add3A_863 : vector<16xi32> to vector<16xi32>
    tpu.vector_store %arg8[%swap3A_864], %swap3A_867 {strides = array<i32>} : memref<80xi32, #tpu.memory_space<vmem>>, vector<16xi32>,
    "tpu.region"() ({
      %run_scoped3A = tpu.sem_alloc : memref<!tpu.dma_semaphore, #tpu.memory_space<semaphore_mem>>
      %dma_start3A_1637 = arith.constant 0 : i32
      %dma_start3A_1638 = arith.constant 0 : i32
      %dma_start3A_1639 = tpu.memref_slice %arg11[%dma_start3A_1637, %dma_start3A_1638] : memref<10240x128xf32, #tpu.memory_space<vmem_shared>> -> memref<10240x128xf32, #tpu.memory_space<vmem_shared>>
      tpu.enqueue_indirect_dma source(%arg9 : memref<80x128xf32, #tpu.memory_space<vmem>>) target(%dma_start3A_1639 : memref<10240x128xf32, #tpu.memory_space<vmem_shared>>) offsets(%arg8 : memref<80xi32, #tpu.memory_space<vmem>>) semaphore(%run_scoped3A : memref<!tpu.dma_semaphore, #tpu.memory_space<semaphore_mem>>)
      %dma_wait3A_1640 = arith.constant 0 : i32
      %dma_wait3A_1641 = arith.constant 0 : i32
      %dma_wait3A_1642 = tpu.memref_slice %arg11[%dma_wait3A_1640, %dma_wait3A_1641] : memref<10240x128xf32, #tpu.memory_space<vmem_shared>> -> memref<10240x128xf32, #tpu.memory_space<vmem_shared>>
      tpu.wait_indirect_dma semaphore(%run_scoped3A : memref<!tpu.dma_semaphore, #tpu.memory_space<semaphore_mem>>) src(%arg9 : memref<80x128xf32, #tpu.memory_space<vmem>>) dst(%dma_wait3A_1642 : memref<10240x128xf32, #tpu.memory_space<vmem_shared>>)
      tpu.yield
    }) : () -> ()
    %add3A_868 = arith.constant 80 : i32
    %add3A_869 = arith.addi %mul3A_2, %add3A_868 : i32
    %iota3A_870 = tpu.iota {dimensions = array<i32: 0>} : vector<16xi32>
    %add3A_871 = arith.constant 0 : i32
    %add3A_872 = arith.addi %add3A_869, %add3A_871 : i32
    %add3A_873 = vector.broadcast %add3A_872 : i32 to vector<16xi32>
    %add3A_874 = arith.addi %iota3A_870, %add3A_873 : vector<16xi32>
    %swap3A_875 = arith.constant 0 : index
    %swap3A_876 = tpu.vector_load %arg8[%swap3A_875] {strides = array<i32>} : memref<80xi32, #tpu.memory_space<vmem>>, vector<16xi32>,
    %swap3A_877 = vector.shape_cast %swap3A_876 : vector<16xi32> to vector<16xi32>
    %swap3A_878 = vector.shape_cast %add3A_874 : vector<16xi32> to vector<16xi32>
    tpu.vector_store %arg8[%swap3A_875], %swap3A_878 {strides = array<i32>} : memref<80xi32, #tpu.memory_space<vmem>>, vector<16xi32>,
    %iota3A_879 = tpu.iota {dimensions = array<i32: 0>} : vector<16xi32>
    %add3A_880 = arith.constant 16 : i32
    %add3A_881 = arith.addi %add3A_869, %add3A_880 : i32
    %add3A_882 = vector.broadcast %add3A_881 : i32 to vector<16xi32>
    %add3A_883 = arith.addi %iota3A_879, %add3A_882 : vector<16xi32>
    %swap3A_884 = arith.constant 16 : index
    %swap3A_885 = tpu.vector_load %arg8[%swap3A_884] {strides = array<i32>} : memref<80xi32, #tpu.memory_space<vmem>>, vector<16xi32>,
    %swap3A_886 = vector.shape_cast %swap3A_885 : vector<16xi32> to vector<16xi32>
    %swap3A_887 = vector.shape_cast %add3A_883 : vector<16xi32> to vector<16xi32>
    tpu.vector_store %arg8[%swap3A_884], %swap3A_887 {strides = array<i32>} : memref<80xi32, #tpu.memory_space<vmem>>, vector<16xi32>,
    %iota3A_888 = tpu.iota {dimensions = array<i32: 0>} : vector<16xi32>
    %add3A_889 = arith.constant 32 : i32
    %add3A_890 = arith.addi %add3A_869, %add3A_889 : i32
    %add3A_891 = vector.broadcast %add3A_890 : i32 to vector<16xi32>
    %add3A_892 = arith.addi %iota3A_888, %add3A_891 : vector<16xi32>
    %swap3A_893 = arith.constant 32 : index
    %swap3A_894 = tpu.vector_load %arg8[%swap3A_893] {strides = array<i32>} : memref<80xi32, #tpu.memory_space<vmem>>, vector<16xi32>,
    %swap3A_895 = vector.shape_cast %swap3A_894 : vector<16xi32> to vector<16xi32>
    %swap3A_896 = vector.shape_cast %add3A_892 : vector<16xi32> to vector<16xi32>
    tpu.vector_store %arg8[%swap3A_893], %swap3A_896 {strides = array<i32>} : memref<80xi32, #tpu.memory_space<vmem>>, vector<16xi32>,
    %iota3A_897 = tpu.iota {dimensions = array<i32: 0>} : vector<16xi32>
    %add3A_898 = arith.constant 48 : i32
    %add3A_899 = arith.addi %add3A_869, %add3A_898 : i32
    %add3A_900 = vector.broadcast %add3A_899 : i32 to vector<16xi32>
    %add3A_901 = arith.addi %iota3A_897, %add3A_900 : vector<16xi32>
    %swap3A_902 = arith.constant 48 : index
    %swap3A_903 = tpu.vector_load %arg8[%swap3A_902] {strides = array<i32>} : memref<80xi32, #tpu.memory_space<vmem>>, vector<16xi32>,
    %swap3A_904 = vector.shape_cast %swap3A_903 : vector<16xi32> to vector<16xi32>
    %swap3A_905 = vector.shape_cast %add3A_901 : vector<16xi32> to vector<16xi32>
    tpu.vector_store %arg8[%swap3A_902], %swap3A_905 {strides = array<i32>} : memref<80xi32, #tpu.memory_space<vmem>>, vector<16xi32>,
    %iota3A_906 = tpu.iota {dimensions = array<i32: 0>} : vector<16xi32>
    %add3A_907 = arith.constant 64 : i32
    %add3A_908 = arith.addi %add3A_869, %add3A_907 : i32
    %add3A_909 = vector.broadcast %add3A_908 : i32 to vector<16xi32>
    %add3A_910 = arith.addi %iota3A_906, %add3A_909 : vector<16xi32>
    %swap3A_911 = arith.constant 64 : index
    %swap3A_912 = tpu.vector_load %arg8[%swap3A_911] {strides = array<i32>} : memref<80xi32, #tpu.memory_space<vmem>>, vector<16xi32>,
    %swap3A_913 = vector.shape_cast %swap3A_912 : vector<16xi32> to vector<16xi32>
    %swap3A_914 = vector.shape_cast %add3A_910 : vector<16xi32> to vector<16xi32>
    tpu.vector_store %arg8[%swap3A_911], %swap3A_914 {strides = array<i32>} : memref<80xi32, #tpu.memory_space<vmem>>, vector<16xi32>,
    "tpu.region"() ({
      %run_scoped3A = tpu.sem_alloc : memref<!tpu.dma_semaphore, #tpu.memory_space<semaphore_mem>>
      %dma_start3A_1637 = arith.constant 0 : i32
      %dma_start3A_1638 = arith.constant 0 : i32
      %dma_start3A_1639 = tpu.memref_slice %arg11[%dma_start3A_1637, %dma_start3A_1638] : memref<10240x128xf32, #tpu.memory_space<vmem_shared>> -> memref<10240x128xf32, #tpu.memory_space<vmem_shared>>
      tpu.enqueue_indirect_dma source(%arg9 : memref<80x128xf32, #tpu.memory_space<vmem>>) target(%dma_start3A_1639 : memref<10240x128xf32, #tpu.memory_space<vmem_shared>>) offsets(%arg8 : memref<80xi32, #tpu.memory_space<vmem>>) semaphore(%run_scoped3A : memref<!tpu.dma_semaphore, #tpu.memory_space<semaphore_mem>>)
      %dma_wait3A_1640 = arith.constant 0 : i32
      %dma_wait3A_1641 = arith.constant 0 : i32
      %dma_wait3A_1642 = tpu.memref_slice %arg11[%dma_wait3A_1640, %dma_wait3A_1641] : memref<10240x128xf32, #tpu.memory_space<vmem_shared>> -> memref<10240x128xf32, #tpu.memory_space<vmem_shared>>
      tpu.wait_indirect_dma semaphore(%run_scoped3A : memref<!tpu.dma_semaphore, #tpu.memory_space<semaphore_mem>>) src(%arg9 : memref<80x128xf32, #tpu.memory_space<vmem>>) dst(%dma_wait3A_1642 : memref<10240x128xf32, #tpu.memory_space<vmem_shared>>)
      tpu.yield
    }) : () -> ()
    %add3A_915 = arith.constant 160 : i32
    %add3A_916 = arith.addi %mul3A_2, %add3A_915 : i32
    %iota3A_917 = tpu.iota {dimensions = array<i32: 0>} : vector<16xi32>
    %add3A_918 = arith.constant 0 : i32
    %add3A_919 = arith.addi %add3A_916, %add3A_918 : i32
    %add3A_920 = vector.broadcast %add3A_919 : i32 to vector<16xi32>
    %add3A_921 = arith.addi %iota3A_917, %add3A_920 : vector<16xi32>
    %swap3A_922 = arith.constant 0 : index
    %swap3A_923 = tpu.vector_load %arg8[%swap3A_922] {strides = array<i32>} : memref<80xi32, #tpu.memory_space<vmem>>, vector<16xi32>,
    %swap3A_924 = vector.shape_cast %swap3A_923 : vector<16xi32> to vector<16xi32>
    %swap3A_925 = vector.shape_cast %add3A_921 : vector<16xi32> to vector<16xi32>
    tpu.vector_store %arg8[%swap3A_922], %swap3A_925 {strides = array<i32>} : memref<80xi32, #tpu.memory_space<vmem>>, vector<16xi32>,
    %iota3A_926 = tpu.iota {dimensions = array<i32: 0>} : vector<16xi32>
    %add3A_927 = arith.constant 16 : i32
    %add3A_928 = arith.addi %add3A_916, %add3A_927 : i32
    %add3A_929 = vector.broadcast %add3A_928 : i32 to vector<16xi32>
    %add3A_930 = arith.addi %iota3A_926, %add3A_929 : vector<16xi32>
    %swap3A_931 = arith.constant 16 : index
    %swap3A_932 = tpu.vector_load %arg8[%swap3A_931] {strides = array<i32>} : memref<80xi32, #tpu.memory_space<vmem>>, vector<16xi32>,
    %swap3A_933 = vector.shape_cast %swap3A_932 : vector<16xi32> to vector<16xi32>
    %swap3A_934 = vector.shape_cast %add3A_930 : vector<16xi32> to vector<16xi32>
    tpu.vector_store %arg8[%swap3A_931], %swap3A_934 {strides = array<i32>} : memref<80xi32, #tpu.memory_space<vmem>>, vector<16xi32>,
    %iota3A_935 = tpu.iota {dimensions = array<i32: 0>} : vector<16xi32>
    %add3A_936 = arith.constant 32 : i32
    %add3A_937 = arith.addi %add3A_916, %add3A_936 : i32
    %add3A_938 = vector.broadcast %add3A_937 : i32 to vector<16xi32>
    %add3A_939 = arith.addi %iota3A_935, %add3A_938 : vector<16xi32>
    %swap3A_940 = arith.constant 32 : index
    %swap3A_941 = tpu.vector_load %arg8[%swap3A_940] {strides = array<i32>} : memref<80xi32, #tpu.memory_space<vmem>>, vector<16xi32>,
    %swap3A_942 = vector.shape_cast %swap3A_941 : vector<16xi32> to vector<16xi32>
    %swap3A_943 = vector.shape_cast %add3A_939 : vector<16xi32> to vector<16xi32>
    tpu.vector_store %arg8[%swap3A_940], %swap3A_943 {strides = array<i32>} : memref<80xi32, #tpu.memory_space<vmem>>, vector<16xi32>,
    %iota3A_944 = tpu.iota {dimensions = array<i32: 0>} : vector<16xi32>
    %add3A_945 = arith.constant 48 : i32
    %add3A_946 = arith.addi %add3A_916, %add3A_945 : i32
    %add3A_947 = vector.broadcast %add3A_946 : i32 to vector<16xi32>
    %add3A_948 = arith.addi %iota3A_944, %add3A_947 : vector<16xi32>
    %swap3A_949 = arith.constant 48 : index
    %swap3A_950 = tpu.vector_load %arg8[%swap3A_949] {strides = array<i32>} : memref<80xi32, #tpu.memory_space<vmem>>, vector<16xi32>,
    %swap3A_951 = vector.shape_cast %swap3A_950 : vector<16xi32> to vector<16xi32>
    %swap3A_952 = vector.shape_cast %add3A_948 : vector<16xi32> to vector<16xi32>
    tpu.vector_store %arg8[%swap3A_949], %swap3A_952 {strides = array<i32>} : memref<80xi32, #tpu.memory_space<vmem>>, vector<16xi32>,
    %iota3A_953 = tpu.iota {dimensions = array<i32: 0>} : vector<16xi32>
    %add3A_954 = arith.constant 64 : i32
    %add3A_955 = arith.addi %add3A_916, %add3A_954 : i32
    %add3A_956 = vector.broadcast %add3A_955 : i32 to vector<16xi32>
    %add3A_957 = arith.addi %iota3A_953, %add3A_956 : vector<16xi32>
    %swap3A_958 = arith.constant 64 : index
    %swap3A_959 = tpu.vector_load %arg8[%swap3A_958] {strides = array<i32>} : memref<80xi32, #tpu.memory_space<vmem>>, vector<16xi32>,
    %swap3A_960 = vector.shape_cast %swap3A_959 : vector<16xi32> to vector<16xi32>
    %swap3A_961 = vector.shape_cast %add3A_957 : vector<16xi32> to vector<16xi32>
    tpu.vector_store %arg8[%swap3A_958], %swap3A_961 {strides = array<i32>} : memref<80xi32, #tpu.memory_space<vmem>>, vector<16xi32>,
    "tpu.region"() ({
      %run_scoped3A = tpu.sem_alloc : memref<!tpu.dma_semaphore, #tpu.memory_space<semaphore_mem>>
      %dma_start3A_1637 = arith.constant 0 : i32
      %dma_start3A_1638 = arith.constant 0 : i32
      %dma_start3A_1639 = tpu.memref_slice %arg11[%dma_start3A_1637, %dma_start3A_1638] : memref<10240x128xf32, #tpu.memory_space<vmem_shared>> -> memref<10240x128xf32, #tpu.memory_space<vmem_shared>>
      tpu.enqueue_indirect_dma source(%arg9 : memref<80x128xf32, #tpu.memory_space<vmem>>) target(%dma_start3A_1639 : memref<10240x128xf32, #tpu.memory_space<vmem_shared>>) offsets(%arg8 : memref<80xi32, #tpu.memory_space<vmem>>) semaphore(%run_scoped3A : memref<!tpu.dma_semaphore, #tpu.memory_space<semaphore_mem>>)
      %dma_wait3A_1640 = arith.constant 0 : i32
      %dma_wait3A_1641 = arith.constant 0 : i32
      %dma_wait3A_1642 = tpu.memref_slice %arg11[%dma_wait3A_1640, %dma_wait3A_1641] : memref<10240x128xf32, #tpu.memory_space<vmem_shared>> -> memref<10240x128xf32, #tpu.memory_space<vmem_shared>>
      tpu.wait_indirect_dma semaphore(%run_scoped3A : memref<!tpu.dma_semaphore, #tpu.memory_space<semaphore_mem>>) src(%arg9 : memref<80x128xf32, #tpu.memory_space<vmem>>) dst(%dma_wait3A_1642 : memref<10240x128xf32, #tpu.memory_space<vmem_shared>>)
      tpu.yield
    }) : () -> ()
    %add3A_962 = arith.constant 240 : i32
    %add3A_963 = arith.addi %mul3A_2, %add3A_962 : i32
    %iota3A_964 = tpu.iota {dimensions = array<i32: 0>} : vector<16xi32>
    %add3A_965 = arith.constant 0 : i32
    %add3A_966 = arith.addi %add3A_963, %add3A_965 : i32
    %add3A_967 = vector.broadcast %add3A_966 : i32 to vector<16xi32>
    %add3A_968 = arith.addi %iota3A_964, %add3A_967 : vector<16xi32>
    %swap3A_969 = arith.constant 0 : index
    %swap3A_970 = tpu.vector_load %arg8[%swap3A_969] {strides = array<i32>} : memref<80xi32, #tpu.memory_space<vmem>>, vector<16xi32>,
    %swap3A_971 = vector.shape_cast %swap3A_970 : vector<16xi32> to vector<16xi32>
    %swap3A_972 = vector.shape_cast %add3A_968 : vector<16xi32> to vector<16xi32>
    tpu.vector_store %arg8[%swap3A_969], %swap3A_972 {strides = array<i32>} : memref<80xi32, #tpu.memory_space<vmem>>, vector<16xi32>,
    %iota3A_973 = tpu.iota {dimensions = array<i32: 0>} : vector<16xi32>
    %add3A_974 = arith.constant 16 : i32
    %add3A_975 = arith.addi %add3A_963, %add3A_974 : i32
    %add3A_976 = vector.broadcast %add3A_975 : i32 to vector<16xi32>
    %add3A_977 = arith.addi %iota3A_973, %add3A_976 : vector<16xi32>
    %swap3A_978 = arith.constant 16 : index
    %swap3A_979 = tpu.vector_load %arg8[%swap3A_978] {strides = array<i32>} : memref<80xi32, #tpu.memory_space<vmem>>, vector<16xi32>,
    %swap3A_980 = vector.shape_cast %swap3A_979 : vector<16xi32> to vector<16xi32>
    %swap3A_981 = vector.shape_cast %add3A_977 : vector<16xi32> to vector<16xi32>
    tpu.vector_store %arg8[%swap3A_978], %swap3A_981 {strides = array<i32>} : memref<80xi32, #tpu.memory_space<vmem>>, vector<16xi32>,
    %iota3A_982 = tpu.iota {dimensions = array<i32: 0>} : vector<16xi32>
    %add3A_983 = arith.constant 32 : i32
    %add3A_984 = arith.addi %add3A_963, %add3A_983 : i32
    %add3A_985 = vector.broadcast %add3A_984 : i32 to vector<16xi32>
    %add3A_986 = arith.addi %iota3A_982, %add3A_985 : vector<16xi32>
    %swap3A_987 = arith.constant 32 : index
    %swap3A_988 = tpu.vector_load %arg8[%swap3A_987] {strides = array<i32>} : memref<80xi32, #tpu.memory_space<vmem>>, vector<16xi32>,
    %swap3A_989 = vector.shape_cast %swap3A_988 : vector<16xi32> to vector<16xi32>
    %swap3A_990 = vector.shape_cast %add3A_986 : vector<16xi32> to vector<16xi32>
    tpu.vector_store %arg8[%swap3A_987], %swap3A_990 {strides = array<i32>} : memref<80xi32, #tpu.memory_space<vmem>>, vector<16xi32>,
    %iota3A_991 = tpu.iota {dimensions = array<i32: 0>} : vector<16xi32>
    %add3A_992 = arith.constant 48 : i32
    %add3A_993 = arith.addi %add3A_963, %add3A_992 : i32
    %add3A_994 = vector.broadcast %add3A_993 : i32 to vector<16xi32>
    %add3A_995 = arith.addi %iota3A_991, %add3A_994 : vector<16xi32>
    %swap3A_996 = arith.constant 48 : index
    %swap3A_997 = tpu.vector_load %arg8[%swap3A_996] {strides = array<i32>} : memref<80xi32, #tpu.memory_space<vmem>>, vector<16xi32>,
    %swap3A_998 = vector.shape_cast %swap3A_997 : vector<16xi32> to vector<16xi32>
    %swap3A_999 = vector.shape_cast %add3A_995 : vector<16xi32> to vector<16xi32>
    tpu.vector_store %arg8[%swap3A_996], %swap3A_999 {strides = array<i32>} : memref<80xi32, #tpu.memory_space<vmem>>, vector<16xi32>,
    %iota3A_1000 = tpu.iota {dimensions = array<i32: 0>} : vector<16xi32>
    %add3A_1001 = arith.constant 64 : i32
    %add3A_1002 = arith.addi %add3A_963, %add3A_1001 : i32
    %add3A_1003 = vector.broadcast %add3A_1002 : i32 to vector<16xi32>
    %add3A_1004 = arith.addi %iota3A_1000, %add3A_1003 : vector<16xi32>
    %swap3A_1005 = arith.constant 64 : index
    %swap3A_1006 = tpu.vector_load %arg8[%swap3A_1005] {strides = array<i32>} : memref<80xi32, #tpu.memory_space<vmem>>, vector<16xi32>,
    %swap3A_1007 = vector.shape_cast %swap3A_1006 : vector<16xi32> to vector<16xi32>
    %swap3A_1008 = vector.shape_cast %add3A_1004 : vector<16xi32> to vector<16xi32>
    tpu.vector_store %arg8[%swap3A_1005], %swap3A_1008 {strides = array<i32>} : memref<80xi32, #tpu.memory_space<vmem>>, vector<16xi32>,
    "tpu.region"() ({
      %run_scoped3A = tpu.sem_alloc : memref<!tpu.dma_semaphore, #tpu.memory_space<semaphore_mem>>
      %dma_start3A_1637 = arith.constant 0 : i32
      %dma_start3A_1638 = arith.constant 0 : i32
      %dma_start3A_1639 = tpu.memref_slice %arg11[%dma_start3A_1637, %dma_start3A_1638] : memref<10240x128xf32, #tpu.memory_space<vmem_shared>> -> memref<10240x128xf32, #tpu.memory_space<vmem_shared>>
      tpu.enqueue_indirect_dma source(%arg9 : memref<80x128xf32, #tpu.memory_space<vmem>>) target(%dma_start3A_1639 : memref<10240x128xf32, #tpu.memory_space<vmem_shared>>) offsets(%arg8 : memref<80xi32, #tpu.memory_space<vmem>>) semaphore(%run_scoped3A : memref<!tpu.dma_semaphore, #tpu.memory_space<semaphore_mem>>)
      %dma_wait3A_1640 = arith.constant 0 : i32
      %dma_wait3A_1641 = arith.constant 0 : i32
      %dma_wait3A_1642 = tpu.memref_slice %arg11[%dma_wait3A_1640, %dma_wait3A_1641] : memref<10240x128xf32, #tpu.memory_space<vmem_shared>> -> memref<10240x128xf32, #tpu.memory_space<vmem_shared>>
      tpu.wait_indirect_dma semaphore(%run_scoped3A : memref<!tpu.dma_semaphore, #tpu.memory_space<semaphore_mem>>) src(%arg9 : memref<80x128xf32, #tpu.memory_space<vmem>>) dst(%dma_wait3A_1642 : memref<10240x128xf32, #tpu.memory_space<vmem_shared>>)
      tpu.yield
    }) : () -> ()
    %add3A_1009 = arith.constant 320 : i32
    %add3A_1010 = arith.addi %mul3A_2, %add3A_1009 : i32
    %iota3A_1011 = tpu.iota {dimensions = array<i32: 0>} : vector<16xi32>
    %add3A_1012 = arith.constant 0 : i32
    %add3A_1013 = arith.addi %add3A_1010, %add3A_1012 : i32
    %add3A_1014 = vector.broadcast %add3A_1013 : i32 to vector<16xi32>
    %add3A_1015 = arith.addi %iota3A_1011, %add3A_1014 : vector<16xi32>
    %swap3A_1016 = arith.constant 0 : index
    %swap3A_1017 = tpu.vector_load %arg8[%swap3A_1016] {strides = array<i32>} : memref<80xi32, #tpu.memory_space<vmem>>, vector<16xi32>,
    %swap3A_1018 = vector.shape_cast %swap3A_1017 : vector<16xi32> to vector<16xi32>
    %swap3A_1019 = vector.shape_cast %add3A_1015 : vector<16xi32> to vector<16xi32>
    tpu.vector_store %arg8[%swap3A_1016], %swap3A_1019 {strides = array<i32>} : memref<80xi32, #tpu.memory_space<vmem>>, vector<16xi32>,
    %iota3A_1020 = tpu.iota {dimensions = array<i32: 0>} : vector<16xi32>
    %add3A_1021 = arith.constant 16 : i32
    %add3A_1022 = arith.addi %add3A_1010, %add3A_1021 : i32
    %add3A_1023 = vector.broadcast %add3A_1022 : i32 to vector<16xi32>
    %add3A_1024 = arith.addi %iota3A_1020, %add3A_1023 : vector<16xi32>
    %swap3A_1025 = arith.constant 16 : index
    %swap3A_1026 = tpu.vector_load %arg8[%swap3A_1025] {strides = array<i32>} : memref<80xi32, #tpu.memory_space<vmem>>, vector<16xi32>,
    %swap3A_1027 = vector.shape_cast %swap3A_1026 : vector<16xi32> to vector<16xi32>
    %swap3A_1028 = vector.shape_cast %add3A_1024 : vector<16xi32> to vector<16xi32>
    tpu.vector_store %arg8[%swap3A_1025], %swap3A_1028 {strides = array<i32>} : memref<80xi32, #tpu.memory_space<vmem>>, vector<16xi32>,
    %iota3A_1029 = tpu.iota {dimensions = array<i32: 0>} : vector<16xi32>
    %add3A_1030 = arith.constant 32 : i32
    %add3A_1031 = arith.addi %add3A_1010, %add3A_1030 : i32
    %add3A_1032 = vector.broadcast %add3A_1031 : i32 to vector<16xi32>
    %add3A_1033 = arith.addi %iota3A_1029, %add3A_1032 : vector<16xi32>
    %swap3A_1034 = arith.constant 32 : index
    %swap3A_1035 = tpu.vector_load %arg8[%swap3A_1034] {strides = array<i32>} : memref<80xi32, #tpu.memory_space<vmem>>, vector<16xi32>,
    %swap3A_1036 = vector.shape_cast %swap3A_1035 : vector<16xi32> to vector<16xi32>
    %swap3A_1037 = vector.shape_cast %add3A_1033 : vector<16xi32> to vector<16xi32>
    tpu.vector_store %arg8[%swap3A_1034], %swap3A_1037 {strides = array<i32>} : memref<80xi32, #tpu.memory_space<vmem>>, vector<16xi32>,
    %iota3A_1038 = tpu.iota {dimensions = array<i32: 0>} : vector<16xi32>
    %add3A_1039 = arith.constant 48 : i32
    %add3A_1040 = arith.addi %add3A_1010, %add3A_1039 : i32
    %add3A_1041 = vector.broadcast %add3A_1040 : i32 to vector<16xi32>
    %add3A_1042 = arith.addi %iota3A_1038, %add3A_1041 : vector<16xi32>
    %swap3A_1043 = arith.constant 48 : index
    %swap3A_1044 = tpu.vector_load %arg8[%swap3A_1043] {strides = array<i32>} : memref<80xi32, #tpu.memory_space<vmem>>, vector<16xi32>,
    %swap3A_1045 = vector.shape_cast %swap3A_1044 : vector<16xi32> to vector<16xi32>
    %swap3A_1046 = vector.shape_cast %add3A_1042 : vector<16xi32> to vector<16xi32>
    tpu.vector_store %arg8[%swap3A_1043], %swap3A_1046 {strides = array<i32>} : memref<80xi32, #tpu.memory_space<vmem>>, vector<16xi32>,
    %iota3A_1047 = tpu.iota {dimensions = array<i32: 0>} : vector<16xi32>
    %add3A_1048 = arith.constant 64 : i32
    %add3A_1049 = arith.addi %add3A_1010, %add3A_1048 : i32
    %add3A_1050 = vector.broadcast %add3A_1049 : i32 to vector<16xi32>
    %add3A_1051 = arith.addi %iota3A_1047, %add3A_1050 : vector<16xi32>
    %swap3A_1052 = arith.constant 64 : index
    %swap3A_1053 = tpu.vector_load %arg8[%swap3A_1052] {strides = array<i32>} : memref<80xi32, #tpu.memory_space<vmem>>, vector<16xi32>,
    %swap3A_1054 = vector.shape_cast %swap3A_1053 : vector<16xi32> to vector<16xi32>
    %swap3A_1055 = vector.shape_cast %add3A_1051 : vector<16xi32> to vector<16xi32>
    tpu.vector_store %arg8[%swap3A_1052], %swap3A_1055 {strides = array<i32>} : memref<80xi32, #tpu.memory_space<vmem>>, vector<16xi32>,
    "tpu.region"() ({
      %run_scoped3A = tpu.sem_alloc : memref<!tpu.dma_semaphore, #tpu.memory_space<semaphore_mem>>
      %dma_start3A_1637 = arith.constant 0 : i32
      %dma_start3A_1638 = arith.constant 0 : i32
      %dma_start3A_1639 = tpu.memref_slice %arg11[%dma_start3A_1637, %dma_start3A_1638] : memref<10240x128xf32, #tpu.memory_space<vmem_shared>> -> memref<10240x128xf32, #tpu.memory_space<vmem_shared>>
      tpu.enqueue_indirect_dma source(%arg9 : memref<80x128xf32, #tpu.memory_space<vmem>>) target(%dma_start3A_1639 : memref<10240x128xf32, #tpu.memory_space<vmem_shared>>) offsets(%arg8 : memref<80xi32, #tpu.memory_space<vmem>>) semaphore(%run_scoped3A : memref<!tpu.dma_semaphore, #tpu.memory_space<semaphore_mem>>)
      %dma_wait3A_1640 = arith.constant 0 : i32
      %dma_wait3A_1641 = arith.constant 0 : i32
      %dma_wait3A_1642 = tpu.memref_slice %arg11[%dma_wait3A_1640, %dma_wait3A_1641] : memref<10240x128xf32, #tpu.memory_space<vmem_shared>> -> memref<10240x128xf32, #tpu.memory_space<vmem_shared>>
      tpu.wait_indirect_dma semaphore(%run_scoped3A : memref<!tpu.dma_semaphore, #tpu.memory_space<semaphore_mem>>) src(%arg9 : memref<80x128xf32, #tpu.memory_space<vmem>>) dst(%dma_wait3A_1642 : memref<10240x128xf32, #tpu.memory_space<vmem_shared>>)
      tpu.yield
    }) : () -> ()
    %add3A_1056 = arith.constant 400 : i32
    %add3A_1057 = arith.addi %mul3A_2, %add3A_1056 : i32
    %iota3A_1058 = tpu.iota {dimensions = array<i32: 0>} : vector<16xi32>
    %add3A_1059 = arith.constant 0 : i32
    %add3A_1060 = arith.addi %add3A_1057, %add3A_1059 : i32
    %add3A_1061 = vector.broadcast %add3A_1060 : i32 to vector<16xi32>
    %add3A_1062 = arith.addi %iota3A_1058, %add3A_1061 : vector<16xi32>
    %swap3A_1063 = arith.constant 0 : index
    %swap3A_1064 = tpu.vector_load %arg8[%swap3A_1063] {strides = array<i32>} : memref<80xi32, #tpu.memory_space<vmem>>, vector<16xi32>,
    %swap3A_1065 = vector.shape_cast %swap3A_1064 : vector<16xi32> to vector<16xi32>
    %swap3A_1066 = vector.shape_cast %add3A_1062 : vector<16xi32> to vector<16xi32>
    tpu.vector_store %arg8[%swap3A_1063], %swap3A_1066 {strides = array<i32>} : memref<80xi32, #tpu.memory_space<vmem>>, vector<16xi32>,
    %iota3A_1067 = tpu.iota {dimensions = array<i32: 0>} : vector<16xi32>
    %add3A_1068 = arith.constant 16 : i32
    %add3A_1069 = arith.addi %add3A_1057, %add3A_1068 : i32
    %add3A_1070 = vector.broadcast %add3A_1069 : i32 to vector<16xi32>
    %add3A_1071 = arith.addi %iota3A_1067, %add3A_1070 : vector<16xi32>
    %swap3A_1072 = arith.constant 16 : index
    %swap3A_1073 = tpu.vector_load %arg8[%swap3A_1072] {strides = array<i32>} : memref<80xi32, #tpu.memory_space<vmem>>, vector<16xi32>,
    %swap3A_1074 = vector.shape_cast %swap3A_1073 : vector<16xi32> to vector<16xi32>
    %swap3A_1075 = vector.shape_cast %add3A_1071 : vector<16xi32> to vector<16xi32>
    tpu.vector_store %arg8[%swap3A_1072], %swap3A_1075 {strides = array<i32>} : memref<80xi32, #tpu.memory_space<vmem>>, vector<16xi32>,
    %iota3A_1076 = tpu.iota {dimensions = array<i32: 0>} : vector<16xi32>
    %add3A_1077 = arith.constant 32 : i32
    %add3A_1078 = arith.addi %add3A_1057, %add3A_1077 : i32
    %add3A_1079 = vector.broadcast %add3A_1078 : i32 to vector<16xi32>
    %add3A_1080 = arith.addi %iota3A_1076, %add3A_1079 : vector<16xi32>
    %swap3A_1081 = arith.constant 32 : index
    %swap3A_1082 = tpu.vector_load %arg8[%swap3A_1081] {strides = array<i32>} : memref<80xi32, #tpu.memory_space<vmem>>, vector<16xi32>,
    %swap3A_1083 = vector.shape_cast %swap3A_1082 : vector<16xi32> to vector<16xi32>
    %swap3A_1084 = vector.shape_cast %add3A_1080 : vector<16xi32> to vector<16xi32>
    tpu.vector_store %arg8[%swap3A_1081], %swap3A_1084 {strides = array<i32>} : memref<80xi32, #tpu.memory_space<vmem>>, vector<16xi32>,
    %iota3A_1085 = tpu.iota {dimensions = array<i32: 0>} : vector<16xi32>
    %add3A_1086 = arith.constant 48 : i32
    %add3A_1087 = arith.addi %add3A_1057, %add3A_1086 : i32
    %add3A_1088 = vector.broadcast %add3A_1087 : i32 to vector<16xi32>
    %add3A_1089 = arith.addi %iota3A_1085, %add3A_1088 : vector<16xi32>
    %swap3A_1090 = arith.constant 48 : index
    %swap3A_1091 = tpu.vector_load %arg8[%swap3A_1090] {strides = array<i32>} : memref<80xi32, #tpu.memory_space<vmem>>, vector<16xi32>,
    %swap3A_1092 = vector.shape_cast %swap3A_1091 : vector<16xi32> to vector<16xi32>
    %swap3A_1093 = vector.shape_cast %add3A_1089 : vector<16xi32> to vector<16xi32>
    tpu.vector_store %arg8[%swap3A_1090], %swap3A_1093 {strides = array<i32>} : memref<80xi32, #tpu.memory_space<vmem>>, vector<16xi32>,
    %iota3A_1094 = tpu.iota {dimensions = array<i32: 0>} : vector<16xi32>
    %add3A_1095 = arith.constant 64 : i32
    %add3A_1096 = arith.addi %add3A_1057, %add3A_1095 : i32
    %add3A_1097 = vector.broadcast %add3A_1096 : i32 to vector<16xi32>
    %add3A_1098 = arith.addi %iota3A_1094, %add3A_1097 : vector<16xi32>
    %swap3A_1099 = arith.constant 64 : index
    %swap3A_1100 = tpu.vector_load %arg8[%swap3A_1099] {strides = array<i32>} : memref<80xi32, #tpu.memory_space<vmem>>, vector<16xi32>,
    %swap3A_1101 = vector.shape_cast %swap3A_1100 : vector<16xi32> to vector<16xi32>
    %swap3A_1102 = vector.shape_cast %add3A_1098 : vector<16xi32> to vector<16xi32>
    tpu.vector_store %arg8[%swap3A_1099], %swap3A_1102 {strides = array<i32>} : memref<80xi32, #tpu.memory_space<vmem>>, vector<16xi32>,
    "tpu.region"() ({
      %run_scoped3A = tpu.sem_alloc : memref<!tpu.dma_semaphore, #tpu.memory_space<semaphore_mem>>
      %dma_start3A_1637 = arith.constant 0 : i32
      %dma_start3A_1638 = arith.constant 0 : i32
      %dma_start3A_1639 = tpu.memref_slice %arg11[%dma_start3A_1637, %dma_start3A_1638] : memref<10240x128xf32, #tpu.memory_space<vmem_shared>> -> memref<10240x128xf32, #tpu.memory_space<vmem_shared>>
      tpu.enqueue_indirect_dma source(%arg9 : memref<80x128xf32, #tpu.memory_space<vmem>>) target(%dma_start3A_1639 : memref<10240x128xf32, #tpu.memory_space<vmem_shared>>) offsets(%arg8 : memref<80xi32, #tpu.memory_space<vmem>>) semaphore(%run_scoped3A : memref<!tpu.dma_semaphore, #tpu.memory_space<semaphore_mem>>)
      %dma_wait3A_1640 = arith.constant 0 : i32
      %dma_wait3A_1641 = arith.constant 0 : i32
      %dma_wait3A_1642 = tpu.memref_slice %arg11[%dma_wait3A_1640, %dma_wait3A_1641] : memref<10240x128xf32, #tpu.memory_space<vmem_shared>> -> memref<10240x128xf32, #tpu.memory_space<vmem_shared>>
      tpu.wait_indirect_dma semaphore(%run_scoped3A : memref<!tpu.dma_semaphore, #tpu.memory_space<semaphore_mem>>) src(%arg9 : memref<80x128xf32, #tpu.memory_space<vmem>>) dst(%dma_wait3A_1642 : memref<10240x128xf32, #tpu.memory_space<vmem_shared>>)
      tpu.yield
    }) : () -> ()
    %add3A_1103 = arith.constant 480 : i32
    %add3A_1104 = arith.addi %mul3A_2, %add3A_1103 : i32
    %iota3A_1105 = tpu.iota {dimensions = array<i32: 0>} : vector<16xi32>
    %add3A_1106 = arith.constant 0 : i32
    %add3A_1107 = arith.addi %add3A_1104, %add3A_1106 : i32
    %add3A_1108 = vector.broadcast %add3A_1107 : i32 to vector<16xi32>
    %add3A_1109 = arith.addi %iota3A_1105, %add3A_1108 : vector<16xi32>
    %swap3A_1110 = arith.constant 0 : index
    %swap3A_1111 = tpu.vector_load %arg8[%swap3A_1110] {strides = array<i32>} : memref<80xi32, #tpu.memory_space<vmem>>, vector<16xi32>,
    %swap3A_1112 = vector.shape_cast %swap3A_1111 : vector<16xi32> to vector<16xi32>
    %swap3A_1113 = vector.shape_cast %add3A_1109 : vector<16xi32> to vector<16xi32>
    tpu.vector_store %arg8[%swap3A_1110], %swap3A_1113 {strides = array<i32>} : memref<80xi32, #tpu.memory_space<vmem>>, vector<16xi32>,
    %iota3A_1114 = tpu.iota {dimensions = array<i32: 0>} : vector<16xi32>
    %add3A_1115 = arith.constant 16 : i32
    %add3A_1116 = arith.addi %add3A_1104, %add3A_1115 : i32
    %add3A_1117 = vector.broadcast %add3A_1116 : i32 to vector<16xi32>
    %add3A_1118 = arith.addi %iota3A_1114, %add3A_1117 : vector<16xi32>
    %swap3A_1119 = arith.constant 16 : index
    %swap3A_1120 = tpu.vector_load %arg8[%swap3A_1119] {strides = array<i32>} : memref<80xi32, #tpu.memory_space<vmem>>, vector<16xi32>,
    %swap3A_1121 = vector.shape_cast %swap3A_1120 : vector<16xi32> to vector<16xi32>
    %swap3A_1122 = vector.shape_cast %add3A_1118 : vector<16xi32> to vector<16xi32>
    tpu.vector_store %arg8[%swap3A_1119], %swap3A_1122 {strides = array<i32>} : memref<80xi32, #tpu.memory_space<vmem>>, vector<16xi32>,
    %iota3A_1123 = tpu.iota {dimensions = array<i32: 0>} : vector<16xi32>
    %add3A_1124 = arith.constant 32 : i32
    %add3A_1125 = arith.addi %add3A_1104, %add3A_1124 : i32
    %add3A_1126 = vector.broadcast %add3A_1125 : i32 to vector<16xi32>
    %add3A_1127 = arith.addi %iota3A_1123, %add3A_1126 : vector<16xi32>
    %swap3A_1128 = arith.constant 32 : index
    %swap3A_1129 = tpu.vector_load %arg8[%swap3A_1128] {strides = array<i32>} : memref<80xi32, #tpu.memory_space<vmem>>, vector<16xi32>,
    %swap3A_1130 = vector.shape_cast %swap3A_1129 : vector<16xi32> to vector<16xi32>
    %swap3A_1131 = vector.shape_cast %add3A_1127 : vector<16xi32> to vector<16xi32>
    tpu.vector_store %arg8[%swap3A_1128], %swap3A_1131 {strides = array<i32>} : memref<80xi32, #tpu.memory_space<vmem>>, vector<16xi32>,
    %iota3A_1132 = tpu.iota {dimensions = array<i32: 0>} : vector<16xi32>
    %add3A_1133 = arith.constant 48 : i32
    %add3A_1134 = arith.addi %add3A_1104, %add3A_1133 : i32
    %add3A_1135 = vector.broadcast %add3A_1134 : i32 to vector<16xi32>
    %add3A_1136 = arith.addi %iota3A_1132, %add3A_1135 : vector<16xi32>
    %swap3A_1137 = arith.constant 48 : index
    %swap3A_1138 = tpu.vector_load %arg8[%swap3A_1137] {strides = array<i32>} : memref<80xi32, #tpu.memory_space<vmem>>, vector<16xi32>,
    %swap3A_1139 = vector.shape_cast %swap3A_1138 : vector<16xi32> to vector<16xi32>
    %swap3A_1140 = vector.shape_cast %add3A_1136 : vector<16xi32> to vector<16xi32>
    tpu.vector_store %arg8[%swap3A_1137], %swap3A_1140 {strides = array<i32>} : memref<80xi32, #tpu.memory_space<vmem>>, vector<16xi32>,
    %iota3A_1141 = tpu.iota {dimensions = array<i32: 0>} : vector<16xi32>
    %add3A_1142 = arith.constant 64 : i32
    %add3A_1143 = arith.addi %add3A_1104, %add3A_1142 : i32
    %add3A_1144 = vector.broadcast %add3A_1143 : i32 to vector<16xi32>
    %add3A_1145 = arith.addi %iota3A_1141, %add3A_1144 : vector<16xi32>
    %swap3A_1146 = arith.constant 64 : index
    %swap3A_1147 = tpu.vector_load %arg8[%swap3A_1146] {strides = array<i32>} : memref<80xi32, #tpu.memory_space<vmem>>, vector<16xi32>,
    %swap3A_1148 = vector.shape_cast %swap3A_1147 : vector<16xi32> to vector<16xi32>
    %swap3A_1149 = vector.shape_cast %add3A_1145 : vector<16xi32> to vector<16xi32>
    tpu.vector_store %arg8[%swap3A_1146], %swap3A_1149 {strides = array<i32>} : memref<80xi32, #tpu.memory_space<vmem>>, vector<16xi32>,
    "tpu.region"() ({
      %run_scoped3A = tpu.sem_alloc : memref<!tpu.dma_semaphore, #tpu.memory_space<semaphore_mem>>
      %dma_start3A_1637 = arith.constant 0 : i32
      %dma_start3A_1638 = arith.constant 0 : i32
      %dma_start3A_1639 = tpu.memref_slice %arg11[%dma_start3A_1637, %dma_start3A_1638] : memref<10240x128xf32, #tpu.memory_space<vmem_shared>> -> memref<10240x128xf32, #tpu.memory_space<vmem_shared>>
      tpu.enqueue_indirect_dma source(%arg9 : memref<80x128xf32, #tpu.memory_space<vmem>>) target(%dma_start3A_1639 : memref<10240x128xf32, #tpu.memory_space<vmem_shared>>) offsets(%arg8 : memref<80xi32, #tpu.memory_space<vmem>>) semaphore(%run_scoped3A : memref<!tpu.dma_semaphore, #tpu.memory_space<semaphore_mem>>)
      %dma_wait3A_1640 = arith.constant 0 : i32
      %dma_wait3A_1641 = arith.constant 0 : i32
      %dma_wait3A_1642 = tpu.memref_slice %arg11[%dma_wait3A_1640, %dma_wait3A_1641] : memref<10240x128xf32, #tpu.memory_space<vmem_shared>> -> memref<10240x128xf32, #tpu.memory_space<vmem_shared>>
      tpu.wait_indirect_dma semaphore(%run_scoped3A : memref<!tpu.dma_semaphore, #tpu.memory_space<semaphore_mem>>) src(%arg9 : memref<80x128xf32, #tpu.memory_space<vmem>>) dst(%dma_wait3A_1642 : memref<10240x128xf32, #tpu.memory_space<vmem_shared>>)
      tpu.yield
    }) : () -> ()
    %add3A_1150 = arith.constant 560 : i32
    %add3A_1151 = arith.addi %mul3A_2, %add3A_1150 : i32
    %iota3A_1152 = tpu.iota {dimensions = array<i32: 0>} : vector<16xi32>
    %add3A_1153 = arith.constant 0 : i32
    %add3A_1154 = arith.addi %add3A_1151, %add3A_1153 : i32
    %add3A_1155 = vector.broadcast %add3A_1154 : i32 to vector<16xi32>
    %add3A_1156 = arith.addi %iota3A_1152, %add3A_1155 : vector<16xi32>
    %swap3A_1157 = arith.constant 0 : index
    %swap3A_1158 = tpu.vector_load %arg8[%swap3A_1157] {strides = array<i32>} : memref<80xi32, #tpu.memory_space<vmem>>, vector<16xi32>,
    %swap3A_1159 = vector.shape_cast %swap3A_1158 : vector<16xi32> to vector<16xi32>
    %swap3A_1160 = vector.shape_cast %add3A_1156 : vector<16xi32> to vector<16xi32>
    tpu.vector_store %arg8[%swap3A_1157], %swap3A_1160 {strides = array<i32>} : memref<80xi32, #tpu.memory_space<vmem>>, vector<16xi32>,
    %iota3A_1161 = tpu.iota {dimensions = array<i32: 0>} : vector<16xi32>
    %add3A_1162 = arith.constant 16 : i32
    %add3A_1163 = arith.addi %add3A_1151, %add3A_1162 : i32
    %add3A_1164 = vector.broadcast %add3A_1163 : i32 to vector<16xi32>
    %add3A_1165 = arith.addi %iota3A_1161, %add3A_1164 : vector<16xi32>
    %swap3A_1166 = arith.constant 16 : index
    %swap3A_1167 = tpu.vector_load %arg8[%swap3A_1166] {strides = array<i32>} : memref<80xi32, #tpu.memory_space<vmem>>, vector<16xi32>,
    %swap3A_1168 = vector.shape_cast %swap3A_1167 : vector<16xi32> to vector<16xi32>
    %swap3A_1169 = vector.shape_cast %add3A_1165 : vector<16xi32> to vector<16xi32>
    tpu.vector_store %arg8[%swap3A_1166], %swap3A_1169 {strides = array<i32>} : memref<80xi32, #tpu.memory_space<vmem>>, vector<16xi32>,
    %iota3A_1170 = tpu.iota {dimensions = array<i32: 0>} : vector<16xi32>
    %add3A_1171 = arith.constant 32 : i32
    %add3A_1172 = arith.addi %add3A_1151, %add3A_1171 : i32
    %add3A_1173 = vector.broadcast %add3A_1172 : i32 to vector<16xi32>
    %add3A_1174 = arith.addi %iota3A_1170, %add3A_1173 : vector<16xi32>
    %swap3A_1175 = arith.constant 32 : index
    %swap3A_1176 = tpu.vector_load %arg8[%swap3A_1175] {strides = array<i32>} : memref<80xi32, #tpu.memory_space<vmem>>, vector<16xi32>,
    %swap3A_1177 = vector.shape_cast %swap3A_1176 : vector<16xi32> to vector<16xi32>
    %swap3A_1178 = vector.shape_cast %add3A_1174 : vector<16xi32> to vector<16xi32>
    tpu.vector_store %arg8[%swap3A_1175], %swap3A_1178 {strides = array<i32>} : memref<80xi32, #tpu.memory_space<vmem>>, vector<16xi32>,
    %iota3A_1179 = tpu.iota {dimensions = array<i32: 0>} : vector<16xi32>
    %add3A_1180 = arith.constant 48 : i32
    %add3A_1181 = arith.addi %add3A_1151, %add3A_1180 : i32
    %add3A_1182 = vector.broadcast %add3A_1181 : i32 to vector<16xi32>
    %add3A_1183 = arith.addi %iota3A_1179, %add3A_1182 : vector<16xi32>
    %swap3A_1184 = arith.constant 48 : index
    %swap3A_1185 = tpu.vector_load %arg8[%swap3A_1184] {strides = array<i32>} : memref<80xi32, #tpu.memory_space<vmem>>, vector<16xi32>,
    %swap3A_1186 = vector.shape_cast %swap3A_1185 : vector<16xi32> to vector<16xi32>
    %swap3A_1187 = vector.shape_cast %add3A_1183 : vector<16xi32> to vector<16xi32>
    tpu.vector_store %arg8[%swap3A_1184], %swap3A_1187 {strides = array<i32>} : memref<80xi32, #tpu.memory_space<vmem>>, vector<16xi32>,
    %iota3A_1188 = tpu.iota {dimensions = array<i32: 0>} : vector<16xi32>
    %add3A_1189 = arith.constant 64 : i32
    %add3A_1190 = arith.addi %add3A_1151, %add3A_1189 : i32
    %add3A_1191 = vector.broadcast %add3A_1190 : i32 to vector<16xi32>
    %add3A_1192 = arith.addi %iota3A_1188, %add3A_1191 : vector<16xi32>
    %swap3A_1193 = arith.constant 64 : index
    %swap3A_1194 = tpu.vector_load %arg8[%swap3A_1193] {strides = array<i32>} : memref<80xi32, #tpu.memory_space<vmem>>, vector<16xi32>,
    %swap3A_1195 = vector.shape_cast %swap3A_1194 : vector<16xi32> to vector<16xi32>
    %swap3A_1196 = vector.shape_cast %add3A_1192 : vector<16xi32> to vector<16xi32>
    tpu.vector_store %arg8[%swap3A_1193], %swap3A_1196 {strides = array<i32>} : memref<80xi32, #tpu.memory_space<vmem>>, vector<16xi32>,
    "tpu.region"() ({
      %run_scoped3A = tpu.sem_alloc : memref<!tpu.dma_semaphore, #tpu.memory_space<semaphore_mem>>
      %dma_start3A_1637 = arith.constant 0 : i32
      %dma_start3A_1638 = arith.constant 0 : i32
      %dma_start3A_1639 = tpu.memref_slice %arg11[%dma_start3A_1637, %dma_start3A_1638] : memref<10240x128xf32, #tpu.memory_space<vmem_shared>> -> memref<10240x128xf32, #tpu.memory_space<vmem_shared>>
      tpu.enqueue_indirect_dma source(%arg9 : memref<80x128xf32, #tpu.memory_space<vmem>>) target(%dma_start3A_1639 : memref<10240x128xf32, #tpu.memory_space<vmem_shared>>) offsets(%arg8 : memref<80xi32, #tpu.memory_space<vmem>>) semaphore(%run_scoped3A : memref<!tpu.dma_semaphore, #tpu.memory_space<semaphore_mem>>)
      %dma_wait3A_1640 = arith.constant 0 : i32
      %dma_wait3A_1641 = arith.constant 0 : i32
      %dma_wait3A_1642 = tpu.memref_slice %arg11[%dma_wait3A_1640, %dma_wait3A_1641] : memref<10240x128xf32, #tpu.memory_space<vmem_shared>> -> memref<10240x128xf32, #tpu.memory_space<vmem_shared>>
      tpu.wait_indirect_dma semaphore(%run_scoped3A : memref<!tpu.dma_semaphore, #tpu.memory_space<semaphore_mem>>) src(%arg9 : memref<80x128xf32, #tpu.memory_space<vmem>>) dst(%dma_wait3A_1642 : memref<10240x128xf32, #tpu.memory_space<vmem_shared>>)
      tpu.yield
    }) : () -> ()
    %barrier3A_1197 = arith.constant 0 : index
    tpu.barrier barrier_id(%barrier3A_1197)
    %scan3A_1198 = arith.constant 0 : i32
    %scan3A_1199 = arith.constant 0 : i32
    %scan3A_1200 = arith.constant 640 : i32
    %scan3A_1201 = arith.addi %scan3A_1199, %scan3A_1200 : i32
    %scan3A_1202 = arith.constant 1 : i32
    %scan3A_1203 = scf.for %scan3A_1637 = %scan3A_1199 to %scan3A_1201 step %scan3A_1202 iter_args(%scan3A_1638 = %scan3A_1198) -> (i32)  : i32 {
      %broadcast_in_dim3A = arith.constant 1.000000e+00 : f32
      %broadcast_in_dim3A_1639 = vector.broadcast %broadcast_in_dim3A : f32 to vector<16xf32>
      %jit3A = arith.constant 8 : i32
      %div3A = arith.divsi %scan3A_1637, %jit3A : i32
      %sign3A = arith.constant 0 : i32
      %sign3A_1640 = arith.cmpi sgt, %scan3A_1637, %sign3A : i32
      %sign3A_1641 = arith.extui %sign3A_1640 : i1 to i32
      %sign3A_1642 = arith.constant 0 : i32
      %sign3A_1643 = arith.cmpi slt, %scan3A_1637, %sign3A_1642 : i32
      %sign3A_1644 = arith.extui %sign3A_1643 : i1 to i32
      %sign3A_1645 = arith.subi %sign3A_1641, %sign3A_1644 : i32
      %sign3A_1646 = arith.constant 0 : i32
      %sign3A_1647 = arith.cmpi sgt, %jit3A, %sign3A_1646 : i32
      %sign3A_1648 = arith.extui %sign3A_1647 : i1 to i32
      %sign3A_1649 = arith.constant 0 : i32
      %sign3A_1650 = arith.cmpi slt, %jit3A, %sign3A_1649 : i32
      %sign3A_1651 = arith.extui %sign3A_1650 : i1 to i32
      %sign3A_1652 = arith.subi %sign3A_1648, %sign3A_1651 : i32
      %ne3A = arith.cmpi ne, %sign3A_1645, %sign3A_1652 : i32
      %rem3A = arith.remsi %scan3A_1637, %jit3A : i32
      %ne3A_1653 = arith.constant 0 : i32
      %ne3A_1654 = arith.cmpi ne, %rem3A, %ne3A_1653 : i32
      %and3A = arith.andi %ne3A, %ne3A_1654 : i1
      %sub3A = arith.constant 1 : i32
      %sub3A_1655 = arith.subi %div3A, %sub3A : i32
      %select_n3A = arith.select %and3A, %sub3A_1655, %div3A : i32
      %jit3A_1656 = arith.constant 8 : i32
      %eq3A = arith.constant 0 : i32
      %eq3A_1657 = arith.cmpi eq, %jit3A_1656, %eq3A : i32
      %jit3A_1658 = arith.constant 1 : i32
      %select_n3A_1659 = arith.select %eq3A_1657, %jit3A_1658, %jit3A_1656 : i32
      %rem3A_1660 = arith.remsi %scan3A_1637, %select_n3A_1659 : i32
      %ne3A_1661 = arith.constant 0 : i32
      %ne3A_1662 = arith.cmpi ne, %rem3A_1660, %ne3A_1661 : i32
      %lt3A = arith.constant 0 : i32
      %lt3A_1663 = arith.cmpi slt, %rem3A_1660, %lt3A : i32
      %lt3A_1664 = arith.constant 0 : i32
      %lt3A_1665 = arith.cmpi slt, %select_n3A_1659, %lt3A_1664 : i32
      %ne3A_1666 = arith.xori %lt3A_1663, %lt3A_1665 : i1
      %and3A_1667 = arith.andi %ne3A_1666, %ne3A_1662 : i1
      %add3A_1668 = arith.addi %rem3A_1660, %select_n3A_1659 : i32
      %select_n3A_1669 = arith.select %and3A_1667, %add3A_1668, %rem3A_1660 : i32
      %mul3A_1670 = arith.constant 16 : i32
      %mul3A_1671 = arith.muli %select_n3A_1669, %mul3A_1670 : i32
      %swap3A_1672 = arith.index_cast %select_n3A : i32 to index
      %swap3A_1673 = arith.index_cast %mul3A_1671 : i32 to index
      %swap3A_1674 = tpu.vector_load %arg9[%swap3A_1672, %swap3A_1673] {strides = array<i32>} : memref<80x128xf32, #tpu.memory_space<vmem>>, vector<1x16xf32>,
      %swap3A_1675 = vector.shape_cast %swap3A_1674 : vector<1x16xf32> to vector<16xf32>
      %swap3A_1676 = vector.shape_cast %broadcast_in_dim3A_1639 : vector<16xf32> to vector<1x16xf32>
      tpu.vector_store %arg9[%swap3A_1672, %swap3A_1673], %swap3A_1676 {strides = array<i32>} : memref<80x128xf32, #tpu.memory_space<vmem>>, vector<1x16xf32>,
      %scan3A_1677 = arith.constant 0 : i32
      scf.yield %scan3A_1677 : i32
    }
    %scan3A_1204 = arith.constant 640 : i32
    %scan3A_1205 = arith.constant 0 : i32
    %scan3A_1206 = arith.constant 0 : i32
    %scan3A_1207 = arith.constant 5 : i32
    %scan3A_1208 = arith.addi %scan3A_1206, %scan3A_1207 : i32
    %scan3A_1209 = arith.constant 1 : i32
    %scan3A_1210 = scf.for %scan3A_1637 = %scan3A_1206 to %scan3A_1208 step %scan3A_1209 iter_args(%scan3A_1638 = %scan3A_1205) -> (i32)  : i32 {
      %run_scoped3A = arith.constant 1 : i32
      "tpu.region"() ({
        %run_scoped3A_1647 = tpu.sem_alloc : memref<!tpu.dma_semaphore, #tpu.memory_space<semaphore_mem>>
        %dma_start3A_1648 = arith.constant 0 : i32
        %dma_start3A_1649 = arith.constant 0 : i32
        %dma_start3A_1650 = tpu.memref_slice %arg7[%run_scoped3A, %dma_start3A_1648, %dma_start3A_1649] : memref<2x25x80xi32, #tpu.memory_space<vmem>> -> memref<1x25x80xi32, #tpu.memory_space<vmem>>
        %dma_start3A_1651 = tpu.memref_squeeze %dma_start3A_1650 : memref<1x25x80xi32, #tpu.memory_space<vmem>> -> memref<25x80xi32, #tpu.memory_space<vmem>>
        %dma_start3A_1652 = arith.constant 0 : i32
        %dma_start3A_1653 = arith.constant 0 : i32
        %dma_start3A_1654 = tpu.memref_slice %arg4[%add3A, %scan3A_1637, %dma_start3A_1652, %dma_start3A_1653] : memref<32x5x25x80xi32, #tpu.memory_space<hbm>> -> memref<1x1x25x80xi32, #tpu.memory_space<hbm>>
        %dma_start3A_1655 = tpu.memref_squeeze %dma_start3A_1654 : memref<1x1x25x80xi32, #tpu.memory_space<hbm>> -> memref<25x80xi32, #tpu.memory_space<hbm>>
        %dma_start3A_1656 = arith.constant 0 : i32
        %dma_start3A_1657 = arith.constant 0 : i32
        %dma_start3A_1658 = tpu.memref_slice %arg7[%run_scoped3A, %dma_start3A_1656, %dma_start3A_1657] : memref<2x25x80xi32, #tpu.memory_space<vmem>> -> memref<1x25x80xi32, #tpu.memory_space<vmem>>
        %dma_start3A_1659 = tpu.memref_squeeze %dma_start3A_1658 : memref<1x25x80xi32, #tpu.memory_space<vmem>> -> memref<25x80xi32, #tpu.memory_space<vmem>>
        %dma_start3A_1660 = arith.constant 0 : i32
        %dma_start3A_1661 = arith.constant 0 : i32
        %dma_start3A_1662 = tpu.memref_slice %arg4[%add3A, %scan3A_1637, %dma_start3A_1660, %dma_start3A_1661] : memref<32x5x25x80xi32, #tpu.memory_space<hbm>> -> memref<1x1x25x80xi32, #tpu.memory_space<hbm>>
        %dma_start3A_1663 = tpu.memref_squeeze %dma_start3A_1662 : memref<1x1x25x80xi32, #tpu.memory_space<hbm>> -> memref<25x80xi32, #tpu.memory_space<hbm>>
        tpu.enqueue_dma source(%dma_start3A_1663 : memref<25x80xi32, #tpu.memory_space<hbm>>) target(%dma_start3A_1659 : memref<25x80xi32, #tpu.memory_space<vmem>>) target_semaphore(%run_scoped3A_1647 : memref<!tpu.dma_semaphore, #tpu.memory_space<semaphore_mem>>)
        %dma_wait3A_1664 = arith.constant 0 : i32
        %dma_wait3A_1665 = arith.constant 0 : i32
        %dma_wait3A_1666 = tpu.memref_slice %arg7[%run_scoped3A, %dma_wait3A_1664, %dma_wait3A_1665] : memref<2x25x80xi32, #tpu.memory_space<vmem>> -> memref<1x25x80xi32, #tpu.memory_space<vmem>>
        %dma_wait3A_1667 = tpu.memref_squeeze %dma_wait3A_1666 : memref<1x25x80xi32, #tpu.memory_space<vmem>> -> memref<25x80xi32, #tpu.memory_space<vmem>>
        %dma_wait3A_1668 = arith.constant 0 : i32
        %dma_wait3A_1669 = arith.constant 0 : i32
        %dma_wait3A_1670 = tpu.memref_slice %arg4[%add3A, %scan3A_1637, %dma_wait3A_1668, %dma_wait3A_1669] : memref<32x5x25x80xi32, #tpu.memory_space<hbm>> -> memref<1x1x25x80xi32, #tpu.memory_space<hbm>>
        %dma_wait3A_1671 = tpu.memref_squeeze %dma_wait3A_1670 : memref<1x1x25x80xi32, #tpu.memory_space<hbm>> -> memref<25x80xi32, #tpu.memory_space<hbm>>
        %dma_wait3A_1672 = arith.constant 0 : i32
        %dma_wait3A_1673 = arith.constant 0 : i32
        %dma_wait3A_1674 = tpu.memref_slice %arg7[%run_scoped3A, %dma_wait3A_1672, %dma_wait3A_1673] : memref<2x25x80xi32, #tpu.memory_space<vmem>> -> memref<1x25x80xi32, #tpu.memory_space<vmem>>
        %dma_wait3A_1675 = tpu.memref_squeeze %dma_wait3A_1674 : memref<1x25x80xi32, #tpu.memory_space<vmem>> -> memref<25x80xi32, #tpu.memory_space<vmem>>
        %dma_wait3A_1676 = arith.constant 0 : i32
        %dma_wait3A_1677 = arith.constant 0 : i32
        %dma_wait3A_1678 = tpu.memref_slice %arg4[%add3A, %scan3A_1637, %dma_wait3A_1676, %dma_wait3A_1677] : memref<32x5x25x80xi32, #tpu.memory_space<hbm>> -> memref<1x1x25x80xi32, #tpu.memory_space<hbm>>
        %dma_wait3A_1679 = tpu.memref_squeeze %dma_wait3A_1678 : memref<1x1x25x80xi32, #tpu.memory_space<hbm>> -> memref<25x80xi32, #tpu.memory_space<hbm>>
        tpu.wait_dma2 semaphore(%run_scoped3A_1647 : memref<!tpu.dma_semaphore, #tpu.memory_space<semaphore_mem>>) src(%dma_wait3A_1679 : memref<25x80xi32, #tpu.memory_space<hbm>>) dst(%dma_wait3A_1675 : memref<25x80xi32, #tpu.memory_space<vmem>>)
        tpu.yield
      }) : () -> ()
      %scan3A_1639 = arith.constant 0 : i32
      %scan3A_1640 = arith.constant 0 : i32
      %scan3A_1641 = arith.constant 25 : i32
      %scan3A_1642 = arith.addi %scan3A_1640, %scan3A_1641 : i32
      %scan3A_1643 = arith.constant 1 : i32
      %scan3A_1644 = scf.for %scan3A_1647 = %scan3A_1640 to %scan3A_1642 step %scan3A_1643 iter_args(%scan3A_1648 = %scan3A_1639) -> (i32)  : i32 {
        %run_scoped3A_1649 = arith.constant 1 : i32
        "tpu.region"() ({
          %run_scoped3A_1651 = tpu.sem_alloc : memref<!tpu.dma_semaphore, #tpu.memory_space<semaphore_mem>>
          %dma_start3A_1652 = arith.constant 0 : i32
          %dma_start3A_1653 = tpu.memref_slice %arg7[%run_scoped3A_1649, %scan3A_1647, %dma_start3A_1652] : memref<2x25x80xi32, #tpu.memory_space<vmem>> -> memref<1x1x80xi32, #tpu.memory_space<vmem>>
          %dma_start3A_1654 = tpu.memref_squeeze %dma_start3A_1653 : memref<1x1x80xi32, #tpu.memory_space<vmem>> -> memref<80xi32, #tpu.memory_space<vmem>>
          %dma_start3A_1655 = arith.constant 0 : i32
          %dma_start3A_1656 = arith.constant 0 : i32
          %dma_start3A_1657 = tpu.memref_slice %arg11[%dma_start3A_1655, %dma_start3A_1656] : memref<10240x128xf32, #tpu.memory_space<vmem_shared>> -> memref<10240x128xf32, #tpu.memory_space<vmem_shared>>
          tpu.enqueue_indirect_dma source(%arg9 : memref<80x128xf32, #tpu.memory_space<vmem>>) target(%dma_start3A_1657 : memref<10240x128xf32, #tpu.memory_space<vmem_shared>>) offsets(%dma_start3A_1654 : memref<80xi32, #tpu.memory_space<vmem>>) semaphore(%run_scoped3A_1651 : memref<!tpu.dma_semaphore, #tpu.memory_space<semaphore_mem>>) {add = true}
          %dma_wait3A_1658 = arith.constant 0 : i32
          %dma_wait3A_1659 = tpu.memref_slice %arg7[%run_scoped3A_1649, %scan3A_1647, %dma_wait3A_1658] : memref<2x25x80xi32, #tpu.memory_space<vmem>> -> memref<1x1x80xi32, #tpu.memory_space<vmem>>
          %dma_wait3A_1660 = tpu.memref_squeeze %dma_wait3A_1659 : memref<1x1x80xi32, #tpu.memory_space<vmem>> -> memref<80xi32, #tpu.memory_space<vmem>>
          %dma_wait3A_1661 = arith.constant 0 : i32
          %dma_wait3A_1662 = arith.constant 0 : i32
          %dma_wait3A_1663 = tpu.memref_slice %arg11[%dma_wait3A_1661, %dma_wait3A_1662] : memref<10240x128xf32, #tpu.memory_space<vmem_shared>> -> memref<10240x128xf32, #tpu.memory_space<vmem_shared>>
          tpu.wait_indirect_dma semaphore(%run_scoped3A_1651 : memref<!tpu.dma_semaphore, #tpu.memory_space<semaphore_mem>>) src(%arg9 : memref<80x128xf32, #tpu.memory_space<vmem>>) dst(%dma_wait3A_1663 : memref<10240x128xf32, #tpu.memory_space<vmem_shared>>)
          tpu.yield
        }) : () -> ()
        %scan3A_1650 = arith.constant 0 : i32
        scf.yield %scan3A_1650 : i32
      }
      %scan3A_1645 = arith.constant 25 : i32
      %scan3A_1646 = arith.constant 0 : i32
      scf.yield %scan3A_1646 : i32
    }
    %scan3A_1211 = arith.constant 5 : i32
    %barrier3A_1212 = arith.constant 0 : index
    tpu.barrier barrier_id(%barrier3A_1212)
    %add3A_1213 = arith.constant 0 : i32
    %add3A_1214 = arith.addi %mul3A_2, %add3A_1213 : i32
    %iota3A_1215 = tpu.iota {dimensions = array<i32: 0>} : vector<16xi32>
    %add3A_1216 = arith.constant 0 : i32
    %add3A_1217 = arith.addi %add3A_1214, %add3A_1216 : i32
    %add3A_1218 = vector.broadcast %add3A_1217 : i32 to vector<16xi32>
    %add3A_1219 = arith.addi %iota3A_1215, %add3A_1218 : vector<16xi32>
    %swap3A_1220 = arith.constant 0 : index
    %swap3A_1221 = tpu.vector_load %arg8[%swap3A_1220] {strides = array<i32>} : memref<80xi32, #tpu.memory_space<vmem>>, vector<16xi32>,
    %swap3A_1222 = vector.shape_cast %swap3A_1221 : vector<16xi32> to vector<16xi32>
    %swap3A_1223 = vector.shape_cast %add3A_1219 : vector<16xi32> to vector<16xi32>
    tpu.vector_store %arg8[%swap3A_1220], %swap3A_1223 {strides = array<i32>} : memref<80xi32, #tpu.memory_space<vmem>>, vector<16xi32>,
    %iota3A_1224 = tpu.iota {dimensions = array<i32: 0>} : vector<16xi32>
    %add3A_1225 = arith.constant 16 : i32
    %add3A_1226 = arith.addi %add3A_1214, %add3A_1225 : i32
    %add3A_1227 = vector.broadcast %add3A_1226 : i32 to vector<16xi32>
    %add3A_1228 = arith.addi %iota3A_1224, %add3A_1227 : vector<16xi32>
    %swap3A_1229 = arith.constant 16 : index
    %swap3A_1230 = tpu.vector_load %arg8[%swap3A_1229] {strides = array<i32>} : memref<80xi32, #tpu.memory_space<vmem>>, vector<16xi32>,
    %swap3A_1231 = vector.shape_cast %swap3A_1230 : vector<16xi32> to vector<16xi32>
    %swap3A_1232 = vector.shape_cast %add3A_1228 : vector<16xi32> to vector<16xi32>
    tpu.vector_store %arg8[%swap3A_1229], %swap3A_1232 {strides = array<i32>} : memref<80xi32, #tpu.memory_space<vmem>>, vector<16xi32>,
    %iota3A_1233 = tpu.iota {dimensions = array<i32: 0>} : vector<16xi32>
    %add3A_1234 = arith.constant 32 : i32
    %add3A_1235 = arith.addi %add3A_1214, %add3A_1234 : i32
    %add3A_1236 = vector.broadcast %add3A_1235 : i32 to vector<16xi32>
    %add3A_1237 = arith.addi %iota3A_1233, %add3A_1236 : vector<16xi32>
    %swap3A_1238 = arith.constant 32 : index
    %swap3A_1239 = tpu.vector_load %arg8[%swap3A_1238] {strides = array<i32>} : memref<80xi32, #tpu.memory_space<vmem>>, vector<16xi32>,
    %swap3A_1240 = vector.shape_cast %swap3A_1239 : vector<16xi32> to vector<16xi32>
    %swap3A_1241 = vector.shape_cast %add3A_1237 : vector<16xi32> to vector<16xi32>
    tpu.vector_store %arg8[%swap3A_1238], %swap3A_1241 {strides = array<i32>} : memref<80xi32, #tpu.memory_space<vmem>>, vector<16xi32>,
    %iota3A_1242 = tpu.iota {dimensions = array<i32: 0>} : vector<16xi32>
    %add3A_1243 = arith.constant 48 : i32
    %add3A_1244 = arith.addi %add3A_1214, %add3A_1243 : i32
    %add3A_1245 = vector.broadcast %add3A_1244 : i32 to vector<16xi32>
    %add3A_1246 = arith.addi %iota3A_1242, %add3A_1245 : vector<16xi32>
    %swap3A_1247 = arith.constant 48 : index
    %swap3A_1248 = tpu.vector_load %arg8[%swap3A_1247] {strides = array<i32>} : memref<80xi32, #tpu.memory_space<vmem>>, vector<16xi32>,
    %swap3A_1249 = vector.shape_cast %swap3A_1248 : vector<16xi32> to vector<16xi32>
    %swap3A_1250 = vector.shape_cast %add3A_1246 : vector<16xi32> to vector<16xi32>
    tpu.vector_store %arg8[%swap3A_1247], %swap3A_1250 {strides = array<i32>} : memref<80xi32, #tpu.memory_space<vmem>>, vector<16xi32>,
    %iota3A_1251 = tpu.iota {dimensions = array<i32: 0>} : vector<16xi32>
    %add3A_1252 = arith.constant 64 : i32
    %add3A_1253 = arith.addi %add3A_1214, %add3A_1252 : i32
    %add3A_1254 = vector.broadcast %add3A_1253 : i32 to vector<16xi32>
    %add3A_1255 = arith.addi %iota3A_1251, %add3A_1254 : vector<16xi32>
    %swap3A_1256 = arith.constant 64 : index
    %swap3A_1257 = tpu.vector_load %arg8[%swap3A_1256] {strides = array<i32>} : memref<80xi32, #tpu.memory_space<vmem>>, vector<16xi32>,
    %swap3A_1258 = vector.shape_cast %swap3A_1257 : vector<16xi32> to vector<16xi32>
    %swap3A_1259 = vector.shape_cast %add3A_1255 : vector<16xi32> to vector<16xi32>
    tpu.vector_store %arg8[%swap3A_1256], %swap3A_1259 {strides = array<i32>} : memref<80xi32, #tpu.memory_space<vmem>>, vector<16xi32>,
    %dma_start3A_1260 = arith.constant 0 : i32
    %dma_start3A_1261 = arith.constant 0 : i32
    %dma_start3A_1262 = tpu.memref_slice %arg11[%dma_start3A_1260, %dma_start3A_1261] : memref<10240x128xf32, #tpu.memory_space<vmem_shared>> -> memref<10240x128xf32, #tpu.memory_space<vmem_shared>>
    tpu.enqueue_indirect_dma source(%dma_start3A_1262 : memref<10240x128xf32, #tpu.memory_space<vmem_shared>>) target(%arg9 : memref<80x128xf32, #tpu.memory_space<vmem>>) offsets(%arg8 : memref<80xi32, #tpu.memory_space<vmem>>) semaphore(%arg12 : memref<!tpu.dma_semaphore, #tpu.memory_space<semaphore_mem>>)
    %dma_wait3A_1263 = arith.constant 0 : i32
    %dma_wait3A_1264 = arith.constant 0 : i32
    %dma_wait3A_1265 = tpu.memref_slice %arg11[%dma_wait3A_1263, %dma_wait3A_1264] : memref<10240x128xf32, #tpu.memory_space<vmem_shared>> -> memref<10240x128xf32, #tpu.memory_space<vmem_shared>>
    tpu.wait_indirect_dma semaphore(%arg12 : memref<!tpu.dma_semaphore, #tpu.memory_space<semaphore_mem>>) src(%dma_wait3A_1265 : memref<10240x128xf32, #tpu.memory_space<vmem_shared>>) dst(%arg9 : memref<80x128xf32, #tpu.memory_space<vmem>>)
    "tpu.region"() ({
      %run_scoped3A = tpu.sem_alloc : memref<!tpu.dma_semaphore, #tpu.memory_space<semaphore_mem>>
      %dma_start3A_1637 = arith.constant 0 : i32
      %dma_start3A_1638 = tpu.memref_slice %arg6[%arg0, %add3A_1214, %dma_start3A_1637] : memref<2x10240x128xf32, #tpu.memory_space<hbm>> -> memref<1x80x128xf32, #tpu.memory_space<hbm>>
      %dma_start3A_1639 = tpu.memref_squeeze %dma_start3A_1638 : memref<1x80x128xf32, #tpu.memory_space<hbm>> -> memref<80x128xf32, #tpu.memory_space<hbm>>
      %dma_start3A_1640 = arith.constant 0 : i32
      %dma_start3A_1641 = tpu.memref_slice %arg6[%arg0, %add3A_1214, %dma_start3A_1640] : memref<2x10240x128xf32, #tpu.memory_space<hbm>> -> memref<1x80x128xf32, #tpu.memory_space<hbm>>
      %dma_start3A_1642 = tpu.memref_squeeze %dma_start3A_1641 : memref<1x80x128xf32, #tpu.memory_space<hbm>> -> memref<80x128xf32, #tpu.memory_space<hbm>>
      tpu.enqueue_dma source(%arg9 : memref<80x128xf32, #tpu.memory_space<vmem>>) target(%dma_start3A_1642 : memref<80x128xf32, #tpu.memory_space<hbm>>) target_semaphore(%run_scoped3A : memref<!tpu.dma_semaphore, #tpu.memory_space<semaphore_mem>>)
      %dma_wait3A_1643 = arith.constant 0 : i32
      %dma_wait3A_1644 = tpu.memref_slice %arg6[%arg0, %add3A_1214, %dma_wait3A_1643] : memref<2x10240x128xf32, #tpu.memory_space<hbm>> -> memref<1x80x128xf32, #tpu.memory_space<hbm>>
      %dma_wait3A_1645 = tpu.memref_squeeze %dma_wait3A_1644 : memref<1x80x128xf32, #tpu.memory_space<hbm>> -> memref<80x128xf32, #tpu.memory_space<hbm>>
      %dma_wait3A_1646 = arith.constant 0 : i32
      %dma_wait3A_1647 = tpu.memref_slice %arg6[%arg0, %add3A_1214, %dma_wait3A_1646] : memref<2x10240x128xf32, #tpu.memory_space<hbm>> -> memref<1x80x128xf32, #tpu.memory_space<hbm>>
      %dma_wait3A_1648 = tpu.memref_squeeze %dma_wait3A_1647 : memref<1x80x128xf32, #tpu.memory_space<hbm>> -> memref<80x128xf32, #tpu.memory_space<hbm>>
      tpu.wait_dma2 semaphore(%run_scoped3A : memref<!tpu.dma_semaphore, #tpu.memory_space<semaphore_mem>>) src(%arg9 : memref<80x128xf32, #tpu.memory_space<vmem>>) dst(%dma_wait3A_1648 : memref<80x128xf32, #tpu.memory_space<hbm>>)
      tpu.yield
    }) : () -> ()
    %add3A_1266 = arith.constant 80 : i32
    %add3A_1267 = arith.addi %mul3A_2, %add3A_1266 : i32
    %iota3A_1268 = tpu.iota {dimensions = array<i32: 0>} : vector<16xi32>
    %add3A_1269 = arith.constant 0 : i32
    %add3A_1270 = arith.addi %add3A_1267, %add3A_1269 : i32
    %add3A_1271 = vector.broadcast %add3A_1270 : i32 to vector<16xi32>
    %add3A_1272 = arith.addi %iota3A_1268, %add3A_1271 : vector<16xi32>
    %swap3A_1273 = arith.constant 0 : index
    %swap3A_1274 = tpu.vector_load %arg8[%swap3A_1273] {strides = array<i32>} : memref<80xi32, #tpu.memory_space<vmem>>, vector<16xi32>,
    %swap3A_1275 = vector.shape_cast %swap3A_1274 : vector<16xi32> to vector<16xi32>
    %swap3A_1276 = vector.shape_cast %add3A_1272 : vector<16xi32> to vector<16xi32>
    tpu.vector_store %arg8[%swap3A_1273], %swap3A_1276 {strides = array<i32>} : memref<80xi32, #tpu.memory_space<vmem>>, vector<16xi32>,
    %iota3A_1277 = tpu.iota {dimensions = array<i32: 0>} : vector<16xi32>
    %add3A_1278 = arith.constant 16 : i32
    %add3A_1279 = arith.addi %add3A_1267, %add3A_1278 : i32
    %add3A_1280 = vector.broadcast %add3A_1279 : i32 to vector<16xi32>
    %add3A_1281 = arith.addi %iota3A_1277, %add3A_1280 : vector<16xi32>
    %swap3A_1282 = arith.constant 16 : index
    %swap3A_1283 = tpu.vector_load %arg8[%swap3A_1282] {strides = array<i32>} : memref<80xi32, #tpu.memory_space<vmem>>, vector<16xi32>,
    %swap3A_1284 = vector.shape_cast %swap3A_1283 : vector<16xi32> to vector<16xi32>
    %swap3A_1285 = vector.shape_cast %add3A_1281 : vector<16xi32> to vector<16xi32>
    tpu.vector_store %arg8[%swap3A_1282], %swap3A_1285 {strides = array<i32>} : memref<80xi32, #tpu.memory_space<vmem>>, vector<16xi32>,
    %iota3A_1286 = tpu.iota {dimensions = array<i32: 0>} : vector<16xi32>
    %add3A_1287 = arith.constant 32 : i32
    %add3A_1288 = arith.addi %add3A_1267, %add3A_1287 : i32
    %add3A_1289 = vector.broadcast %add3A_1288 : i32 to vector<16xi32>
    %add3A_1290 = arith.addi %iota3A_1286, %add3A_1289 : vector<16xi32>
    %swap3A_1291 = arith.constant 32 : index
    %swap3A_1292 = tpu.vector_load %arg8[%swap3A_1291] {strides = array<i32>} : memref<80xi32, #tpu.memory_space<vmem>>, vector<16xi32>,
    %swap3A_1293 = vector.shape_cast %swap3A_1292 : vector<16xi32> to vector<16xi32>
    %swap3A_1294 = vector.shape_cast %add3A_1290 : vector<16xi32> to vector<16xi32>
    tpu.vector_store %arg8[%swap3A_1291], %swap3A_1294 {strides = array<i32>} : memref<80xi32, #tpu.memory_space<vmem>>, vector<16xi32>,
    %iota3A_1295 = tpu.iota {dimensions = array<i32: 0>} : vector<16xi32>
    %add3A_1296 = arith.constant 48 : i32
    %add3A_1297 = arith.addi %add3A_1267, %add3A_1296 : i32
    %add3A_1298 = vector.broadcast %add3A_1297 : i32 to vector<16xi32>
    %add3A_1299 = arith.addi %iota3A_1295, %add3A_1298 : vector<16xi32>
    %swap3A_1300 = arith.constant 48 : index
    %swap3A_1301 = tpu.vector_load %arg8[%swap3A_1300] {strides = array<i32>} : memref<80xi32, #tpu.memory_space<vmem>>, vector<16xi32>,
    %swap3A_1302 = vector.shape_cast %swap3A_1301 : vector<16xi32> to vector<16xi32>
    %swap3A_1303 = vector.shape_cast %add3A_1299 : vector<16xi32> to vector<16xi32>
    tpu.vector_store %arg8[%swap3A_1300], %swap3A_1303 {strides = array<i32>} : memref<80xi32, #tpu.memory_space<vmem>>, vector<16xi32>,
    %iota3A_1304 = tpu.iota {dimensions = array<i32: 0>} : vector<16xi32>
    %add3A_1305 = arith.constant 64 : i32
    %add3A_1306 = arith.addi %add3A_1267, %add3A_1305 : i32
    %add3A_1307 = vector.broadcast %add3A_1306 : i32 to vector<16xi32>
    %add3A_1308 = arith.addi %iota3A_1304, %add3A_1307 : vector<16xi32>
    %swap3A_1309 = arith.constant 64 : index
    %swap3A_1310 = tpu.vector_load %arg8[%swap3A_1309] {strides = array<i32>} : memref<80xi32, #tpu.memory_space<vmem>>, vector<16xi32>,
    %swap3A_1311 = vector.shape_cast %swap3A_1310 : vector<16xi32> to vector<16xi32>
    %swap3A_1312 = vector.shape_cast %add3A_1308 : vector<16xi32> to vector<16xi32>
    tpu.vector_store %arg8[%swap3A_1309], %swap3A_1312 {strides = array<i32>} : memref<80xi32, #tpu.memory_space<vmem>>, vector<16xi32>,
    %dma_start3A_1313 = arith.constant 0 : i32
    %dma_start3A_1314 = arith.constant 0 : i32
    %dma_start3A_1315 = tpu.memref_slice %arg11[%dma_start3A_1313, %dma_start3A_1314] : memref<10240x128xf32, #tpu.memory_space<vmem_shared>> -> memref<10240x128xf32, #tpu.memory_space<vmem_shared>>
    tpu.enqueue_indirect_dma source(%dma_start3A_1315 : memref<10240x128xf32, #tpu.memory_space<vmem_shared>>) target(%arg9 : memref<80x128xf32, #tpu.memory_space<vmem>>) offsets(%arg8 : memref<80xi32, #tpu.memory_space<vmem>>) semaphore(%arg12 : memref<!tpu.dma_semaphore, #tpu.memory_space<semaphore_mem>>)
    %dma_wait3A_1316 = arith.constant 0 : i32
    %dma_wait3A_1317 = arith.constant 0 : i32
    %dma_wait3A_1318 = tpu.memref_slice %arg11[%dma_wait3A_1316, %dma_wait3A_1317] : memref<10240x128xf32, #tpu.memory_space<vmem_shared>> -> memref<10240x128xf32, #tpu.memory_space<vmem_shared>>
    tpu.wait_indirect_dma semaphore(%arg12 : memref<!tpu.dma_semaphore, #tpu.memory_space<semaphore_mem>>) src(%dma_wait3A_1318 : memref<10240x128xf32, #tpu.memory_space<vmem_shared>>) dst(%arg9 : memref<80x128xf32, #tpu.memory_space<vmem>>)
    "tpu.region"() ({
      %run_scoped3A = tpu.sem_alloc : memref<!tpu.dma_semaphore, #tpu.memory_space<semaphore_mem>>
      %dma_start3A_1637 = arith.constant 0 : i32
      %dma_start3A_1638 = tpu.memref_slice %arg6[%arg0, %add3A_1267, %dma_start3A_1637] : memref<2x10240x128xf32, #tpu.memory_space<hbm>> -> memref<1x80x128xf32, #tpu.memory_space<hbm>>
      %dma_start3A_1639 = tpu.memref_squeeze %dma_start3A_1638 : memref<1x80x128xf32, #tpu.memory_space<hbm>> -> memref<80x128xf32, #tpu.memory_space<hbm>>
      %dma_start3A_1640 = arith.constant 0 : i32
      %dma_start3A_1641 = tpu.memref_slice %arg6[%arg0, %add3A_1267, %dma_start3A_1640] : memref<2x10240x128xf32, #tpu.memory_space<hbm>> -> memref<1x80x128xf32, #tpu.memory_space<hbm>>
      %dma_start3A_1642 = tpu.memref_squeeze %dma_start3A_1641 : memref<1x80x128xf32, #tpu.memory_space<hbm>> -> memref<80x128xf32, #tpu.memory_space<hbm>>
      tpu.enqueue_dma source(%arg9 : memref<80x128xf32, #tpu.memory_space<vmem>>) target(%dma_start3A_1642 : memref<80x128xf32, #tpu.memory_space<hbm>>) target_semaphore(%run_scoped3A : memref<!tpu.dma_semaphore, #tpu.memory_space<semaphore_mem>>)
      %dma_wait3A_1643 = arith.constant 0 : i32
      %dma_wait3A_1644 = tpu.memref_slice %arg6[%arg0, %add3A_1267, %dma_wait3A_1643] : memref<2x10240x128xf32, #tpu.memory_space<hbm>> -> memref<1x80x128xf32, #tpu.memory_space<hbm>>
      %dma_wait3A_1645 = tpu.memref_squeeze %dma_wait3A_1644 : memref<1x80x128xf32, #tpu.memory_space<hbm>> -> memref<80x128xf32, #tpu.memory_space<hbm>>
      %dma_wait3A_1646 = arith.constant 0 : i32
      %dma_wait3A_1647 = tpu.memref_slice %arg6[%arg0, %add3A_1267, %dma_wait3A_1646] : memref<2x10240x128xf32, #tpu.memory_space<hbm>> -> memref<1x80x128xf32, #tpu.memory_space<hbm>>
      %dma_wait3A_1648 = tpu.memref_squeeze %dma_wait3A_1647 : memref<1x80x128xf32, #tpu.memory_space<hbm>> -> memref<80x128xf32, #tpu.memory_space<hbm>>
      tpu.wait_dma2 semaphore(%run_scoped3A : memref<!tpu.dma_semaphore, #tpu.memory_space<semaphore_mem>>) src(%arg9 : memref<80x128xf32, #tpu.memory_space<vmem>>) dst(%dma_wait3A_1648 : memref<80x128xf32, #tpu.memory_space<hbm>>)
      tpu.yield
    }) : () -> ()
    %add3A_1319 = arith.constant 160 : i32
    %add3A_1320 = arith.addi %mul3A_2, %add3A_1319 : i32
    %iota3A_1321 = tpu.iota {dimensions = array<i32: 0>} : vector<16xi32>
    %add3A_1322 = arith.constant 0 : i32
    %add3A_1323 = arith.addi %add3A_1320, %add3A_1322 : i32
    %add3A_1324 = vector.broadcast %add3A_1323 : i32 to vector<16xi32>
    %add3A_1325 = arith.addi %iota3A_1321, %add3A_1324 : vector<16xi32>
    %swap3A_1326 = arith.constant 0 : index
    %swap3A_1327 = tpu.vector_load %arg8[%swap3A_1326] {strides = array<i32>} : memref<80xi32, #tpu.memory_space<vmem>>, vector<16xi32>,
    %swap3A_1328 = vector.shape_cast %swap3A_1327 : vector<16xi32> to vector<16xi32>
    %swap3A_1329 = vector.shape_cast %add3A_1325 : vector<16xi32> to vector<16xi32>
    tpu.vector_store %arg8[%swap3A_1326], %swap3A_1329 {strides = array<i32>} : memref<80xi32, #tpu.memory_space<vmem>>, vector<16xi32>,
    %iota3A_1330 = tpu.iota {dimensions = array<i32: 0>} : vector<16xi32>
    %add3A_1331 = arith.constant 16 : i32
    %add3A_1332 = arith.addi %add3A_1320, %add3A_1331 : i32
    %add3A_1333 = vector.broadcast %add3A_1332 : i32 to vector<16xi32>
    %add3A_1334 = arith.addi %iota3A_1330, %add3A_1333 : vector<16xi32>
    %swap3A_1335 = arith.constant 16 : index
    %swap3A_1336 = tpu.vector_load %arg8[%swap3A_1335] {strides = array<i32>} : memref<80xi32, #tpu.memory_space<vmem>>, vector<16xi32>,
    %swap3A_1337 = vector.shape_cast %swap3A_1336 : vector<16xi32> to vector<16xi32>
    %swap3A_1338 = vector.shape_cast %add3A_1334 : vector<16xi32> to vector<16xi32>
    tpu.vector_store %arg8[%swap3A_1335], %swap3A_1338 {strides = array<i32>} : memref<80xi32, #tpu.memory_space<vmem>>, vector<16xi32>,
    %iota3A_1339 = tpu.iota {dimensions = array<i32: 0>} : vector<16xi32>
    %add3A_1340 = arith.constant 32 : i32
    %add3A_1341 = arith.addi %add3A_1320, %add3A_1340 : i32
    %add3A_1342 = vector.broadcast %add3A_1341 : i32 to vector<16xi32>
    %add3A_1343 = arith.addi %iota3A_1339, %add3A_1342 : vector<16xi32>
    %swap3A_1344 = arith.constant 32 : index
    %swap3A_1345 = tpu.vector_load %arg8[%swap3A_1344] {strides = array<i32>} : memref<80xi32, #tpu.memory_space<vmem>>, vector<16xi32>,
    %swap3A_1346 = vector.shape_cast %swap3A_1345 : vector<16xi32> to vector<16xi32>
    %swap3A_1347 = vector.shape_cast %add3A_1343 : vector<16xi32> to vector<16xi32>
    tpu.vector_store %arg8[%swap3A_1344], %swap3A_1347 {strides = array<i32>} : memref<80xi32, #tpu.memory_space<vmem>>, vector<16xi32>,
    %iota3A_1348 = tpu.iota {dimensions = array<i32: 0>} : vector<16xi32>
    %add3A_1349 = arith.constant 48 : i32
    %add3A_1350 = arith.addi %add3A_1320, %add3A_1349 : i32
    %add3A_1351 = vector.broadcast %add3A_1350 : i32 to vector<16xi32>
    %add3A_1352 = arith.addi %iota3A_1348, %add3A_1351 : vector<16xi32>
    %swap3A_1353 = arith.constant 48 : index
    %swap3A_1354 = tpu.vector_load %arg8[%swap3A_1353] {strides = array<i32>} : memref<80xi32, #tpu.memory_space<vmem>>, vector<16xi32>,
    %swap3A_1355 = vector.shape_cast %swap3A_1354 : vector<16xi32> to vector<16xi32>
    %swap3A_1356 = vector.shape_cast %add3A_1352 : vector<16xi32> to vector<16xi32>
    tpu.vector_store %arg8[%swap3A_1353], %swap3A_1356 {strides = array<i32>} : memref<80xi32, #tpu.memory_space<vmem>>, vector<16xi32>,
    %iota3A_1357 = tpu.iota {dimensions = array<i32: 0>} : vector<16xi32>
    %add3A_1358 = arith.constant 64 : i32
    %add3A_1359 = arith.addi %add3A_1320, %add3A_1358 : i32
    %add3A_1360 = vector.broadcast %add3A_1359 : i32 to vector<16xi32>
    %add3A_1361 = arith.addi %iota3A_1357, %add3A_1360 : vector<16xi32>
    %swap3A_1362 = arith.constant 64 : index
    %swap3A_1363 = tpu.vector_load %arg8[%swap3A_1362] {strides = array<i32>} : memref<80xi32, #tpu.memory_space<vmem>>, vector<16xi32>,
    %swap3A_1364 = vector.shape_cast %swap3A_1363 : vector<16xi32> to vector<16xi32>
    %swap3A_1365 = vector.shape_cast %add3A_1361 : vector<16xi32> to vector<16xi32>
    tpu.vector_store %arg8[%swap3A_1362], %swap3A_1365 {strides = array<i32>} : memref<80xi32, #tpu.memory_space<vmem>>, vector<16xi32>,
    %dma_start3A_1366 = arith.constant 0 : i32
    %dma_start3A_1367 = arith.constant 0 : i32
    %dma_start3A_1368 = tpu.memref_slice %arg11[%dma_start3A_1366, %dma_start3A_1367] : memref<10240x128xf32, #tpu.memory_space<vmem_shared>> -> memref<10240x128xf32, #tpu.memory_space<vmem_shared>>
    tpu.enqueue_indirect_dma source(%dma_start3A_1368 : memref<10240x128xf32, #tpu.memory_space<vmem_shared>>) target(%arg9 : memref<80x128xf32, #tpu.memory_space<vmem>>) offsets(%arg8 : memref<80xi32, #tpu.memory_space<vmem>>) semaphore(%arg12 : memref<!tpu.dma_semaphore, #tpu.memory_space<semaphore_mem>>)
    %dma_wait3A_1369 = arith.constant 0 : i32
    %dma_wait3A_1370 = arith.constant 0 : i32
    %dma_wait3A_1371 = tpu.memref_slice %arg11[%dma_wait3A_1369, %dma_wait3A_1370] : memref<10240x128xf32, #tpu.memory_space<vmem_shared>> -> memref<10240x128xf32, #tpu.memory_space<vmem_shared>>
    tpu.wait_indirect_dma semaphore(%arg12 : memref<!tpu.dma_semaphore, #tpu.memory_space<semaphore_mem>>) src(%dma_wait3A_1371 : memref<10240x128xf32, #tpu.memory_space<vmem_shared>>) dst(%arg9 : memref<80x128xf32, #tpu.memory_space<vmem>>)
    "tpu.region"() ({
      %run_scoped3A = tpu.sem_alloc : memref<!tpu.dma_semaphore, #tpu.memory_space<semaphore_mem>>
      %dma_start3A_1637 = arith.constant 0 : i32
      %dma_start3A_1638 = tpu.memref_slice %arg6[%arg0, %add3A_1320, %dma_start3A_1637] : memref<2x10240x128xf32, #tpu.memory_space<hbm>> -> memref<1x80x128xf32, #tpu.memory_space<hbm>>
      %dma_start3A_1639 = tpu.memref_squeeze %dma_start3A_1638 : memref<1x80x128xf32, #tpu.memory_space<hbm>> -> memref<80x128xf32, #tpu.memory_space<hbm>>
      %dma_start3A_1640 = arith.constant 0 : i32
      %dma_start3A_1641 = tpu.memref_slice %arg6[%arg0, %add3A_1320, %dma_start3A_1640] : memref<2x10240x128xf32, #tpu.memory_space<hbm>> -> memref<1x80x128xf32, #tpu.memory_space<hbm>>
      %dma_start3A_1642 = tpu.memref_squeeze %dma_start3A_1641 : memref<1x80x128xf32, #tpu.memory_space<hbm>> -> memref<80x128xf32, #tpu.memory_space<hbm>>
      tpu.enqueue_dma source(%arg9 : memref<80x128xf32, #tpu.memory_space<vmem>>) target(%dma_start3A_1642 : memref<80x128xf32, #tpu.memory_space<hbm>>) target_semaphore(%run_scoped3A : memref<!tpu.dma_semaphore, #tpu.memory_space<semaphore_mem>>)
      %dma_wait3A_1643 = arith.constant 0 : i32
      %dma_wait3A_1644 = tpu.memref_slice %arg6[%arg0, %add3A_1320, %dma_wait3A_1643] : memref<2x10240x128xf32, #tpu.memory_space<hbm>> -> memref<1x80x128xf32, #tpu.memory_space<hbm>>
      %dma_wait3A_1645 = tpu.memref_squeeze %dma_wait3A_1644 : memref<1x80x128xf32, #tpu.memory_space<hbm>> -> memref<80x128xf32, #tpu.memory_space<hbm>>
      %dma_wait3A_1646 = arith.constant 0 : i32
      %dma_wait3A_1647 = tpu.memref_slice %arg6[%arg0, %add3A_1320, %dma_wait3A_1646] : memref<2x10240x128xf32, #tpu.memory_space<hbm>> -> memref<1x80x128xf32, #tpu.memory_space<hbm>>
      %dma_wait3A_1648 = tpu.memref_squeeze %dma_wait3A_1647 : memref<1x80x128xf32, #tpu.memory_space<hbm>> -> memref<80x128xf32, #tpu.memory_space<hbm>>
      tpu.wait_dma2 semaphore(%run_scoped3A : memref<!tpu.dma_semaphore, #tpu.memory_space<semaphore_mem>>) src(%arg9 : memref<80x128xf32, #tpu.memory_space<vmem>>) dst(%dma_wait3A_1648 : memref<80x128xf32, #tpu.memory_space<hbm>>)
      tpu.yield
    }) : () -> ()
    %add3A_1372 = arith.constant 240 : i32
    %add3A_1373 = arith.addi %mul3A_2, %add3A_1372 : i32
    %iota3A_1374 = tpu.iota {dimensions = array<i32: 0>} : vector<16xi32>
    %add3A_1375 = arith.constant 0 : i32
    %add3A_1376 = arith.addi %add3A_1373, %add3A_1375 : i32
    %add3A_1377 = vector.broadcast %add3A_1376 : i32 to vector<16xi32>
    %add3A_1378 = arith.addi %iota3A_1374, %add3A_1377 : vector<16xi32>
    %swap3A_1379 = arith.constant 0 : index
    %swap3A_1380 = tpu.vector_load %arg8[%swap3A_1379] {strides = array<i32>} : memref<80xi32, #tpu.memory_space<vmem>>, vector<16xi32>,
    %swap3A_1381 = vector.shape_cast %swap3A_1380 : vector<16xi32> to vector<16xi32>
    %swap3A_1382 = vector.shape_cast %add3A_1378 : vector<16xi32> to vector<16xi32>
    tpu.vector_store %arg8[%swap3A_1379], %swap3A_1382 {strides = array<i32>} : memref<80xi32, #tpu.memory_space<vmem>>, vector<16xi32>,
    %iota3A_1383 = tpu.iota {dimensions = array<i32: 0>} : vector<16xi32>
    %add3A_1384 = arith.constant 16 : i32
    %add3A_1385 = arith.addi %add3A_1373, %add3A_1384 : i32
    %add3A_1386 = vector.broadcast %add3A_1385 : i32 to vector<16xi32>
    %add3A_1387 = arith.addi %iota3A_1383, %add3A_1386 : vector<16xi32>
    %swap3A_1388 = arith.constant 16 : index
    %swap3A_1389 = tpu.vector_load %arg8[%swap3A_1388] {strides = array<i32>} : memref<80xi32, #tpu.memory_space<vmem>>, vector<16xi32>,
    %swap3A_1390 = vector.shape_cast %swap3A_1389 : vector<16xi32> to vector<16xi32>
    %swap3A_1391 = vector.shape_cast %add3A_1387 : vector<16xi32> to vector<16xi32>
    tpu.vector_store %arg8[%swap3A_1388], %swap3A_1391 {strides = array<i32>} : memref<80xi32, #tpu.memory_space<vmem>>, vector<16xi32>,
    %iota3A_1392 = tpu.iota {dimensions = array<i32: 0>} : vector<16xi32>
    %add3A_1393 = arith.constant 32 : i32
    %add3A_1394 = arith.addi %add3A_1373, %add3A_1393 : i32
    %add3A_1395 = vector.broadcast %add3A_1394 : i32 to vector<16xi32>
    %add3A_1396 = arith.addi %iota3A_1392, %add3A_1395 : vector<16xi32>
    %swap3A_1397 = arith.constant 32 : index
    %swap3A_1398 = tpu.vector_load %arg8[%swap3A_1397] {strides = array<i32>} : memref<80xi32, #tpu.memory_space<vmem>>, vector<16xi32>,
    %swap3A_1399 = vector.shape_cast %swap3A_1398 : vector<16xi32> to vector<16xi32>
    %swap3A_1400 = vector.shape_cast %add3A_1396 : vector<16xi32> to vector<16xi32>
    tpu.vector_store %arg8[%swap3A_1397], %swap3A_1400 {strides = array<i32>} : memref<80xi32, #tpu.memory_space<vmem>>, vector<16xi32>,
    %iota3A_1401 = tpu.iota {dimensions = array<i32: 0>} : vector<16xi32>
    %add3A_1402 = arith.constant 48 : i32
    %add3A_1403 = arith.addi %add3A_1373, %add3A_1402 : i32
    %add3A_1404 = vector.broadcast %add3A_1403 : i32 to vector<16xi32>
    %add3A_1405 = arith.addi %iota3A_1401, %add3A_1404 : vector<16xi32>
    %swap3A_1406 = arith.constant 48 : index
    %swap3A_1407 = tpu.vector_load %arg8[%swap3A_1406] {strides = array<i32>} : memref<80xi32, #tpu.memory_space<vmem>>, vector<16xi32>,
    %swap3A_1408 = vector.shape_cast %swap3A_1407 : vector<16xi32> to vector<16xi32>
    %swap3A_1409 = vector.shape_cast %add3A_1405 : vector<16xi32> to vector<16xi32>
    tpu.vector_store %arg8[%swap3A_1406], %swap3A_1409 {strides = array<i32>} : memref<80xi32, #tpu.memory_space<vmem>>, vector<16xi32>,
    %iota3A_1410 = tpu.iota {dimensions = array<i32: 0>} : vector<16xi32>
    %add3A_1411 = arith.constant 64 : i32
    %add3A_1412 = arith.addi %add3A_1373, %add3A_1411 : i32
    %add3A_1413 = vector.broadcast %add3A_1412 : i32 to vector<16xi32>
    %add3A_1414 = arith.addi %iota3A_1410, %add3A_1413 : vector<16xi32>
    %swap3A_1415 = arith.constant 64 : index
    %swap3A_1416 = tpu.vector_load %arg8[%swap3A_1415] {strides = array<i32>} : memref<80xi32, #tpu.memory_space<vmem>>, vector<16xi32>,
    %swap3A_1417 = vector.shape_cast %swap3A_1416 : vector<16xi32> to vector<16xi32>
    %swap3A_1418 = vector.shape_cast %add3A_1414 : vector<16xi32> to vector<16xi32>
    tpu.vector_store %arg8[%swap3A_1415], %swap3A_1418 {strides = array<i32>} : memref<80xi32, #tpu.memory_space<vmem>>, vector<16xi32>,
    %dma_start3A_1419 = arith.constant 0 : i32
    %dma_start3A_1420 = arith.constant 0 : i32
    %dma_start3A_1421 = tpu.memref_slice %arg11[%dma_start3A_1419, %dma_start3A_1420] : memref<10240x128xf32, #tpu.memory_space<vmem_shared>> -> memref<10240x128xf32, #tpu.memory_space<vmem_shared>>
    tpu.enqueue_indirect_dma source(%dma_start3A_1421 : memref<10240x128xf32, #tpu.memory_space<vmem_shared>>) target(%arg9 : memref<80x128xf32, #tpu.memory_space<vmem>>) offsets(%arg8 : memref<80xi32, #tpu.memory_space<vmem>>) semaphore(%arg12 : memref<!tpu.dma_semaphore, #tpu.memory_space<semaphore_mem>>)
    %dma_wait3A_1422 = arith.constant 0 : i32
    %dma_wait3A_1423 = arith.constant 0 : i32
    %dma_wait3A_1424 = tpu.memref_slice %arg11[%dma_wait3A_1422, %dma_wait3A_1423] : memref<10240x128xf32, #tpu.memory_space<vmem_shared>> -> memref<10240x128xf32, #tpu.memory_space<vmem_shared>>
    tpu.wait_indirect_dma semaphore(%arg12 : memref<!tpu.dma_semaphore, #tpu.memory_space<semaphore_mem>>) src(%dma_wait3A_1424 : memref<10240x128xf32, #tpu.memory_space<vmem_shared>>) dst(%arg9 : memref<80x128xf32, #tpu.memory_space<vmem>>)
    "tpu.region"() ({
      %run_scoped3A = tpu.sem_alloc : memref<!tpu.dma_semaphore, #tpu.memory_space<semaphore_mem>>
      %dma_start3A_1637 = arith.constant 0 : i32
      %dma_start3A_1638 = tpu.memref_slice %arg6[%arg0, %add3A_1373, %dma_start3A_1637] : memref<2x10240x128xf32, #tpu.memory_space<hbm>> -> memref<1x80x128xf32, #tpu.memory_space<hbm>>
      %dma_start3A_1639 = tpu.memref_squeeze %dma_start3A_1638 : memref<1x80x128xf32, #tpu.memory_space<hbm>> -> memref<80x128xf32, #tpu.memory_space<hbm>>
      %dma_start3A_1640 = arith.constant 0 : i32
      %dma_start3A_1641 = tpu.memref_slice %arg6[%arg0, %add3A_1373, %dma_start3A_1640] : memref<2x10240x128xf32, #tpu.memory_space<hbm>> -> memref<1x80x128xf32, #tpu.memory_space<hbm>>
      %dma_start3A_1642 = tpu.memref_squeeze %dma_start3A_1641 : memref<1x80x128xf32, #tpu.memory_space<hbm>> -> memref<80x128xf32, #tpu.memory_space<hbm>>
      tpu.enqueue_dma source(%arg9 : memref<80x128xf32, #tpu.memory_space<vmem>>) target(%dma_start3A_1642 : memref<80x128xf32, #tpu.memory_space<hbm>>) target_semaphore(%run_scoped3A : memref<!tpu.dma_semaphore, #tpu.memory_space<semaphore_mem>>)
      %dma_wait3A_1643 = arith.constant 0 : i32
      %dma_wait3A_1644 = tpu.memref_slice %arg6[%arg0, %add3A_1373, %dma_wait3A_1643] : memref<2x10240x128xf32, #tpu.memory_space<hbm>> -> memref<1x80x128xf32, #tpu.memory_space<hbm>>
      %dma_wait3A_1645 = tpu.memref_squeeze %dma_wait3A_1644 : memref<1x80x128xf32, #tpu.memory_space<hbm>> -> memref<80x128xf32, #tpu.memory_space<hbm>>
      %dma_wait3A_1646 = arith.constant 0 : i32
      %dma_wait3A_1647 = tpu.memref_slice %arg6[%arg0, %add3A_1373, %dma_wait3A_1646] : memref<2x10240x128xf32, #tpu.memory_space<hbm>> -> memref<1x80x128xf32, #tpu.memory_space<hbm>>
      %dma_wait3A_1648 = tpu.memref_squeeze %dma_wait3A_1647 : memref<1x80x128xf32, #tpu.memory_space<hbm>> -> memref<80x128xf32, #tpu.memory_space<hbm>>
      tpu.wait_dma2 semaphore(%run_scoped3A : memref<!tpu.dma_semaphore, #tpu.memory_space<semaphore_mem>>) src(%arg9 : memref<80x128xf32, #tpu.memory_space<vmem>>) dst(%dma_wait3A_1648 : memref<80x128xf32, #tpu.memory_space<hbm>>)
      tpu.yield
    }) : () -> ()
    %add3A_1425 = arith.constant 320 : i32
    %add3A_1426 = arith.addi %mul3A_2, %add3A_1425 : i32
    %iota3A_1427 = tpu.iota {dimensions = array<i32: 0>} : vector<16xi32>
    %add3A_1428 = arith.constant 0 : i32
    %add3A_1429 = arith.addi %add3A_1426, %add3A_1428 : i32
    %add3A_1430 = vector.broadcast %add3A_1429 : i32 to vector<16xi32>
    %add3A_1431 = arith.addi %iota3A_1427, %add3A_1430 : vector<16xi32>
    %swap3A_1432 = arith.constant 0 : index
    %swap3A_1433 = tpu.vector_load %arg8[%swap3A_1432] {strides = array<i32>} : memref<80xi32, #tpu.memory_space<vmem>>, vector<16xi32>,
    %swap3A_1434 = vector.shape_cast %swap3A_1433 : vector<16xi32> to vector<16xi32>
    %swap3A_1435 = vector.shape_cast %add3A_1431 : vector<16xi32> to vector<16xi32>
    tpu.vector_store %arg8[%swap3A_1432], %swap3A_1435 {strides = array<i32>} : memref<80xi32, #tpu.memory_space<vmem>>, vector<16xi32>,
    %iota3A_1436 = tpu.iota {dimensions = array<i32: 0>} : vector<16xi32>
    %add3A_1437 = arith.constant 16 : i32
    %add3A_1438 = arith.addi %add3A_1426, %add3A_1437 : i32
    %add3A_1439 = vector.broadcast %add3A_1438 : i32 to vector<16xi32>
    %add3A_1440 = arith.addi %iota3A_1436, %add3A_1439 : vector<16xi32>
    %swap3A_1441 = arith.constant 16 : index
    %swap3A_1442 = tpu.vector_load %arg8[%swap3A_1441] {strides = array<i32>} : memref<80xi32, #tpu.memory_space<vmem>>, vector<16xi32>,
    %swap3A_1443 = vector.shape_cast %swap3A_1442 : vector<16xi32> to vector<16xi32>
    %swap3A_1444 = vector.shape_cast %add3A_1440 : vector<16xi32> to vector<16xi32>
    tpu.vector_store %arg8[%swap3A_1441], %swap3A_1444 {strides = array<i32>} : memref<80xi32, #tpu.memory_space<vmem>>, vector<16xi32>,
    %iota3A_1445 = tpu.iota {dimensions = array<i32: 0>} : vector<16xi32>
    %add3A_1446 = arith.constant 32 : i32
    %add3A_1447 = arith.addi %add3A_1426, %add3A_1446 : i32
    %add3A_1448 = vector.broadcast %add3A_1447 : i32 to vector<16xi32>
    %add3A_1449 = arith.addi %iota3A_1445, %add3A_1448 : vector<16xi32>
    %swap3A_1450 = arith.constant 32 : index
    %swap3A_1451 = tpu.vector_load %arg8[%swap3A_1450] {strides = array<i32>} : memref<80xi32, #tpu.memory_space<vmem>>, vector<16xi32>,
    %swap3A_1452 = vector.shape_cast %swap3A_1451 : vector<16xi32> to vector<16xi32>
    %swap3A_1453 = vector.shape_cast %add3A_1449 : vector<16xi32> to vector<16xi32>
    tpu.vector_store %arg8[%swap3A_1450], %swap3A_1453 {strides = array<i32>} : memref<80xi32, #tpu.memory_space<vmem>>, vector<16xi32>,
    %iota3A_1454 = tpu.iota {dimensions = array<i32: 0>} : vector<16xi32>
    %add3A_1455 = arith.constant 48 : i32
    %add3A_1456 = arith.addi %add3A_1426, %add3A_1455 : i32
    %add3A_1457 = vector.broadcast %add3A_1456 : i32 to vector<16xi32>
    %add3A_1458 = arith.addi %iota3A_1454, %add3A_1457 : vector<16xi32>
    %swap3A_1459 = arith.constant 48 : index
    %swap3A_1460 = tpu.vector_load %arg8[%swap3A_1459] {strides = array<i32>} : memref<80xi32, #tpu.memory_space<vmem>>, vector<16xi32>,
    %swap3A_1461 = vector.shape_cast %swap3A_1460 : vector<16xi32> to vector<16xi32>
    %swap3A_1462 = vector.shape_cast %add3A_1458 : vector<16xi32> to vector<16xi32>
    tpu.vector_store %arg8[%swap3A_1459], %swap3A_1462 {strides = array<i32>} : memref<80xi32, #tpu.memory_space<vmem>>, vector<16xi32>,
    %iota3A_1463 = tpu.iota {dimensions = array<i32: 0>} : vector<16xi32>
    %add3A_1464 = arith.constant 64 : i32
    %add3A_1465 = arith.addi %add3A_1426, %add3A_1464 : i32
    %add3A_1466 = vector.broadcast %add3A_1465 : i32 to vector<16xi32>
    %add3A_1467 = arith.addi %iota3A_1463, %add3A_1466 : vector<16xi32>
    %swap3A_1468 = arith.constant 64 : index
    %swap3A_1469 = tpu.vector_load %arg8[%swap3A_1468] {strides = array<i32>} : memref<80xi32, #tpu.memory_space<vmem>>, vector<16xi32>,
    %swap3A_1470 = vector.shape_cast %swap3A_1469 : vector<16xi32> to vector<16xi32>
    %swap3A_1471 = vector.shape_cast %add3A_1467 : vector<16xi32> to vector<16xi32>
    tpu.vector_store %arg8[%swap3A_1468], %swap3A_1471 {strides = array<i32>} : memref<80xi32, #tpu.memory_space<vmem>>, vector<16xi32>,
    %dma_start3A_1472 = arith.constant 0 : i32
    %dma_start3A_1473 = arith.constant 0 : i32
    %dma_start3A_1474 = tpu.memref_slice %arg11[%dma_start3A_1472, %dma_start3A_1473] : memref<10240x128xf32, #tpu.memory_space<vmem_shared>> -> memref<10240x128xf32, #tpu.memory_space<vmem_shared>>
    tpu.enqueue_indirect_dma source(%dma_start3A_1474 : memref<10240x128xf32, #tpu.memory_space<vmem_shared>>) target(%arg9 : memref<80x128xf32, #tpu.memory_space<vmem>>) offsets(%arg8 : memref<80xi32, #tpu.memory_space<vmem>>) semaphore(%arg12 : memref<!tpu.dma_semaphore, #tpu.memory_space<semaphore_mem>>)
    %dma_wait3A_1475 = arith.constant 0 : i32
    %dma_wait3A_1476 = arith.constant 0 : i32
    %dma_wait3A_1477 = tpu.memref_slice %arg11[%dma_wait3A_1475, %dma_wait3A_1476] : memref<10240x128xf32, #tpu.memory_space<vmem_shared>> -> memref<10240x128xf32, #tpu.memory_space<vmem_shared>>
    tpu.wait_indirect_dma semaphore(%arg12 : memref<!tpu.dma_semaphore, #tpu.memory_space<semaphore_mem>>) src(%dma_wait3A_1477 : memref<10240x128xf32, #tpu.memory_space<vmem_shared>>) dst(%arg9 : memref<80x128xf32, #tpu.memory_space<vmem>>)
    "tpu.region"() ({
      %run_scoped3A = tpu.sem_alloc : memref<!tpu.dma_semaphore, #tpu.memory_space<semaphore_mem>>
      %dma_start3A_1637 = arith.constant 0 : i32
      %dma_start3A_1638 = tpu.memref_slice %arg6[%arg0, %add3A_1426, %dma_start3A_1637] : memref<2x10240x128xf32, #tpu.memory_space<hbm>> -> memref<1x80x128xf32, #tpu.memory_space<hbm>>
      %dma_start3A_1639 = tpu.memref_squeeze %dma_start3A_1638 : memref<1x80x128xf32, #tpu.memory_space<hbm>> -> memref<80x128xf32, #tpu.memory_space<hbm>>
      %dma_start3A_1640 = arith.constant 0 : i32
      %dma_start3A_1641 = tpu.memref_slice %arg6[%arg0, %add3A_1426, %dma_start3A_1640] : memref<2x10240x128xf32, #tpu.memory_space<hbm>> -> memref<1x80x128xf32, #tpu.memory_space<hbm>>
      %dma_start3A_1642 = tpu.memref_squeeze %dma_start3A_1641 : memref<1x80x128xf32, #tpu.memory_space<hbm>> -> memref<80x128xf32, #tpu.memory_space<hbm>>
      tpu.enqueue_dma source(%arg9 : memref<80x128xf32, #tpu.memory_space<vmem>>) target(%dma_start3A_1642 : memref<80x128xf32, #tpu.memory_space<hbm>>) target_semaphore(%run_scoped3A : memref<!tpu.dma_semaphore, #tpu.memory_space<semaphore_mem>>)
      %dma_wait3A_1643 = arith.constant 0 : i32
      %dma_wait3A_1644 = tpu.memref_slice %arg6[%arg0, %add3A_1426, %dma_wait3A_1643] : memref<2x10240x128xf32, #tpu.memory_space<hbm>> -> memref<1x80x128xf32, #tpu.memory_space<hbm>>
      %dma_wait3A_1645 = tpu.memref_squeeze %dma_wait3A_1644 : memref<1x80x128xf32, #tpu.memory_space<hbm>> -> memref<80x128xf32, #tpu.memory_space<hbm>>
      %dma_wait3A_1646 = arith.constant 0 : i32
      %dma_wait3A_1647 = tpu.memref_slice %arg6[%arg0, %add3A_1426, %dma_wait3A_1646] : memref<2x10240x128xf32, #tpu.memory_space<hbm>> -> memref<1x80x128xf32, #tpu.memory_space<hbm>>
      %dma_wait3A_1648 = tpu.memref_squeeze %dma_wait3A_1647 : memref<1x80x128xf32, #tpu.memory_space<hbm>> -> memref<80x128xf32, #tpu.memory_space<hbm>>
      tpu.wait_dma2 semaphore(%run_scoped3A : memref<!tpu.dma_semaphore, #tpu.memory_space<semaphore_mem>>) src(%arg9 : memref<80x128xf32, #tpu.memory_space<vmem>>) dst(%dma_wait3A_1648 : memref<80x128xf32, #tpu.memory_space<hbm>>)
      tpu.yield
    }) : () -> ()
    %add3A_1478 = arith.constant 400 : i32
    %add3A_1479 = arith.addi %mul3A_2, %add3A_1478 : i32
    %iota3A_1480 = tpu.iota {dimensions = array<i32: 0>} : vector<16xi32>
    %add3A_1481 = arith.constant 0 : i32
    %add3A_1482 = arith.addi %add3A_1479, %add3A_1481 : i32
    %add3A_1483 = vector.broadcast %add3A_1482 : i32 to vector<16xi32>
    %add3A_1484 = arith.addi %iota3A_1480, %add3A_1483 : vector<16xi32>
    %swap3A_1485 = arith.constant 0 : index
    %swap3A_1486 = tpu.vector_load %arg8[%swap3A_1485] {strides = array<i32>} : memref<80xi32, #tpu.memory_space<vmem>>, vector<16xi32>,
    %swap3A_1487 = vector.shape_cast %swap3A_1486 : vector<16xi32> to vector<16xi32>
    %swap3A_1488 = vector.shape_cast %add3A_1484 : vector<16xi32> to vector<16xi32>
    tpu.vector_store %arg8[%swap3A_1485], %swap3A_1488 {strides = array<i32>} : memref<80xi32, #tpu.memory_space<vmem>>, vector<16xi32>,
    %iota3A_1489 = tpu.iota {dimensions = array<i32: 0>} : vector<16xi32>
    %add3A_1490 = arith.constant 16 : i32
    %add3A_1491 = arith.addi %add3A_1479, %add3A_1490 : i32
    %add3A_1492 = vector.broadcast %add3A_1491 : i32 to vector<16xi32>
    %add3A_1493 = arith.addi %iota3A_1489, %add3A_1492 : vector<16xi32>
    %swap3A_1494 = arith.constant 16 : index
    %swap3A_1495 = tpu.vector_load %arg8[%swap3A_1494] {strides = array<i32>} : memref<80xi32, #tpu.memory_space<vmem>>, vector<16xi32>,
    %swap3A_1496 = vector.shape_cast %swap3A_1495 : vector<16xi32> to vector<16xi32>
    %swap3A_1497 = vector.shape_cast %add3A_1493 : vector<16xi32> to vector<16xi32>
    tpu.vector_store %arg8[%swap3A_1494], %swap3A_1497 {strides = array<i32>} : memref<80xi32, #tpu.memory_space<vmem>>, vector<16xi32>,
    %iota3A_1498 = tpu.iota {dimensions = array<i32: 0>} : vector<16xi32>
    %add3A_1499 = arith.constant 32 : i32
    %add3A_1500 = arith.addi %add3A_1479, %add3A_1499 : i32
    %add3A_1501 = vector.broadcast %add3A_1500 : i32 to vector<16xi32>
    %add3A_1502 = arith.addi %iota3A_1498, %add3A_1501 : vector<16xi32>
    %swap3A_1503 = arith.constant 32 : index
    %swap3A_1504 = tpu.vector_load %arg8[%swap3A_1503] {strides = array<i32>} : memref<80xi32, #tpu.memory_space<vmem>>, vector<16xi32>,
    %swap3A_1505 = vector.shape_cast %swap3A_1504 : vector<16xi32> to vector<16xi32>
    %swap3A_1506 = vector.shape_cast %add3A_1502 : vector<16xi32> to vector<16xi32>
    tpu.vector_store %arg8[%swap3A_1503], %swap3A_1506 {strides = array<i32>} : memref<80xi32, #tpu.memory_space<vmem>>, vector<16xi32>,
    %iota3A_1507 = tpu.iota {dimensions = array<i32: 0>} : vector<16xi32>
    %add3A_1508 = arith.constant 48 : i32
    %add3A_1509 = arith.addi %add3A_1479, %add3A_1508 : i32
    %add3A_1510 = vector.broadcast %add3A_1509 : i32 to vector<16xi32>
    %add3A_1511 = arith.addi %iota3A_1507, %add3A_1510 : vector<16xi32>
    %swap3A_1512 = arith.constant 48 : index
    %swap3A_1513 = tpu.vector_load %arg8[%swap3A_1512] {strides = array<i32>} : memref<80xi32, #tpu.memory_space<vmem>>, vector<16xi32>,
    %swap3A_1514 = vector.shape_cast %swap3A_1513 : vector<16xi32> to vector<16xi32>
    %swap3A_1515 = vector.shape_cast %add3A_1511 : vector<16xi32> to vector<16xi32>
    tpu.vector_store %arg8[%swap3A_1512], %swap3A_1515 {strides = array<i32>} : memref<80xi32, #tpu.memory_space<vmem>>, vector<16xi32>,
    %iota3A_1516 = tpu.iota {dimensions = array<i32: 0>} : vector<16xi32>
    %add3A_1517 = arith.constant 64 : i32
    %add3A_1518 = arith.addi %add3A_1479, %add3A_1517 : i32
    %add3A_1519 = vector.broadcast %add3A_1518 : i32 to vector<16xi32>
    %add3A_1520 = arith.addi %iota3A_1516, %add3A_1519 : vector<16xi32>
    %swap3A_1521 = arith.constant 64 : index
    %swap3A_1522 = tpu.vector_load %arg8[%swap3A_1521] {strides = array<i32>} : memref<80xi32, #tpu.memory_space<vmem>>, vector<16xi32>,
    %swap3A_1523 = vector.shape_cast %swap3A_1522 : vector<16xi32> to vector<16xi32>
    %swap3A_1524 = vector.shape_cast %add3A_1520 : vector<16xi32> to vector<16xi32>
    tpu.vector_store %arg8[%swap3A_1521], %swap3A_1524 {strides = array<i32>} : memref<80xi32, #tpu.memory_space<vmem>>, vector<16xi32>,
    %dma_start3A_1525 = arith.constant 0 : i32
    %dma_start3A_1526 = arith.constant 0 : i32
    %dma_start3A_1527 = tpu.memref_slice %arg11[%dma_start3A_1525, %dma_start3A_1526] : memref<10240x128xf32, #tpu.memory_space<vmem_shared>> -> memref<10240x128xf32, #tpu.memory_space<vmem_shared>>
    tpu.enqueue_indirect_dma source(%dma_start3A_1527 : memref<10240x128xf32, #tpu.memory_space<vmem_shared>>) target(%arg9 : memref<80x128xf32, #tpu.memory_space<vmem>>) offsets(%arg8 : memref<80xi32, #tpu.memory_space<vmem>>) semaphore(%arg12 : memref<!tpu.dma_semaphore, #tpu.memory_space<semaphore_mem>>)
    %dma_wait3A_1528 = arith.constant 0 : i32
    %dma_wait3A_1529 = arith.constant 0 : i32
    %dma_wait3A_1530 = tpu.memref_slice %arg11[%dma_wait3A_1528, %dma_wait3A_1529] : memref<10240x128xf32, #tpu.memory_space<vmem_shared>> -> memref<10240x128xf32, #tpu.memory_space<vmem_shared>>
    tpu.wait_indirect_dma semaphore(%arg12 : memref<!tpu.dma_semaphore, #tpu.memory_space<semaphore_mem>>) src(%dma_wait3A_1530 : memref<10240x128xf32, #tpu.memory_space<vmem_shared>>) dst(%arg9 : memref<80x128xf32, #tpu.memory_space<vmem>>)
    "tpu.region"() ({
      %run_scoped3A = tpu.sem_alloc : memref<!tpu.dma_semaphore, #tpu.memory_space<semaphore_mem>>
      %dma_start3A_1637 = arith.constant 0 : i32
      %dma_start3A_1638 = tpu.memref_slice %arg6[%arg0, %add3A_1479, %dma_start3A_1637] : memref<2x10240x128xf32, #tpu.memory_space<hbm>> -> memref<1x80x128xf32, #tpu.memory_space<hbm>>
      %dma_start3A_1639 = tpu.memref_squeeze %dma_start3A_1638 : memref<1x80x128xf32, #tpu.memory_space<hbm>> -> memref<80x128xf32, #tpu.memory_space<hbm>>
      %dma_start3A_1640 = arith.constant 0 : i32
      %dma_start3A_1641 = tpu.memref_slice %arg6[%arg0, %add3A_1479, %dma_start3A_1640] : memref<2x10240x128xf32, #tpu.memory_space<hbm>> -> memref<1x80x128xf32, #tpu.memory_space<hbm>>
      %dma_start3A_1642 = tpu.memref_squeeze %dma_start3A_1641 : memref<1x80x128xf32, #tpu.memory_space<hbm>> -> memref<80x128xf32, #tpu.memory_space<hbm>>
      tpu.enqueue_dma source(%arg9 : memref<80x128xf32, #tpu.memory_space<vmem>>) target(%dma_start3A_1642 : memref<80x128xf32, #tpu.memory_space<hbm>>) target_semaphore(%run_scoped3A : memref<!tpu.dma_semaphore, #tpu.memory_space<semaphore_mem>>)
      %dma_wait3A_1643 = arith.constant 0 : i32
      %dma_wait3A_1644 = tpu.memref_slice %arg6[%arg0, %add3A_1479, %dma_wait3A_1643] : memref<2x10240x128xf32, #tpu.memory_space<hbm>> -> memref<1x80x128xf32, #tpu.memory_space<hbm>>
      %dma_wait3A_1645 = tpu.memref_squeeze %dma_wait3A_1644 : memref<1x80x128xf32, #tpu.memory_space<hbm>> -> memref<80x128xf32, #tpu.memory_space<hbm>>
      %dma_wait3A_1646 = arith.constant 0 : i32
      %dma_wait3A_1647 = tpu.memref_slice %arg6[%arg0, %add3A_1479, %dma_wait3A_1646] : memref<2x10240x128xf32, #tpu.memory_space<hbm>> -> memref<1x80x128xf32, #tpu.memory_space<hbm>>
      %dma_wait3A_1648 = tpu.memref_squeeze %dma_wait3A_1647 : memref<1x80x128xf32, #tpu.memory_space<hbm>> -> memref<80x128xf32, #tpu.memory_space<hbm>>
      tpu.wait_dma2 semaphore(%run_scoped3A : memref<!tpu.dma_semaphore, #tpu.memory_space<semaphore_mem>>) src(%arg9 : memref<80x128xf32, #tpu.memory_space<vmem>>) dst(%dma_wait3A_1648 : memref<80x128xf32, #tpu.memory_space<hbm>>)
      tpu.yield
    }) : () -> ()
    %add3A_1531 = arith.constant 480 : i32
    %add3A_1532 = arith.addi %mul3A_2, %add3A_1531 : i32
    %iota3A_1533 = tpu.iota {dimensions = array<i32: 0>} : vector<16xi32>
    %add3A_1534 = arith.constant 0 : i32
    %add3A_1535 = arith.addi %add3A_1532, %add3A_1534 : i32
    %add3A_1536 = vector.broadcast %add3A_1535 : i32 to vector<16xi32>
    %add3A_1537 = arith.addi %iota3A_1533, %add3A_1536 : vector<16xi32>
    %swap3A_1538 = arith.constant 0 : index
    %swap3A_1539 = tpu.vector_load %arg8[%swap3A_1538] {strides = array<i32>} : memref<80xi32, #tpu.memory_space<vmem>>, vector<16xi32>,
    %swap3A_1540 = vector.shape_cast %swap3A_1539 : vector<16xi32> to vector<16xi32>
    %swap3A_1541 = vector.shape_cast %add3A_1537 : vector<16xi32> to vector<16xi32>
    tpu.vector_store %arg8[%swap3A_1538], %swap3A_1541 {strides = array<i32>} : memref<80xi32, #tpu.memory_space<vmem>>, vector<16xi32>,
    %iota3A_1542 = tpu.iota {dimensions = array<i32: 0>} : vector<16xi32>
    %add3A_1543 = arith.constant 16 : i32
    %add3A_1544 = arith.addi %add3A_1532, %add3A_1543 : i32
    %add3A_1545 = vector.broadcast %add3A_1544 : i32 to vector<16xi32>
    %add3A_1546 = arith.addi %iota3A_1542, %add3A_1545 : vector<16xi32>
    %swap3A_1547 = arith.constant 16 : index
    %swap3A_1548 = tpu.vector_load %arg8[%swap3A_1547] {strides = array<i32>} : memref<80xi32, #tpu.memory_space<vmem>>, vector<16xi32>,
    %swap3A_1549 = vector.shape_cast %swap3A_1548 : vector<16xi32> to vector<16xi32>
    %swap3A_1550 = vector.shape_cast %add3A_1546 : vector<16xi32> to vector<16xi32>
    tpu.vector_store %arg8[%swap3A_1547], %swap3A_1550 {strides = array<i32>} : memref<80xi32, #tpu.memory_space<vmem>>, vector<16xi32>,
    %iota3A_1551 = tpu.iota {dimensions = array<i32: 0>} : vector<16xi32>
    %add3A_1552 = arith.constant 32 : i32
    %add3A_1553 = arith.addi %add3A_1532, %add3A_1552 : i32
    %add3A_1554 = vector.broadcast %add3A_1553 : i32 to vector<16xi32>
    %add3A_1555 = arith.addi %iota3A_1551, %add3A_1554 : vector<16xi32>
    %swap3A_1556 = arith.constant 32 : index
    %swap3A_1557 = tpu.vector_load %arg8[%swap3A_1556] {strides = array<i32>} : memref<80xi32, #tpu.memory_space<vmem>>, vector<16xi32>,
    %swap3A_1558 = vector.shape_cast %swap3A_1557 : vector<16xi32> to vector<16xi32>
    %swap3A_1559 = vector.shape_cast %add3A_1555 : vector<16xi32> to vector<16xi32>
    tpu.vector_store %arg8[%swap3A_1556], %swap3A_1559 {strides = array<i32>} : memref<80xi32, #tpu.memory_space<vmem>>, vector<16xi32>,
    %iota3A_1560 = tpu.iota {dimensions = array<i32: 0>} : vector<16xi32>
    %add3A_1561 = arith.constant 48 : i32
    %add3A_1562 = arith.addi %add3A_1532, %add3A_1561 : i32
    %add3A_1563 = vector.broadcast %add3A_1562 : i32 to vector<16xi32>
    %add3A_1564 = arith.addi %iota3A_1560, %add3A_1563 : vector<16xi32>
    %swap3A_1565 = arith.constant 48 : index
    %swap3A_1566 = tpu.vector_load %arg8[%swap3A_1565] {strides = array<i32>} : memref<80xi32, #tpu.memory_space<vmem>>, vector<16xi32>,
    %swap3A_1567 = vector.shape_cast %swap3A_1566 : vector<16xi32> to vector<16xi32>
    %swap3A_1568 = vector.shape_cast %add3A_1564 : vector<16xi32> to vector<16xi32>
    tpu.vector_store %arg8[%swap3A_1565], %swap3A_1568 {strides = array<i32>} : memref<80xi32, #tpu.memory_space<vmem>>, vector<16xi32>,
    %iota3A_1569 = tpu.iota {dimensions = array<i32: 0>} : vector<16xi32>
    %add3A_1570 = arith.constant 64 : i32
    %add3A_1571 = arith.addi %add3A_1532, %add3A_1570 : i32
    %add3A_1572 = vector.broadcast %add3A_1571 : i32 to vector<16xi32>
    %add3A_1573 = arith.addi %iota3A_1569, %add3A_1572 : vector<16xi32>
    %swap3A_1574 = arith.constant 64 : index
    %swap3A_1575 = tpu.vector_load %arg8[%swap3A_1574] {strides = array<i32>} : memref<80xi32, #tpu.memory_space<vmem>>, vector<16xi32>,
    %swap3A_1576 = vector.shape_cast %swap3A_1575 : vector<16xi32> to vector<16xi32>
    %swap3A_1577 = vector.shape_cast %add3A_1573 : vector<16xi32> to vector<16xi32>
    tpu.vector_store %arg8[%swap3A_1574], %swap3A_1577 {strides = array<i32>} : memref<80xi32, #tpu.memory_space<vmem>>, vector<16xi32>,
    %dma_start3A_1578 = arith.constant 0 : i32
    %dma_start3A_1579 = arith.constant 0 : i32
    %dma_start3A_1580 = tpu.memref_slice %arg11[%dma_start3A_1578, %dma_start3A_1579] : memref<10240x128xf32, #tpu.memory_space<vmem_shared>> -> memref<10240x128xf32, #tpu.memory_space<vmem_shared>>
    tpu.enqueue_indirect_dma source(%dma_start3A_1580 : memref<10240x128xf32, #tpu.memory_space<vmem_shared>>) target(%arg9 : memref<80x128xf32, #tpu.memory_space<vmem>>) offsets(%arg8 : memref<80xi32, #tpu.memory_space<vmem>>) semaphore(%arg12 : memref<!tpu.dma_semaphore, #tpu.memory_space<semaphore_mem>>)
    %dma_wait3A_1581 = arith.constant 0 : i32
    %dma_wait3A_1582 = arith.constant 0 : i32
    %dma_wait3A_1583 = tpu.memref_slice %arg11[%dma_wait3A_1581, %dma_wait3A_1582] : memref<10240x128xf32, #tpu.memory_space<vmem_shared>> -> memref<10240x128xf32, #tpu.memory_space<vmem_shared>>
    tpu.wait_indirect_dma semaphore(%arg12 : memref<!tpu.dma_semaphore, #tpu.memory_space<semaphore_mem>>) src(%dma_wait3A_1583 : memref<10240x128xf32, #tpu.memory_space<vmem_shared>>) dst(%arg9 : memref<80x128xf32, #tpu.memory_space<vmem>>)
    "tpu.region"() ({
      %run_scoped3A = tpu.sem_alloc : memref<!tpu.dma_semaphore, #tpu.memory_space<semaphore_mem>>
      %dma_start3A_1637 = arith.constant 0 : i32
      %dma_start3A_1638 = tpu.memref_slice %arg6[%arg0, %add3A_1532, %dma_start3A_1637] : memref<2x10240x128xf32, #tpu.memory_space<hbm>> -> memref<1x80x128xf32, #tpu.memory_space<hbm>>
      %dma_start3A_1639 = tpu.memref_squeeze %dma_start3A_1638 : memref<1x80x128xf32, #tpu.memory_space<hbm>> -> memref<80x128xf32, #tpu.memory_space<hbm>>
      %dma_start3A_1640 = arith.constant 0 : i32
      %dma_start3A_1641 = tpu.memref_slice %arg6[%arg0, %add3A_1532, %dma_start3A_1640] : memref<2x10240x128xf32, #tpu.memory_space<hbm>> -> memref<1x80x128xf32, #tpu.memory_space<hbm>>
      %dma_start3A_1642 = tpu.memref_squeeze %dma_start3A_1641 : memref<1x80x128xf32, #tpu.memory_space<hbm>> -> memref<80x128xf32, #tpu.memory_space<hbm>>
      tpu.enqueue_dma source(%arg9 : memref<80x128xf32, #tpu.memory_space<vmem>>) target(%dma_start3A_1642 : memref<80x128xf32, #tpu.memory_space<hbm>>) target_semaphore(%run_scoped3A : memref<!tpu.dma_semaphore, #tpu.memory_space<semaphore_mem>>)
      %dma_wait3A_1643 = arith.constant 0 : i32
      %dma_wait3A_1644 = tpu.memref_slice %arg6[%arg0, %add3A_1532, %dma_wait3A_1643] : memref<2x10240x128xf32, #tpu.memory_space<hbm>> -> memref<1x80x128xf32, #tpu.memory_space<hbm>>
      %dma_wait3A_1645 = tpu.memref_squeeze %dma_wait3A_1644 : memref<1x80x128xf32, #tpu.memory_space<hbm>> -> memref<80x128xf32, #tpu.memory_space<hbm>>
      %dma_wait3A_1646 = arith.constant 0 : i32
      %dma_wait3A_1647 = tpu.memref_slice %arg6[%arg0, %add3A_1532, %dma_wait3A_1646] : memref<2x10240x128xf32, #tpu.memory_space<hbm>> -> memref<1x80x128xf32, #tpu.memory_space<hbm>>
      %dma_wait3A_1648 = tpu.memref_squeeze %dma_wait3A_1647 : memref<1x80x128xf32, #tpu.memory_space<hbm>> -> memref<80x128xf32, #tpu.memory_space<hbm>>
      tpu.wait_dma2 semaphore(%run_scoped3A : memref<!tpu.dma_semaphore, #tpu.memory_space<semaphore_mem>>) src(%arg9 : memref<80x128xf32, #tpu.memory_space<vmem>>) dst(%dma_wait3A_1648 : memref<80x128xf32, #tpu.memory_space<hbm>>)
      tpu.yield
    }) : () -> ()
    %add3A_1584 = arith.constant 560 : i32
    %add3A_1585 = arith.addi %mul3A_2, %add3A_1584 : i32
    %iota3A_1586 = tpu.iota {dimensions = array<i32: 0>} : vector<16xi32>
    %add3A_1587 = arith.constant 0 : i32
    %add3A_1588 = arith.addi %add3A_1585, %add3A_1587 : i32
    %add3A_1589 = vector.broadcast %add3A_1588 : i32 to vector<16xi32>
    %add3A_1590 = arith.addi %iota3A_1586, %add3A_1589 : vector<16xi32>
    %swap3A_1591 = arith.constant 0 : index
    %swap3A_1592 = tpu.vector_load %arg8[%swap3A_1591] {strides = array<i32>} : memref<80xi32, #tpu.memory_space<vmem>>, vector<16xi32>,
    %swap3A_1593 = vector.shape_cast %swap3A_1592 : vector<16xi32> to vector<16xi32>
    %swap3A_1594 = vector.shape_cast %add3A_1590 : vector<16xi32> to vector<16xi32>
    tpu.vector_store %arg8[%swap3A_1591], %swap3A_1594 {strides = array<i32>} : memref<80xi32, #tpu.memory_space<vmem>>, vector<16xi32>,
    %iota3A_1595 = tpu.iota {dimensions = array<i32: 0>} : vector<16xi32>
    %add3A_1596 = arith.constant 16 : i32
    %add3A_1597 = arith.addi %add3A_1585, %add3A_1596 : i32
    %add3A_1598 = vector.broadcast %add3A_1597 : i32 to vector<16xi32>
    %add3A_1599 = arith.addi %iota3A_1595, %add3A_1598 : vector<16xi32>
    %swap3A_1600 = arith.constant 16 : index
    %swap3A_1601 = tpu.vector_load %arg8[%swap3A_1600] {strides = array<i32>} : memref<80xi32, #tpu.memory_space<vmem>>, vector<16xi32>,
    %swap3A_1602 = vector.shape_cast %swap3A_1601 : vector<16xi32> to vector<16xi32>
    %swap3A_1603 = vector.shape_cast %add3A_1599 : vector<16xi32> to vector<16xi32>
    tpu.vector_store %arg8[%swap3A_1600], %swap3A_1603 {strides = array<i32>} : memref<80xi32, #tpu.memory_space<vmem>>, vector<16xi32>,
    %iota3A_1604 = tpu.iota {dimensions = array<i32: 0>} : vector<16xi32>
    %add3A_1605 = arith.constant 32 : i32
    %add3A_1606 = arith.addi %add3A_1585, %add3A_1605 : i32
    %add3A_1607 = vector.broadcast %add3A_1606 : i32 to vector<16xi32>
    %add3A_1608 = arith.addi %iota3A_1604, %add3A_1607 : vector<16xi32>
    %swap3A_1609 = arith.constant 32 : index
    %swap3A_1610 = tpu.vector_load %arg8[%swap3A_1609] {strides = array<i32>} : memref<80xi32, #tpu.memory_space<vmem>>, vector<16xi32>,
    %swap3A_1611 = vector.shape_cast %swap3A_1610 : vector<16xi32> to vector<16xi32>
    %swap3A_1612 = vector.shape_cast %add3A_1608 : vector<16xi32> to vector<16xi32>
    tpu.vector_store %arg8[%swap3A_1609], %swap3A_1612 {strides = array<i32>} : memref<80xi32, #tpu.memory_space<vmem>>, vector<16xi32>,
    %iota3A_1613 = tpu.iota {dimensions = array<i32: 0>} : vector<16xi32>
    %add3A_1614 = arith.constant 48 : i32
    %add3A_1615 = arith.addi %add3A_1585, %add3A_1614 : i32
    %add3A_1616 = vector.broadcast %add3A_1615 : i32 to vector<16xi32>
    %add3A_1617 = arith.addi %iota3A_1613, %add3A_1616 : vector<16xi32>
    %swap3A_1618 = arith.constant 48 : index
    %swap3A_1619 = tpu.vector_load %arg8[%swap3A_1618] {strides = array<i32>} : memref<80xi32, #tpu.memory_space<vmem>>, vector<16xi32>,
    %swap3A_1620 = vector.shape_cast %swap3A_1619 : vector<16xi32> to vector<16xi32>
    %swap3A_1621 = vector.shape_cast %add3A_1617 : vector<16xi32> to vector<16xi32>
    tpu.vector_store %arg8[%swap3A_1618], %swap3A_1621 {strides = array<i32>} : memref<80xi32, #tpu.memory_space<vmem>>, vector<16xi32>,
    %iota3A_1622 = tpu.iota {dimensions = array<i32: 0>} : vector<16xi32>
    %add3A_1623 = arith.constant 64 : i32
    %add3A_1624 = arith.addi %add3A_1585, %add3A_1623 : i32
    %add3A_1625 = vector.broadcast %add3A_1624 : i32 to vector<16xi32>
    %add3A_1626 = arith.addi %iota3A_1622, %add3A_1625 : vector<16xi32>
    %swap3A_1627 = arith.constant 64 : index
    %swap3A_1628 = tpu.vector_load %arg8[%swap3A_1627] {strides = array<i32>} : memref<80xi32, #tpu.memory_space<vmem>>, vector<16xi32>,
    %swap3A_1629 = vector.shape_cast %swap3A_1628 : vector<16xi32> to vector<16xi32>
    %swap3A_1630 = vector.shape_cast %add3A_1626 : vector<16xi32> to vector<16xi32>
    tpu.vector_store %arg8[%swap3A_1627], %swap3A_1630 {strides = array<i32>} : memref<80xi32, #tpu.memory_space<vmem>>, vector<16xi32>,
    %dma_start3A_1631 = arith.constant 0 : i32
    %dma_start3A_1632 = arith.constant 0 : i32
    %dma_start3A_1633 = tpu.memref_slice %arg11[%dma_start3A_1631, %dma_start3A_1632] : memref<10240x128xf32, #tpu.memory_space<vmem_shared>> -> memref<10240x128xf32, #tpu.memory_space<vmem_shared>>
    tpu.enqueue_indirect_dma source(%dma_start3A_1633 : memref<10240x128xf32, #tpu.memory_space<vmem_shared>>) target(%arg9 : memref<80x128xf32, #tpu.memory_space<vmem>>) offsets(%arg8 : memref<80xi32, #tpu.memory_space<vmem>>) semaphore(%arg12 : memref<!tpu.dma_semaphore, #tpu.memory_space<semaphore_mem>>)
    %dma_wait3A_1634 = arith.constant 0 : i32
    %dma_wait3A_1635 = arith.constant 0 : i32
    %dma_wait3A_1636 = tpu.memref_slice %arg11[%dma_wait3A_1634, %dma_wait3A_1635] : memref<10240x128xf32, #tpu.memory_space<vmem_shared>> -> memref<10240x128xf32, #tpu.memory_space<vmem_shared>>
    tpu.wait_indirect_dma semaphore(%arg12 : memref<!tpu.dma_semaphore, #tpu.memory_space<semaphore_mem>>) src(%dma_wait3A_1636 : memref<10240x128xf32, #tpu.memory_space<vmem_shared>>) dst(%arg9 : memref<80x128xf32, #tpu.memory_space<vmem>>)
    "tpu.region"() ({
      %run_scoped3A = tpu.sem_alloc : memref<!tpu.dma_semaphore, #tpu.memory_space<semaphore_mem>>
      %dma_start3A_1637 = arith.constant 0 : i32
      %dma_start3A_1638 = tpu.memref_slice %arg6[%arg0, %add3A_1585, %dma_start3A_1637] : memref<2x10240x128xf32, #tpu.memory_space<hbm>> -> memref<1x80x128xf32, #tpu.memory_space<hbm>>
      %dma_start3A_1639 = tpu.memref_squeeze %dma_start3A_1638 : memref<1x80x128xf32, #tpu.memory_space<hbm>> -> memref<80x128xf32, #tpu.memory_space<hbm>>
      %dma_start3A_1640 = arith.constant 0 : i32
      %dma_start3A_1641 = tpu.memref_slice %arg6[%arg0, %add3A_1585, %dma_start3A_1640] : memref<2x10240x128xf32, #tpu.memory_space<hbm>> -> memref<1x80x128xf32, #tpu.memory_space<hbm>>
      %dma_start3A_1642 = tpu.memref_squeeze %dma_start3A_1641 : memref<1x80x128xf32, #tpu.memory_space<hbm>> -> memref<80x128xf32, #tpu.memory_space<hbm>>
      tpu.enqueue_dma source(%arg9 : memref<80x128xf32, #tpu.memory_space<vmem>>) target(%dma_start3A_1642 : memref<80x128xf32, #tpu.memory_space<hbm>>) target_semaphore(%run_scoped3A : memref<!tpu.dma_semaphore, #tpu.memory_space<semaphore_mem>>)
      %dma_wait3A_1643 = arith.constant 0 : i32
      %dma_wait3A_1644 = tpu.memref_slice %arg6[%arg0, %add3A_1585, %dma_wait3A_1643] : memref<2x10240x128xf32, #tpu.memory_space<hbm>> -> memref<1x80x128xf32, #tpu.memory_space<hbm>>
      %dma_wait3A_1645 = tpu.memref_squeeze %dma_wait3A_1644 : memref<1x80x128xf32, #tpu.memory_space<hbm>> -> memref<80x128xf32, #tpu.memory_space<hbm>>
      %dma_wait3A_1646 = arith.constant 0 : i32
      %dma_wait3A_1647 = tpu.memref_slice %arg6[%arg0, %add3A_1585, %dma_wait3A_1646] : memref<2x10240x128xf32, #tpu.memory_space<hbm>> -> memref<1x80x128xf32, #tpu.memory_space<hbm>>
      %dma_wait3A_1648 = tpu.memref_squeeze %dma_wait3A_1647 : memref<1x80x128xf32, #tpu.memory_space<hbm>> -> memref<80x128xf32, #tpu.memory_space<hbm>>
      tpu.wait_dma2 semaphore(%run_scoped3A : memref<!tpu.dma_semaphore, #tpu.memory_space<semaphore_mem>>) src(%arg9 : memref<80x128xf32, #tpu.memory_space<vmem>>) dst(%dma_wait3A_1648 : memref<80x128xf32, #tpu.memory_space<hbm>>)
      tpu.yield
    }) : () -> ()
    return
  }
}

#map = affine_map<(d0, d1) -> (0, 0)>
#map1 = affine_map<(d0, d1) -> (0, 0, 0, 0)>
#map2 = affine_map<(d0, d1) -> (0, 0, 0)>
module attributes {stable_mosaic.version = 14 : i64} {
  func.func @_agg_body(%arg0: i32, %arg1: i32, %arg2: memref<10240x128xf32, #tpu.memory_space<hbm>>, %arg3: memref<32x5x25x80xi32, #tpu.memory_space<hbm>>, %arg4: memref<32x5x25x80xi32, #tpu.memory_space<hbm>>, %arg5: memref<2x10240x128xf32, #tpu.memory_space<hbm>>, %arg6: memref<2x25x80xi32, #tpu.memory_space<vmem>>, %arg7: memref<80xi32, #tpu.memory_space<vmem>>, %arg8: memref<80x128xf32, #tpu.memory_space<vmem>>, %arg9: memref<80x128xf32, #tpu.memory_space<vmem>>, %arg10: memref<10240x128xf32, #tpu.memory_space<vmem_shared>>, %arg11: memref<!tpu.dma_semaphore, #tpu.memory_space<semaphore_mem>>, %arg12: memref<!tpu.dma_semaphore, #tpu.memory_space<semaphore_mem>>) attributes {dimension_semantics = [#tpu.dimension_semantics<core_parallel>, #tpu.dimension_semantics<subcore_parallel>], iteration_bounds = array<i64: 2, 16>, scalar_prefetch = 0 : i64, scratch_operands = 7 : i64, tpu.core_type = #tpu.core_type<sc_vector_subcore>, window_params = [{transform_indices = #map}, {transform_indices = #map1}, {transform_indices = #map1}, {transform_indices = #map2}]} {
    %mul3A = arith.constant 16 : i32
    %mul3A_0 = arith.muli %arg0, %mul3A : i32
    %add3A = arith.addi %mul3A_0, %arg1 : i32
    %mul3A_1 = arith.constant 640 : i32
    %mul3A_2 = arith.muli %arg1, %mul3A_1 : i32
    %scan3A = arith.constant 0 : i32
    %scan3A_3 = arith.constant 0 : i32
    %scan3A_4 = arith.constant 640 : i32
    %scan3A_5 = arith.addi %scan3A_3, %scan3A_4 : i32
    %scan3A_6 = arith.constant 1 : i32
    %scan3A_7 = scf.for %scan3A_813 = %scan3A_3 to %scan3A_5 step %scan3A_6 iter_args(%scan3A_814 = %scan3A) -> (i32)  : i32 {
      %broadcast_in_dim3A = arith.constant 0.000000e+00 : f32
      %broadcast_in_dim3A_815 = vector.broadcast %broadcast_in_dim3A : f32 to vector<16xf32>
      %jit3A = arith.constant 8 : i32
      %div3A = arith.divsi %scan3A_813, %jit3A : i32
      %sign3A = arith.constant 0 : i32
      %sign3A_816 = arith.cmpi sgt, %scan3A_813, %sign3A : i32
      %sign3A_817 = arith.extui %sign3A_816 : i1 to i32
      %sign3A_818 = arith.constant 0 : i32
      %sign3A_819 = arith.cmpi slt, %scan3A_813, %sign3A_818 : i32
      %sign3A_820 = arith.extui %sign3A_819 : i1 to i32
      %sign3A_821 = arith.subi %sign3A_817, %sign3A_820 : i32
      %sign3A_822 = arith.constant 0 : i32
      %sign3A_823 = arith.cmpi sgt, %jit3A, %sign3A_822 : i32
      %sign3A_824 = arith.extui %sign3A_823 : i1 to i32
      %sign3A_825 = arith.constant 0 : i32
      %sign3A_826 = arith.cmpi slt, %jit3A, %sign3A_825 : i32
      %sign3A_827 = arith.extui %sign3A_826 : i1 to i32
      %sign3A_828 = arith.subi %sign3A_824, %sign3A_827 : i32
      %ne3A = arith.cmpi ne, %sign3A_821, %sign3A_828 : i32
      %rem3A = arith.remsi %scan3A_813, %jit3A : i32
      %ne3A_829 = arith.constant 0 : i32
      %ne3A_830 = arith.cmpi ne, %rem3A, %ne3A_829 : i32
      %and3A = arith.andi %ne3A, %ne3A_830 : i1
      %sub3A = arith.constant 1 : i32
      %sub3A_831 = arith.subi %div3A, %sub3A : i32
      %select_n3A = arith.select %and3A, %sub3A_831, %div3A : i32
      %jit3A_832 = arith.constant 8 : i32
      %eq3A = arith.constant 0 : i32
      %eq3A_833 = arith.cmpi eq, %jit3A_832, %eq3A : i32
      %jit3A_834 = arith.constant 1 : i32
      %select_n3A_835 = arith.select %eq3A_833, %jit3A_834, %jit3A_832 : i32
      %rem3A_836 = arith.remsi %scan3A_813, %select_n3A_835 : i32
      %ne3A_837 = arith.constant 0 : i32
      %ne3A_838 = arith.cmpi ne, %rem3A_836, %ne3A_837 : i32
      %lt3A = arith.constant 0 : i32
      %lt3A_839 = arith.cmpi slt, %rem3A_836, %lt3A : i32
      %lt3A_840 = arith.constant 0 : i32
      %lt3A_841 = arith.cmpi slt, %select_n3A_835, %lt3A_840 : i32
      %ne3A_842 = arith.xori %lt3A_839, %lt3A_841 : i1
      %and3A_843 = arith.andi %ne3A_842, %ne3A_838 : i1
      %add3A_844 = arith.addi %rem3A_836, %select_n3A_835 : i32
      %select_n3A_845 = arith.select %and3A_843, %add3A_844, %rem3A_836 : i32
      %mul3A_846 = arith.constant 16 : i32
      %mul3A_847 = arith.muli %select_n3A_845, %mul3A_846 : i32
      %swap3A_848 = arith.index_cast %select_n3A : i32 to index
      %swap3A_849 = arith.index_cast %mul3A_847 : i32 to index
      %swap3A_850 = tpu.vector_load %arg8[%swap3A_848, %swap3A_849] {strides = array<i32>} : memref<80x128xf32, #tpu.memory_space<vmem>>, vector<1x16xf32>,
      %swap3A_851 = vector.shape_cast %swap3A_850 : vector<1x16xf32> to vector<16xf32>
      %swap3A_852 = vector.shape_cast %broadcast_in_dim3A_815 : vector<16xf32> to vector<1x16xf32>
      tpu.vector_store %arg8[%swap3A_848, %swap3A_849], %swap3A_852 {strides = array<i32>} : memref<80x128xf32, #tpu.memory_space<vmem>>, vector<1x16xf32>,
      %scan3A_853 = arith.constant 0 : i32
      scf.yield %scan3A_853 : i32
    }
    %scan3A_8 = arith.constant 640 : i32
    %add3A_9 = arith.constant 0 : i32
    %add3A_10 = arith.addi %mul3A_2, %add3A_9 : i32
    %iota3A = tpu.iota {dimensions = array<i32: 0>} : vector<16xi32>
    %add3A_11 = arith.constant 0 : i32
    %add3A_12 = arith.addi %add3A_10, %add3A_11 : i32
    %add3A_13 = vector.broadcast %add3A_12 : i32 to vector<16xi32>
    %add3A_14 = arith.addi %iota3A, %add3A_13 : vector<16xi32>
    %swap3A = arith.constant 0 : index
    %swap3A_15 = tpu.vector_load %arg7[%swap3A] {strides = array<i32>} : memref<80xi32, #tpu.memory_space<vmem>>, vector<16xi32>,
    %swap3A_16 = vector.shape_cast %swap3A_15 : vector<16xi32> to vector<16xi32>
    %swap3A_17 = vector.shape_cast %add3A_14 : vector<16xi32> to vector<16xi32>
    tpu.vector_store %arg7[%swap3A], %swap3A_17 {strides = array<i32>} : memref<80xi32, #tpu.memory_space<vmem>>, vector<16xi32>,
    %iota3A_18 = tpu.iota {dimensions = array<i32: 0>} : vector<16xi32>
    %add3A_19 = arith.constant 16 : i32
    %add3A_20 = arith.addi %add3A_10, %add3A_19 : i32
    %add3A_21 = vector.broadcast %add3A_20 : i32 to vector<16xi32>
    %add3A_22 = arith.addi %iota3A_18, %add3A_21 : vector<16xi32>
    %swap3A_23 = arith.constant 16 : index
    %swap3A_24 = tpu.vector_load %arg7[%swap3A_23] {strides = array<i32>} : memref<80xi32, #tpu.memory_space<vmem>>, vector<16xi32>,
    %swap3A_25 = vector.shape_cast %swap3A_24 : vector<16xi32> to vector<16xi32>
    %swap3A_26 = vector.shape_cast %add3A_22 : vector<16xi32> to vector<16xi32>
    tpu.vector_store %arg7[%swap3A_23], %swap3A_26 {strides = array<i32>} : memref<80xi32, #tpu.memory_space<vmem>>, vector<16xi32>,
    %iota3A_27 = tpu.iota {dimensions = array<i32: 0>} : vector<16xi32>
    %add3A_28 = arith.constant 32 : i32
    %add3A_29 = arith.addi %add3A_10, %add3A_28 : i32
    %add3A_30 = vector.broadcast %add3A_29 : i32 to vector<16xi32>
    %add3A_31 = arith.addi %iota3A_27, %add3A_30 : vector<16xi32>
    %swap3A_32 = arith.constant 32 : index
    %swap3A_33 = tpu.vector_load %arg7[%swap3A_32] {strides = array<i32>} : memref<80xi32, #tpu.memory_space<vmem>>, vector<16xi32>,
    %swap3A_34 = vector.shape_cast %swap3A_33 : vector<16xi32> to vector<16xi32>
    %swap3A_35 = vector.shape_cast %add3A_31 : vector<16xi32> to vector<16xi32>
    tpu.vector_store %arg7[%swap3A_32], %swap3A_35 {strides = array<i32>} : memref<80xi32, #tpu.memory_space<vmem>>, vector<16xi32>,
    %iota3A_36 = tpu.iota {dimensions = array<i32: 0>} : vector<16xi32>
    %add3A_37 = arith.constant 48 : i32
    %add3A_38 = arith.addi %add3A_10, %add3A_37 : i32
    %add3A_39 = vector.broadcast %add3A_38 : i32 to vector<16xi32>
    %add3A_40 = arith.addi %iota3A_36, %add3A_39 : vector<16xi32>
    %swap3A_41 = arith.constant 48 : index
    %swap3A_42 = tpu.vector_load %arg7[%swap3A_41] {strides = array<i32>} : memref<80xi32, #tpu.memory_space<vmem>>, vector<16xi32>,
    %swap3A_43 = vector.shape_cast %swap3A_42 : vector<16xi32> to vector<16xi32>
    %swap3A_44 = vector.shape_cast %add3A_40 : vector<16xi32> to vector<16xi32>
    tpu.vector_store %arg7[%swap3A_41], %swap3A_44 {strides = array<i32>} : memref<80xi32, #tpu.memory_space<vmem>>, vector<16xi32>,
    %iota3A_45 = tpu.iota {dimensions = array<i32: 0>} : vector<16xi32>
    %add3A_46 = arith.constant 64 : i32
    %add3A_47 = arith.addi %add3A_10, %add3A_46 : i32
    %add3A_48 = vector.broadcast %add3A_47 : i32 to vector<16xi32>
    %add3A_49 = arith.addi %iota3A_45, %add3A_48 : vector<16xi32>
    %swap3A_50 = arith.constant 64 : index
    %swap3A_51 = tpu.vector_load %arg7[%swap3A_50] {strides = array<i32>} : memref<80xi32, #tpu.memory_space<vmem>>, vector<16xi32>,
    %swap3A_52 = vector.shape_cast %swap3A_51 : vector<16xi32> to vector<16xi32>
    %swap3A_53 = vector.shape_cast %add3A_49 : vector<16xi32> to vector<16xi32>
    tpu.vector_store %arg7[%swap3A_50], %swap3A_53 {strides = array<i32>} : memref<80xi32, #tpu.memory_space<vmem>>, vector<16xi32>,
    "tpu.region"() ({
      %run_scoped3A = tpu.sem_alloc : memref<!tpu.dma_semaphore, #tpu.memory_space<semaphore_mem>>
      %dma_start3A_813 = arith.constant 0 : i32
      %dma_start3A_814 = arith.constant 0 : i32
      %dma_start3A_815 = tpu.memref_slice %arg10[%dma_start3A_813, %dma_start3A_814] : memref<10240x128xf32, #tpu.memory_space<vmem_shared>> -> memref<10240x128xf32, #tpu.memory_space<vmem_shared>>
      tpu.enqueue_indirect_dma source(%arg8 : memref<80x128xf32, #tpu.memory_space<vmem>>) target(%dma_start3A_815 : memref<10240x128xf32, #tpu.memory_space<vmem_shared>>) offsets(%arg7 : memref<80xi32, #tpu.memory_space<vmem>>) semaphore(%run_scoped3A : memref<!tpu.dma_semaphore, #tpu.memory_space<semaphore_mem>>)
      %dma_wait3A_816 = arith.constant 0 : i32
      %dma_wait3A_817 = arith.constant 0 : i32
      %dma_wait3A_818 = tpu.memref_slice %arg10[%dma_wait3A_816, %dma_wait3A_817] : memref<10240x128xf32, #tpu.memory_space<vmem_shared>> -> memref<10240x128xf32, #tpu.memory_space<vmem_shared>>
      tpu.wait_indirect_dma semaphore(%run_scoped3A : memref<!tpu.dma_semaphore, #tpu.memory_space<semaphore_mem>>) src(%arg8 : memref<80x128xf32, #tpu.memory_space<vmem>>) dst(%dma_wait3A_818 : memref<10240x128xf32, #tpu.memory_space<vmem_shared>>)
      tpu.yield
    }) : () -> ()
    %add3A_54 = arith.constant 80 : i32
    %add3A_55 = arith.addi %mul3A_2, %add3A_54 : i32
    %iota3A_56 = tpu.iota {dimensions = array<i32: 0>} : vector<16xi32>
    %add3A_57 = arith.constant 0 : i32
    %add3A_58 = arith.addi %add3A_55, %add3A_57 : i32
    %add3A_59 = vector.broadcast %add3A_58 : i32 to vector<16xi32>
    %add3A_60 = arith.addi %iota3A_56, %add3A_59 : vector<16xi32>
    %swap3A_61 = arith.constant 0 : index
    %swap3A_62 = tpu.vector_load %arg7[%swap3A_61] {strides = array<i32>} : memref<80xi32, #tpu.memory_space<vmem>>, vector<16xi32>,
    %swap3A_63 = vector.shape_cast %swap3A_62 : vector<16xi32> to vector<16xi32>
    %swap3A_64 = vector.shape_cast %add3A_60 : vector<16xi32> to vector<16xi32>
    tpu.vector_store %arg7[%swap3A_61], %swap3A_64 {strides = array<i32>} : memref<80xi32, #tpu.memory_space<vmem>>, vector<16xi32>,
    %iota3A_65 = tpu.iota {dimensions = array<i32: 0>} : vector<16xi32>
    %add3A_66 = arith.constant 16 : i32
    %add3A_67 = arith.addi %add3A_55, %add3A_66 : i32
    %add3A_68 = vector.broadcast %add3A_67 : i32 to vector<16xi32>
    %add3A_69 = arith.addi %iota3A_65, %add3A_68 : vector<16xi32>
    %swap3A_70 = arith.constant 16 : index
    %swap3A_71 = tpu.vector_load %arg7[%swap3A_70] {strides = array<i32>} : memref<80xi32, #tpu.memory_space<vmem>>, vector<16xi32>,
    %swap3A_72 = vector.shape_cast %swap3A_71 : vector<16xi32> to vector<16xi32>
    %swap3A_73 = vector.shape_cast %add3A_69 : vector<16xi32> to vector<16xi32>
    tpu.vector_store %arg7[%swap3A_70], %swap3A_73 {strides = array<i32>} : memref<80xi32, #tpu.memory_space<vmem>>, vector<16xi32>,
    %iota3A_74 = tpu.iota {dimensions = array<i32: 0>} : vector<16xi32>
    %add3A_75 = arith.constant 32 : i32
    %add3A_76 = arith.addi %add3A_55, %add3A_75 : i32
    %add3A_77 = vector.broadcast %add3A_76 : i32 to vector<16xi32>
    %add3A_78 = arith.addi %iota3A_74, %add3A_77 : vector<16xi32>
    %swap3A_79 = arith.constant 32 : index
    %swap3A_80 = tpu.vector_load %arg7[%swap3A_79] {strides = array<i32>} : memref<80xi32, #tpu.memory_space<vmem>>, vector<16xi32>,
    %swap3A_81 = vector.shape_cast %swap3A_80 : vector<16xi32> to vector<16xi32>
    %swap3A_82 = vector.shape_cast %add3A_78 : vector<16xi32> to vector<16xi32>
    tpu.vector_store %arg7[%swap3A_79], %swap3A_82 {strides = array<i32>} : memref<80xi32, #tpu.memory_space<vmem>>, vector<16xi32>,
    %iota3A_83 = tpu.iota {dimensions = array<i32: 0>} : vector<16xi32>
    %add3A_84 = arith.constant 48 : i32
    %add3A_85 = arith.addi %add3A_55, %add3A_84 : i32
    %add3A_86 = vector.broadcast %add3A_85 : i32 to vector<16xi32>
    %add3A_87 = arith.addi %iota3A_83, %add3A_86 : vector<16xi32>
    %swap3A_88 = arith.constant 48 : index
    %swap3A_89 = tpu.vector_load %arg7[%swap3A_88] {strides = array<i32>} : memref<80xi32, #tpu.memory_space<vmem>>, vector<16xi32>,
    %swap3A_90 = vector.shape_cast %swap3A_89 : vector<16xi32> to vector<16xi32>
    %swap3A_91 = vector.shape_cast %add3A_87 : vector<16xi32> to vector<16xi32>
    tpu.vector_store %arg7[%swap3A_88], %swap3A_91 {strides = array<i32>} : memref<80xi32, #tpu.memory_space<vmem>>, vector<16xi32>,
    %iota3A_92 = tpu.iota {dimensions = array<i32: 0>} : vector<16xi32>
    %add3A_93 = arith.constant 64 : i32
    %add3A_94 = arith.addi %add3A_55, %add3A_93 : i32
    %add3A_95 = vector.broadcast %add3A_94 : i32 to vector<16xi32>
    %add3A_96 = arith.addi %iota3A_92, %add3A_95 : vector<16xi32>
    %swap3A_97 = arith.constant 64 : index
    %swap3A_98 = tpu.vector_load %arg7[%swap3A_97] {strides = array<i32>} : memref<80xi32, #tpu.memory_space<vmem>>, vector<16xi32>,
    %swap3A_99 = vector.shape_cast %swap3A_98 : vector<16xi32> to vector<16xi32>
    %swap3A_100 = vector.shape_cast %add3A_96 : vector<16xi32> to vector<16xi32>
    tpu.vector_store %arg7[%swap3A_97], %swap3A_100 {strides = array<i32>} : memref<80xi32, #tpu.memory_space<vmem>>, vector<16xi32>,
    "tpu.region"() ({
      %run_scoped3A = tpu.sem_alloc : memref<!tpu.dma_semaphore, #tpu.memory_space<semaphore_mem>>
      %dma_start3A_813 = arith.constant 0 : i32
      %dma_start3A_814 = arith.constant 0 : i32
      %dma_start3A_815 = tpu.memref_slice %arg10[%dma_start3A_813, %dma_start3A_814] : memref<10240x128xf32, #tpu.memory_space<vmem_shared>> -> memref<10240x128xf32, #tpu.memory_space<vmem_shared>>
      tpu.enqueue_indirect_dma source(%arg8 : memref<80x128xf32, #tpu.memory_space<vmem>>) target(%dma_start3A_815 : memref<10240x128xf32, #tpu.memory_space<vmem_shared>>) offsets(%arg7 : memref<80xi32, #tpu.memory_space<vmem>>) semaphore(%run_scoped3A : memref<!tpu.dma_semaphore, #tpu.memory_space<semaphore_mem>>)
      %dma_wait3A_816 = arith.constant 0 : i32
      %dma_wait3A_817 = arith.constant 0 : i32
      %dma_wait3A_818 = tpu.memref_slice %arg10[%dma_wait3A_816, %dma_wait3A_817] : memref<10240x128xf32, #tpu.memory_space<vmem_shared>> -> memref<10240x128xf32, #tpu.memory_space<vmem_shared>>
      tpu.wait_indirect_dma semaphore(%run_scoped3A : memref<!tpu.dma_semaphore, #tpu.memory_space<semaphore_mem>>) src(%arg8 : memref<80x128xf32, #tpu.memory_space<vmem>>) dst(%dma_wait3A_818 : memref<10240x128xf32, #tpu.memory_space<vmem_shared>>)
      tpu.yield
    }) : () -> ()
    %add3A_101 = arith.constant 160 : i32
    %add3A_102 = arith.addi %mul3A_2, %add3A_101 : i32
    %iota3A_103 = tpu.iota {dimensions = array<i32: 0>} : vector<16xi32>
    %add3A_104 = arith.constant 0 : i32
    %add3A_105 = arith.addi %add3A_102, %add3A_104 : i32
    %add3A_106 = vector.broadcast %add3A_105 : i32 to vector<16xi32>
    %add3A_107 = arith.addi %iota3A_103, %add3A_106 : vector<16xi32>
    %swap3A_108 = arith.constant 0 : index
    %swap3A_109 = tpu.vector_load %arg7[%swap3A_108] {strides = array<i32>} : memref<80xi32, #tpu.memory_space<vmem>>, vector<16xi32>,
    %swap3A_110 = vector.shape_cast %swap3A_109 : vector<16xi32> to vector<16xi32>
    %swap3A_111 = vector.shape_cast %add3A_107 : vector<16xi32> to vector<16xi32>
    tpu.vector_store %arg7[%swap3A_108], %swap3A_111 {strides = array<i32>} : memref<80xi32, #tpu.memory_space<vmem>>, vector<16xi32>,
    %iota3A_112 = tpu.iota {dimensions = array<i32: 0>} : vector<16xi32>
    %add3A_113 = arith.constant 16 : i32
    %add3A_114 = arith.addi %add3A_102, %add3A_113 : i32
    %add3A_115 = vector.broadcast %add3A_114 : i32 to vector<16xi32>
    %add3A_116 = arith.addi %iota3A_112, %add3A_115 : vector<16xi32>
    %swap3A_117 = arith.constant 16 : index
    %swap3A_118 = tpu.vector_load %arg7[%swap3A_117] {strides = array<i32>} : memref<80xi32, #tpu.memory_space<vmem>>, vector<16xi32>,
    %swap3A_119 = vector.shape_cast %swap3A_118 : vector<16xi32> to vector<16xi32>
    %swap3A_120 = vector.shape_cast %add3A_116 : vector<16xi32> to vector<16xi32>
    tpu.vector_store %arg7[%swap3A_117], %swap3A_120 {strides = array<i32>} : memref<80xi32, #tpu.memory_space<vmem>>, vector<16xi32>,
    %iota3A_121 = tpu.iota {dimensions = array<i32: 0>} : vector<16xi32>
    %add3A_122 = arith.constant 32 : i32
    %add3A_123 = arith.addi %add3A_102, %add3A_122 : i32
    %add3A_124 = vector.broadcast %add3A_123 : i32 to vector<16xi32>
    %add3A_125 = arith.addi %iota3A_121, %add3A_124 : vector<16xi32>
    %swap3A_126 = arith.constant 32 : index
    %swap3A_127 = tpu.vector_load %arg7[%swap3A_126] {strides = array<i32>} : memref<80xi32, #tpu.memory_space<vmem>>, vector<16xi32>,
    %swap3A_128 = vector.shape_cast %swap3A_127 : vector<16xi32> to vector<16xi32>
    %swap3A_129 = vector.shape_cast %add3A_125 : vector<16xi32> to vector<16xi32>
    tpu.vector_store %arg7[%swap3A_126], %swap3A_129 {strides = array<i32>} : memref<80xi32, #tpu.memory_space<vmem>>, vector<16xi32>,
    %iota3A_130 = tpu.iota {dimensions = array<i32: 0>} : vector<16xi32>
    %add3A_131 = arith.constant 48 : i32
    %add3A_132 = arith.addi %add3A_102, %add3A_131 : i32
    %add3A_133 = vector.broadcast %add3A_132 : i32 to vector<16xi32>
    %add3A_134 = arith.addi %iota3A_130, %add3A_133 : vector<16xi32>
    %swap3A_135 = arith.constant 48 : index
    %swap3A_136 = tpu.vector_load %arg7[%swap3A_135] {strides = array<i32>} : memref<80xi32, #tpu.memory_space<vmem>>, vector<16xi32>,
    %swap3A_137 = vector.shape_cast %swap3A_136 : vector<16xi32> to vector<16xi32>
    %swap3A_138 = vector.shape_cast %add3A_134 : vector<16xi32> to vector<16xi32>
    tpu.vector_store %arg7[%swap3A_135], %swap3A_138 {strides = array<i32>} : memref<80xi32, #tpu.memory_space<vmem>>, vector<16xi32>,
    %iota3A_139 = tpu.iota {dimensions = array<i32: 0>} : vector<16xi32>
    %add3A_140 = arith.constant 64 : i32
    %add3A_141 = arith.addi %add3A_102, %add3A_140 : i32
    %add3A_142 = vector.broadcast %add3A_141 : i32 to vector<16xi32>
    %add3A_143 = arith.addi %iota3A_139, %add3A_142 : vector<16xi32>
    %swap3A_144 = arith.constant 64 : index
    %swap3A_145 = tpu.vector_load %arg7[%swap3A_144] {strides = array<i32>} : memref<80xi32, #tpu.memory_space<vmem>>, vector<16xi32>,
    %swap3A_146 = vector.shape_cast %swap3A_145 : vector<16xi32> to vector<16xi32>
    %swap3A_147 = vector.shape_cast %add3A_143 : vector<16xi32> to vector<16xi32>
    tpu.vector_store %arg7[%swap3A_144], %swap3A_147 {strides = array<i32>} : memref<80xi32, #tpu.memory_space<vmem>>, vector<16xi32>,
    "tpu.region"() ({
      %run_scoped3A = tpu.sem_alloc : memref<!tpu.dma_semaphore, #tpu.memory_space<semaphore_mem>>
      %dma_start3A_813 = arith.constant 0 : i32
      %dma_start3A_814 = arith.constant 0 : i32
      %dma_start3A_815 = tpu.memref_slice %arg10[%dma_start3A_813, %dma_start3A_814] : memref<10240x128xf32, #tpu.memory_space<vmem_shared>> -> memref<10240x128xf32, #tpu.memory_space<vmem_shared>>
      tpu.enqueue_indirect_dma source(%arg8 : memref<80x128xf32, #tpu.memory_space<vmem>>) target(%dma_start3A_815 : memref<10240x128xf32, #tpu.memory_space<vmem_shared>>) offsets(%arg7 : memref<80xi32, #tpu.memory_space<vmem>>) semaphore(%run_scoped3A : memref<!tpu.dma_semaphore, #tpu.memory_space<semaphore_mem>>)
      %dma_wait3A_816 = arith.constant 0 : i32
      %dma_wait3A_817 = arith.constant 0 : i32
      %dma_wait3A_818 = tpu.memref_slice %arg10[%dma_wait3A_816, %dma_wait3A_817] : memref<10240x128xf32, #tpu.memory_space<vmem_shared>> -> memref<10240x128xf32, #tpu.memory_space<vmem_shared>>
      tpu.wait_indirect_dma semaphore(%run_scoped3A : memref<!tpu.dma_semaphore, #tpu.memory_space<semaphore_mem>>) src(%arg8 : memref<80x128xf32, #tpu.memory_space<vmem>>) dst(%dma_wait3A_818 : memref<10240x128xf32, #tpu.memory_space<vmem_shared>>)
      tpu.yield
    }) : () -> ()
    %add3A_148 = arith.constant 240 : i32
    %add3A_149 = arith.addi %mul3A_2, %add3A_148 : i32
    %iota3A_150 = tpu.iota {dimensions = array<i32: 0>} : vector<16xi32>
    %add3A_151 = arith.constant 0 : i32
    %add3A_152 = arith.addi %add3A_149, %add3A_151 : i32
    %add3A_153 = vector.broadcast %add3A_152 : i32 to vector<16xi32>
    %add3A_154 = arith.addi %iota3A_150, %add3A_153 : vector<16xi32>
    %swap3A_155 = arith.constant 0 : index
    %swap3A_156 = tpu.vector_load %arg7[%swap3A_155] {strides = array<i32>} : memref<80xi32, #tpu.memory_space<vmem>>, vector<16xi32>,
    %swap3A_157 = vector.shape_cast %swap3A_156 : vector<16xi32> to vector<16xi32>
    %swap3A_158 = vector.shape_cast %add3A_154 : vector<16xi32> to vector<16xi32>
    tpu.vector_store %arg7[%swap3A_155], %swap3A_158 {strides = array<i32>} : memref<80xi32, #tpu.memory_space<vmem>>, vector<16xi32>,
    %iota3A_159 = tpu.iota {dimensions = array<i32: 0>} : vector<16xi32>
    %add3A_160 = arith.constant 16 : i32
    %add3A_161 = arith.addi %add3A_149, %add3A_160 : i32
    %add3A_162 = vector.broadcast %add3A_161 : i32 to vector<16xi32>
    %add3A_163 = arith.addi %iota3A_159, %add3A_162 : vector<16xi32>
    %swap3A_164 = arith.constant 16 : index
    %swap3A_165 = tpu.vector_load %arg7[%swap3A_164] {strides = array<i32>} : memref<80xi32, #tpu.memory_space<vmem>>, vector<16xi32>,
    %swap3A_166 = vector.shape_cast %swap3A_165 : vector<16xi32> to vector<16xi32>
    %swap3A_167 = vector.shape_cast %add3A_163 : vector<16xi32> to vector<16xi32>
    tpu.vector_store %arg7[%swap3A_164], %swap3A_167 {strides = array<i32>} : memref<80xi32, #tpu.memory_space<vmem>>, vector<16xi32>,
    %iota3A_168 = tpu.iota {dimensions = array<i32: 0>} : vector<16xi32>
    %add3A_169 = arith.constant 32 : i32
    %add3A_170 = arith.addi %add3A_149, %add3A_169 : i32
    %add3A_171 = vector.broadcast %add3A_170 : i32 to vector<16xi32>
    %add3A_172 = arith.addi %iota3A_168, %add3A_171 : vector<16xi32>
    %swap3A_173 = arith.constant 32 : index
    %swap3A_174 = tpu.vector_load %arg7[%swap3A_173] {strides = array<i32>} : memref<80xi32, #tpu.memory_space<vmem>>, vector<16xi32>,
    %swap3A_175 = vector.shape_cast %swap3A_174 : vector<16xi32> to vector<16xi32>
    %swap3A_176 = vector.shape_cast %add3A_172 : vector<16xi32> to vector<16xi32>
    tpu.vector_store %arg7[%swap3A_173], %swap3A_176 {strides = array<i32>} : memref<80xi32, #tpu.memory_space<vmem>>, vector<16xi32>,
    %iota3A_177 = tpu.iota {dimensions = array<i32: 0>} : vector<16xi32>
    %add3A_178 = arith.constant 48 : i32
    %add3A_179 = arith.addi %add3A_149, %add3A_178 : i32
    %add3A_180 = vector.broadcast %add3A_179 : i32 to vector<16xi32>
    %add3A_181 = arith.addi %iota3A_177, %add3A_180 : vector<16xi32>
    %swap3A_182 = arith.constant 48 : index
    %swap3A_183 = tpu.vector_load %arg7[%swap3A_182] {strides = array<i32>} : memref<80xi32, #tpu.memory_space<vmem>>, vector<16xi32>,
    %swap3A_184 = vector.shape_cast %swap3A_183 : vector<16xi32> to vector<16xi32>
    %swap3A_185 = vector.shape_cast %add3A_181 : vector<16xi32> to vector<16xi32>
    tpu.vector_store %arg7[%swap3A_182], %swap3A_185 {strides = array<i32>} : memref<80xi32, #tpu.memory_space<vmem>>, vector<16xi32>,
    %iota3A_186 = tpu.iota {dimensions = array<i32: 0>} : vector<16xi32>
    %add3A_187 = arith.constant 64 : i32
    %add3A_188 = arith.addi %add3A_149, %add3A_187 : i32
    %add3A_189 = vector.broadcast %add3A_188 : i32 to vector<16xi32>
    %add3A_190 = arith.addi %iota3A_186, %add3A_189 : vector<16xi32>
    %swap3A_191 = arith.constant 64 : index
    %swap3A_192 = tpu.vector_load %arg7[%swap3A_191] {strides = array<i32>} : memref<80xi32, #tpu.memory_space<vmem>>, vector<16xi32>,
    %swap3A_193 = vector.shape_cast %swap3A_192 : vector<16xi32> to vector<16xi32>
    %swap3A_194 = vector.shape_cast %add3A_190 : vector<16xi32> to vector<16xi32>
    tpu.vector_store %arg7[%swap3A_191], %swap3A_194 {strides = array<i32>} : memref<80xi32, #tpu.memory_space<vmem>>, vector<16xi32>,
    "tpu.region"() ({
      %run_scoped3A = tpu.sem_alloc : memref<!tpu.dma_semaphore, #tpu.memory_space<semaphore_mem>>
      %dma_start3A_813 = arith.constant 0 : i32
      %dma_start3A_814 = arith.constant 0 : i32
      %dma_start3A_815 = tpu.memref_slice %arg10[%dma_start3A_813, %dma_start3A_814] : memref<10240x128xf32, #tpu.memory_space<vmem_shared>> -> memref<10240x128xf32, #tpu.memory_space<vmem_shared>>
      tpu.enqueue_indirect_dma source(%arg8 : memref<80x128xf32, #tpu.memory_space<vmem>>) target(%dma_start3A_815 : memref<10240x128xf32, #tpu.memory_space<vmem_shared>>) offsets(%arg7 : memref<80xi32, #tpu.memory_space<vmem>>) semaphore(%run_scoped3A : memref<!tpu.dma_semaphore, #tpu.memory_space<semaphore_mem>>)
      %dma_wait3A_816 = arith.constant 0 : i32
      %dma_wait3A_817 = arith.constant 0 : i32
      %dma_wait3A_818 = tpu.memref_slice %arg10[%dma_wait3A_816, %dma_wait3A_817] : memref<10240x128xf32, #tpu.memory_space<vmem_shared>> -> memref<10240x128xf32, #tpu.memory_space<vmem_shared>>
      tpu.wait_indirect_dma semaphore(%run_scoped3A : memref<!tpu.dma_semaphore, #tpu.memory_space<semaphore_mem>>) src(%arg8 : memref<80x128xf32, #tpu.memory_space<vmem>>) dst(%dma_wait3A_818 : memref<10240x128xf32, #tpu.memory_space<vmem_shared>>)
      tpu.yield
    }) : () -> ()
    %add3A_195 = arith.constant 320 : i32
    %add3A_196 = arith.addi %mul3A_2, %add3A_195 : i32
    %iota3A_197 = tpu.iota {dimensions = array<i32: 0>} : vector<16xi32>
    %add3A_198 = arith.constant 0 : i32
    %add3A_199 = arith.addi %add3A_196, %add3A_198 : i32
    %add3A_200 = vector.broadcast %add3A_199 : i32 to vector<16xi32>
    %add3A_201 = arith.addi %iota3A_197, %add3A_200 : vector<16xi32>
    %swap3A_202 = arith.constant 0 : index
    %swap3A_203 = tpu.vector_load %arg7[%swap3A_202] {strides = array<i32>} : memref<80xi32, #tpu.memory_space<vmem>>, vector<16xi32>,
    %swap3A_204 = vector.shape_cast %swap3A_203 : vector<16xi32> to vector<16xi32>
    %swap3A_205 = vector.shape_cast %add3A_201 : vector<16xi32> to vector<16xi32>
    tpu.vector_store %arg7[%swap3A_202], %swap3A_205 {strides = array<i32>} : memref<80xi32, #tpu.memory_space<vmem>>, vector<16xi32>,
    %iota3A_206 = tpu.iota {dimensions = array<i32: 0>} : vector<16xi32>
    %add3A_207 = arith.constant 16 : i32
    %add3A_208 = arith.addi %add3A_196, %add3A_207 : i32
    %add3A_209 = vector.broadcast %add3A_208 : i32 to vector<16xi32>
    %add3A_210 = arith.addi %iota3A_206, %add3A_209 : vector<16xi32>
    %swap3A_211 = arith.constant 16 : index
    %swap3A_212 = tpu.vector_load %arg7[%swap3A_211] {strides = array<i32>} : memref<80xi32, #tpu.memory_space<vmem>>, vector<16xi32>,
    %swap3A_213 = vector.shape_cast %swap3A_212 : vector<16xi32> to vector<16xi32>
    %swap3A_214 = vector.shape_cast %add3A_210 : vector<16xi32> to vector<16xi32>
    tpu.vector_store %arg7[%swap3A_211], %swap3A_214 {strides = array<i32>} : memref<80xi32, #tpu.memory_space<vmem>>, vector<16xi32>,
    %iota3A_215 = tpu.iota {dimensions = array<i32: 0>} : vector<16xi32>
    %add3A_216 = arith.constant 32 : i32
    %add3A_217 = arith.addi %add3A_196, %add3A_216 : i32
    %add3A_218 = vector.broadcast %add3A_217 : i32 to vector<16xi32>
    %add3A_219 = arith.addi %iota3A_215, %add3A_218 : vector<16xi32>
    %swap3A_220 = arith.constant 32 : index
    %swap3A_221 = tpu.vector_load %arg7[%swap3A_220] {strides = array<i32>} : memref<80xi32, #tpu.memory_space<vmem>>, vector<16xi32>,
    %swap3A_222 = vector.shape_cast %swap3A_221 : vector<16xi32> to vector<16xi32>
    %swap3A_223 = vector.shape_cast %add3A_219 : vector<16xi32> to vector<16xi32>
    tpu.vector_store %arg7[%swap3A_220], %swap3A_223 {strides = array<i32>} : memref<80xi32, #tpu.memory_space<vmem>>, vector<16xi32>,
    %iota3A_224 = tpu.iota {dimensions = array<i32: 0>} : vector<16xi32>
    %add3A_225 = arith.constant 48 : i32
    %add3A_226 = arith.addi %add3A_196, %add3A_225 : i32
    %add3A_227 = vector.broadcast %add3A_226 : i32 to vector<16xi32>
    %add3A_228 = arith.addi %iota3A_224, %add3A_227 : vector<16xi32>
    %swap3A_229 = arith.constant 48 : index
    %swap3A_230 = tpu.vector_load %arg7[%swap3A_229] {strides = array<i32>} : memref<80xi32, #tpu.memory_space<vmem>>, vector<16xi32>,
    %swap3A_231 = vector.shape_cast %swap3A_230 : vector<16xi32> to vector<16xi32>
    %swap3A_232 = vector.shape_cast %add3A_228 : vector<16xi32> to vector<16xi32>
    tpu.vector_store %arg7[%swap3A_229], %swap3A_232 {strides = array<i32>} : memref<80xi32, #tpu.memory_space<vmem>>, vector<16xi32>,
    %iota3A_233 = tpu.iota {dimensions = array<i32: 0>} : vector<16xi32>
    %add3A_234 = arith.constant 64 : i32
    %add3A_235 = arith.addi %add3A_196, %add3A_234 : i32
    %add3A_236 = vector.broadcast %add3A_235 : i32 to vector<16xi32>
    %add3A_237 = arith.addi %iota3A_233, %add3A_236 : vector<16xi32>
    %swap3A_238 = arith.constant 64 : index
    %swap3A_239 = tpu.vector_load %arg7[%swap3A_238] {strides = array<i32>} : memref<80xi32, #tpu.memory_space<vmem>>, vector<16xi32>,
    %swap3A_240 = vector.shape_cast %swap3A_239 : vector<16xi32> to vector<16xi32>
    %swap3A_241 = vector.shape_cast %add3A_237 : vector<16xi32> to vector<16xi32>
    tpu.vector_store %arg7[%swap3A_238], %swap3A_241 {strides = array<i32>} : memref<80xi32, #tpu.memory_space<vmem>>, vector<16xi32>,
    "tpu.region"() ({
      %run_scoped3A = tpu.sem_alloc : memref<!tpu.dma_semaphore, #tpu.memory_space<semaphore_mem>>
      %dma_start3A_813 = arith.constant 0 : i32
      %dma_start3A_814 = arith.constant 0 : i32
      %dma_start3A_815 = tpu.memref_slice %arg10[%dma_start3A_813, %dma_start3A_814] : memref<10240x128xf32, #tpu.memory_space<vmem_shared>> -> memref<10240x128xf32, #tpu.memory_space<vmem_shared>>
      tpu.enqueue_indirect_dma source(%arg8 : memref<80x128xf32, #tpu.memory_space<vmem>>) target(%dma_start3A_815 : memref<10240x128xf32, #tpu.memory_space<vmem_shared>>) offsets(%arg7 : memref<80xi32, #tpu.memory_space<vmem>>) semaphore(%run_scoped3A : memref<!tpu.dma_semaphore, #tpu.memory_space<semaphore_mem>>)
      %dma_wait3A_816 = arith.constant 0 : i32
      %dma_wait3A_817 = arith.constant 0 : i32
      %dma_wait3A_818 = tpu.memref_slice %arg10[%dma_wait3A_816, %dma_wait3A_817] : memref<10240x128xf32, #tpu.memory_space<vmem_shared>> -> memref<10240x128xf32, #tpu.memory_space<vmem_shared>>
      tpu.wait_indirect_dma semaphore(%run_scoped3A : memref<!tpu.dma_semaphore, #tpu.memory_space<semaphore_mem>>) src(%arg8 : memref<80x128xf32, #tpu.memory_space<vmem>>) dst(%dma_wait3A_818 : memref<10240x128xf32, #tpu.memory_space<vmem_shared>>)
      tpu.yield
    }) : () -> ()
    %add3A_242 = arith.constant 400 : i32
    %add3A_243 = arith.addi %mul3A_2, %add3A_242 : i32
    %iota3A_244 = tpu.iota {dimensions = array<i32: 0>} : vector<16xi32>
    %add3A_245 = arith.constant 0 : i32
    %add3A_246 = arith.addi %add3A_243, %add3A_245 : i32
    %add3A_247 = vector.broadcast %add3A_246 : i32 to vector<16xi32>
    %add3A_248 = arith.addi %iota3A_244, %add3A_247 : vector<16xi32>
    %swap3A_249 = arith.constant 0 : index
    %swap3A_250 = tpu.vector_load %arg7[%swap3A_249] {strides = array<i32>} : memref<80xi32, #tpu.memory_space<vmem>>, vector<16xi32>,
    %swap3A_251 = vector.shape_cast %swap3A_250 : vector<16xi32> to vector<16xi32>
    %swap3A_252 = vector.shape_cast %add3A_248 : vector<16xi32> to vector<16xi32>
    tpu.vector_store %arg7[%swap3A_249], %swap3A_252 {strides = array<i32>} : memref<80xi32, #tpu.memory_space<vmem>>, vector<16xi32>,
    %iota3A_253 = tpu.iota {dimensions = array<i32: 0>} : vector<16xi32>
    %add3A_254 = arith.constant 16 : i32
    %add3A_255 = arith.addi %add3A_243, %add3A_254 : i32
    %add3A_256 = vector.broadcast %add3A_255 : i32 to vector<16xi32>
    %add3A_257 = arith.addi %iota3A_253, %add3A_256 : vector<16xi32>
    %swap3A_258 = arith.constant 16 : index
    %swap3A_259 = tpu.vector_load %arg7[%swap3A_258] {strides = array<i32>} : memref<80xi32, #tpu.memory_space<vmem>>, vector<16xi32>,
    %swap3A_260 = vector.shape_cast %swap3A_259 : vector<16xi32> to vector<16xi32>
    %swap3A_261 = vector.shape_cast %add3A_257 : vector<16xi32> to vector<16xi32>
    tpu.vector_store %arg7[%swap3A_258], %swap3A_261 {strides = array<i32>} : memref<80xi32, #tpu.memory_space<vmem>>, vector<16xi32>,
    %iota3A_262 = tpu.iota {dimensions = array<i32: 0>} : vector<16xi32>
    %add3A_263 = arith.constant 32 : i32
    %add3A_264 = arith.addi %add3A_243, %add3A_263 : i32
    %add3A_265 = vector.broadcast %add3A_264 : i32 to vector<16xi32>
    %add3A_266 = arith.addi %iota3A_262, %add3A_265 : vector<16xi32>
    %swap3A_267 = arith.constant 32 : index
    %swap3A_268 = tpu.vector_load %arg7[%swap3A_267] {strides = array<i32>} : memref<80xi32, #tpu.memory_space<vmem>>, vector<16xi32>,
    %swap3A_269 = vector.shape_cast %swap3A_268 : vector<16xi32> to vector<16xi32>
    %swap3A_270 = vector.shape_cast %add3A_266 : vector<16xi32> to vector<16xi32>
    tpu.vector_store %arg7[%swap3A_267], %swap3A_270 {strides = array<i32>} : memref<80xi32, #tpu.memory_space<vmem>>, vector<16xi32>,
    %iota3A_271 = tpu.iota {dimensions = array<i32: 0>} : vector<16xi32>
    %add3A_272 = arith.constant 48 : i32
    %add3A_273 = arith.addi %add3A_243, %add3A_272 : i32
    %add3A_274 = vector.broadcast %add3A_273 : i32 to vector<16xi32>
    %add3A_275 = arith.addi %iota3A_271, %add3A_274 : vector<16xi32>
    %swap3A_276 = arith.constant 48 : index
    %swap3A_277 = tpu.vector_load %arg7[%swap3A_276] {strides = array<i32>} : memref<80xi32, #tpu.memory_space<vmem>>, vector<16xi32>,
    %swap3A_278 = vector.shape_cast %swap3A_277 : vector<16xi32> to vector<16xi32>
    %swap3A_279 = vector.shape_cast %add3A_275 : vector<16xi32> to vector<16xi32>
    tpu.vector_store %arg7[%swap3A_276], %swap3A_279 {strides = array<i32>} : memref<80xi32, #tpu.memory_space<vmem>>, vector<16xi32>,
    %iota3A_280 = tpu.iota {dimensions = array<i32: 0>} : vector<16xi32>
    %add3A_281 = arith.constant 64 : i32
    %add3A_282 = arith.addi %add3A_243, %add3A_281 : i32
    %add3A_283 = vector.broadcast %add3A_282 : i32 to vector<16xi32>
    %add3A_284 = arith.addi %iota3A_280, %add3A_283 : vector<16xi32>
    %swap3A_285 = arith.constant 64 : index
    %swap3A_286 = tpu.vector_load %arg7[%swap3A_285] {strides = array<i32>} : memref<80xi32, #tpu.memory_space<vmem>>, vector<16xi32>,
    %swap3A_287 = vector.shape_cast %swap3A_286 : vector<16xi32> to vector<16xi32>
    %swap3A_288 = vector.shape_cast %add3A_284 : vector<16xi32> to vector<16xi32>
    tpu.vector_store %arg7[%swap3A_285], %swap3A_288 {strides = array<i32>} : memref<80xi32, #tpu.memory_space<vmem>>, vector<16xi32>,
    "tpu.region"() ({
      %run_scoped3A = tpu.sem_alloc : memref<!tpu.dma_semaphore, #tpu.memory_space<semaphore_mem>>
      %dma_start3A_813 = arith.constant 0 : i32
      %dma_start3A_814 = arith.constant 0 : i32
      %dma_start3A_815 = tpu.memref_slice %arg10[%dma_start3A_813, %dma_start3A_814] : memref<10240x128xf32, #tpu.memory_space<vmem_shared>> -> memref<10240x128xf32, #tpu.memory_space<vmem_shared>>
      tpu.enqueue_indirect_dma source(%arg8 : memref<80x128xf32, #tpu.memory_space<vmem>>) target(%dma_start3A_815 : memref<10240x128xf32, #tpu.memory_space<vmem_shared>>) offsets(%arg7 : memref<80xi32, #tpu.memory_space<vmem>>) semaphore(%run_scoped3A : memref<!tpu.dma_semaphore, #tpu.memory_space<semaphore_mem>>)
      %dma_wait3A_816 = arith.constant 0 : i32
      %dma_wait3A_817 = arith.constant 0 : i32
      %dma_wait3A_818 = tpu.memref_slice %arg10[%dma_wait3A_816, %dma_wait3A_817] : memref<10240x128xf32, #tpu.memory_space<vmem_shared>> -> memref<10240x128xf32, #tpu.memory_space<vmem_shared>>
      tpu.wait_indirect_dma semaphore(%run_scoped3A : memref<!tpu.dma_semaphore, #tpu.memory_space<semaphore_mem>>) src(%arg8 : memref<80x128xf32, #tpu.memory_space<vmem>>) dst(%dma_wait3A_818 : memref<10240x128xf32, #tpu.memory_space<vmem_shared>>)
      tpu.yield
    }) : () -> ()
    %add3A_289 = arith.constant 480 : i32
    %add3A_290 = arith.addi %mul3A_2, %add3A_289 : i32
    %iota3A_291 = tpu.iota {dimensions = array<i32: 0>} : vector<16xi32>
    %add3A_292 = arith.constant 0 : i32
    %add3A_293 = arith.addi %add3A_290, %add3A_292 : i32
    %add3A_294 = vector.broadcast %add3A_293 : i32 to vector<16xi32>
    %add3A_295 = arith.addi %iota3A_291, %add3A_294 : vector<16xi32>
    %swap3A_296 = arith.constant 0 : index
    %swap3A_297 = tpu.vector_load %arg7[%swap3A_296] {strides = array<i32>} : memref<80xi32, #tpu.memory_space<vmem>>, vector<16xi32>,
    %swap3A_298 = vector.shape_cast %swap3A_297 : vector<16xi32> to vector<16xi32>
    %swap3A_299 = vector.shape_cast %add3A_295 : vector<16xi32> to vector<16xi32>
    tpu.vector_store %arg7[%swap3A_296], %swap3A_299 {strides = array<i32>} : memref<80xi32, #tpu.memory_space<vmem>>, vector<16xi32>,
    %iota3A_300 = tpu.iota {dimensions = array<i32: 0>} : vector<16xi32>
    %add3A_301 = arith.constant 16 : i32
    %add3A_302 = arith.addi %add3A_290, %add3A_301 : i32
    %add3A_303 = vector.broadcast %add3A_302 : i32 to vector<16xi32>
    %add3A_304 = arith.addi %iota3A_300, %add3A_303 : vector<16xi32>
    %swap3A_305 = arith.constant 16 : index
    %swap3A_306 = tpu.vector_load %arg7[%swap3A_305] {strides = array<i32>} : memref<80xi32, #tpu.memory_space<vmem>>, vector<16xi32>,
    %swap3A_307 = vector.shape_cast %swap3A_306 : vector<16xi32> to vector<16xi32>
    %swap3A_308 = vector.shape_cast %add3A_304 : vector<16xi32> to vector<16xi32>
    tpu.vector_store %arg7[%swap3A_305], %swap3A_308 {strides = array<i32>} : memref<80xi32, #tpu.memory_space<vmem>>, vector<16xi32>,
    %iota3A_309 = tpu.iota {dimensions = array<i32: 0>} : vector<16xi32>
    %add3A_310 = arith.constant 32 : i32
    %add3A_311 = arith.addi %add3A_290, %add3A_310 : i32
    %add3A_312 = vector.broadcast %add3A_311 : i32 to vector<16xi32>
    %add3A_313 = arith.addi %iota3A_309, %add3A_312 : vector<16xi32>
    %swap3A_314 = arith.constant 32 : index
    %swap3A_315 = tpu.vector_load %arg7[%swap3A_314] {strides = array<i32>} : memref<80xi32, #tpu.memory_space<vmem>>, vector<16xi32>,
    %swap3A_316 = vector.shape_cast %swap3A_315 : vector<16xi32> to vector<16xi32>
    %swap3A_317 = vector.shape_cast %add3A_313 : vector<16xi32> to vector<16xi32>
    tpu.vector_store %arg7[%swap3A_314], %swap3A_317 {strides = array<i32>} : memref<80xi32, #tpu.memory_space<vmem>>, vector<16xi32>,
    %iota3A_318 = tpu.iota {dimensions = array<i32: 0>} : vector<16xi32>
    %add3A_319 = arith.constant 48 : i32
    %add3A_320 = arith.addi %add3A_290, %add3A_319 : i32
    %add3A_321 = vector.broadcast %add3A_320 : i32 to vector<16xi32>
    %add3A_322 = arith.addi %iota3A_318, %add3A_321 : vector<16xi32>
    %swap3A_323 = arith.constant 48 : index
    %swap3A_324 = tpu.vector_load %arg7[%swap3A_323] {strides = array<i32>} : memref<80xi32, #tpu.memory_space<vmem>>, vector<16xi32>,
    %swap3A_325 = vector.shape_cast %swap3A_324 : vector<16xi32> to vector<16xi32>
    %swap3A_326 = vector.shape_cast %add3A_322 : vector<16xi32> to vector<16xi32>
    tpu.vector_store %arg7[%swap3A_323], %swap3A_326 {strides = array<i32>} : memref<80xi32, #tpu.memory_space<vmem>>, vector<16xi32>,
    %iota3A_327 = tpu.iota {dimensions = array<i32: 0>} : vector<16xi32>
    %add3A_328 = arith.constant 64 : i32
    %add3A_329 = arith.addi %add3A_290, %add3A_328 : i32
    %add3A_330 = vector.broadcast %add3A_329 : i32 to vector<16xi32>
    %add3A_331 = arith.addi %iota3A_327, %add3A_330 : vector<16xi32>
    %swap3A_332 = arith.constant 64 : index
    %swap3A_333 = tpu.vector_load %arg7[%swap3A_332] {strides = array<i32>} : memref<80xi32, #tpu.memory_space<vmem>>, vector<16xi32>,
    %swap3A_334 = vector.shape_cast %swap3A_333 : vector<16xi32> to vector<16xi32>
    %swap3A_335 = vector.shape_cast %add3A_331 : vector<16xi32> to vector<16xi32>
    tpu.vector_store %arg7[%swap3A_332], %swap3A_335 {strides = array<i32>} : memref<80xi32, #tpu.memory_space<vmem>>, vector<16xi32>,
    "tpu.region"() ({
      %run_scoped3A = tpu.sem_alloc : memref<!tpu.dma_semaphore, #tpu.memory_space<semaphore_mem>>
      %dma_start3A_813 = arith.constant 0 : i32
      %dma_start3A_814 = arith.constant 0 : i32
      %dma_start3A_815 = tpu.memref_slice %arg10[%dma_start3A_813, %dma_start3A_814] : memref<10240x128xf32, #tpu.memory_space<vmem_shared>> -> memref<10240x128xf32, #tpu.memory_space<vmem_shared>>
      tpu.enqueue_indirect_dma source(%arg8 : memref<80x128xf32, #tpu.memory_space<vmem>>) target(%dma_start3A_815 : memref<10240x128xf32, #tpu.memory_space<vmem_shared>>) offsets(%arg7 : memref<80xi32, #tpu.memory_space<vmem>>) semaphore(%run_scoped3A : memref<!tpu.dma_semaphore, #tpu.memory_space<semaphore_mem>>)
      %dma_wait3A_816 = arith.constant 0 : i32
      %dma_wait3A_817 = arith.constant 0 : i32
      %dma_wait3A_818 = tpu.memref_slice %arg10[%dma_wait3A_816, %dma_wait3A_817] : memref<10240x128xf32, #tpu.memory_space<vmem_shared>> -> memref<10240x128xf32, #tpu.memory_space<vmem_shared>>
      tpu.wait_indirect_dma semaphore(%run_scoped3A : memref<!tpu.dma_semaphore, #tpu.memory_space<semaphore_mem>>) src(%arg8 : memref<80x128xf32, #tpu.memory_space<vmem>>) dst(%dma_wait3A_818 : memref<10240x128xf32, #tpu.memory_space<vmem_shared>>)
      tpu.yield
    }) : () -> ()
    %add3A_336 = arith.constant 560 : i32
    %add3A_337 = arith.addi %mul3A_2, %add3A_336 : i32
    %iota3A_338 = tpu.iota {dimensions = array<i32: 0>} : vector<16xi32>
    %add3A_339 = arith.constant 0 : i32
    %add3A_340 = arith.addi %add3A_337, %add3A_339 : i32
    %add3A_341 = vector.broadcast %add3A_340 : i32 to vector<16xi32>
    %add3A_342 = arith.addi %iota3A_338, %add3A_341 : vector<16xi32>
    %swap3A_343 = arith.constant 0 : index
    %swap3A_344 = tpu.vector_load %arg7[%swap3A_343] {strides = array<i32>} : memref<80xi32, #tpu.memory_space<vmem>>, vector<16xi32>,
    %swap3A_345 = vector.shape_cast %swap3A_344 : vector<16xi32> to vector<16xi32>
    %swap3A_346 = vector.shape_cast %add3A_342 : vector<16xi32> to vector<16xi32>
    tpu.vector_store %arg7[%swap3A_343], %swap3A_346 {strides = array<i32>} : memref<80xi32, #tpu.memory_space<vmem>>, vector<16xi32>,
    %iota3A_347 = tpu.iota {dimensions = array<i32: 0>} : vector<16xi32>
    %add3A_348 = arith.constant 16 : i32
    %add3A_349 = arith.addi %add3A_337, %add3A_348 : i32
    %add3A_350 = vector.broadcast %add3A_349 : i32 to vector<16xi32>
    %add3A_351 = arith.addi %iota3A_347, %add3A_350 : vector<16xi32>
    %swap3A_352 = arith.constant 16 : index
    %swap3A_353 = tpu.vector_load %arg7[%swap3A_352] {strides = array<i32>} : memref<80xi32, #tpu.memory_space<vmem>>, vector<16xi32>,
    %swap3A_354 = vector.shape_cast %swap3A_353 : vector<16xi32> to vector<16xi32>
    %swap3A_355 = vector.shape_cast %add3A_351 : vector<16xi32> to vector<16xi32>
    tpu.vector_store %arg7[%swap3A_352], %swap3A_355 {strides = array<i32>} : memref<80xi32, #tpu.memory_space<vmem>>, vector<16xi32>,
    %iota3A_356 = tpu.iota {dimensions = array<i32: 0>} : vector<16xi32>
    %add3A_357 = arith.constant 32 : i32
    %add3A_358 = arith.addi %add3A_337, %add3A_357 : i32
    %add3A_359 = vector.broadcast %add3A_358 : i32 to vector<16xi32>
    %add3A_360 = arith.addi %iota3A_356, %add3A_359 : vector<16xi32>
    %swap3A_361 = arith.constant 32 : index
    %swap3A_362 = tpu.vector_load %arg7[%swap3A_361] {strides = array<i32>} : memref<80xi32, #tpu.memory_space<vmem>>, vector<16xi32>,
    %swap3A_363 = vector.shape_cast %swap3A_362 : vector<16xi32> to vector<16xi32>
    %swap3A_364 = vector.shape_cast %add3A_360 : vector<16xi32> to vector<16xi32>
    tpu.vector_store %arg7[%swap3A_361], %swap3A_364 {strides = array<i32>} : memref<80xi32, #tpu.memory_space<vmem>>, vector<16xi32>,
    %iota3A_365 = tpu.iota {dimensions = array<i32: 0>} : vector<16xi32>
    %add3A_366 = arith.constant 48 : i32
    %add3A_367 = arith.addi %add3A_337, %add3A_366 : i32
    %add3A_368 = vector.broadcast %add3A_367 : i32 to vector<16xi32>
    %add3A_369 = arith.addi %iota3A_365, %add3A_368 : vector<16xi32>
    %swap3A_370 = arith.constant 48 : index
    %swap3A_371 = tpu.vector_load %arg7[%swap3A_370] {strides = array<i32>} : memref<80xi32, #tpu.memory_space<vmem>>, vector<16xi32>,
    %swap3A_372 = vector.shape_cast %swap3A_371 : vector<16xi32> to vector<16xi32>
    %swap3A_373 = vector.shape_cast %add3A_369 : vector<16xi32> to vector<16xi32>
    tpu.vector_store %arg7[%swap3A_370], %swap3A_373 {strides = array<i32>} : memref<80xi32, #tpu.memory_space<vmem>>, vector<16xi32>,
    %iota3A_374 = tpu.iota {dimensions = array<i32: 0>} : vector<16xi32>
    %add3A_375 = arith.constant 64 : i32
    %add3A_376 = arith.addi %add3A_337, %add3A_375 : i32
    %add3A_377 = vector.broadcast %add3A_376 : i32 to vector<16xi32>
    %add3A_378 = arith.addi %iota3A_374, %add3A_377 : vector<16xi32>
    %swap3A_379 = arith.constant 64 : index
    %swap3A_380 = tpu.vector_load %arg7[%swap3A_379] {strides = array<i32>} : memref<80xi32, #tpu.memory_space<vmem>>, vector<16xi32>,
    %swap3A_381 = vector.shape_cast %swap3A_380 : vector<16xi32> to vector<16xi32>
    %swap3A_382 = vector.shape_cast %add3A_378 : vector<16xi32> to vector<16xi32>
    tpu.vector_store %arg7[%swap3A_379], %swap3A_382 {strides = array<i32>} : memref<80xi32, #tpu.memory_space<vmem>>, vector<16xi32>,
    "tpu.region"() ({
      %run_scoped3A = tpu.sem_alloc : memref<!tpu.dma_semaphore, #tpu.memory_space<semaphore_mem>>
      %dma_start3A_813 = arith.constant 0 : i32
      %dma_start3A_814 = arith.constant 0 : i32
      %dma_start3A_815 = tpu.memref_slice %arg10[%dma_start3A_813, %dma_start3A_814] : memref<10240x128xf32, #tpu.memory_space<vmem_shared>> -> memref<10240x128xf32, #tpu.memory_space<vmem_shared>>
      tpu.enqueue_indirect_dma source(%arg8 : memref<80x128xf32, #tpu.memory_space<vmem>>) target(%dma_start3A_815 : memref<10240x128xf32, #tpu.memory_space<vmem_shared>>) offsets(%arg7 : memref<80xi32, #tpu.memory_space<vmem>>) semaphore(%run_scoped3A : memref<!tpu.dma_semaphore, #tpu.memory_space<semaphore_mem>>)
      %dma_wait3A_816 = arith.constant 0 : i32
      %dma_wait3A_817 = arith.constant 0 : i32
      %dma_wait3A_818 = tpu.memref_slice %arg10[%dma_wait3A_816, %dma_wait3A_817] : memref<10240x128xf32, #tpu.memory_space<vmem_shared>> -> memref<10240x128xf32, #tpu.memory_space<vmem_shared>>
      tpu.wait_indirect_dma semaphore(%run_scoped3A : memref<!tpu.dma_semaphore, #tpu.memory_space<semaphore_mem>>) src(%arg8 : memref<80x128xf32, #tpu.memory_space<vmem>>) dst(%dma_wait3A_818 : memref<10240x128xf32, #tpu.memory_space<vmem_shared>>)
      tpu.yield
    }) : () -> ()
    %barrier3A = arith.constant 0 : index
    tpu.barrier barrier_id(%barrier3A)
    %scan3A_383 = arith.constant 0 : i32
    %scan3A_384 = arith.constant 0 : i32
    %scan3A_385 = arith.constant 5 : i32
    %scan3A_386 = arith.addi %scan3A_384, %scan3A_385 : i32
    %scan3A_387 = arith.constant 1 : i32
    %scan3A_388 = scf.for %scan3A_813 = %scan3A_384 to %scan3A_386 step %scan3A_387 iter_args(%scan3A_814 = %scan3A_383) -> (i32)  : i32 {
      %run_scoped3A = arith.constant 0 : i32
      "tpu.region"() ({
        %run_scoped3A_842 = tpu.sem_alloc : memref<!tpu.dma_semaphore, #tpu.memory_space<semaphore_mem>>
        %dma_start3A_843 = arith.constant 0 : i32
        %dma_start3A_844 = arith.constant 0 : i32
        %dma_start3A_845 = tpu.memref_slice %arg6[%run_scoped3A, %dma_start3A_843, %dma_start3A_844] : memref<2x25x80xi32, #tpu.memory_space<vmem>> -> memref<1x25x80xi32, #tpu.memory_space<vmem>>
        %dma_start3A_846 = tpu.memref_squeeze %dma_start3A_845 : memref<1x25x80xi32, #tpu.memory_space<vmem>> -> memref<25x80xi32, #tpu.memory_space<vmem>>
        %dma_start3A_847 = arith.constant 0 : i32
        %dma_start3A_848 = arith.constant 0 : i32
        %dma_start3A_849 = tpu.memref_slice %arg3[%add3A, %scan3A_813, %dma_start3A_847, %dma_start3A_848] : memref<32x5x25x80xi32, #tpu.memory_space<hbm>> -> memref<1x1x25x80xi32, #tpu.memory_space<hbm>>
        %dma_start3A_850 = tpu.memref_squeeze %dma_start3A_849 : memref<1x1x25x80xi32, #tpu.memory_space<hbm>> -> memref<25x80xi32, #tpu.memory_space<hbm>>
        %dma_start3A_851 = arith.constant 0 : i32
        %dma_start3A_852 = arith.constant 0 : i32
        %dma_start3A_853 = tpu.memref_slice %arg6[%run_scoped3A, %dma_start3A_851, %dma_start3A_852] : memref<2x25x80xi32, #tpu.memory_space<vmem>> -> memref<1x25x80xi32, #tpu.memory_space<vmem>>
        %dma_start3A_854 = tpu.memref_squeeze %dma_start3A_853 : memref<1x25x80xi32, #tpu.memory_space<vmem>> -> memref<25x80xi32, #tpu.memory_space<vmem>>
        %dma_start3A_855 = arith.constant 0 : i32
        %dma_start3A_856 = arith.constant 0 : i32
        %dma_start3A_857 = tpu.memref_slice %arg3[%add3A, %scan3A_813, %dma_start3A_855, %dma_start3A_856] : memref<32x5x25x80xi32, #tpu.memory_space<hbm>> -> memref<1x1x25x80xi32, #tpu.memory_space<hbm>>
        %dma_start3A_858 = tpu.memref_squeeze %dma_start3A_857 : memref<1x1x25x80xi32, #tpu.memory_space<hbm>> -> memref<25x80xi32, #tpu.memory_space<hbm>>
        tpu.enqueue_dma source(%dma_start3A_858 : memref<25x80xi32, #tpu.memory_space<hbm>>) target(%dma_start3A_854 : memref<25x80xi32, #tpu.memory_space<vmem>>) target_semaphore(%run_scoped3A_842 : memref<!tpu.dma_semaphore, #tpu.memory_space<semaphore_mem>>)
        %dma_wait3A_859 = arith.constant 0 : i32
        %dma_wait3A_860 = arith.constant 0 : i32
        %dma_wait3A_861 = tpu.memref_slice %arg6[%run_scoped3A, %dma_wait3A_859, %dma_wait3A_860] : memref<2x25x80xi32, #tpu.memory_space<vmem>> -> memref<1x25x80xi32, #tpu.memory_space<vmem>>
        %dma_wait3A_862 = tpu.memref_squeeze %dma_wait3A_861 : memref<1x25x80xi32, #tpu.memory_space<vmem>> -> memref<25x80xi32, #tpu.memory_space<vmem>>
        %dma_wait3A_863 = arith.constant 0 : i32
        %dma_wait3A_864 = arith.constant 0 : i32
        %dma_wait3A_865 = tpu.memref_slice %arg3[%add3A, %scan3A_813, %dma_wait3A_863, %dma_wait3A_864] : memref<32x5x25x80xi32, #tpu.memory_space<hbm>> -> memref<1x1x25x80xi32, #tpu.memory_space<hbm>>
        %dma_wait3A_866 = tpu.memref_squeeze %dma_wait3A_865 : memref<1x1x25x80xi32, #tpu.memory_space<hbm>> -> memref<25x80xi32, #tpu.memory_space<hbm>>
        %dma_wait3A_867 = arith.constant 0 : i32
        %dma_wait3A_868 = arith.constant 0 : i32
        %dma_wait3A_869 = tpu.memref_slice %arg6[%run_scoped3A, %dma_wait3A_867, %dma_wait3A_868] : memref<2x25x80xi32, #tpu.memory_space<vmem>> -> memref<1x25x80xi32, #tpu.memory_space<vmem>>
        %dma_wait3A_870 = tpu.memref_squeeze %dma_wait3A_869 : memref<1x25x80xi32, #tpu.memory_space<vmem>> -> memref<25x80xi32, #tpu.memory_space<vmem>>
        %dma_wait3A_871 = arith.constant 0 : i32
        %dma_wait3A_872 = arith.constant 0 : i32
        %dma_wait3A_873 = tpu.memref_slice %arg3[%add3A, %scan3A_813, %dma_wait3A_871, %dma_wait3A_872] : memref<32x5x25x80xi32, #tpu.memory_space<hbm>> -> memref<1x1x25x80xi32, #tpu.memory_space<hbm>>
        %dma_wait3A_874 = tpu.memref_squeeze %dma_wait3A_873 : memref<1x1x25x80xi32, #tpu.memory_space<hbm>> -> memref<25x80xi32, #tpu.memory_space<hbm>>
        tpu.wait_dma2 semaphore(%run_scoped3A_842 : memref<!tpu.dma_semaphore, #tpu.memory_space<semaphore_mem>>) src(%dma_wait3A_874 : memref<25x80xi32, #tpu.memory_space<hbm>>) dst(%dma_wait3A_870 : memref<25x80xi32, #tpu.memory_space<vmem>>)
        tpu.yield
      }) : () -> ()
      %run_scoped3A_815 = arith.constant 1 : i32
      "tpu.region"() ({
        %run_scoped3A_842 = tpu.sem_alloc : memref<!tpu.dma_semaphore, #tpu.memory_space<semaphore_mem>>
        %dma_start3A_843 = arith.constant 0 : i32
        %dma_start3A_844 = arith.constant 0 : i32
        %dma_start3A_845 = tpu.memref_slice %arg6[%run_scoped3A_815, %dma_start3A_843, %dma_start3A_844] : memref<2x25x80xi32, #tpu.memory_space<vmem>> -> memref<1x25x80xi32, #tpu.memory_space<vmem>>
        %dma_start3A_846 = tpu.memref_squeeze %dma_start3A_845 : memref<1x25x80xi32, #tpu.memory_space<vmem>> -> memref<25x80xi32, #tpu.memory_space<vmem>>
        %dma_start3A_847 = arith.constant 0 : i32
        %dma_start3A_848 = arith.constant 0 : i32
        %dma_start3A_849 = tpu.memref_slice %arg4[%add3A, %scan3A_813, %dma_start3A_847, %dma_start3A_848] : memref<32x5x25x80xi32, #tpu.memory_space<hbm>> -> memref<1x1x25x80xi32, #tpu.memory_space<hbm>>
        %dma_start3A_850 = tpu.memref_squeeze %dma_start3A_849 : memref<1x1x25x80xi32, #tpu.memory_space<hbm>> -> memref<25x80xi32, #tpu.memory_space<hbm>>
        %dma_start3A_851 = arith.constant 0 : i32
        %dma_start3A_852 = arith.constant 0 : i32
        %dma_start3A_853 = tpu.memref_slice %arg6[%run_scoped3A_815, %dma_start3A_851, %dma_start3A_852] : memref<2x25x80xi32, #tpu.memory_space<vmem>> -> memref<1x25x80xi32, #tpu.memory_space<vmem>>
        %dma_start3A_854 = tpu.memref_squeeze %dma_start3A_853 : memref<1x25x80xi32, #tpu.memory_space<vmem>> -> memref<25x80xi32, #tpu.memory_space<vmem>>
        %dma_start3A_855 = arith.constant 0 : i32
        %dma_start3A_856 = arith.constant 0 : i32
        %dma_start3A_857 = tpu.memref_slice %arg4[%add3A, %scan3A_813, %dma_start3A_855, %dma_start3A_856] : memref<32x5x25x80xi32, #tpu.memory_space<hbm>> -> memref<1x1x25x80xi32, #tpu.memory_space<hbm>>
        %dma_start3A_858 = tpu.memref_squeeze %dma_start3A_857 : memref<1x1x25x80xi32, #tpu.memory_space<hbm>> -> memref<25x80xi32, #tpu.memory_space<hbm>>
        tpu.enqueue_dma source(%dma_start3A_858 : memref<25x80xi32, #tpu.memory_space<hbm>>) target(%dma_start3A_854 : memref<25x80xi32, #tpu.memory_space<vmem>>) target_semaphore(%run_scoped3A_842 : memref<!tpu.dma_semaphore, #tpu.memory_space<semaphore_mem>>)
        %dma_wait3A_859 = arith.constant 0 : i32
        %dma_wait3A_860 = arith.constant 0 : i32
        %dma_wait3A_861 = tpu.memref_slice %arg6[%run_scoped3A_815, %dma_wait3A_859, %dma_wait3A_860] : memref<2x25x80xi32, #tpu.memory_space<vmem>> -> memref<1x25x80xi32, #tpu.memory_space<vmem>>
        %dma_wait3A_862 = tpu.memref_squeeze %dma_wait3A_861 : memref<1x25x80xi32, #tpu.memory_space<vmem>> -> memref<25x80xi32, #tpu.memory_space<vmem>>
        %dma_wait3A_863 = arith.constant 0 : i32
        %dma_wait3A_864 = arith.constant 0 : i32
        %dma_wait3A_865 = tpu.memref_slice %arg4[%add3A, %scan3A_813, %dma_wait3A_863, %dma_wait3A_864] : memref<32x5x25x80xi32, #tpu.memory_space<hbm>> -> memref<1x1x25x80xi32, #tpu.memory_space<hbm>>
        %dma_wait3A_866 = tpu.memref_squeeze %dma_wait3A_865 : memref<1x1x25x80xi32, #tpu.memory_space<hbm>> -> memref<25x80xi32, #tpu.memory_space<hbm>>
        %dma_wait3A_867 = arith.constant 0 : i32
        %dma_wait3A_868 = arith.constant 0 : i32
        %dma_wait3A_869 = tpu.memref_slice %arg6[%run_scoped3A_815, %dma_wait3A_867, %dma_wait3A_868] : memref<2x25x80xi32, #tpu.memory_space<vmem>> -> memref<1x25x80xi32, #tpu.memory_space<vmem>>
        %dma_wait3A_870 = tpu.memref_squeeze %dma_wait3A_869 : memref<1x25x80xi32, #tpu.memory_space<vmem>> -> memref<25x80xi32, #tpu.memory_space<vmem>>
        %dma_wait3A_871 = arith.constant 0 : i32
        %dma_wait3A_872 = arith.constant 0 : i32
        %dma_wait3A_873 = tpu.memref_slice %arg4[%add3A, %scan3A_813, %dma_wait3A_871, %dma_wait3A_872] : memref<32x5x25x80xi32, #tpu.memory_space<hbm>> -> memref<1x1x25x80xi32, #tpu.memory_space<hbm>>
        %dma_wait3A_874 = tpu.memref_squeeze %dma_wait3A_873 : memref<1x1x25x80xi32, #tpu.memory_space<hbm>> -> memref<25x80xi32, #tpu.memory_space<hbm>>
        tpu.wait_dma2 semaphore(%run_scoped3A_842 : memref<!tpu.dma_semaphore, #tpu.memory_space<semaphore_mem>>) src(%dma_wait3A_874 : memref<25x80xi32, #tpu.memory_space<hbm>>) dst(%dma_wait3A_870 : memref<25x80xi32, #tpu.memory_space<vmem>>)
        tpu.yield
      }) : () -> ()
      %dma_start3A_816 = arith.constant 0 : i32
      %dma_start3A_817 = arith.constant 0 : i32
      %dma_start3A_818 = arith.constant 0 : i32
      %dma_start3A_819 = tpu.memref_slice %arg6[%dma_start3A_816, %dma_start3A_817, %dma_start3A_818] : memref<2x25x80xi32, #tpu.memory_space<vmem>> -> memref<1x1x80xi32, #tpu.memory_space<vmem>>
      %dma_start3A_820 = tpu.memref_squeeze %dma_start3A_819 : memref<1x1x80xi32, #tpu.memory_space<vmem>> -> memref<80xi32, #tpu.memory_space<vmem>>
      %dma_start3A_821 = arith.constant 0 : i32
      %dma_start3A_822 = arith.constant 0 : i32
      %dma_start3A_823 = tpu.memref_slice %arg2[%dma_start3A_821, %dma_start3A_822] : memref<10240x128xf32, #tpu.memory_space<hbm>> -> memref<10240x128xf32, #tpu.memory_space<hbm>>
      tpu.enqueue_indirect_dma source(%dma_start3A_823 : memref<10240x128xf32, #tpu.memory_space<hbm>>) target(%arg8 : memref<80x128xf32, #tpu.memory_space<vmem>>) offsets(%dma_start3A_820 : memref<80xi32, #tpu.memory_space<vmem>>) semaphore(%arg11 : memref<!tpu.dma_semaphore, #tpu.memory_space<semaphore_mem>>)
      %scan3A_824 = arith.constant 0 : i32
      %scan3A_825 = arith.constant 0 : i32
      %scan3A_826 = arith.constant 12 : i32
      %scan3A_827 = arith.addi %scan3A_825, %scan3A_826 : i32
      %scan3A_828 = arith.constant 1 : i32
      %scan3A_829 = scf.for %scan3A_842 = %scan3A_825 to %scan3A_827 step %scan3A_828 iter_args(%scan3A_843 = %scan3A_824) -> (i32)  : i32 {
        %mul3A_844 = arith.constant 2 : i32
        %mul3A_845 = arith.muli %mul3A_844, %scan3A_842 : i32
        %add3A_846 = arith.constant 1 : i32
        %add3A_847 = arith.addi %mul3A_845, %add3A_846 : i32
        %dma_start3A_848 = arith.constant 0 : i32
        %dma_start3A_849 = arith.constant 0 : i32
        %dma_start3A_850 = tpu.memref_slice %arg6[%dma_start3A_848, %add3A_847, %dma_start3A_849] : memref<2x25x80xi32, #tpu.memory_space<vmem>> -> memref<1x1x80xi32, #tpu.memory_space<vmem>>
        %dma_start3A_851 = tpu.memref_squeeze %dma_start3A_850 : memref<1x1x80xi32, #tpu.memory_space<vmem>> -> memref<80xi32, #tpu.memory_space<vmem>>
        %dma_start3A_852 = arith.constant 0 : i32
        %dma_start3A_853 = arith.constant 0 : i32
        %dma_start3A_854 = tpu.memref_slice %arg2[%dma_start3A_852, %dma_start3A_853] : memref<10240x128xf32, #tpu.memory_space<hbm>> -> memref<10240x128xf32, #tpu.memory_space<hbm>>
        tpu.enqueue_indirect_dma source(%dma_start3A_854 : memref<10240x128xf32, #tpu.memory_space<hbm>>) target(%arg9 : memref<80x128xf32, #tpu.memory_space<vmem>>) offsets(%dma_start3A_851 : memref<80xi32, #tpu.memory_space<vmem>>) semaphore(%arg12 : memref<!tpu.dma_semaphore, #tpu.memory_space<semaphore_mem>>)
        %dma_wait3A_855 = arith.constant 0 : i32
        %dma_wait3A_856 = arith.constant 0 : i32
        %dma_wait3A_857 = tpu.memref_slice %arg6[%dma_wait3A_855, %mul3A_845, %dma_wait3A_856] : memref<2x25x80xi32, #tpu.memory_space<vmem>> -> memref<1x1x80xi32, #tpu.memory_space<vmem>>
        %dma_wait3A_858 = tpu.memref_squeeze %dma_wait3A_857 : memref<1x1x80xi32, #tpu.memory_space<vmem>> -> memref<80xi32, #tpu.memory_space<vmem>>
        %dma_wait3A_859 = arith.constant 0 : i32
        %dma_wait3A_860 = arith.constant 0 : i32
        %dma_wait3A_861 = tpu.memref_slice %arg2[%dma_wait3A_859, %dma_wait3A_860] : memref<10240x128xf32, #tpu.memory_space<hbm>> -> memref<10240x128xf32, #tpu.memory_space<hbm>>
        tpu.wait_indirect_dma semaphore(%arg11 : memref<!tpu.dma_semaphore, #tpu.memory_space<semaphore_mem>>) src(%dma_wait3A_861 : memref<10240x128xf32, #tpu.memory_space<hbm>>) dst(%arg8 : memref<80x128xf32, #tpu.memory_space<vmem>>)
        %run_scoped3A_862 = arith.constant 1 : i32
        "tpu.region"() ({
          %run_scoped3A_885 = tpu.sem_alloc : memref<!tpu.dma_semaphore, #tpu.memory_space<semaphore_mem>>
          %dma_start3A_886 = arith.constant 0 : i32
          %dma_start3A_887 = tpu.memref_slice %arg6[%run_scoped3A_862, %mul3A_845, %dma_start3A_886] : memref<2x25x80xi32, #tpu.memory_space<vmem>> -> memref<1x1x80xi32, #tpu.memory_space<vmem>>
          %dma_start3A_888 = tpu.memref_squeeze %dma_start3A_887 : memref<1x1x80xi32, #tpu.memory_space<vmem>> -> memref<80xi32, #tpu.memory_space<vmem>>
          %dma_start3A_889 = arith.constant 0 : i32
          %dma_start3A_890 = arith.constant 0 : i32
          %dma_start3A_891 = tpu.memref_slice %arg10[%dma_start3A_889, %dma_start3A_890] : memref<10240x128xf32, #tpu.memory_space<vmem_shared>> -> memref<10240x128xf32, #tpu.memory_space<vmem_shared>>
          tpu.enqueue_indirect_dma source(%arg8 : memref<80x128xf32, #tpu.memory_space<vmem>>) target(%dma_start3A_891 : memref<10240x128xf32, #tpu.memory_space<vmem_shared>>) offsets(%dma_start3A_888 : memref<80xi32, #tpu.memory_space<vmem>>) semaphore(%run_scoped3A_885 : memref<!tpu.dma_semaphore, #tpu.memory_space<semaphore_mem>>) {add = true}
          %dma_wait3A_892 = arith.constant 0 : i32
          %dma_wait3A_893 = tpu.memref_slice %arg6[%run_scoped3A_862, %mul3A_845, %dma_wait3A_892] : memref<2x25x80xi32, #tpu.memory_space<vmem>> -> memref<1x1x80xi32, #tpu.memory_space<vmem>>
          %dma_wait3A_894 = tpu.memref_squeeze %dma_wait3A_893 : memref<1x1x80xi32, #tpu.memory_space<vmem>> -> memref<80xi32, #tpu.memory_space<vmem>>
          %dma_wait3A_895 = arith.constant 0 : i32
          %dma_wait3A_896 = arith.constant 0 : i32
          %dma_wait3A_897 = tpu.memref_slice %arg10[%dma_wait3A_895, %dma_wait3A_896] : memref<10240x128xf32, #tpu.memory_space<vmem_shared>> -> memref<10240x128xf32, #tpu.memory_space<vmem_shared>>
          tpu.wait_indirect_dma semaphore(%run_scoped3A_885 : memref<!tpu.dma_semaphore, #tpu.memory_space<semaphore_mem>>) src(%arg8 : memref<80x128xf32, #tpu.memory_space<vmem>>) dst(%dma_wait3A_897 : memref<10240x128xf32, #tpu.memory_space<vmem_shared>>)
          tpu.yield
        }) : () -> ()
        %add3A_863 = arith.constant 2 : i32
        %add3A_864 = arith.addi %mul3A_845, %add3A_863 : i32
        %dma_start3A_865 = arith.constant 0 : i32
        %dma_start3A_866 = arith.constant 0 : i32
        %dma_start3A_867 = tpu.memref_slice %arg6[%dma_start3A_865, %add3A_864, %dma_start3A_866] : memref<2x25x80xi32, #tpu.memory_space<vmem>> -> memref<1x1x80xi32, #tpu.memory_space<vmem>>
        %dma_start3A_868 = tpu.memref_squeeze %dma_start3A_867 : memref<1x1x80xi32, #tpu.memory_space<vmem>> -> memref<80xi32, #tpu.memory_space<vmem>>
        %dma_start3A_869 = arith.constant 0 : i32
        %dma_start3A_870 = arith.constant 0 : i32
        %dma_start3A_871 = tpu.memref_slice %arg2[%dma_start3A_869, %dma_start3A_870] : memref<10240x128xf32, #tpu.memory_space<hbm>> -> memref<10240x128xf32, #tpu.memory_space<hbm>>
        tpu.enqueue_indirect_dma source(%dma_start3A_871 : memref<10240x128xf32, #tpu.memory_space<hbm>>) target(%arg8 : memref<80x128xf32, #tpu.memory_space<vmem>>) offsets(%dma_start3A_868 : memref<80xi32, #tpu.memory_space<vmem>>) semaphore(%arg11 : memref<!tpu.dma_semaphore, #tpu.memory_space<semaphore_mem>>)
        %add3A_872 = arith.constant 1 : i32
        %add3A_873 = arith.addi %mul3A_845, %add3A_872 : i32
        %dma_wait3A_874 = arith.constant 0 : i32
        %dma_wait3A_875 = arith.constant 0 : i32
        %dma_wait3A_876 = tpu.memref_slice %arg6[%dma_wait3A_874, %add3A_873, %dma_wait3A_875] : memref<2x25x80xi32, #tpu.memory_space<vmem>> -> memref<1x1x80xi32, #tpu.memory_space<vmem>>
        %dma_wait3A_877 = tpu.memref_squeeze %dma_wait3A_876 : memref<1x1x80xi32, #tpu.memory_space<vmem>> -> memref<80xi32, #tpu.memory_space<vmem>>
        %dma_wait3A_878 = arith.constant 0 : i32
        %dma_wait3A_879 = arith.constant 0 : i32
        %dma_wait3A_880 = tpu.memref_slice %arg2[%dma_wait3A_878, %dma_wait3A_879] : memref<10240x128xf32, #tpu.memory_space<hbm>> -> memref<10240x128xf32, #tpu.memory_space<hbm>>
        tpu.wait_indirect_dma semaphore(%arg12 : memref<!tpu.dma_semaphore, #tpu.memory_space<semaphore_mem>>) src(%dma_wait3A_880 : memref<10240x128xf32, #tpu.memory_space<hbm>>) dst(%arg9 : memref<80x128xf32, #tpu.memory_space<vmem>>)
        %add3A_881 = arith.constant 1 : i32
        %add3A_882 = arith.addi %mul3A_845, %add3A_881 : i32
        %run_scoped3A_883 = arith.constant 1 : i32
        "tpu.region"() ({
          %run_scoped3A_885 = tpu.sem_alloc : memref<!tpu.dma_semaphore, #tpu.memory_space<semaphore_mem>>
          %dma_start3A_886 = arith.constant 0 : i32
          %dma_start3A_887 = tpu.memref_slice %arg6[%run_scoped3A_883, %add3A_882, %dma_start3A_886] : memref<2x25x80xi32, #tpu.memory_space<vmem>> -> memref<1x1x80xi32, #tpu.memory_space<vmem>>
          %dma_start3A_888 = tpu.memref_squeeze %dma_start3A_887 : memref<1x1x80xi32, #tpu.memory_space<vmem>> -> memref<80xi32, #tpu.memory_space<vmem>>
          %dma_start3A_889 = arith.constant 0 : i32
          %dma_start3A_890 = arith.constant 0 : i32
          %dma_start3A_891 = tpu.memref_slice %arg10[%dma_start3A_889, %dma_start3A_890] : memref<10240x128xf32, #tpu.memory_space<vmem_shared>> -> memref<10240x128xf32, #tpu.memory_space<vmem_shared>>
          tpu.enqueue_indirect_dma source(%arg9 : memref<80x128xf32, #tpu.memory_space<vmem>>) target(%dma_start3A_891 : memref<10240x128xf32, #tpu.memory_space<vmem_shared>>) offsets(%dma_start3A_888 : memref<80xi32, #tpu.memory_space<vmem>>) semaphore(%run_scoped3A_885 : memref<!tpu.dma_semaphore, #tpu.memory_space<semaphore_mem>>) {add = true}
          %dma_wait3A_892 = arith.constant 0 : i32
          %dma_wait3A_893 = tpu.memref_slice %arg6[%run_scoped3A_883, %add3A_882, %dma_wait3A_892] : memref<2x25x80xi32, #tpu.memory_space<vmem>> -> memref<1x1x80xi32, #tpu.memory_space<vmem>>
          %dma_wait3A_894 = tpu.memref_squeeze %dma_wait3A_893 : memref<1x1x80xi32, #tpu.memory_space<vmem>> -> memref<80xi32, #tpu.memory_space<vmem>>
          %dma_wait3A_895 = arith.constant 0 : i32
          %dma_wait3A_896 = arith.constant 0 : i32
          %dma_wait3A_897 = tpu.memref_slice %arg10[%dma_wait3A_895, %dma_wait3A_896] : memref<10240x128xf32, #tpu.memory_space<vmem_shared>> -> memref<10240x128xf32, #tpu.memory_space<vmem_shared>>
          tpu.wait_indirect_dma semaphore(%run_scoped3A_885 : memref<!tpu.dma_semaphore, #tpu.memory_space<semaphore_mem>>) src(%arg9 : memref<80x128xf32, #tpu.memory_space<vmem>>) dst(%dma_wait3A_897 : memref<10240x128xf32, #tpu.memory_space<vmem_shared>>)
          tpu.yield
        }) : () -> ()
        %scan3A_884 = arith.constant 0 : i32
        scf.yield %scan3A_884 : i32
      }
      %scan3A_830 = arith.constant 12 : i32
      %dma_wait3A_831 = arith.constant 0 : i32
      %dma_wait3A_832 = arith.constant 24 : i32
      %dma_wait3A_833 = arith.constant 0 : i32
      %dma_wait3A_834 = tpu.memref_slice %arg6[%dma_wait3A_831, %dma_wait3A_832, %dma_wait3A_833] : memref<2x25x80xi32, #tpu.memory_space<vmem>> -> memref<1x1x80xi32, #tpu.memory_space<vmem>>
      %dma_wait3A_835 = tpu.memref_squeeze %dma_wait3A_834 : memref<1x1x80xi32, #tpu.memory_space<vmem>> -> memref<80xi32, #tpu.memory_space<vmem>>
      %dma_wait3A_836 = arith.constant 0 : i32
      %dma_wait3A_837 = arith.constant 0 : i32
      %dma_wait3A_838 = tpu.memref_slice %arg2[%dma_wait3A_836, %dma_wait3A_837] : memref<10240x128xf32, #tpu.memory_space<hbm>> -> memref<10240x128xf32, #tpu.memory_space<hbm>>
      tpu.wait_indirect_dma semaphore(%arg11 : memref<!tpu.dma_semaphore, #tpu.memory_space<semaphore_mem>>) src(%dma_wait3A_838 : memref<10240x128xf32, #tpu.memory_space<hbm>>) dst(%arg8 : memref<80x128xf32, #tpu.memory_space<vmem>>)
      %run_scoped3A_839 = arith.constant 1 : i32
      %run_scoped3A_840 = arith.constant 24 : i32
      "tpu.region"() ({
        %run_scoped3A_842 = tpu.sem_alloc : memref<!tpu.dma_semaphore, #tpu.memory_space<semaphore_mem>>
        %dma_start3A_843 = arith.constant 0 : i32
        %dma_start3A_844 = tpu.memref_slice %arg6[%run_scoped3A_839, %run_scoped3A_840, %dma_start3A_843] : memref<2x25x80xi32, #tpu.memory_space<vmem>> -> memref<1x1x80xi32, #tpu.memory_space<vmem>>
        %dma_start3A_845 = tpu.memref_squeeze %dma_start3A_844 : memref<1x1x80xi32, #tpu.memory_space<vmem>> -> memref<80xi32, #tpu.memory_space<vmem>>
        %dma_start3A_846 = arith.constant 0 : i32
        %dma_start3A_847 = arith.constant 0 : i32
        %dma_start3A_848 = tpu.memref_slice %arg10[%dma_start3A_846, %dma_start3A_847] : memref<10240x128xf32, #tpu.memory_space<vmem_shared>> -> memref<10240x128xf32, #tpu.memory_space<vmem_shared>>
        tpu.enqueue_indirect_dma source(%arg8 : memref<80x128xf32, #tpu.memory_space<vmem>>) target(%dma_start3A_848 : memref<10240x128xf32, #tpu.memory_space<vmem_shared>>) offsets(%dma_start3A_845 : memref<80xi32, #tpu.memory_space<vmem>>) semaphore(%run_scoped3A_842 : memref<!tpu.dma_semaphore, #tpu.memory_space<semaphore_mem>>) {add = true}
        %dma_wait3A_849 = arith.constant 0 : i32
        %dma_wait3A_850 = tpu.memref_slice %arg6[%run_scoped3A_839, %run_scoped3A_840, %dma_wait3A_849] : memref<2x25x80xi32, #tpu.memory_space<vmem>> -> memref<1x1x80xi32, #tpu.memory_space<vmem>>
        %dma_wait3A_851 = tpu.memref_squeeze %dma_wait3A_850 : memref<1x1x80xi32, #tpu.memory_space<vmem>> -> memref<80xi32, #tpu.memory_space<vmem>>
        %dma_wait3A_852 = arith.constant 0 : i32
        %dma_wait3A_853 = arith.constant 0 : i32
        %dma_wait3A_854 = tpu.memref_slice %arg10[%dma_wait3A_852, %dma_wait3A_853] : memref<10240x128xf32, #tpu.memory_space<vmem_shared>> -> memref<10240x128xf32, #tpu.memory_space<vmem_shared>>
        tpu.wait_indirect_dma semaphore(%run_scoped3A_842 : memref<!tpu.dma_semaphore, #tpu.memory_space<semaphore_mem>>) src(%arg8 : memref<80x128xf32, #tpu.memory_space<vmem>>) dst(%dma_wait3A_854 : memref<10240x128xf32, #tpu.memory_space<vmem_shared>>)
        tpu.yield
      }) : () -> ()
      %scan3A_841 = arith.constant 0 : i32
      scf.yield %scan3A_841 : i32
    }
    %scan3A_389 = arith.constant 5 : i32
    %barrier3A_390 = arith.constant 0 : index
    tpu.barrier barrier_id(%barrier3A_390)
    %add3A_391 = arith.constant 0 : i32
    %add3A_392 = arith.addi %mul3A_2, %add3A_391 : i32
    %iota3A_393 = tpu.iota {dimensions = array<i32: 0>} : vector<16xi32>
    %add3A_394 = arith.constant 0 : i32
    %add3A_395 = arith.addi %add3A_392, %add3A_394 : i32
    %add3A_396 = vector.broadcast %add3A_395 : i32 to vector<16xi32>
    %add3A_397 = arith.addi %iota3A_393, %add3A_396 : vector<16xi32>
    %swap3A_398 = arith.constant 0 : index
    %swap3A_399 = tpu.vector_load %arg7[%swap3A_398] {strides = array<i32>} : memref<80xi32, #tpu.memory_space<vmem>>, vector<16xi32>,
    %swap3A_400 = vector.shape_cast %swap3A_399 : vector<16xi32> to vector<16xi32>
    %swap3A_401 = vector.shape_cast %add3A_397 : vector<16xi32> to vector<16xi32>
    tpu.vector_store %arg7[%swap3A_398], %swap3A_401 {strides = array<i32>} : memref<80xi32, #tpu.memory_space<vmem>>, vector<16xi32>,
    %iota3A_402 = tpu.iota {dimensions = array<i32: 0>} : vector<16xi32>
    %add3A_403 = arith.constant 16 : i32
    %add3A_404 = arith.addi %add3A_392, %add3A_403 : i32
    %add3A_405 = vector.broadcast %add3A_404 : i32 to vector<16xi32>
    %add3A_406 = arith.addi %iota3A_402, %add3A_405 : vector<16xi32>
    %swap3A_407 = arith.constant 16 : index
    %swap3A_408 = tpu.vector_load %arg7[%swap3A_407] {strides = array<i32>} : memref<80xi32, #tpu.memory_space<vmem>>, vector<16xi32>,
    %swap3A_409 = vector.shape_cast %swap3A_408 : vector<16xi32> to vector<16xi32>
    %swap3A_410 = vector.shape_cast %add3A_406 : vector<16xi32> to vector<16xi32>
    tpu.vector_store %arg7[%swap3A_407], %swap3A_410 {strides = array<i32>} : memref<80xi32, #tpu.memory_space<vmem>>, vector<16xi32>,
    %iota3A_411 = tpu.iota {dimensions = array<i32: 0>} : vector<16xi32>
    %add3A_412 = arith.constant 32 : i32
    %add3A_413 = arith.addi %add3A_392, %add3A_412 : i32
    %add3A_414 = vector.broadcast %add3A_413 : i32 to vector<16xi32>
    %add3A_415 = arith.addi %iota3A_411, %add3A_414 : vector<16xi32>
    %swap3A_416 = arith.constant 32 : index
    %swap3A_417 = tpu.vector_load %arg7[%swap3A_416] {strides = array<i32>} : memref<80xi32, #tpu.memory_space<vmem>>, vector<16xi32>,
    %swap3A_418 = vector.shape_cast %swap3A_417 : vector<16xi32> to vector<16xi32>
    %swap3A_419 = vector.shape_cast %add3A_415 : vector<16xi32> to vector<16xi32>
    tpu.vector_store %arg7[%swap3A_416], %swap3A_419 {strides = array<i32>} : memref<80xi32, #tpu.memory_space<vmem>>, vector<16xi32>,
    %iota3A_420 = tpu.iota {dimensions = array<i32: 0>} : vector<16xi32>
    %add3A_421 = arith.constant 48 : i32
    %add3A_422 = arith.addi %add3A_392, %add3A_421 : i32
    %add3A_423 = vector.broadcast %add3A_422 : i32 to vector<16xi32>
    %add3A_424 = arith.addi %iota3A_420, %add3A_423 : vector<16xi32>
    %swap3A_425 = arith.constant 48 : index
    %swap3A_426 = tpu.vector_load %arg7[%swap3A_425] {strides = array<i32>} : memref<80xi32, #tpu.memory_space<vmem>>, vector<16xi32>,
    %swap3A_427 = vector.shape_cast %swap3A_426 : vector<16xi32> to vector<16xi32>
    %swap3A_428 = vector.shape_cast %add3A_424 : vector<16xi32> to vector<16xi32>
    tpu.vector_store %arg7[%swap3A_425], %swap3A_428 {strides = array<i32>} : memref<80xi32, #tpu.memory_space<vmem>>, vector<16xi32>,
    %iota3A_429 = tpu.iota {dimensions = array<i32: 0>} : vector<16xi32>
    %add3A_430 = arith.constant 64 : i32
    %add3A_431 = arith.addi %add3A_392, %add3A_430 : i32
    %add3A_432 = vector.broadcast %add3A_431 : i32 to vector<16xi32>
    %add3A_433 = arith.addi %iota3A_429, %add3A_432 : vector<16xi32>
    %swap3A_434 = arith.constant 64 : index
    %swap3A_435 = tpu.vector_load %arg7[%swap3A_434] {strides = array<i32>} : memref<80xi32, #tpu.memory_space<vmem>>, vector<16xi32>,
    %swap3A_436 = vector.shape_cast %swap3A_435 : vector<16xi32> to vector<16xi32>
    %swap3A_437 = vector.shape_cast %add3A_433 : vector<16xi32> to vector<16xi32>
    tpu.vector_store %arg7[%swap3A_434], %swap3A_437 {strides = array<i32>} : memref<80xi32, #tpu.memory_space<vmem>>, vector<16xi32>,
    %dma_start3A = arith.constant 0 : i32
    %dma_start3A_438 = arith.constant 0 : i32
    %dma_start3A_439 = tpu.memref_slice %arg10[%dma_start3A, %dma_start3A_438] : memref<10240x128xf32, #tpu.memory_space<vmem_shared>> -> memref<10240x128xf32, #tpu.memory_space<vmem_shared>>
    tpu.enqueue_indirect_dma source(%dma_start3A_439 : memref<10240x128xf32, #tpu.memory_space<vmem_shared>>) target(%arg8 : memref<80x128xf32, #tpu.memory_space<vmem>>) offsets(%arg7 : memref<80xi32, #tpu.memory_space<vmem>>) semaphore(%arg11 : memref<!tpu.dma_semaphore, #tpu.memory_space<semaphore_mem>>)
    %dma_wait3A = arith.constant 0 : i32
    %dma_wait3A_440 = arith.constant 0 : i32
    %dma_wait3A_441 = tpu.memref_slice %arg10[%dma_wait3A, %dma_wait3A_440] : memref<10240x128xf32, #tpu.memory_space<vmem_shared>> -> memref<10240x128xf32, #tpu.memory_space<vmem_shared>>
    tpu.wait_indirect_dma semaphore(%arg11 : memref<!tpu.dma_semaphore, #tpu.memory_space<semaphore_mem>>) src(%dma_wait3A_441 : memref<10240x128xf32, #tpu.memory_space<vmem_shared>>) dst(%arg8 : memref<80x128xf32, #tpu.memory_space<vmem>>)
    "tpu.region"() ({
      %run_scoped3A = tpu.sem_alloc : memref<!tpu.dma_semaphore, #tpu.memory_space<semaphore_mem>>
      %dma_start3A_813 = arith.constant 0 : i32
      %dma_start3A_814 = tpu.memref_slice %arg5[%arg0, %add3A_392, %dma_start3A_813] : memref<2x10240x128xf32, #tpu.memory_space<hbm>> -> memref<1x80x128xf32, #tpu.memory_space<hbm>>
      %dma_start3A_815 = tpu.memref_squeeze %dma_start3A_814 : memref<1x80x128xf32, #tpu.memory_space<hbm>> -> memref<80x128xf32, #tpu.memory_space<hbm>>
      %dma_start3A_816 = arith.constant 0 : i32
      %dma_start3A_817 = tpu.memref_slice %arg5[%arg0, %add3A_392, %dma_start3A_816] : memref<2x10240x128xf32, #tpu.memory_space<hbm>> -> memref<1x80x128xf32, #tpu.memory_space<hbm>>
      %dma_start3A_818 = tpu.memref_squeeze %dma_start3A_817 : memref<1x80x128xf32, #tpu.memory_space<hbm>> -> memref<80x128xf32, #tpu.memory_space<hbm>>
      tpu.enqueue_dma source(%arg8 : memref<80x128xf32, #tpu.memory_space<vmem>>) target(%dma_start3A_818 : memref<80x128xf32, #tpu.memory_space<hbm>>) target_semaphore(%run_scoped3A : memref<!tpu.dma_semaphore, #tpu.memory_space<semaphore_mem>>)
      %dma_wait3A_819 = arith.constant 0 : i32
      %dma_wait3A_820 = tpu.memref_slice %arg5[%arg0, %add3A_392, %dma_wait3A_819] : memref<2x10240x128xf32, #tpu.memory_space<hbm>> -> memref<1x80x128xf32, #tpu.memory_space<hbm>>
      %dma_wait3A_821 = tpu.memref_squeeze %dma_wait3A_820 : memref<1x80x128xf32, #tpu.memory_space<hbm>> -> memref<80x128xf32, #tpu.memory_space<hbm>>
      %dma_wait3A_822 = arith.constant 0 : i32
      %dma_wait3A_823 = tpu.memref_slice %arg5[%arg0, %add3A_392, %dma_wait3A_822] : memref<2x10240x128xf32, #tpu.memory_space<hbm>> -> memref<1x80x128xf32, #tpu.memory_space<hbm>>
      %dma_wait3A_824 = tpu.memref_squeeze %dma_wait3A_823 : memref<1x80x128xf32, #tpu.memory_space<hbm>> -> memref<80x128xf32, #tpu.memory_space<hbm>>
      tpu.wait_dma2 semaphore(%run_scoped3A : memref<!tpu.dma_semaphore, #tpu.memory_space<semaphore_mem>>) src(%arg8 : memref<80x128xf32, #tpu.memory_space<vmem>>) dst(%dma_wait3A_824 : memref<80x128xf32, #tpu.memory_space<hbm>>)
      tpu.yield
    }) : () -> ()
    %add3A_442 = arith.constant 80 : i32
    %add3A_443 = arith.addi %mul3A_2, %add3A_442 : i32
    %iota3A_444 = tpu.iota {dimensions = array<i32: 0>} : vector<16xi32>
    %add3A_445 = arith.constant 0 : i32
    %add3A_446 = arith.addi %add3A_443, %add3A_445 : i32
    %add3A_447 = vector.broadcast %add3A_446 : i32 to vector<16xi32>
    %add3A_448 = arith.addi %iota3A_444, %add3A_447 : vector<16xi32>
    %swap3A_449 = arith.constant 0 : index
    %swap3A_450 = tpu.vector_load %arg7[%swap3A_449] {strides = array<i32>} : memref<80xi32, #tpu.memory_space<vmem>>, vector<16xi32>,
    %swap3A_451 = vector.shape_cast %swap3A_450 : vector<16xi32> to vector<16xi32>
    %swap3A_452 = vector.shape_cast %add3A_448 : vector<16xi32> to vector<16xi32>
    tpu.vector_store %arg7[%swap3A_449], %swap3A_452 {strides = array<i32>} : memref<80xi32, #tpu.memory_space<vmem>>, vector<16xi32>,
    %iota3A_453 = tpu.iota {dimensions = array<i32: 0>} : vector<16xi32>
    %add3A_454 = arith.constant 16 : i32
    %add3A_455 = arith.addi %add3A_443, %add3A_454 : i32
    %add3A_456 = vector.broadcast %add3A_455 : i32 to vector<16xi32>
    %add3A_457 = arith.addi %iota3A_453, %add3A_456 : vector<16xi32>
    %swap3A_458 = arith.constant 16 : index
    %swap3A_459 = tpu.vector_load %arg7[%swap3A_458] {strides = array<i32>} : memref<80xi32, #tpu.memory_space<vmem>>, vector<16xi32>,
    %swap3A_460 = vector.shape_cast %swap3A_459 : vector<16xi32> to vector<16xi32>
    %swap3A_461 = vector.shape_cast %add3A_457 : vector<16xi32> to vector<16xi32>
    tpu.vector_store %arg7[%swap3A_458], %swap3A_461 {strides = array<i32>} : memref<80xi32, #tpu.memory_space<vmem>>, vector<16xi32>,
    %iota3A_462 = tpu.iota {dimensions = array<i32: 0>} : vector<16xi32>
    %add3A_463 = arith.constant 32 : i32
    %add3A_464 = arith.addi %add3A_443, %add3A_463 : i32
    %add3A_465 = vector.broadcast %add3A_464 : i32 to vector<16xi32>
    %add3A_466 = arith.addi %iota3A_462, %add3A_465 : vector<16xi32>
    %swap3A_467 = arith.constant 32 : index
    %swap3A_468 = tpu.vector_load %arg7[%swap3A_467] {strides = array<i32>} : memref<80xi32, #tpu.memory_space<vmem>>, vector<16xi32>,
    %swap3A_469 = vector.shape_cast %swap3A_468 : vector<16xi32> to vector<16xi32>
    %swap3A_470 = vector.shape_cast %add3A_466 : vector<16xi32> to vector<16xi32>
    tpu.vector_store %arg7[%swap3A_467], %swap3A_470 {strides = array<i32>} : memref<80xi32, #tpu.memory_space<vmem>>, vector<16xi32>,
    %iota3A_471 = tpu.iota {dimensions = array<i32: 0>} : vector<16xi32>
    %add3A_472 = arith.constant 48 : i32
    %add3A_473 = arith.addi %add3A_443, %add3A_472 : i32
    %add3A_474 = vector.broadcast %add3A_473 : i32 to vector<16xi32>
    %add3A_475 = arith.addi %iota3A_471, %add3A_474 : vector<16xi32>
    %swap3A_476 = arith.constant 48 : index
    %swap3A_477 = tpu.vector_load %arg7[%swap3A_476] {strides = array<i32>} : memref<80xi32, #tpu.memory_space<vmem>>, vector<16xi32>,
    %swap3A_478 = vector.shape_cast %swap3A_477 : vector<16xi32> to vector<16xi32>
    %swap3A_479 = vector.shape_cast %add3A_475 : vector<16xi32> to vector<16xi32>
    tpu.vector_store %arg7[%swap3A_476], %swap3A_479 {strides = array<i32>} : memref<80xi32, #tpu.memory_space<vmem>>, vector<16xi32>,
    %iota3A_480 = tpu.iota {dimensions = array<i32: 0>} : vector<16xi32>
    %add3A_481 = arith.constant 64 : i32
    %add3A_482 = arith.addi %add3A_443, %add3A_481 : i32
    %add3A_483 = vector.broadcast %add3A_482 : i32 to vector<16xi32>
    %add3A_484 = arith.addi %iota3A_480, %add3A_483 : vector<16xi32>
    %swap3A_485 = arith.constant 64 : index
    %swap3A_486 = tpu.vector_load %arg7[%swap3A_485] {strides = array<i32>} : memref<80xi32, #tpu.memory_space<vmem>>, vector<16xi32>,
    %swap3A_487 = vector.shape_cast %swap3A_486 : vector<16xi32> to vector<16xi32>
    %swap3A_488 = vector.shape_cast %add3A_484 : vector<16xi32> to vector<16xi32>
    tpu.vector_store %arg7[%swap3A_485], %swap3A_488 {strides = array<i32>} : memref<80xi32, #tpu.memory_space<vmem>>, vector<16xi32>,
    %dma_start3A_489 = arith.constant 0 : i32
    %dma_start3A_490 = arith.constant 0 : i32
    %dma_start3A_491 = tpu.memref_slice %arg10[%dma_start3A_489, %dma_start3A_490] : memref<10240x128xf32, #tpu.memory_space<vmem_shared>> -> memref<10240x128xf32, #tpu.memory_space<vmem_shared>>
    tpu.enqueue_indirect_dma source(%dma_start3A_491 : memref<10240x128xf32, #tpu.memory_space<vmem_shared>>) target(%arg8 : memref<80x128xf32, #tpu.memory_space<vmem>>) offsets(%arg7 : memref<80xi32, #tpu.memory_space<vmem>>) semaphore(%arg11 : memref<!tpu.dma_semaphore, #tpu.memory_space<semaphore_mem>>)
    %dma_wait3A_492 = arith.constant 0 : i32
    %dma_wait3A_493 = arith.constant 0 : i32
    %dma_wait3A_494 = tpu.memref_slice %arg10[%dma_wait3A_492, %dma_wait3A_493] : memref<10240x128xf32, #tpu.memory_space<vmem_shared>> -> memref<10240x128xf32, #tpu.memory_space<vmem_shared>>
    tpu.wait_indirect_dma semaphore(%arg11 : memref<!tpu.dma_semaphore, #tpu.memory_space<semaphore_mem>>) src(%dma_wait3A_494 : memref<10240x128xf32, #tpu.memory_space<vmem_shared>>) dst(%arg8 : memref<80x128xf32, #tpu.memory_space<vmem>>)
    "tpu.region"() ({
      %run_scoped3A = tpu.sem_alloc : memref<!tpu.dma_semaphore, #tpu.memory_space<semaphore_mem>>
      %dma_start3A_813 = arith.constant 0 : i32
      %dma_start3A_814 = tpu.memref_slice %arg5[%arg0, %add3A_443, %dma_start3A_813] : memref<2x10240x128xf32, #tpu.memory_space<hbm>> -> memref<1x80x128xf32, #tpu.memory_space<hbm>>
      %dma_start3A_815 = tpu.memref_squeeze %dma_start3A_814 : memref<1x80x128xf32, #tpu.memory_space<hbm>> -> memref<80x128xf32, #tpu.memory_space<hbm>>
      %dma_start3A_816 = arith.constant 0 : i32
      %dma_start3A_817 = tpu.memref_slice %arg5[%arg0, %add3A_443, %dma_start3A_816] : memref<2x10240x128xf32, #tpu.memory_space<hbm>> -> memref<1x80x128xf32, #tpu.memory_space<hbm>>
      %dma_start3A_818 = tpu.memref_squeeze %dma_start3A_817 : memref<1x80x128xf32, #tpu.memory_space<hbm>> -> memref<80x128xf32, #tpu.memory_space<hbm>>
      tpu.enqueue_dma source(%arg8 : memref<80x128xf32, #tpu.memory_space<vmem>>) target(%dma_start3A_818 : memref<80x128xf32, #tpu.memory_space<hbm>>) target_semaphore(%run_scoped3A : memref<!tpu.dma_semaphore, #tpu.memory_space<semaphore_mem>>)
      %dma_wait3A_819 = arith.constant 0 : i32
      %dma_wait3A_820 = tpu.memref_slice %arg5[%arg0, %add3A_443, %dma_wait3A_819] : memref<2x10240x128xf32, #tpu.memory_space<hbm>> -> memref<1x80x128xf32, #tpu.memory_space<hbm>>
      %dma_wait3A_821 = tpu.memref_squeeze %dma_wait3A_820 : memref<1x80x128xf32, #tpu.memory_space<hbm>> -> memref<80x128xf32, #tpu.memory_space<hbm>>
      %dma_wait3A_822 = arith.constant 0 : i32
      %dma_wait3A_823 = tpu.memref_slice %arg5[%arg0, %add3A_443, %dma_wait3A_822] : memref<2x10240x128xf32, #tpu.memory_space<hbm>> -> memref<1x80x128xf32, #tpu.memory_space<hbm>>
      %dma_wait3A_824 = tpu.memref_squeeze %dma_wait3A_823 : memref<1x80x128xf32, #tpu.memory_space<hbm>> -> memref<80x128xf32, #tpu.memory_space<hbm>>
      tpu.wait_dma2 semaphore(%run_scoped3A : memref<!tpu.dma_semaphore, #tpu.memory_space<semaphore_mem>>) src(%arg8 : memref<80x128xf32, #tpu.memory_space<vmem>>) dst(%dma_wait3A_824 : memref<80x128xf32, #tpu.memory_space<hbm>>)
      tpu.yield
    }) : () -> ()
    %add3A_495 = arith.constant 160 : i32
    %add3A_496 = arith.addi %mul3A_2, %add3A_495 : i32
    %iota3A_497 = tpu.iota {dimensions = array<i32: 0>} : vector<16xi32>
    %add3A_498 = arith.constant 0 : i32
    %add3A_499 = arith.addi %add3A_496, %add3A_498 : i32
    %add3A_500 = vector.broadcast %add3A_499 : i32 to vector<16xi32>
    %add3A_501 = arith.addi %iota3A_497, %add3A_500 : vector<16xi32>
    %swap3A_502 = arith.constant 0 : index
    %swap3A_503 = tpu.vector_load %arg7[%swap3A_502] {strides = array<i32>} : memref<80xi32, #tpu.memory_space<vmem>>, vector<16xi32>,
    %swap3A_504 = vector.shape_cast %swap3A_503 : vector<16xi32> to vector<16xi32>
    %swap3A_505 = vector.shape_cast %add3A_501 : vector<16xi32> to vector<16xi32>
    tpu.vector_store %arg7[%swap3A_502], %swap3A_505 {strides = array<i32>} : memref<80xi32, #tpu.memory_space<vmem>>, vector<16xi32>,
    %iota3A_506 = tpu.iota {dimensions = array<i32: 0>} : vector<16xi32>
    %add3A_507 = arith.constant 16 : i32
    %add3A_508 = arith.addi %add3A_496, %add3A_507 : i32
    %add3A_509 = vector.broadcast %add3A_508 : i32 to vector<16xi32>
    %add3A_510 = arith.addi %iota3A_506, %add3A_509 : vector<16xi32>
    %swap3A_511 = arith.constant 16 : index
    %swap3A_512 = tpu.vector_load %arg7[%swap3A_511] {strides = array<i32>} : memref<80xi32, #tpu.memory_space<vmem>>, vector<16xi32>,
    %swap3A_513 = vector.shape_cast %swap3A_512 : vector<16xi32> to vector<16xi32>
    %swap3A_514 = vector.shape_cast %add3A_510 : vector<16xi32> to vector<16xi32>
    tpu.vector_store %arg7[%swap3A_511], %swap3A_514 {strides = array<i32>} : memref<80xi32, #tpu.memory_space<vmem>>, vector<16xi32>,
    %iota3A_515 = tpu.iota {dimensions = array<i32: 0>} : vector<16xi32>
    %add3A_516 = arith.constant 32 : i32
    %add3A_517 = arith.addi %add3A_496, %add3A_516 : i32
    %add3A_518 = vector.broadcast %add3A_517 : i32 to vector<16xi32>
    %add3A_519 = arith.addi %iota3A_515, %add3A_518 : vector<16xi32>
    %swap3A_520 = arith.constant 32 : index
    %swap3A_521 = tpu.vector_load %arg7[%swap3A_520] {strides = array<i32>} : memref<80xi32, #tpu.memory_space<vmem>>, vector<16xi32>,
    %swap3A_522 = vector.shape_cast %swap3A_521 : vector<16xi32> to vector<16xi32>
    %swap3A_523 = vector.shape_cast %add3A_519 : vector<16xi32> to vector<16xi32>
    tpu.vector_store %arg7[%swap3A_520], %swap3A_523 {strides = array<i32>} : memref<80xi32, #tpu.memory_space<vmem>>, vector<16xi32>,
    %iota3A_524 = tpu.iota {dimensions = array<i32: 0>} : vector<16xi32>
    %add3A_525 = arith.constant 48 : i32
    %add3A_526 = arith.addi %add3A_496, %add3A_525 : i32
    %add3A_527 = vector.broadcast %add3A_526 : i32 to vector<16xi32>
    %add3A_528 = arith.addi %iota3A_524, %add3A_527 : vector<16xi32>
    %swap3A_529 = arith.constant 48 : index
    %swap3A_530 = tpu.vector_load %arg7[%swap3A_529] {strides = array<i32>} : memref<80xi32, #tpu.memory_space<vmem>>, vector<16xi32>,
    %swap3A_531 = vector.shape_cast %swap3A_530 : vector<16xi32> to vector<16xi32>
    %swap3A_532 = vector.shape_cast %add3A_528 : vector<16xi32> to vector<16xi32>
    tpu.vector_store %arg7[%swap3A_529], %swap3A_532 {strides = array<i32>} : memref<80xi32, #tpu.memory_space<vmem>>, vector<16xi32>,
    %iota3A_533 = tpu.iota {dimensions = array<i32: 0>} : vector<16xi32>
    %add3A_534 = arith.constant 64 : i32
    %add3A_535 = arith.addi %add3A_496, %add3A_534 : i32
    %add3A_536 = vector.broadcast %add3A_535 : i32 to vector<16xi32>
    %add3A_537 = arith.addi %iota3A_533, %add3A_536 : vector<16xi32>
    %swap3A_538 = arith.constant 64 : index
    %swap3A_539 = tpu.vector_load %arg7[%swap3A_538] {strides = array<i32>} : memref<80xi32, #tpu.memory_space<vmem>>, vector<16xi32>,
    %swap3A_540 = vector.shape_cast %swap3A_539 : vector<16xi32> to vector<16xi32>
    %swap3A_541 = vector.shape_cast %add3A_537 : vector<16xi32> to vector<16xi32>
    tpu.vector_store %arg7[%swap3A_538], %swap3A_541 {strides = array<i32>} : memref<80xi32, #tpu.memory_space<vmem>>, vector<16xi32>,
    %dma_start3A_542 = arith.constant 0 : i32
    %dma_start3A_543 = arith.constant 0 : i32
    %dma_start3A_544 = tpu.memref_slice %arg10[%dma_start3A_542, %dma_start3A_543] : memref<10240x128xf32, #tpu.memory_space<vmem_shared>> -> memref<10240x128xf32, #tpu.memory_space<vmem_shared>>
    tpu.enqueue_indirect_dma source(%dma_start3A_544 : memref<10240x128xf32, #tpu.memory_space<vmem_shared>>) target(%arg8 : memref<80x128xf32, #tpu.memory_space<vmem>>) offsets(%arg7 : memref<80xi32, #tpu.memory_space<vmem>>) semaphore(%arg11 : memref<!tpu.dma_semaphore, #tpu.memory_space<semaphore_mem>>)
    %dma_wait3A_545 = arith.constant 0 : i32
    %dma_wait3A_546 = arith.constant 0 : i32
    %dma_wait3A_547 = tpu.memref_slice %arg10[%dma_wait3A_545, %dma_wait3A_546] : memref<10240x128xf32, #tpu.memory_space<vmem_shared>> -> memref<10240x128xf32, #tpu.memory_space<vmem_shared>>
    tpu.wait_indirect_dma semaphore(%arg11 : memref<!tpu.dma_semaphore, #tpu.memory_space<semaphore_mem>>) src(%dma_wait3A_547 : memref<10240x128xf32, #tpu.memory_space<vmem_shared>>) dst(%arg8 : memref<80x128xf32, #tpu.memory_space<vmem>>)
    "tpu.region"() ({
      %run_scoped3A = tpu.sem_alloc : memref<!tpu.dma_semaphore, #tpu.memory_space<semaphore_mem>>
      %dma_start3A_813 = arith.constant 0 : i32
      %dma_start3A_814 = tpu.memref_slice %arg5[%arg0, %add3A_496, %dma_start3A_813] : memref<2x10240x128xf32, #tpu.memory_space<hbm>> -> memref<1x80x128xf32, #tpu.memory_space<hbm>>
      %dma_start3A_815 = tpu.memref_squeeze %dma_start3A_814 : memref<1x80x128xf32, #tpu.memory_space<hbm>> -> memref<80x128xf32, #tpu.memory_space<hbm>>
      %dma_start3A_816 = arith.constant 0 : i32
      %dma_start3A_817 = tpu.memref_slice %arg5[%arg0, %add3A_496, %dma_start3A_816] : memref<2x10240x128xf32, #tpu.memory_space<hbm>> -> memref<1x80x128xf32, #tpu.memory_space<hbm>>
      %dma_start3A_818 = tpu.memref_squeeze %dma_start3A_817 : memref<1x80x128xf32, #tpu.memory_space<hbm>> -> memref<80x128xf32, #tpu.memory_space<hbm>>
      tpu.enqueue_dma source(%arg8 : memref<80x128xf32, #tpu.memory_space<vmem>>) target(%dma_start3A_818 : memref<80x128xf32, #tpu.memory_space<hbm>>) target_semaphore(%run_scoped3A : memref<!tpu.dma_semaphore, #tpu.memory_space<semaphore_mem>>)
      %dma_wait3A_819 = arith.constant 0 : i32
      %dma_wait3A_820 = tpu.memref_slice %arg5[%arg0, %add3A_496, %dma_wait3A_819] : memref<2x10240x128xf32, #tpu.memory_space<hbm>> -> memref<1x80x128xf32, #tpu.memory_space<hbm>>
      %dma_wait3A_821 = tpu.memref_squeeze %dma_wait3A_820 : memref<1x80x128xf32, #tpu.memory_space<hbm>> -> memref<80x128xf32, #tpu.memory_space<hbm>>
      %dma_wait3A_822 = arith.constant 0 : i32
      %dma_wait3A_823 = tpu.memref_slice %arg5[%arg0, %add3A_496, %dma_wait3A_822] : memref<2x10240x128xf32, #tpu.memory_space<hbm>> -> memref<1x80x128xf32, #tpu.memory_space<hbm>>
      %dma_wait3A_824 = tpu.memref_squeeze %dma_wait3A_823 : memref<1x80x128xf32, #tpu.memory_space<hbm>> -> memref<80x128xf32, #tpu.memory_space<hbm>>
      tpu.wait_dma2 semaphore(%run_scoped3A : memref<!tpu.dma_semaphore, #tpu.memory_space<semaphore_mem>>) src(%arg8 : memref<80x128xf32, #tpu.memory_space<vmem>>) dst(%dma_wait3A_824 : memref<80x128xf32, #tpu.memory_space<hbm>>)
      tpu.yield
    }) : () -> ()
    %add3A_548 = arith.constant 240 : i32
    %add3A_549 = arith.addi %mul3A_2, %add3A_548 : i32
    %iota3A_550 = tpu.iota {dimensions = array<i32: 0>} : vector<16xi32>
    %add3A_551 = arith.constant 0 : i32
    %add3A_552 = arith.addi %add3A_549, %add3A_551 : i32
    %add3A_553 = vector.broadcast %add3A_552 : i32 to vector<16xi32>
    %add3A_554 = arith.addi %iota3A_550, %add3A_553 : vector<16xi32>
    %swap3A_555 = arith.constant 0 : index
    %swap3A_556 = tpu.vector_load %arg7[%swap3A_555] {strides = array<i32>} : memref<80xi32, #tpu.memory_space<vmem>>, vector<16xi32>,
    %swap3A_557 = vector.shape_cast %swap3A_556 : vector<16xi32> to vector<16xi32>
    %swap3A_558 = vector.shape_cast %add3A_554 : vector<16xi32> to vector<16xi32>
    tpu.vector_store %arg7[%swap3A_555], %swap3A_558 {strides = array<i32>} : memref<80xi32, #tpu.memory_space<vmem>>, vector<16xi32>,
    %iota3A_559 = tpu.iota {dimensions = array<i32: 0>} : vector<16xi32>
    %add3A_560 = arith.constant 16 : i32
    %add3A_561 = arith.addi %add3A_549, %add3A_560 : i32
    %add3A_562 = vector.broadcast %add3A_561 : i32 to vector<16xi32>
    %add3A_563 = arith.addi %iota3A_559, %add3A_562 : vector<16xi32>
    %swap3A_564 = arith.constant 16 : index
    %swap3A_565 = tpu.vector_load %arg7[%swap3A_564] {strides = array<i32>} : memref<80xi32, #tpu.memory_space<vmem>>, vector<16xi32>,
    %swap3A_566 = vector.shape_cast %swap3A_565 : vector<16xi32> to vector<16xi32>
    %swap3A_567 = vector.shape_cast %add3A_563 : vector<16xi32> to vector<16xi32>
    tpu.vector_store %arg7[%swap3A_564], %swap3A_567 {strides = array<i32>} : memref<80xi32, #tpu.memory_space<vmem>>, vector<16xi32>,
    %iota3A_568 = tpu.iota {dimensions = array<i32: 0>} : vector<16xi32>
    %add3A_569 = arith.constant 32 : i32
    %add3A_570 = arith.addi %add3A_549, %add3A_569 : i32
    %add3A_571 = vector.broadcast %add3A_570 : i32 to vector<16xi32>
    %add3A_572 = arith.addi %iota3A_568, %add3A_571 : vector<16xi32>
    %swap3A_573 = arith.constant 32 : index
    %swap3A_574 = tpu.vector_load %arg7[%swap3A_573] {strides = array<i32>} : memref<80xi32, #tpu.memory_space<vmem>>, vector<16xi32>,
    %swap3A_575 = vector.shape_cast %swap3A_574 : vector<16xi32> to vector<16xi32>
    %swap3A_576 = vector.shape_cast %add3A_572 : vector<16xi32> to vector<16xi32>
    tpu.vector_store %arg7[%swap3A_573], %swap3A_576 {strides = array<i32>} : memref<80xi32, #tpu.memory_space<vmem>>, vector<16xi32>,
    %iota3A_577 = tpu.iota {dimensions = array<i32: 0>} : vector<16xi32>
    %add3A_578 = arith.constant 48 : i32
    %add3A_579 = arith.addi %add3A_549, %add3A_578 : i32
    %add3A_580 = vector.broadcast %add3A_579 : i32 to vector<16xi32>
    %add3A_581 = arith.addi %iota3A_577, %add3A_580 : vector<16xi32>
    %swap3A_582 = arith.constant 48 : index
    %swap3A_583 = tpu.vector_load %arg7[%swap3A_582] {strides = array<i32>} : memref<80xi32, #tpu.memory_space<vmem>>, vector<16xi32>,
    %swap3A_584 = vector.shape_cast %swap3A_583 : vector<16xi32> to vector<16xi32>
    %swap3A_585 = vector.shape_cast %add3A_581 : vector<16xi32> to vector<16xi32>
    tpu.vector_store %arg7[%swap3A_582], %swap3A_585 {strides = array<i32>} : memref<80xi32, #tpu.memory_space<vmem>>, vector<16xi32>,
    %iota3A_586 = tpu.iota {dimensions = array<i32: 0>} : vector<16xi32>
    %add3A_587 = arith.constant 64 : i32
    %add3A_588 = arith.addi %add3A_549, %add3A_587 : i32
    %add3A_589 = vector.broadcast %add3A_588 : i32 to vector<16xi32>
    %add3A_590 = arith.addi %iota3A_586, %add3A_589 : vector<16xi32>
    %swap3A_591 = arith.constant 64 : index
    %swap3A_592 = tpu.vector_load %arg7[%swap3A_591] {strides = array<i32>} : memref<80xi32, #tpu.memory_space<vmem>>, vector<16xi32>,
    %swap3A_593 = vector.shape_cast %swap3A_592 : vector<16xi32> to vector<16xi32>
    %swap3A_594 = vector.shape_cast %add3A_590 : vector<16xi32> to vector<16xi32>
    tpu.vector_store %arg7[%swap3A_591], %swap3A_594 {strides = array<i32>} : memref<80xi32, #tpu.memory_space<vmem>>, vector<16xi32>,
    %dma_start3A_595 = arith.constant 0 : i32
    %dma_start3A_596 = arith.constant 0 : i32
    %dma_start3A_597 = tpu.memref_slice %arg10[%dma_start3A_595, %dma_start3A_596] : memref<10240x128xf32, #tpu.memory_space<vmem_shared>> -> memref<10240x128xf32, #tpu.memory_space<vmem_shared>>
    tpu.enqueue_indirect_dma source(%dma_start3A_597 : memref<10240x128xf32, #tpu.memory_space<vmem_shared>>) target(%arg8 : memref<80x128xf32, #tpu.memory_space<vmem>>) offsets(%arg7 : memref<80xi32, #tpu.memory_space<vmem>>) semaphore(%arg11 : memref<!tpu.dma_semaphore, #tpu.memory_space<semaphore_mem>>)
    %dma_wait3A_598 = arith.constant 0 : i32
    %dma_wait3A_599 = arith.constant 0 : i32
    %dma_wait3A_600 = tpu.memref_slice %arg10[%dma_wait3A_598, %dma_wait3A_599] : memref<10240x128xf32, #tpu.memory_space<vmem_shared>> -> memref<10240x128xf32, #tpu.memory_space<vmem_shared>>
    tpu.wait_indirect_dma semaphore(%arg11 : memref<!tpu.dma_semaphore, #tpu.memory_space<semaphore_mem>>) src(%dma_wait3A_600 : memref<10240x128xf32, #tpu.memory_space<vmem_shared>>) dst(%arg8 : memref<80x128xf32, #tpu.memory_space<vmem>>)
    "tpu.region"() ({
      %run_scoped3A = tpu.sem_alloc : memref<!tpu.dma_semaphore, #tpu.memory_space<semaphore_mem>>
      %dma_start3A_813 = arith.constant 0 : i32
      %dma_start3A_814 = tpu.memref_slice %arg5[%arg0, %add3A_549, %dma_start3A_813] : memref<2x10240x128xf32, #tpu.memory_space<hbm>> -> memref<1x80x128xf32, #tpu.memory_space<hbm>>
      %dma_start3A_815 = tpu.memref_squeeze %dma_start3A_814 : memref<1x80x128xf32, #tpu.memory_space<hbm>> -> memref<80x128xf32, #tpu.memory_space<hbm>>
      %dma_start3A_816 = arith.constant 0 : i32
      %dma_start3A_817 = tpu.memref_slice %arg5[%arg0, %add3A_549, %dma_start3A_816] : memref<2x10240x128xf32, #tpu.memory_space<hbm>> -> memref<1x80x128xf32, #tpu.memory_space<hbm>>
      %dma_start3A_818 = tpu.memref_squeeze %dma_start3A_817 : memref<1x80x128xf32, #tpu.memory_space<hbm>> -> memref<80x128xf32, #tpu.memory_space<hbm>>
      tpu.enqueue_dma source(%arg8 : memref<80x128xf32, #tpu.memory_space<vmem>>) target(%dma_start3A_818 : memref<80x128xf32, #tpu.memory_space<hbm>>) target_semaphore(%run_scoped3A : memref<!tpu.dma_semaphore, #tpu.memory_space<semaphore_mem>>)
      %dma_wait3A_819 = arith.constant 0 : i32
      %dma_wait3A_820 = tpu.memref_slice %arg5[%arg0, %add3A_549, %dma_wait3A_819] : memref<2x10240x128xf32, #tpu.memory_space<hbm>> -> memref<1x80x128xf32, #tpu.memory_space<hbm>>
      %dma_wait3A_821 = tpu.memref_squeeze %dma_wait3A_820 : memref<1x80x128xf32, #tpu.memory_space<hbm>> -> memref<80x128xf32, #tpu.memory_space<hbm>>
      %dma_wait3A_822 = arith.constant 0 : i32
      %dma_wait3A_823 = tpu.memref_slice %arg5[%arg0, %add3A_549, %dma_wait3A_822] : memref<2x10240x128xf32, #tpu.memory_space<hbm>> -> memref<1x80x128xf32, #tpu.memory_space<hbm>>
      %dma_wait3A_824 = tpu.memref_squeeze %dma_wait3A_823 : memref<1x80x128xf32, #tpu.memory_space<hbm>> -> memref<80x128xf32, #tpu.memory_space<hbm>>
      tpu.wait_dma2 semaphore(%run_scoped3A : memref<!tpu.dma_semaphore, #tpu.memory_space<semaphore_mem>>) src(%arg8 : memref<80x128xf32, #tpu.memory_space<vmem>>) dst(%dma_wait3A_824 : memref<80x128xf32, #tpu.memory_space<hbm>>)
      tpu.yield
    }) : () -> ()
    %add3A_601 = arith.constant 320 : i32
    %add3A_602 = arith.addi %mul3A_2, %add3A_601 : i32
    %iota3A_603 = tpu.iota {dimensions = array<i32: 0>} : vector<16xi32>
    %add3A_604 = arith.constant 0 : i32
    %add3A_605 = arith.addi %add3A_602, %add3A_604 : i32
    %add3A_606 = vector.broadcast %add3A_605 : i32 to vector<16xi32>
    %add3A_607 = arith.addi %iota3A_603, %add3A_606 : vector<16xi32>
    %swap3A_608 = arith.constant 0 : index
    %swap3A_609 = tpu.vector_load %arg7[%swap3A_608] {strides = array<i32>} : memref<80xi32, #tpu.memory_space<vmem>>, vector<16xi32>,
    %swap3A_610 = vector.shape_cast %swap3A_609 : vector<16xi32> to vector<16xi32>
    %swap3A_611 = vector.shape_cast %add3A_607 : vector<16xi32> to vector<16xi32>
    tpu.vector_store %arg7[%swap3A_608], %swap3A_611 {strides = array<i32>} : memref<80xi32, #tpu.memory_space<vmem>>, vector<16xi32>,
    %iota3A_612 = tpu.iota {dimensions = array<i32: 0>} : vector<16xi32>
    %add3A_613 = arith.constant 16 : i32
    %add3A_614 = arith.addi %add3A_602, %add3A_613 : i32
    %add3A_615 = vector.broadcast %add3A_614 : i32 to vector<16xi32>
    %add3A_616 = arith.addi %iota3A_612, %add3A_615 : vector<16xi32>
    %swap3A_617 = arith.constant 16 : index
    %swap3A_618 = tpu.vector_load %arg7[%swap3A_617] {strides = array<i32>} : memref<80xi32, #tpu.memory_space<vmem>>, vector<16xi32>,
    %swap3A_619 = vector.shape_cast %swap3A_618 : vector<16xi32> to vector<16xi32>
    %swap3A_620 = vector.shape_cast %add3A_616 : vector<16xi32> to vector<16xi32>
    tpu.vector_store %arg7[%swap3A_617], %swap3A_620 {strides = array<i32>} : memref<80xi32, #tpu.memory_space<vmem>>, vector<16xi32>,
    %iota3A_621 = tpu.iota {dimensions = array<i32: 0>} : vector<16xi32>
    %add3A_622 = arith.constant 32 : i32
    %add3A_623 = arith.addi %add3A_602, %add3A_622 : i32
    %add3A_624 = vector.broadcast %add3A_623 : i32 to vector<16xi32>
    %add3A_625 = arith.addi %iota3A_621, %add3A_624 : vector<16xi32>
    %swap3A_626 = arith.constant 32 : index
    %swap3A_627 = tpu.vector_load %arg7[%swap3A_626] {strides = array<i32>} : memref<80xi32, #tpu.memory_space<vmem>>, vector<16xi32>,
    %swap3A_628 = vector.shape_cast %swap3A_627 : vector<16xi32> to vector<16xi32>
    %swap3A_629 = vector.shape_cast %add3A_625 : vector<16xi32> to vector<16xi32>
    tpu.vector_store %arg7[%swap3A_626], %swap3A_629 {strides = array<i32>} : memref<80xi32, #tpu.memory_space<vmem>>, vector<16xi32>,
    %iota3A_630 = tpu.iota {dimensions = array<i32: 0>} : vector<16xi32>
    %add3A_631 = arith.constant 48 : i32
    %add3A_632 = arith.addi %add3A_602, %add3A_631 : i32
    %add3A_633 = vector.broadcast %add3A_632 : i32 to vector<16xi32>
    %add3A_634 = arith.addi %iota3A_630, %add3A_633 : vector<16xi32>
    %swap3A_635 = arith.constant 48 : index
    %swap3A_636 = tpu.vector_load %arg7[%swap3A_635] {strides = array<i32>} : memref<80xi32, #tpu.memory_space<vmem>>, vector<16xi32>,
    %swap3A_637 = vector.shape_cast %swap3A_636 : vector<16xi32> to vector<16xi32>
    %swap3A_638 = vector.shape_cast %add3A_634 : vector<16xi32> to vector<16xi32>
    tpu.vector_store %arg7[%swap3A_635], %swap3A_638 {strides = array<i32>} : memref<80xi32, #tpu.memory_space<vmem>>, vector<16xi32>,
    %iota3A_639 = tpu.iota {dimensions = array<i32: 0>} : vector<16xi32>
    %add3A_640 = arith.constant 64 : i32
    %add3A_641 = arith.addi %add3A_602, %add3A_640 : i32
    %add3A_642 = vector.broadcast %add3A_641 : i32 to vector<16xi32>
    %add3A_643 = arith.addi %iota3A_639, %add3A_642 : vector<16xi32>
    %swap3A_644 = arith.constant 64 : index
    %swap3A_645 = tpu.vector_load %arg7[%swap3A_644] {strides = array<i32>} : memref<80xi32, #tpu.memory_space<vmem>>, vector<16xi32>,
    %swap3A_646 = vector.shape_cast %swap3A_645 : vector<16xi32> to vector<16xi32>
    %swap3A_647 = vector.shape_cast %add3A_643 : vector<16xi32> to vector<16xi32>
    tpu.vector_store %arg7[%swap3A_644], %swap3A_647 {strides = array<i32>} : memref<80xi32, #tpu.memory_space<vmem>>, vector<16xi32>,
    %dma_start3A_648 = arith.constant 0 : i32
    %dma_start3A_649 = arith.constant 0 : i32
    %dma_start3A_650 = tpu.memref_slice %arg10[%dma_start3A_648, %dma_start3A_649] : memref<10240x128xf32, #tpu.memory_space<vmem_shared>> -> memref<10240x128xf32, #tpu.memory_space<vmem_shared>>
    tpu.enqueue_indirect_dma source(%dma_start3A_650 : memref<10240x128xf32, #tpu.memory_space<vmem_shared>>) target(%arg8 : memref<80x128xf32, #tpu.memory_space<vmem>>) offsets(%arg7 : memref<80xi32, #tpu.memory_space<vmem>>) semaphore(%arg11 : memref<!tpu.dma_semaphore, #tpu.memory_space<semaphore_mem>>)
    %dma_wait3A_651 = arith.constant 0 : i32
    %dma_wait3A_652 = arith.constant 0 : i32
    %dma_wait3A_653 = tpu.memref_slice %arg10[%dma_wait3A_651, %dma_wait3A_652] : memref<10240x128xf32, #tpu.memory_space<vmem_shared>> -> memref<10240x128xf32, #tpu.memory_space<vmem_shared>>
    tpu.wait_indirect_dma semaphore(%arg11 : memref<!tpu.dma_semaphore, #tpu.memory_space<semaphore_mem>>) src(%dma_wait3A_653 : memref<10240x128xf32, #tpu.memory_space<vmem_shared>>) dst(%arg8 : memref<80x128xf32, #tpu.memory_space<vmem>>)
    "tpu.region"() ({
      %run_scoped3A = tpu.sem_alloc : memref<!tpu.dma_semaphore, #tpu.memory_space<semaphore_mem>>
      %dma_start3A_813 = arith.constant 0 : i32
      %dma_start3A_814 = tpu.memref_slice %arg5[%arg0, %add3A_602, %dma_start3A_813] : memref<2x10240x128xf32, #tpu.memory_space<hbm>> -> memref<1x80x128xf32, #tpu.memory_space<hbm>>
      %dma_start3A_815 = tpu.memref_squeeze %dma_start3A_814 : memref<1x80x128xf32, #tpu.memory_space<hbm>> -> memref<80x128xf32, #tpu.memory_space<hbm>>
      %dma_start3A_816 = arith.constant 0 : i32
      %dma_start3A_817 = tpu.memref_slice %arg5[%arg0, %add3A_602, %dma_start3A_816] : memref<2x10240x128xf32, #tpu.memory_space<hbm>> -> memref<1x80x128xf32, #tpu.memory_space<hbm>>
      %dma_start3A_818 = tpu.memref_squeeze %dma_start3A_817 : memref<1x80x128xf32, #tpu.memory_space<hbm>> -> memref<80x128xf32, #tpu.memory_space<hbm>>
      tpu.enqueue_dma source(%arg8 : memref<80x128xf32, #tpu.memory_space<vmem>>) target(%dma_start3A_818 : memref<80x128xf32, #tpu.memory_space<hbm>>) target_semaphore(%run_scoped3A : memref<!tpu.dma_semaphore, #tpu.memory_space<semaphore_mem>>)
      %dma_wait3A_819 = arith.constant 0 : i32
      %dma_wait3A_820 = tpu.memref_slice %arg5[%arg0, %add3A_602, %dma_wait3A_819] : memref<2x10240x128xf32, #tpu.memory_space<hbm>> -> memref<1x80x128xf32, #tpu.memory_space<hbm>>
      %dma_wait3A_821 = tpu.memref_squeeze %dma_wait3A_820 : memref<1x80x128xf32, #tpu.memory_space<hbm>> -> memref<80x128xf32, #tpu.memory_space<hbm>>
      %dma_wait3A_822 = arith.constant 0 : i32
      %dma_wait3A_823 = tpu.memref_slice %arg5[%arg0, %add3A_602, %dma_wait3A_822] : memref<2x10240x128xf32, #tpu.memory_space<hbm>> -> memref<1x80x128xf32, #tpu.memory_space<hbm>>
      %dma_wait3A_824 = tpu.memref_squeeze %dma_wait3A_823 : memref<1x80x128xf32, #tpu.memory_space<hbm>> -> memref<80x128xf32, #tpu.memory_space<hbm>>
      tpu.wait_dma2 semaphore(%run_scoped3A : memref<!tpu.dma_semaphore, #tpu.memory_space<semaphore_mem>>) src(%arg8 : memref<80x128xf32, #tpu.memory_space<vmem>>) dst(%dma_wait3A_824 : memref<80x128xf32, #tpu.memory_space<hbm>>)
      tpu.yield
    }) : () -> ()
    %add3A_654 = arith.constant 400 : i32
    %add3A_655 = arith.addi %mul3A_2, %add3A_654 : i32
    %iota3A_656 = tpu.iota {dimensions = array<i32: 0>} : vector<16xi32>
    %add3A_657 = arith.constant 0 : i32
    %add3A_658 = arith.addi %add3A_655, %add3A_657 : i32
    %add3A_659 = vector.broadcast %add3A_658 : i32 to vector<16xi32>
    %add3A_660 = arith.addi %iota3A_656, %add3A_659 : vector<16xi32>
    %swap3A_661 = arith.constant 0 : index
    %swap3A_662 = tpu.vector_load %arg7[%swap3A_661] {strides = array<i32>} : memref<80xi32, #tpu.memory_space<vmem>>, vector<16xi32>,
    %swap3A_663 = vector.shape_cast %swap3A_662 : vector<16xi32> to vector<16xi32>
    %swap3A_664 = vector.shape_cast %add3A_660 : vector<16xi32> to vector<16xi32>
    tpu.vector_store %arg7[%swap3A_661], %swap3A_664 {strides = array<i32>} : memref<80xi32, #tpu.memory_space<vmem>>, vector<16xi32>,
    %iota3A_665 = tpu.iota {dimensions = array<i32: 0>} : vector<16xi32>
    %add3A_666 = arith.constant 16 : i32
    %add3A_667 = arith.addi %add3A_655, %add3A_666 : i32
    %add3A_668 = vector.broadcast %add3A_667 : i32 to vector<16xi32>
    %add3A_669 = arith.addi %iota3A_665, %add3A_668 : vector<16xi32>
    %swap3A_670 = arith.constant 16 : index
    %swap3A_671 = tpu.vector_load %arg7[%swap3A_670] {strides = array<i32>} : memref<80xi32, #tpu.memory_space<vmem>>, vector<16xi32>,
    %swap3A_672 = vector.shape_cast %swap3A_671 : vector<16xi32> to vector<16xi32>
    %swap3A_673 = vector.shape_cast %add3A_669 : vector<16xi32> to vector<16xi32>
    tpu.vector_store %arg7[%swap3A_670], %swap3A_673 {strides = array<i32>} : memref<80xi32, #tpu.memory_space<vmem>>, vector<16xi32>,
    %iota3A_674 = tpu.iota {dimensions = array<i32: 0>} : vector<16xi32>
    %add3A_675 = arith.constant 32 : i32
    %add3A_676 = arith.addi %add3A_655, %add3A_675 : i32
    %add3A_677 = vector.broadcast %add3A_676 : i32 to vector<16xi32>
    %add3A_678 = arith.addi %iota3A_674, %add3A_677 : vector<16xi32>
    %swap3A_679 = arith.constant 32 : index
    %swap3A_680 = tpu.vector_load %arg7[%swap3A_679] {strides = array<i32>} : memref<80xi32, #tpu.memory_space<vmem>>, vector<16xi32>,
    %swap3A_681 = vector.shape_cast %swap3A_680 : vector<16xi32> to vector<16xi32>
    %swap3A_682 = vector.shape_cast %add3A_678 : vector<16xi32> to vector<16xi32>
    tpu.vector_store %arg7[%swap3A_679], %swap3A_682 {strides = array<i32>} : memref<80xi32, #tpu.memory_space<vmem>>, vector<16xi32>,
    %iota3A_683 = tpu.iota {dimensions = array<i32: 0>} : vector<16xi32>
    %add3A_684 = arith.constant 48 : i32
    %add3A_685 = arith.addi %add3A_655, %add3A_684 : i32
    %add3A_686 = vector.broadcast %add3A_685 : i32 to vector<16xi32>
    %add3A_687 = arith.addi %iota3A_683, %add3A_686 : vector<16xi32>
    %swap3A_688 = arith.constant 48 : index
    %swap3A_689 = tpu.vector_load %arg7[%swap3A_688] {strides = array<i32>} : memref<80xi32, #tpu.memory_space<vmem>>, vector<16xi32>,
    %swap3A_690 = vector.shape_cast %swap3A_689 : vector<16xi32> to vector<16xi32>
    %swap3A_691 = vector.shape_cast %add3A_687 : vector<16xi32> to vector<16xi32>
    tpu.vector_store %arg7[%swap3A_688], %swap3A_691 {strides = array<i32>} : memref<80xi32, #tpu.memory_space<vmem>>, vector<16xi32>,
    %iota3A_692 = tpu.iota {dimensions = array<i32: 0>} : vector<16xi32>
    %add3A_693 = arith.constant 64 : i32
    %add3A_694 = arith.addi %add3A_655, %add3A_693 : i32
    %add3A_695 = vector.broadcast %add3A_694 : i32 to vector<16xi32>
    %add3A_696 = arith.addi %iota3A_692, %add3A_695 : vector<16xi32>
    %swap3A_697 = arith.constant 64 : index
    %swap3A_698 = tpu.vector_load %arg7[%swap3A_697] {strides = array<i32>} : memref<80xi32, #tpu.memory_space<vmem>>, vector<16xi32>,
    %swap3A_699 = vector.shape_cast %swap3A_698 : vector<16xi32> to vector<16xi32>
    %swap3A_700 = vector.shape_cast %add3A_696 : vector<16xi32> to vector<16xi32>
    tpu.vector_store %arg7[%swap3A_697], %swap3A_700 {strides = array<i32>} : memref<80xi32, #tpu.memory_space<vmem>>, vector<16xi32>,
    %dma_start3A_701 = arith.constant 0 : i32
    %dma_start3A_702 = arith.constant 0 : i32
    %dma_start3A_703 = tpu.memref_slice %arg10[%dma_start3A_701, %dma_start3A_702] : memref<10240x128xf32, #tpu.memory_space<vmem_shared>> -> memref<10240x128xf32, #tpu.memory_space<vmem_shared>>
    tpu.enqueue_indirect_dma source(%dma_start3A_703 : memref<10240x128xf32, #tpu.memory_space<vmem_shared>>) target(%arg8 : memref<80x128xf32, #tpu.memory_space<vmem>>) offsets(%arg7 : memref<80xi32, #tpu.memory_space<vmem>>) semaphore(%arg11 : memref<!tpu.dma_semaphore, #tpu.memory_space<semaphore_mem>>)
    %dma_wait3A_704 = arith.constant 0 : i32
    %dma_wait3A_705 = arith.constant 0 : i32
    %dma_wait3A_706 = tpu.memref_slice %arg10[%dma_wait3A_704, %dma_wait3A_705] : memref<10240x128xf32, #tpu.memory_space<vmem_shared>> -> memref<10240x128xf32, #tpu.memory_space<vmem_shared>>
    tpu.wait_indirect_dma semaphore(%arg11 : memref<!tpu.dma_semaphore, #tpu.memory_space<semaphore_mem>>) src(%dma_wait3A_706 : memref<10240x128xf32, #tpu.memory_space<vmem_shared>>) dst(%arg8 : memref<80x128xf32, #tpu.memory_space<vmem>>)
    "tpu.region"() ({
      %run_scoped3A = tpu.sem_alloc : memref<!tpu.dma_semaphore, #tpu.memory_space<semaphore_mem>>
      %dma_start3A_813 = arith.constant 0 : i32
      %dma_start3A_814 = tpu.memref_slice %arg5[%arg0, %add3A_655, %dma_start3A_813] : memref<2x10240x128xf32, #tpu.memory_space<hbm>> -> memref<1x80x128xf32, #tpu.memory_space<hbm>>
      %dma_start3A_815 = tpu.memref_squeeze %dma_start3A_814 : memref<1x80x128xf32, #tpu.memory_space<hbm>> -> memref<80x128xf32, #tpu.memory_space<hbm>>
      %dma_start3A_816 = arith.constant 0 : i32
      %dma_start3A_817 = tpu.memref_slice %arg5[%arg0, %add3A_655, %dma_start3A_816] : memref<2x10240x128xf32, #tpu.memory_space<hbm>> -> memref<1x80x128xf32, #tpu.memory_space<hbm>>
      %dma_start3A_818 = tpu.memref_squeeze %dma_start3A_817 : memref<1x80x128xf32, #tpu.memory_space<hbm>> -> memref<80x128xf32, #tpu.memory_space<hbm>>
      tpu.enqueue_dma source(%arg8 : memref<80x128xf32, #tpu.memory_space<vmem>>) target(%dma_start3A_818 : memref<80x128xf32, #tpu.memory_space<hbm>>) target_semaphore(%run_scoped3A : memref<!tpu.dma_semaphore, #tpu.memory_space<semaphore_mem>>)
      %dma_wait3A_819 = arith.constant 0 : i32
      %dma_wait3A_820 = tpu.memref_slice %arg5[%arg0, %add3A_655, %dma_wait3A_819] : memref<2x10240x128xf32, #tpu.memory_space<hbm>> -> memref<1x80x128xf32, #tpu.memory_space<hbm>>
      %dma_wait3A_821 = tpu.memref_squeeze %dma_wait3A_820 : memref<1x80x128xf32, #tpu.memory_space<hbm>> -> memref<80x128xf32, #tpu.memory_space<hbm>>
      %dma_wait3A_822 = arith.constant 0 : i32
      %dma_wait3A_823 = tpu.memref_slice %arg5[%arg0, %add3A_655, %dma_wait3A_822] : memref<2x10240x128xf32, #tpu.memory_space<hbm>> -> memref<1x80x128xf32, #tpu.memory_space<hbm>>
      %dma_wait3A_824 = tpu.memref_squeeze %dma_wait3A_823 : memref<1x80x128xf32, #tpu.memory_space<hbm>> -> memref<80x128xf32, #tpu.memory_space<hbm>>
      tpu.wait_dma2 semaphore(%run_scoped3A : memref<!tpu.dma_semaphore, #tpu.memory_space<semaphore_mem>>) src(%arg8 : memref<80x128xf32, #tpu.memory_space<vmem>>) dst(%dma_wait3A_824 : memref<80x128xf32, #tpu.memory_space<hbm>>)
      tpu.yield
    }) : () -> ()
    %add3A_707 = arith.constant 480 : i32
    %add3A_708 = arith.addi %mul3A_2, %add3A_707 : i32
    %iota3A_709 = tpu.iota {dimensions = array<i32: 0>} : vector<16xi32>
    %add3A_710 = arith.constant 0 : i32
    %add3A_711 = arith.addi %add3A_708, %add3A_710 : i32
    %add3A_712 = vector.broadcast %add3A_711 : i32 to vector<16xi32>
    %add3A_713 = arith.addi %iota3A_709, %add3A_712 : vector<16xi32>
    %swap3A_714 = arith.constant 0 : index
    %swap3A_715 = tpu.vector_load %arg7[%swap3A_714] {strides = array<i32>} : memref<80xi32, #tpu.memory_space<vmem>>, vector<16xi32>,
    %swap3A_716 = vector.shape_cast %swap3A_715 : vector<16xi32> to vector<16xi32>
    %swap3A_717 = vector.shape_cast %add3A_713 : vector<16xi32> to vector<16xi32>
    tpu.vector_store %arg7[%swap3A_714], %swap3A_717 {strides = array<i32>} : memref<80xi32, #tpu.memory_space<vmem>>, vector<16xi32>,
    %iota3A_718 = tpu.iota {dimensions = array<i32: 0>} : vector<16xi32>
    %add3A_719 = arith.constant 16 : i32
    %add3A_720 = arith.addi %add3A_708, %add3A_719 : i32
    %add3A_721 = vector.broadcast %add3A_720 : i32 to vector<16xi32>
    %add3A_722 = arith.addi %iota3A_718, %add3A_721 : vector<16xi32>
    %swap3A_723 = arith.constant 16 : index
    %swap3A_724 = tpu.vector_load %arg7[%swap3A_723] {strides = array<i32>} : memref<80xi32, #tpu.memory_space<vmem>>, vector<16xi32>,
    %swap3A_725 = vector.shape_cast %swap3A_724 : vector<16xi32> to vector<16xi32>
    %swap3A_726 = vector.shape_cast %add3A_722 : vector<16xi32> to vector<16xi32>
    tpu.vector_store %arg7[%swap3A_723], %swap3A_726 {strides = array<i32>} : memref<80xi32, #tpu.memory_space<vmem>>, vector<16xi32>,
    %iota3A_727 = tpu.iota {dimensions = array<i32: 0>} : vector<16xi32>
    %add3A_728 = arith.constant 32 : i32
    %add3A_729 = arith.addi %add3A_708, %add3A_728 : i32
    %add3A_730 = vector.broadcast %add3A_729 : i32 to vector<16xi32>
    %add3A_731 = arith.addi %iota3A_727, %add3A_730 : vector<16xi32>
    %swap3A_732 = arith.constant 32 : index
    %swap3A_733 = tpu.vector_load %arg7[%swap3A_732] {strides = array<i32>} : memref<80xi32, #tpu.memory_space<vmem>>, vector<16xi32>,
    %swap3A_734 = vector.shape_cast %swap3A_733 : vector<16xi32> to vector<16xi32>
    %swap3A_735 = vector.shape_cast %add3A_731 : vector<16xi32> to vector<16xi32>
    tpu.vector_store %arg7[%swap3A_732], %swap3A_735 {strides = array<i32>} : memref<80xi32, #tpu.memory_space<vmem>>, vector<16xi32>,
    %iota3A_736 = tpu.iota {dimensions = array<i32: 0>} : vector<16xi32>
    %add3A_737 = arith.constant 48 : i32
    %add3A_738 = arith.addi %add3A_708, %add3A_737 : i32
    %add3A_739 = vector.broadcast %add3A_738 : i32 to vector<16xi32>
    %add3A_740 = arith.addi %iota3A_736, %add3A_739 : vector<16xi32>
    %swap3A_741 = arith.constant 48 : index
    %swap3A_742 = tpu.vector_load %arg7[%swap3A_741] {strides = array<i32>} : memref<80xi32, #tpu.memory_space<vmem>>, vector<16xi32>,
    %swap3A_743 = vector.shape_cast %swap3A_742 : vector<16xi32> to vector<16xi32>
    %swap3A_744 = vector.shape_cast %add3A_740 : vector<16xi32> to vector<16xi32>
    tpu.vector_store %arg7[%swap3A_741], %swap3A_744 {strides = array<i32>} : memref<80xi32, #tpu.memory_space<vmem>>, vector<16xi32>,
    %iota3A_745 = tpu.iota {dimensions = array<i32: 0>} : vector<16xi32>
    %add3A_746 = arith.constant 64 : i32
    %add3A_747 = arith.addi %add3A_708, %add3A_746 : i32
    %add3A_748 = vector.broadcast %add3A_747 : i32 to vector<16xi32>
    %add3A_749 = arith.addi %iota3A_745, %add3A_748 : vector<16xi32>
    %swap3A_750 = arith.constant 64 : index
    %swap3A_751 = tpu.vector_load %arg7[%swap3A_750] {strides = array<i32>} : memref<80xi32, #tpu.memory_space<vmem>>, vector<16xi32>,
    %swap3A_752 = vector.shape_cast %swap3A_751 : vector<16xi32> to vector<16xi32>
    %swap3A_753 = vector.shape_cast %add3A_749 : vector<16xi32> to vector<16xi32>
    tpu.vector_store %arg7[%swap3A_750], %swap3A_753 {strides = array<i32>} : memref<80xi32, #tpu.memory_space<vmem>>, vector<16xi32>,
    %dma_start3A_754 = arith.constant 0 : i32
    %dma_start3A_755 = arith.constant 0 : i32
    %dma_start3A_756 = tpu.memref_slice %arg10[%dma_start3A_754, %dma_start3A_755] : memref<10240x128xf32, #tpu.memory_space<vmem_shared>> -> memref<10240x128xf32, #tpu.memory_space<vmem_shared>>
    tpu.enqueue_indirect_dma source(%dma_start3A_756 : memref<10240x128xf32, #tpu.memory_space<vmem_shared>>) target(%arg8 : memref<80x128xf32, #tpu.memory_space<vmem>>) offsets(%arg7 : memref<80xi32, #tpu.memory_space<vmem>>) semaphore(%arg11 : memref<!tpu.dma_semaphore, #tpu.memory_space<semaphore_mem>>)
    %dma_wait3A_757 = arith.constant 0 : i32
    %dma_wait3A_758 = arith.constant 0 : i32
    %dma_wait3A_759 = tpu.memref_slice %arg10[%dma_wait3A_757, %dma_wait3A_758] : memref<10240x128xf32, #tpu.memory_space<vmem_shared>> -> memref<10240x128xf32, #tpu.memory_space<vmem_shared>>
    tpu.wait_indirect_dma semaphore(%arg11 : memref<!tpu.dma_semaphore, #tpu.memory_space<semaphore_mem>>) src(%dma_wait3A_759 : memref<10240x128xf32, #tpu.memory_space<vmem_shared>>) dst(%arg8 : memref<80x128xf32, #tpu.memory_space<vmem>>)
    "tpu.region"() ({
      %run_scoped3A = tpu.sem_alloc : memref<!tpu.dma_semaphore, #tpu.memory_space<semaphore_mem>>
      %dma_start3A_813 = arith.constant 0 : i32
      %dma_start3A_814 = tpu.memref_slice %arg5[%arg0, %add3A_708, %dma_start3A_813] : memref<2x10240x128xf32, #tpu.memory_space<hbm>> -> memref<1x80x128xf32, #tpu.memory_space<hbm>>
      %dma_start3A_815 = tpu.memref_squeeze %dma_start3A_814 : memref<1x80x128xf32, #tpu.memory_space<hbm>> -> memref<80x128xf32, #tpu.memory_space<hbm>>
      %dma_start3A_816 = arith.constant 0 : i32
      %dma_start3A_817 = tpu.memref_slice %arg5[%arg0, %add3A_708, %dma_start3A_816] : memref<2x10240x128xf32, #tpu.memory_space<hbm>> -> memref<1x80x128xf32, #tpu.memory_space<hbm>>
      %dma_start3A_818 = tpu.memref_squeeze %dma_start3A_817 : memref<1x80x128xf32, #tpu.memory_space<hbm>> -> memref<80x128xf32, #tpu.memory_space<hbm>>
      tpu.enqueue_dma source(%arg8 : memref<80x128xf32, #tpu.memory_space<vmem>>) target(%dma_start3A_818 : memref<80x128xf32, #tpu.memory_space<hbm>>) target_semaphore(%run_scoped3A : memref<!tpu.dma_semaphore, #tpu.memory_space<semaphore_mem>>)
      %dma_wait3A_819 = arith.constant 0 : i32
      %dma_wait3A_820 = tpu.memref_slice %arg5[%arg0, %add3A_708, %dma_wait3A_819] : memref<2x10240x128xf32, #tpu.memory_space<hbm>> -> memref<1x80x128xf32, #tpu.memory_space<hbm>>
      %dma_wait3A_821 = tpu.memref_squeeze %dma_wait3A_820 : memref<1x80x128xf32, #tpu.memory_space<hbm>> -> memref<80x128xf32, #tpu.memory_space<hbm>>
      %dma_wait3A_822 = arith.constant 0 : i32
      %dma_wait3A_823 = tpu.memref_slice %arg5[%arg0, %add3A_708, %dma_wait3A_822] : memref<2x10240x128xf32, #tpu.memory_space<hbm>> -> memref<1x80x128xf32, #tpu.memory_space<hbm>>
      %dma_wait3A_824 = tpu.memref_squeeze %dma_wait3A_823 : memref<1x80x128xf32, #tpu.memory_space<hbm>> -> memref<80x128xf32, #tpu.memory_space<hbm>>
      tpu.wait_dma2 semaphore(%run_scoped3A : memref<!tpu.dma_semaphore, #tpu.memory_space<semaphore_mem>>) src(%arg8 : memref<80x128xf32, #tpu.memory_space<vmem>>) dst(%dma_wait3A_824 : memref<80x128xf32, #tpu.memory_space<hbm>>)
      tpu.yield
    }) : () -> ()
    %add3A_760 = arith.constant 560 : i32
    %add3A_761 = arith.addi %mul3A_2, %add3A_760 : i32
    %iota3A_762 = tpu.iota {dimensions = array<i32: 0>} : vector<16xi32>
    %add3A_763 = arith.constant 0 : i32
    %add3A_764 = arith.addi %add3A_761, %add3A_763 : i32
    %add3A_765 = vector.broadcast %add3A_764 : i32 to vector<16xi32>
    %add3A_766 = arith.addi %iota3A_762, %add3A_765 : vector<16xi32>
    %swap3A_767 = arith.constant 0 : index
    %swap3A_768 = tpu.vector_load %arg7[%swap3A_767] {strides = array<i32>} : memref<80xi32, #tpu.memory_space<vmem>>, vector<16xi32>,
    %swap3A_769 = vector.shape_cast %swap3A_768 : vector<16xi32> to vector<16xi32>
    %swap3A_770 = vector.shape_cast %add3A_766 : vector<16xi32> to vector<16xi32>
    tpu.vector_store %arg7[%swap3A_767], %swap3A_770 {strides = array<i32>} : memref<80xi32, #tpu.memory_space<vmem>>, vector<16xi32>,
    %iota3A_771 = tpu.iota {dimensions = array<i32: 0>} : vector<16xi32>
    %add3A_772 = arith.constant 16 : i32
    %add3A_773 = arith.addi %add3A_761, %add3A_772 : i32
    %add3A_774 = vector.broadcast %add3A_773 : i32 to vector<16xi32>
    %add3A_775 = arith.addi %iota3A_771, %add3A_774 : vector<16xi32>
    %swap3A_776 = arith.constant 16 : index
    %swap3A_777 = tpu.vector_load %arg7[%swap3A_776] {strides = array<i32>} : memref<80xi32, #tpu.memory_space<vmem>>, vector<16xi32>,
    %swap3A_778 = vector.shape_cast %swap3A_777 : vector<16xi32> to vector<16xi32>
    %swap3A_779 = vector.shape_cast %add3A_775 : vector<16xi32> to vector<16xi32>
    tpu.vector_store %arg7[%swap3A_776], %swap3A_779 {strides = array<i32>} : memref<80xi32, #tpu.memory_space<vmem>>, vector<16xi32>,
    %iota3A_780 = tpu.iota {dimensions = array<i32: 0>} : vector<16xi32>
    %add3A_781 = arith.constant 32 : i32
    %add3A_782 = arith.addi %add3A_761, %add3A_781 : i32
    %add3A_783 = vector.broadcast %add3A_782 : i32 to vector<16xi32>
    %add3A_784 = arith.addi %iota3A_780, %add3A_783 : vector<16xi32>
    %swap3A_785 = arith.constant 32 : index
    %swap3A_786 = tpu.vector_load %arg7[%swap3A_785] {strides = array<i32>} : memref<80xi32, #tpu.memory_space<vmem>>, vector<16xi32>,
    %swap3A_787 = vector.shape_cast %swap3A_786 : vector<16xi32> to vector<16xi32>
    %swap3A_788 = vector.shape_cast %add3A_784 : vector<16xi32> to vector<16xi32>
    tpu.vector_store %arg7[%swap3A_785], %swap3A_788 {strides = array<i32>} : memref<80xi32, #tpu.memory_space<vmem>>, vector<16xi32>,
    %iota3A_789 = tpu.iota {dimensions = array<i32: 0>} : vector<16xi32>
    %add3A_790 = arith.constant 48 : i32
    %add3A_791 = arith.addi %add3A_761, %add3A_790 : i32
    %add3A_792 = vector.broadcast %add3A_791 : i32 to vector<16xi32>
    %add3A_793 = arith.addi %iota3A_789, %add3A_792 : vector<16xi32>
    %swap3A_794 = arith.constant 48 : index
    %swap3A_795 = tpu.vector_load %arg7[%swap3A_794] {strides = array<i32>} : memref<80xi32, #tpu.memory_space<vmem>>, vector<16xi32>,
    %swap3A_796 = vector.shape_cast %swap3A_795 : vector<16xi32> to vector<16xi32>
    %swap3A_797 = vector.shape_cast %add3A_793 : vector<16xi32> to vector<16xi32>
    tpu.vector_store %arg7[%swap3A_794], %swap3A_797 {strides = array<i32>} : memref<80xi32, #tpu.memory_space<vmem>>, vector<16xi32>,
    %iota3A_798 = tpu.iota {dimensions = array<i32: 0>} : vector<16xi32>
    %add3A_799 = arith.constant 64 : i32
    %add3A_800 = arith.addi %add3A_761, %add3A_799 : i32
    %add3A_801 = vector.broadcast %add3A_800 : i32 to vector<16xi32>
    %add3A_802 = arith.addi %iota3A_798, %add3A_801 : vector<16xi32>
    %swap3A_803 = arith.constant 64 : index
    %swap3A_804 = tpu.vector_load %arg7[%swap3A_803] {strides = array<i32>} : memref<80xi32, #tpu.memory_space<vmem>>, vector<16xi32>,
    %swap3A_805 = vector.shape_cast %swap3A_804 : vector<16xi32> to vector<16xi32>
    %swap3A_806 = vector.shape_cast %add3A_802 : vector<16xi32> to vector<16xi32>
    tpu.vector_store %arg7[%swap3A_803], %swap3A_806 {strides = array<i32>} : memref<80xi32, #tpu.memory_space<vmem>>, vector<16xi32>,
    %dma_start3A_807 = arith.constant 0 : i32
    %dma_start3A_808 = arith.constant 0 : i32
    %dma_start3A_809 = tpu.memref_slice %arg10[%dma_start3A_807, %dma_start3A_808] : memref<10240x128xf32, #tpu.memory_space<vmem_shared>> -> memref<10240x128xf32, #tpu.memory_space<vmem_shared>>
    tpu.enqueue_indirect_dma source(%dma_start3A_809 : memref<10240x128xf32, #tpu.memory_space<vmem_shared>>) target(%arg8 : memref<80x128xf32, #tpu.memory_space<vmem>>) offsets(%arg7 : memref<80xi32, #tpu.memory_space<vmem>>) semaphore(%arg11 : memref<!tpu.dma_semaphore, #tpu.memory_space<semaphore_mem>>)
    %dma_wait3A_810 = arith.constant 0 : i32
    %dma_wait3A_811 = arith.constant 0 : i32
    %dma_wait3A_812 = tpu.memref_slice %arg10[%dma_wait3A_810, %dma_wait3A_811] : memref<10240x128xf32, #tpu.memory_space<vmem_shared>> -> memref<10240x128xf32, #tpu.memory_space<vmem_shared>>
    tpu.wait_indirect_dma semaphore(%arg11 : memref<!tpu.dma_semaphore, #tpu.memory_space<semaphore_mem>>) src(%dma_wait3A_812 : memref<10240x128xf32, #tpu.memory_space<vmem_shared>>) dst(%arg8 : memref<80x128xf32, #tpu.memory_space<vmem>>)
    "tpu.region"() ({
      %run_scoped3A = tpu.sem_alloc : memref<!tpu.dma_semaphore, #tpu.memory_space<semaphore_mem>>
      %dma_start3A_813 = arith.constant 0 : i32
      %dma_start3A_814 = tpu.memref_slice %arg5[%arg0, %add3A_761, %dma_start3A_813] : memref<2x10240x128xf32, #tpu.memory_space<hbm>> -> memref<1x80x128xf32, #tpu.memory_space<hbm>>
      %dma_start3A_815 = tpu.memref_squeeze %dma_start3A_814 : memref<1x80x128xf32, #tpu.memory_space<hbm>> -> memref<80x128xf32, #tpu.memory_space<hbm>>
      %dma_start3A_816 = arith.constant 0 : i32
      %dma_start3A_817 = tpu.memref_slice %arg5[%arg0, %add3A_761, %dma_start3A_816] : memref<2x10240x128xf32, #tpu.memory_space<hbm>> -> memref<1x80x128xf32, #tpu.memory_space<hbm>>
      %dma_start3A_818 = tpu.memref_squeeze %dma_start3A_817 : memref<1x80x128xf32, #tpu.memory_space<hbm>> -> memref<80x128xf32, #tpu.memory_space<hbm>>
      tpu.enqueue_dma source(%arg8 : memref<80x128xf32, #tpu.memory_space<vmem>>) target(%dma_start3A_818 : memref<80x128xf32, #tpu.memory_space<hbm>>) target_semaphore(%run_scoped3A : memref<!tpu.dma_semaphore, #tpu.memory_space<semaphore_mem>>)
      %dma_wait3A_819 = arith.constant 0 : i32
      %dma_wait3A_820 = tpu.memref_slice %arg5[%arg0, %add3A_761, %dma_wait3A_819] : memref<2x10240x128xf32, #tpu.memory_space<hbm>> -> memref<1x80x128xf32, #tpu.memory_space<hbm>>
      %dma_wait3A_821 = tpu.memref_squeeze %dma_wait3A_820 : memref<1x80x128xf32, #tpu.memory_space<hbm>> -> memref<80x128xf32, #tpu.memory_space<hbm>>
      %dma_wait3A_822 = arith.constant 0 : i32
      %dma_wait3A_823 = tpu.memref_slice %arg5[%arg0, %add3A_761, %dma_wait3A_822] : memref<2x10240x128xf32, #tpu.memory_space<hbm>> -> memref<1x80x128xf32, #tpu.memory_space<hbm>>
      %dma_wait3A_824 = tpu.memref_squeeze %dma_wait3A_823 : memref<1x80x128xf32, #tpu.memory_space<hbm>> -> memref<80x128xf32, #tpu.memory_space<hbm>>
      tpu.wait_dma2 semaphore(%run_scoped3A : memref<!tpu.dma_semaphore, #tpu.memory_space<semaphore_mem>>) src(%arg8 : memref<80x128xf32, #tpu.memory_space<vmem>>) dst(%dma_wait3A_824 : memref<80x128xf32, #tpu.memory_space<hbm>>)
      tpu.yield
    }) : () -> ()
    return
  }
}

module attributes {stable_mosaic.version = 14 : i64} {
  func.func @_linear1_body(%arg0: i32, %arg1: memref<2x1280x128xf32, #tpu.memory_space<vmem>>, %arg2: memref<2x1280x128xf32, #tpu.memory_space<vmem>>, %arg3: memref<1280x128xf32, #tpu.memory_space<vmem>>, %arg4: memref<128x128xf32, #tpu.memory_space<vmem>>, %arg5: memref<1x128xf32, #tpu.memory_space<vmem>>, %arg6: memref<128x128xf32, #tpu.memory_space<vmem>>, %arg7: memref<1280x128xf32, #tpu.memory_space<vmem>>, %arg8: memref<1280x128xf32, #tpu.memory_space<vmem>>) attributes {dimension_semantics = [#tpu.dimension_semantics<arbitrary>], iteration_bounds = array<i64: 8>, scalar_prefetch = 0 : i64, scratch_operands = 0 : i64, tpu.core_type = #tpu.core_type<tc>, window_params = [{transform_indices = @transform_0, window_bounds = array<i64: 2, 1280, 128>}, {transform_indices = @transform_1, window_bounds = array<i64: 2, 1280, 128>}, {transform_indices = @transform_2, window_bounds = array<i64: 1280, 128>}, {pipeline_mode = #tpu.pipeline_mode<synchronous>, transform_indices = @transform_3, window_bounds = array<i64: 128, 128>}, {pipeline_mode = #tpu.pipeline_mode<synchronous>, transform_indices = @transform_4, window_bounds = array<i64: 1, 128>}, {pipeline_mode = #tpu.pipeline_mode<synchronous>, transform_indices = @transform_5, window_bounds = array<i64: 128, 128>}, {transform_indices = @transform_6, window_bounds = array<i64: 1280, 128>}, {transform_indices = @transform_7, window_bounds = array<i64: 1280, 128>}]} {
    %get3A = arith.constant 0 : index
    %get3A_0 = arith.constant 0 : index
    %get3A_1 = arith.constant 0 : index
    %get3A_2 = vector.load %arg1[%get3A, %get3A_0, %get3A_1] : memref<2x1280x128xf32, #tpu.memory_space<vmem>>, vector<1x1280x128xf32>
    %get3A_3 = vector.shape_cast %get3A_2 : vector<1x1280x128xf32> to vector<1280x128xf32>
    %get3A_4 = arith.constant 1 : index
    %get3A_5 = arith.constant 0 : index
    %get3A_6 = arith.constant 0 : index
    %get3A_7 = vector.load %arg1[%get3A_4, %get3A_5, %get3A_6] : memref<2x1280x128xf32, #tpu.memory_space<vmem>>, vector<1x1280x128xf32>
    %get3A_8 = vector.shape_cast %get3A_7 : vector<1x1280x128xf32> to vector<1280x128xf32>
    %add3A = arith.addf %get3A_3, %get3A_8 : vector<1280x128xf32>
    %get3A_9 = arith.constant 0 : index
    %get3A_10 = arith.constant 0 : index
    %get3A_11 = arith.constant 0 : index
    %get3A_12 = vector.load %arg2[%get3A_9, %get3A_10, %get3A_11] : memref<2x1280x128xf32, #tpu.memory_space<vmem>>, vector<1x1280x1xf32>
    %get3A_13 = vector.shape_cast %get3A_12 : vector<1x1280x1xf32> to vector<1280x1xf32>
    %get3A_14 = arith.constant 1 : index
    %get3A_15 = arith.constant 0 : index
    %get3A_16 = arith.constant 0 : index
    %get3A_17 = vector.load %arg2[%get3A_14, %get3A_15, %get3A_16] : memref<2x1280x128xf32, #tpu.memory_space<vmem>>, vector<1x1280x1xf32>
    %get3A_18 = vector.shape_cast %get3A_17 : vector<1x1280x1xf32> to vector<1280x1xf32>
    %add3A_19 = arith.addf %get3A_13, %get3A_18 : vector<1280x1xf32>
    %jit3A = arith.constant 1.000000e+00 : f32
    %max3A = vector.broadcast %jit3A : f32 to vector<1280x1xf32>
    %max3A_20 = arith.maximumf %max3A, %add3A_19 : vector<1280x1xf32>
    %div3A = vector.broadcast %max3A_20 : vector<1280x1xf32> to vector<1280x128xf32>
    %div3A_21 = arith.divf %add3A, %div3A : vector<1280x128xf32>
    %get3A_22 = arith.constant 0 : index
    %get3A_23 = arith.constant 0 : index
    %get3A_24 = vector.load %arg4[%get3A_22, %get3A_23] : memref<128x128xf32, #tpu.memory_space<vmem>>, vector<128x128xf32>
    %dot_general3A = arith.constant dense<0.000000e+00> : vector<1280x128xf32>
    %dot_general3A_25 = tpu.matmul %div3A_21, %get3A_24, %dot_general3A {dimension_numbers = #tpu.dot_dimension_numbers<[1], [1], [0], [0], [0, 0, 1, 0], [], []>, transpose_lhs_hint = false} : vector<1280x128xf32>, vector<128x128xf32>, vector<1280x128xf32> -> vector<1280x128xf32>
    %get3A_26 = arith.constant 0 : index
    %get3A_27 = arith.constant 0 : index
    %get3A_28 = vector.load %arg3[%get3A_26, %get3A_27] : memref<1280x128xf32, #tpu.memory_space<vmem>>, vector<1280x128xf32>
    %get3A_29 = arith.constant 0 : index
    %get3A_30 = arith.constant 0 : index
    %get3A_31 = vector.load %arg6[%get3A_29, %get3A_30] : memref<128x128xf32, #tpu.memory_space<vmem>>, vector<128x128xf32>
    %dot_general3A_32 = arith.constant dense<0.000000e+00> : vector<1280x128xf32>
    %dot_general3A_33 = tpu.matmul %get3A_28, %get3A_31, %dot_general3A_32 {dimension_numbers = #tpu.dot_dimension_numbers<[1], [1], [0], [0], [0, 0, 1, 0], [], []>, transpose_lhs_hint = false} : vector<1280x128xf32>, vector<128x128xf32>, vector<1280x128xf32> -> vector<1280x128xf32>
    %add3A_34 = arith.addf %dot_general3A_25, %dot_general3A_33 : vector<1280x128xf32>
    %get3A_35 = arith.constant 0 : index
    %get3A_36 = arith.constant 0 : index
    %get3A_37 = vector.load %arg5[%get3A_35, %get3A_36] : memref<1x128xf32, #tpu.memory_space<vmem>>, vector<1x128xf32>
    %add3A_38 = vector.broadcast %get3A_37 : vector<1x128xf32> to vector<1280x128xf32>
    %add3A_39 = arith.addf %add3A_34, %add3A_38 : vector<1280x128xf32>
    %max3A_40 = arith.constant 0.000000e+00 : f32
    %max3A_41 = vector.broadcast %max3A_40 : f32 to vector<1280x128xf32>
    %max3A_42 = arith.maximumf %add3A_39, %max3A_41 : vector<1280x128xf32>
    %swap3A = arith.constant 0 : index
    %swap3A_43 = arith.constant 0 : index
    %swap3A_44 = vector.load %arg7[%swap3A, %swap3A_43] : memref<1280x128xf32, #tpu.memory_space<vmem>>, vector<1280x128xf32>
    tpu.vector_store %arg7[%swap3A, %swap3A_43], %max3A_42 {strides = array<i32>} : memref<1280x128xf32, #tpu.memory_space<vmem>>, vector<1280x128xf32>,
    %broadcast_in_dim3A = vector.shape_cast %max3A_20 : vector<1280x1xf32> to vector<1280x1xf32>
    %broadcast_in_dim3A_45 = vector.broadcast %broadcast_in_dim3A : vector<1280x1xf32> to vector<1280x128xf32>
    %swap3A_46 = arith.constant 0 : index
    %swap3A_47 = arith.constant 0 : index
    %swap3A_48 = vector.load %arg8[%swap3A_46, %swap3A_47] : memref<1280x128xf32, #tpu.memory_space<vmem>>, vector<1280x128xf32>
    tpu.vector_store %arg8[%swap3A_46, %swap3A_47], %broadcast_in_dim3A_45 {strides = array<i32>} : memref<1280x128xf32, #tpu.memory_space<vmem>>, vector<1280x128xf32>,
    return
  }
  func.func @transform_0(%arg0: i32) -> (i32, i32, i32) {
    %c0_i32 = arith.constant 0 : i32
    %c0_i32_0 = arith.constant 0 : i32
    %c0_i32_1 = arith.constant 0 : i32
    return %c0_i32, %arg0, %c0_i32_0 : i32, i32, i32
  }
  func.func @transform_1(%arg0: i32) -> (i32, i32, i32) {
    %c0_i32 = arith.constant 0 : i32
    %c0_i32_0 = arith.constant 0 : i32
    %c0_i32_1 = arith.constant 0 : i32
    return %c0_i32, %arg0, %c0_i32_0 : i32, i32, i32
  }
  func.func @transform_2(%arg0: i32) -> (i32, i32) {
    %c0_i32 = arith.constant 0 : i32
    %c0_i32_0 = arith.constant 0 : i32
    return %arg0, %c0_i32 : i32, i32
  }
  func.func @transform_3(%arg0: i32) -> (i32, i32) {
    %c0_i32 = arith.constant 0 : i32
    %c0_i32_0 = arith.constant 0 : i32
    %c0_i32_1 = arith.constant 0 : i32
    return %c0_i32, %c0_i32_0 : i32, i32
  }
  func.func @transform_4(%arg0: i32) -> (i32, i32) {
    %c0_i32 = arith.constant 0 : i32
    %c0_i32_0 = arith.constant 0 : i32
    %c0_i32_1 = arith.constant 0 : i32
    return %c0_i32, %c0_i32_0 : i32, i32
  }
  func.func @transform_5(%arg0: i32) -> (i32, i32) {
    %c0_i32 = arith.constant 0 : i32
    %c0_i32_0 = arith.constant 0 : i32
    %c0_i32_1 = arith.constant 0 : i32
    return %c0_i32, %c0_i32_0 : i32, i32
  }
  func.func @transform_6(%arg0: i32) -> (i32, i32) {
    %c0_i32 = arith.constant 0 : i32
    %c0_i32_0 = arith.constant 0 : i32
    return %arg0, %c0_i32 : i32, i32
  }
  func.func @transform_7(%arg0: i32) -> (i32, i32) {
    %c0_i32 = arith.constant 0 : i32
    %c0_i32_0 = arith.constant 0 : i32
    return %arg0, %c0_i32 : i32, i32
  }
}

module attributes {stable_mosaic.version = 14 : i64} {
  func.func @_linear2_body(%arg0: i32, %arg1: memref<2x1280x128xf32, #tpu.memory_space<vmem>>, %arg2: memref<1280x128xf32, #tpu.memory_space<vmem>>, %arg3: memref<1280x128xf32, #tpu.memory_space<vmem>>, %arg4: memref<128x128xf32, #tpu.memory_space<vmem>>, %arg5: memref<1x128xf32, #tpu.memory_space<vmem>>, %arg6: memref<128x128xf32, #tpu.memory_space<vmem>>, %arg7: memref<1280x128xf32, #tpu.memory_space<vmem>>) attributes {dimension_semantics = [#tpu.dimension_semantics<arbitrary>], iteration_bounds = array<i64: 8>, scalar_prefetch = 0 : i64, scratch_operands = 0 : i64, tpu.core_type = #tpu.core_type<tc>, window_params = [{transform_indices = @transform_0, window_bounds = array<i64: 2, 1280, 128>}, {transform_indices = @transform_1, window_bounds = array<i64: 1280, 128>}, {transform_indices = @transform_2, window_bounds = array<i64: 1280, 128>}, {pipeline_mode = #tpu.pipeline_mode<synchronous>, transform_indices = @transform_3, window_bounds = array<i64: 128, 128>}, {pipeline_mode = #tpu.pipeline_mode<synchronous>, transform_indices = @transform_4, window_bounds = array<i64: 1, 128>}, {pipeline_mode = #tpu.pipeline_mode<synchronous>, transform_indices = @transform_5, window_bounds = array<i64: 128, 128>}, {transform_indices = @transform_6, window_bounds = array<i64: 1280, 128>}]} {
    %get3A = arith.constant 0 : index
    %get3A_0 = arith.constant 0 : index
    %get3A_1 = arith.constant 0 : index
    %get3A_2 = vector.load %arg1[%get3A, %get3A_0, %get3A_1] : memref<2x1280x128xf32, #tpu.memory_space<vmem>>, vector<1x1280x128xf32>
    %get3A_3 = vector.shape_cast %get3A_2 : vector<1x1280x128xf32> to vector<1280x128xf32>
    %get3A_4 = arith.constant 1 : index
    %get3A_5 = arith.constant 0 : index
    %get3A_6 = arith.constant 0 : index
    %get3A_7 = vector.load %arg1[%get3A_4, %get3A_5, %get3A_6] : memref<2x1280x128xf32, #tpu.memory_space<vmem>>, vector<1x1280x128xf32>
    %get3A_8 = vector.shape_cast %get3A_7 : vector<1x1280x128xf32> to vector<1280x128xf32>
    %add3A = arith.addf %get3A_3, %get3A_8 : vector<1280x128xf32>
    %get3A_9 = arith.constant 0 : index
    %get3A_10 = arith.constant 0 : index
    %get3A_11 = vector.load %arg2[%get3A_9, %get3A_10] : memref<1280x128xf32, #tpu.memory_space<vmem>>, vector<1280x1xf32>
    %div3A = vector.broadcast %get3A_11 : vector<1280x1xf32> to vector<1280x128xf32>
    %div3A_12 = arith.divf %add3A, %div3A : vector<1280x128xf32>
    %get3A_13 = arith.constant 0 : index
    %get3A_14 = arith.constant 0 : index
    %get3A_15 = vector.load %arg4[%get3A_13, %get3A_14] : memref<128x128xf32, #tpu.memory_space<vmem>>, vector<128x128xf32>
    %dot_general3A = arith.constant dense<0.000000e+00> : vector<1280x128xf32>
    %dot_general3A_16 = tpu.matmul %div3A_12, %get3A_15, %dot_general3A {dimension_numbers = #tpu.dot_dimension_numbers<[1], [1], [0], [0], [0, 0, 1, 0], [], []>, transpose_lhs_hint = false} : vector<1280x128xf32>, vector<128x128xf32>, vector<1280x128xf32> -> vector<1280x128xf32>
    %get3A_17 = arith.constant 0 : index
    %get3A_18 = arith.constant 0 : index
    %get3A_19 = vector.load %arg3[%get3A_17, %get3A_18] : memref<1280x128xf32, #tpu.memory_space<vmem>>, vector<1280x128xf32>
    %get3A_20 = arith.constant 0 : index
    %get3A_21 = arith.constant 0 : index
    %get3A_22 = vector.load %arg6[%get3A_20, %get3A_21] : memref<128x128xf32, #tpu.memory_space<vmem>>, vector<128x128xf32>
    %dot_general3A_23 = arith.constant dense<0.000000e+00> : vector<1280x128xf32>
    %dot_general3A_24 = tpu.matmul %get3A_19, %get3A_22, %dot_general3A_23 {dimension_numbers = #tpu.dot_dimension_numbers<[1], [1], [0], [0], [0, 0, 1, 0], [], []>, transpose_lhs_hint = false} : vector<1280x128xf32>, vector<128x128xf32>, vector<1280x128xf32> -> vector<1280x128xf32>
    %add3A_25 = arith.addf %dot_general3A_16, %dot_general3A_24 : vector<1280x128xf32>
    %get3A_26 = arith.constant 0 : index
    %get3A_27 = arith.constant 0 : index
    %get3A_28 = vector.load %arg5[%get3A_26, %get3A_27] : memref<1x128xf32, #tpu.memory_space<vmem>>, vector<1x128xf32>
    %add3A_29 = vector.broadcast %get3A_28 : vector<1x128xf32> to vector<1280x128xf32>
    %add3A_30 = arith.addf %add3A_25, %add3A_29 : vector<1280x128xf32>
    %swap3A = arith.constant 0 : index
    %swap3A_31 = arith.constant 0 : index
    %swap3A_32 = vector.load %arg7[%swap3A, %swap3A_31] : memref<1280x128xf32, #tpu.memory_space<vmem>>, vector<1280x128xf32>
    tpu.vector_store %arg7[%swap3A, %swap3A_31], %add3A_30 {strides = array<i32>} : memref<1280x128xf32, #tpu.memory_space<vmem>>, vector<1280x128xf32>,
    return
  }
  func.func @transform_0(%arg0: i32) -> (i32, i32, i32) {
    %c0_i32 = arith.constant 0 : i32
    %c0_i32_0 = arith.constant 0 : i32
    %c0_i32_1 = arith.constant 0 : i32
    return %c0_i32, %arg0, %c0_i32_0 : i32, i32, i32
  }
  func.func @transform_1(%arg0: i32) -> (i32, i32) {
    %c0_i32 = arith.constant 0 : i32
    %c0_i32_0 = arith.constant 0 : i32
    return %arg0, %c0_i32 : i32, i32
  }
  func.func @transform_2(%arg0: i32) -> (i32, i32) {
    %c0_i32 = arith.constant 0 : i32
    %c0_i32_0 = arith.constant 0 : i32
    return %arg0, %c0_i32 : i32, i32
  }
  func.func @transform_3(%arg0: i32) -> (i32, i32) {
    %c0_i32 = arith.constant 0 : i32
    %c0_i32_0 = arith.constant 0 : i32
    %c0_i32_1 = arith.constant 0 : i32
    return %c0_i32, %c0_i32_0 : i32, i32
  }
  func.func @transform_4(%arg0: i32) -> (i32, i32) {
    %c0_i32 = arith.constant 0 : i32
    %c0_i32_0 = arith.constant 0 : i32
    %c0_i32_1 = arith.constant 0 : i32
    return %c0_i32, %c0_i32_0 : i32, i32
  }
  func.func @transform_5(%arg0: i32) -> (i32, i32) {
    %c0_i32 = arith.constant 0 : i32
    %c0_i32_0 = arith.constant 0 : i32
    %c0_i32_1 = arith.constant 0 : i32
    return %c0_i32, %c0_i32_0 : i32, i32
  }
  func.func @transform_6(%arg0: i32) -> (i32, i32) {
    %c0_i32 = arith.constant 0 : i32
    %c0_i32_0 = arith.constant 0 : i32
    return %arg0, %c0_i32 : i32, i32
  }
}

</mosaic_0001>

<sc_bundles>
// kernel: kernel.6.cloned.1.call-start
scs
__scs_entry_jumppad:
0x0: {  	(pc) =	sbr.rel $0x88, $3  }
0x1: {  	(tag) =	ssettag $0x0;
	lr =	simm.s32 $0x1  }
0x2: {  	[smem:$0x3F99] =	sst lr;
	_ =	strace $0xD0000000  }
0x3: {  	_ = 	snop  }
0x4: {  	_ = 	snop  }
0x5: {  	_ = 	snop  }
0x6: {  	_ = 	snop  }
0x7: {  	_ = 	snop  }
__scs_overlays_trampoline_lowered:
0x8: {  	[smem:$0x3FA8] =	sst s0  }
0x9: {  	[smem:$0x3FA9] =	sst s1  }
0xa: {  	[smem:$0x3FAA] =	sst s2  }
0xb: {  	[smem:$0x3FAB] =	sst s3  }
0xc: {  	[smem:$0x3FAC] =	sst s4  }
0xd: {  	[smem:$0x3FAD] =	sst s5  }
0xe: {  	[smem:$0x3FAE] =	sst s6  }
0xf: {  	[smem:$0x3FAF] =	sst s7  }
0x10: {  	[smem:$0x3FB0] =	sst s8  }
0x11: {  	[smem:$0x3FB1] =	sst s9;
	s0 =	simm.s32 @!p0 $0x0  }
0x12: {  	s1 =	sld [smem:$0x3F97];
	s0 =	simm.s32 @p0 $0x1  }
0x13: {  	[smem:$0x3FB2] =	sst s0;
	s0 =	simm.s32 @!p1 $0x0  }
0x14: {  	s2 =	sld [smem:$0x3F96];
	s0 =	simm.s32 @p1 $0x1  }
0x15: {  	[smem:$0x3FB3] =	sst s0;
	s0 =	simm.s32 @!p2 $0x0  }
0x16: {  	s3 =	sld [smem:$0x3FDB];
	s0 =	simm.s32 @p2 $0x1  }
0x17: {  	s4 =	simm.s32 $0x1BF5;
	[smem:$0x3FB5] =	sst s0  }
0x18: {  	s0 =	sld [smem:$0x3F98];
	_ =	swait.ge [sflag:s4], $0x0  }
0x19: {  	s7 =	sld [smem:$0x3F99]  }
0x1a: {  	s8 =	sadd.s32 $0xFFFFE003, lr  }
0x1b: {  	s9 =	sadd.s32 $0xFFFFFEF7, lr;
	s5 =	simm.s32 $0xFFFFFFFF;
	p2 =	slt.u32 s8, $0xFFFFF086  }
0x1c: {  	p1 =	slt.u32 s9, $0xF7A;
	s5 =	simm.s32 @!p2 $0x0  }
0x1d: {  	s5 =	simm.s32 @p1 $0x1;
	p0 =	seq.s32 s7, s2  }
0x1e: {  	s7 =	smul.u32 @!p0 $0xF7A, s2;
	p2 =	seq.s32 @!p0 s5, $0x0  }
0x1f: {  	s9 =	smul.u32 $0xF7A, s1;
	s8 =	simm.s32 @!p0 $0x1BF5;
	p2 =	por !p2, p0  }
0x20: {  	[sflag:s8] =	ssyncset.s32 @!p0 $0xFFFFF086;
	s6 =	sadd.s32 @!p0 s3, s7;
	s7 =	simm.s32 @!p0 $0x108  }
0x21: {  	s3 =	sadd.s32 s3, s9;
	s6 =	sadd.s32 @!p0 $0x88, s6;
	s7 =	simm.s32 @p2 $0x1082  }
0x22: {  	[simem:s7], [sflag:s8] =	dma.local @!p0 [hbm:s6], $0xF7A  }
0x23: {  	s9 =	sor.u32 $0xD0000000, s2;
	s6 =	simm.s32 $0x108;
	_ =	swait.ge @!p0 [sflag:s8], $0x0  }
0x24: {  	s3 =	sadd.s32 $0x88, s3;
	s6 =	simm.s32 @!p1 $0x1082;
	[sflag:s4] =	ssyncset.s32 $0xFFFFF086  }
0x25: {  	[simem:s6], [sflag:s4] =	dma.local [hbm:s3], $0xF7A  }
0x26: {  	[smem:$0x3F99] =	sst s1;
	(tag) =	ssettag s2;
	_ =	strace s9  }
0x27: {  	s1 =	sld [smem:$0x3FA9]  }
0x28: {  	s2 =	sld [smem:$0x3FAA]  }
0x29: {  	s4 =	sld [smem:$0x3FAC]  }
0x2a: {  	p0 =	seq.s32 s5, $0x0;
	s5 =	sld [smem:$0x3FAD]  }
0x2b: {  	s6 =	sld [smem:$0x3FAE]  }
0x2c: {  	s7 =	sld [smem:$0x3FAF]  }
0x2d: {  	s3 =	simm.s32 $0x108;
	s8 =	sld [smem:$0x3FB0]  }
0x2e: {  	s3 =	simm.s32 @!p0 $0x1082;
	s9 =	sld [smem:$0x3FB1]  }
0x2f: {  	lr =	sadd.s32 s0, s3;
	s0 =	sld [smem:$0x3FA8]  }
0x30: {  	s3 =	sld [smem:$0x3FAB]  }
0x31: {  	[smem:$0x3FB4] =	sst s10  }
0x32: {  	s10 =	sld [smem:$0x3FB2];
	_ =	sdelay $0x3  }
0x33: {  	p0 =	seq.s32 s10, $0x1;
	s10 =	sld [smem:$0x3FB4];
	_ =	sdelay $0x3  }
0x34: {  	[smem:$0x3FB4] =	sst s10  }
0x35: {  	s10 =	sld [smem:$0x3FB3];
	_ =	sdelay $0x3  }
0x36: {  	p1 =	seq.s32 s10, $0x1;
	s10 =	sld [smem:$0x3FB4];
	_ =	sdelay $0x3  }
0x37: {  	[smem:$0x3FB4] =	sst s10  }
0x38: {  	s10 =	sld [smem:$0x3FB5]  }
0x39: {  	_ = 	snop;
	(pc) =	sbr.ind lr, $3  }
0x3a: {  	_ = 	snop  }
0x3b: {  	_ = 	snop  }
0x3c: {  	p2 =	seq.s32 s10, $0x1;
	s10 =	sld [smem:$0x3FB4]  }
0x3d: {  	_ =	shalt  }
0x3e: {  	_ =	shalt  }
0x3f: {  	_ =	shalt  }
0x40: {  	_ =	shalt  }
0x41: {  	_ =	shalt  }
0x42: {  	_ =	shalt  }
0x43: {  	_ =	shalt  }
0x44: {  	_ =	shalt  }
0x45: {  	_ =	shalt  }
0x46: {  	_ =	shalt  }
0x47: {  	_ =	shalt  }
0x48: {  	_ =	shalt  }
0x49: {  	_ =	shalt  }
0x4a: {  	_ =	shalt  }
0x4b: {  	_ =	shalt  }
0x4c: {  	_ =	shalt  }
0x4d: {  	_ =	shalt  }
0x4e: {  	_ =	shalt  }
0x4f: {  	_ =	shalt  }
0x50: {  	_ =	shalt  }
0x51: {  	_ =	shalt  }
0x52: {  	_ =	shalt  }
0x53: {  	_ =	shalt  }
0x54: {  	_ =	shalt  }
0x55: {  	_ =	shalt  }
0x56: {  	_ =	shalt  }
0x57: {  	_ =	shalt  }
0x58: {  	_ =	shalt  }
0x59: {  	_ =	shalt  }
0x5a: {  	_ =	shalt  }
0x5b: {  	_ =	shalt  }
0x5c: {  	_ =	shalt  }
0x5d: {  	_ =	shalt  }
0x5e: {  	_ =	shalt  }
0x5f: {  	_ =	shalt  }
0x60: {  	_ =	shalt  }
0x61: {  	_ =	shalt  }
0x62: {  	_ =	shalt  }
0x63: {  	_ =	shalt  }
0x64: {  	_ =	shalt  }
0x65: {  	_ =	shalt  }
0x66: {  	_ =	shalt  }
0x67: {  	_ =	shalt  }
0x68: {  	_ =	shalt  }
0x69: {  	_ =	shalt  }
0x6a: {  	_ =	shalt  }
0x6b: {  	_ =	shalt  }
0x6c: {  	_ =	shalt  }
0x6d: {  	_ =	shalt  }
0x6e: {  	_ =	shalt  }
0x6f: {  	_ =	shalt  }
0x70: {  	_ =	shalt  }
0x71: {  	_ =	shalt  }
0x72: {  	_ =	shalt  }
0x73: {  	_ =	shalt  }
0x74: {  	_ =	shalt  }
0x75: {  	_ =	shalt  }
0x76: {  	_ =	shalt  }
0x77: {  	_ =	shalt  }
0x78: {  	_ =	shalt  }
0x79: {  	_ =	shalt  }
0x7a: {  	_ =	shalt  }
0x7b: {  	_ =	shalt  }
0x7c: {  	_ =	shalt  }
0x7d: {  	_ =	shalt  }
0x7e: {  	_ =	shalt  }
0x7f: {  	_ =	shalt  }
0x80: {  	_ =	shalt  }
0x81: {  	_ =	shalt  }
0x82: {  	_ =	shalt  }
0x83: {  	_ =	shalt  }
0x84: {  	_ =	shalt  }
0x85: {  	_ =	shalt  }
0x86: {  	_ =	shalt  }
0x87: {  	_ =	shalt  }
.Lfunc_end0:
.L_simem_size_0:
called_computation_lowered:
.L_overlay_start_0:
0x88: {  	s2 =	sld [smem:$0x3FD9]  }
0x89: {  	s3 =	sld [smem:$0x3FFE];
	_ =	sdelay $0x1  }
0x8a: {  	s1 =	srdreg.scid  }
0x8b: {  	s0 =	sand.u32 $0x1, s1  }
0x8c: {  	s17 =	sshll.u32 s0, $0xA;
	s2 =	sadd.s32 s3, s2  }
0x8d: {  	s2 =	sadd.s32 s2, s17  }
0x8e: {  	[smem:$0x3FC0] =	sst s2  }
0x8f: {  	_ = 	snop  }
0x90: {  	s2 =	sld [smem:$0x3FD0];
	(tm) =	ssettm $0x1  }
0x91: {  	s18 =	sld [smem:$0x3FFB];
	_ =	sdelay $0x3  }
0x92: {  	_ =	strace s18  }
0x93: {  	s3 =	sld [smem:$0x3FFC];
	_ =	sdelay $0x3  }
0x94: {  	_ =	strace s3  }
0x95: {  	s3 =	sld [smem:$0x3FFD];
	_ =	sdelay $0x3  }
0x96: {  	_ =	strace s3  }
0x97: {  	_ =	strace $0x8FFFFFFF  }
0x98: {  	s19 =	sld [smem:$0x3FDB];
	_ =	sdelay $0x1  }
0x99: {  	s4 =	simm.s32 $_scs_section_size  }
0x9a: {  	s5 =	simm.s32 $_size__tile_overlayer_lowered;
	s6 =	simm.s32 $_tile_overlayer_lowered  }
0x9b: {  	s22 =	simm.s32 $0x1BFF;
	s21 =	sshll.u32 s6, $0x1;
	s3 =	sadd.s32 s4, s19  }
0x9c: {  	s7 =	simm.s32 $0x0;
	s20 =	sshll.u32 s5, $0x1;
	s5 =	sadd.s32 s21, s3  }
0x9d: {  	[timem:s7], [sflag:s22] =	dma.local [hbm:s5], s20  }
0x9e: {  	_ =	swait.ge [sflag:s22], s20  }
0x9f: {  	s4 =	ssub.s32 $0x0, s20;
	[sflag:s22] =	ssyncset.done $0x0  }
0xa0: {  	[sflag:s22] =	ssyncadd.s32 s4;
	_ =	sdelay $0x1  }
0xa1: {  	s23 =	simm.s32 $0x1B8B  }
0xa2: {  	_ =	swait.ge [sflag:s23], $0x1  }
0xa3: {  	[sflag:s23] =	ssyncset.done $0x0  }
0xa4: {  	s25 =	simm.s32 $0x1B8E;
	s24 =	sld [smem:$0x3FFE];
	[sflag:s23] =	ssyncadd.s32 $0xFFFFFFFF  }
0xa5: {  	s26 =	simm.s32 $execute0_lowered;
	[smem:$0x3FD2] =	sst s25  }
0xa6: {  	s5 =	sshll.u32 s26, $0x1;
	_ =	strace $0x80000046;
	[dreg:$0x1] =	wrdreg $0xFFFFFFFF  }
0xa7: {  	s28 =	simm.s32 $_size_execute0_lowered;
	s3 =	sadd.s32 s3, s5;
	[dreg:$0x0] =	wrdreg $0x0  }
0xa8: {  	s5 =	sshll.u32 s28, $0x1;
	[dreg:$0x2] =	wrdreg s3  }
0xa9: {  	[dreg:$0x3] =	wrdreg s5  }
0xaa: {  	[dreg:$0x4] =	wrdreg $0xC0  }
0xab: {  	_ =	task [dreg:s7], $0x5FFFF  }
0xac: {  	[dreg:$0x1] =	wrdreg $0xFFFFFFFF  }
0xad: {  	[dreg:$0x0] =	wrdreg $0x60  }
0xae: {  	[dreg:$0x2] =	wrdreg s24  }
0xaf: {  	[dreg:$0x3] =	wrdreg s2  }
0xb0: {  	[dreg:$0x4] =	wrdreg $0x70800  }
0xb1: {  	[dreg:$0x5] =	wrdreg $0x9  }
0xb2: {  	_ =	task.clear_ibuf [dreg:s7], $0x6FFFF;
	_ =	strace $0x90000046  }
0xb3: {  	s29 =	simm.s32 $0x9;
	_ =	strace $0x80000048  }
0xb4: {  	_ =	swait.ge [sflag:s29], $0x1  }
0xb5: {  	[sflag:s29] =	ssyncadd.s32 $0xFFFFFFFF  }
0xb6: {  	_ =	strace $0x90000048  }
0xb7: {  	_ =	sfence  }
0xb8: {  	s30 =	sld [smem:$0x0];
	_ =	sdelay $0x2  }
0xb9: {  	s31 =	sshll.u32 s1, $0xD;
	s1 =	sshrl.u32 s1, $0x2  }
0xba: {  	s3 =	sand.u32 $0x4000, s31;
	s1 =	sadd.s32 s1, s30  }
0xbb: {  	s0 =	sor.u32 s3, s0;
	s1 =	sshll.u32 s1, $0x11  }
0xbc: {  	s0 =	sor.u32 s1, s0  }
0xbd: {  	s0 =	sadd.s32 $0x8F2B, s0  }
0xbe: {  	[sflag:s0] =	ssyncadd.remote.s32 $0x1  }
0xbf: {  	_ =	sfence.sel $0xFFFF  }
0xc0: {  	[dreg:$0x0] =	wrdreg $0xFFFFFFFF;
	(pc) =	sbr.abs _section_cstart, $3  }
0xc1: {  	[dreg:$0x1] =	wrdreg $0xFFFFFFFF  }
0xc2: {  	_ =	task.clear_ibuf [dreg:s7], $0x2FFFF;
	_ =	strace $0x9FFFFFFF  }
0xc3: {  	(tm) =	ssettm $0x7FFFFFFF  }
tec
execute0_lowered:
.L_overlay_start_1:
0x0: {  	(tag) =	ssettag $0x1  }
0x1: {  	s0 =	srdreg.scid  }
0x2: {  	s15 =	rddreg [dreg:$0x0];
	s22 =	stileid.u32;
	s1 =	simm.s32 $0x0  }
0x3: {  	s10 =	sand.u32 $0x1, s0;
	s3 =	smul.u32 $0x280, s22;
	[smem:$0x7FF] =	sst s1  }
0x4: {  	s11 =	sadd.s32 $0x3EC00, s15;
	s13 =	smul.u32 $0x14000, s22;
	s0 =	ssub.s32 $0x2, s10  }
0x5: {  	s12 =	smul.u32 $0x140000, s10;
	s10 =	sshll.u32 s10, $0x4;
	s2 =	sshrl.u32 s0, $0x1  }
0x6: {  	s9 =	sor.u32 $0x50, s3;
	s8 =	sadd.s32 $0xA0, s3;
	s7 =	sadd.s32 $0xF0, s3  }
0x7: {  	s6 =	sadd.s32 $0x140, s3;
	s5 =	sadd.s32 $0x190, s3;
	s4 =	sadd.s32 $0x1E0, s3  }
0x8: {  	s10 =	sor.u32 s22, s10;
	s22 =	sadd.s32 $0x2C00, s15;
	s28 =	sadd.s32 $0x80, s3  }
0x9: {  	s29 =	sadd.s32 $0x1B0, s3;
	s30 =	sadd.s32 $0x1F0, s3;
	s31 =	ssub.s32 s0, s2  }
0xa: {  	s0 =	sadd.s32 $0x230, s3;
	s13 =	sadd.s32 s13, s12;
	s14 =	sshll.u32 s9, $0x7  }
0xb: {  	v39 =	vlaneseq.u32;
	s16 =	sshll.u32 s8, $0x7;
	s17 =	sshll.u32 s7, $0x7;
	s18 =	sshll.u32 s6, $0x7  }
0xc: {  	s2 =	sor.u32 $0x30, s3;
	v7 =	vor.u32 s28, v39;
	s28 =	sadd.s32 $0x130, s3;
	v19 =	vor.u32 s6, v39;
	s6 =	sadd.s32 $0x200, s3  }
0xd: {  	v9 =	vor.u32 s8, v39;
	v14 =	vor.u32 s7, v39;
	s8 =	sadd.s32 $0x210, s3;
	s7 =	sadd.s32 $0x240, s3;
	s13 =	sshrl.u32 s13, $0x3  }
0xe: {  	s14 =	sadd.s32 s12, s14;
	s16 =	sadd.s32 s12, s16;
	s17 =	sadd.s32 s12, s17  }
0xf: {  	s18 =	sadd.s32 s12, s18;
	v2 =	vor.u32 s2, v39;
	s2 =	sadd.s32 $0x120, s3;
	v32 =	vor.u32 s6, v39;
	s6 =	simm.s32 $0x2  }
0x10: {  	v33 =	vor.u32 s8, v39;
	v36 =	vor.u32 s7, v39;
	s7 =	simm.s32 $0x1C00;
	s8 =	simm.s32 $0x0;
	s19 =	sadd.s32 s11, s13  }
0x11: {  	s14 =	sshrl.u32 s14, $0x3;
	s16 =	sshrl.u32 s16, $0x3;
	s17 =	sshrl.u32 s17, $0x3  }
0x12: {  	s18 =	sshrl.u32 s18, $0x3;
	v17 =	vor.u32 s2, v39;
	s2 =	sadd.s32 $0x220, s3;
	[dreg:$0x4] =	wrdreg s19  }
0x13: {  	s20 =	sadd.s32 s11, s14;
	s21 =	sadd.s32 s11, s16;
	s19 =	sshll.u32 s5, $0x7  }
0x14: {  	s23 =	sadd.s32 s11, s17;
	s24 =	sadd.s32 s11, s18;
	[dreg:$0x5] =	wrdreg s20  }
0x15: {  	v24 =	vor.u32 s5, v39;
	v34 =	vor.u32 s2, v39;
	s2 =	simm.s32 $0x3;
	s5 =	simm.s32 $0x1;
	[dreg:$0x6] =	wrdreg s21  }
0x16: {  	s19 =	sadd.s32 s12, s19;
	s20 =	sshll.u32 s4, $0x7;
	[dreg:$0x7] =	wrdreg s23  }
0x17: {  	s21 =	sshll.u32 s0, $0x7;
	[dreg:$0x8] =	wrdreg s24;
	s23 =	sadd.s32 $0x8EC00, s15  }
0x18: {  	v30 =	vor.u32 s4, v39;
	v35 =	vor.u32 s0, v39;
	s0 =	simm.s32 $0x2080;
	s4 =	simm.s32 $0x4880;
	s20 =	sadd.s32 s12, s20  }
0x19: {  	s12 =	sadd.s32 s12, s21;
	s19 =	sshrl.u32 s19, $0x3;
	s24 =	sadd.s32 s23, s13  }
0x1a: {  	s13 =	sadd.s32 s23, s18;
	s20 =	sshrl.u32 s20, $0x3;
	[dreg:$0xc] =	wrdreg s24  }
0x1b: {  	s21 =	sshrl.u32 s12, $0x3;
	s25 =	sadd.s32 s11, s19;
	[dreg:$0x10] =	wrdreg s13  }
0x1c: {  	s24 =	sor.u32 $0x40, s3;
	s13 =	sadd.s32 $0xC0, s3;
	[dreg:$0x9] =	wrdreg s25  }
0x1d: {  	s26 =	sadd.s32 s11, s20;
	s12 =	sadd.s32 s11, s21;
	s25 =	sadd.s32 s23, s14  }
0x1e: {  	s18 =	sadd.s32 s23, s20;
	s20 =	sadd.s32 s23, s21;
	s21 =	sadd.s32 $0x16C00, s15  }
0x1f: {  	s14 =	sor.u32 $0x10, s3;
	s15 =	sor.u32 $0x20, s3;
	[dreg:$0xa] =	wrdreg s26  }
0x20: {  	s11 =	sadd.s32 $0x90, s3;
	v3 =	vor.u32 s24, v39;
	s24 =	sadd.s32 $0xD0, s3;
	[dreg:$0xb] =	wrdreg s12  }
0x21: {  	v11 =	vor.u32 s13, v39;
	s13 =	sadd.s32 $0x170, s3;
	[dreg:$0xd] =	wrdreg s25;
	s26 =	sadd.s32 s23, s16  }
0x22: {  	s12 =	sadd.s32 s23, s17;
	s16 =	rddreg [dreg:$0x1];
	s17 =	sadd.s32 s23, s19  }
0x23: {  	s19 =	rddreg [dreg:$0x2];
	s23 =	smul.u32 $0x5000, s10;
	s25 =	sor.u32 $0x60, s3  }
0x24: {  	v0 =	vor.u32 s14, v39;
	s14 =	sadd.s32 $0xE0, s3;
	v8 =	vor.u32 s11, v39;
	s11 =	sadd.s32 $0x150, s3;
	v12 =	vor.u32 s24, v39;
	s24 =	sadd.s32 $0x1A0, s3  }
0x25: {  	v40 =	vimm.f32 $0.0e+00;
	v1 =	vor.u32 s15, v39;
	v22 =	vor.u32 s13, v39;
	s13 =	sadd.s32 $0x260, s3;
	s15 =	simm.s32 $0x2000;
	[dreg:$0xe] =	wrdreg s26  }
0x26: {  	v41 =	vimm.f32 $1.000000000e+00;
	v26 =	vor.u32 s3, v39;
	v4 =	vor.u32 s9, v39;
	[dreg:$0xf] =	wrdreg s12;
	s26 =	sor.u32 $0x70, s3;
	s12 =	sadd.s32 $0xB0, s3  }
0x27: {  	v5 =	vor.u32 s25, v39;
	s25 =	sadd.s32 $0x100, s3;
	v13 =	vor.u32 s14, v39;
	s14 =	sadd.s32 $0x180, s3;
	v20 =	vor.u32 s11, v39;
	s11 =	sadd.s32 $0x250, s3  }
0x28: {  	v27 =	vor.u32 s29, v39;
	_ =	strace $0x80000047;
	v6 =	vor.u32 s26, v39;
	s26 =	sadd.s32 $0x110, s3;
	v10 =	vor.u32 s12, v39;
	s12 =	sadd.s32 $0x160, s3  }
0x29: {  	v15 =	vor.u32 s25, v39;
	s25 =	sadd.s32 $0x1C0, s3;
	v23 =	vor.u32 s14, v39;
	s14 =	sadd.s32 $0x270, s3;
	v21 =	vor.u32 s12, v39;
	s12 =	sshrl.u32 s23, $0x3  }
0x2a: {  	v25 =	vor.u32 s24, v39;
	v16 =	vor.u32 s26, v39;
	s26 =	sadd.s32 $0x1D0, s3;
	v28 =	vor.u32 s25, v39;
	s25 =	smax.u32 s31, $0x1;
	s24 =	sadd.s32 s22, s12  }
0x2b: {  	v31 =	vor.u32 s30, v39;
	v18 =	vor.u32 s28, v39;
	s31 =	simm.s32 $0x50;
	s3 =	simm.s32 $0x1000;
	v29 =	vor.u32 s26, v39;
	s26 =	sadd.s32 $0x200, s24  }
0x2c: {  	v38 =	vor.u32 s13, v39;
	v37 =	vor.u32 s11, v39;
	v39 =	vor.u32 s14, v39;
	s28 =	sadd.s32 $0x400, s24;
	s29 =	sadd.s32 $0x600, s24;
	s30 =	sadd.s32 $0x800, s24  }
.LBB2_1:
0x2d: {  	s9 =	sand.u32 $0xFE00, s1  }
0x2e: {  	s10 =	sand.u32 $0x70, s1;
	s11 =	sshrl.u32 s9, $0x2  }
0x2f: {  	s9 =	simm.s32 $0x40;
	s11 =	sor.u32 s10, s11;
	s10 =	simm.s32 $0x0  }
.LBB2_2:
0x30: {  	p0 =	sne.s32 s9, $0x9FC0  }
0x31: {  	[tilespmem:s11+$0x2080] =	vst v40;
	s10 =	sadd.s32 $0x10, s10;
	s11 =	smov.u32 s9;
	s9 =	sadd.s32 $0x40, s9  }
.Ltmp0:
0x32: {  	(pc) =	sbr.rel @p0 .LBB2_2-.Ltmp0, $4  }
0x33: {  	_ = 	snop  }
0x34: {  	s11 =	sand.u32 $0xFE00, s11  }
0x35: {  	s12 =	sand.u32 $0x70, s10;
	s11 =	sshrl.u32 s11, $0x2  }
0x36: {  	s11 =	sor.u32 s12, s11  }
0x37: {  	[tilespmem:s11+$0x2080] =	vst v40  }
0x38: {  	[tilespmem:$0x2000] =	vst v26  }
0x39: {  	[tilespmem:$0x2010] =	vst v0  }
0x3a: {  	[tilespmem:$0x2020] =	vst v1  }
0x3b: {  	[tilespmem:$0x2030] =	vst v2  }
0x3c: {  	[tilespmem:$0x2040] =	vst v3  }
0x3d: {  	[spmem:s19] =	stream.indirect.scatter [tilespmem:s0], [sflag:$0x3], $0x80, s15, s31, $0xb8;
	[tilespmem:$0x1B080] =	vst v63  }
0x3e: {  	_ =	swait.ge [sflag:s2], $0x2800  }
0x3f: {  	[sflag:s2] =	ssyncset.done $0x0  }
0x40: {  	[sflag:s2] =	ssyncadd.s32 $0xFFFFD800  }
0x41: {  	[tilespmem:$0x2000] =	vst v4  }
0x42: {  	[tilespmem:$0x2010] =	vst v5  }
0x43: {  	[tilespmem:$0x2020] =	vst v6  }
0x44: {  	[tilespmem:$0x2030] =	vst v7  }
0x45: {  	[tilespmem:$0x2040] =	vst v8  }
0x46: {  	[spmem:s19] =	stream.indirect.scatter [tilespmem:s0], [sflag:$0x3], $0x80, s15, s31, $0xb8;
	[tilespmem:$0x1B080] =	vst v63  }
0x47: {  	_ =	swait.ge [sflag:s2], $0x2800  }
0x48: {  	[sflag:s2] =	ssyncset.done $0x0  }
0x49: {  	[sflag:s2] =	ssyncadd.s32 $0xFFFFD800  }
0x4a: {  	[tilespmem:$0x2000] =	vst v9  }
0x4b: {  	[tilespmem:$0x2010] =	vst v10  }
0x4c: {  	[tilespmem:$0x2020] =	vst v11  }
0x4d: {  	[tilespmem:$0x2030] =	vst v12  }
0x4e: {  	[tilespmem:$0x2040] =	vst v13  }
0x4f: {  	[spmem:s19] =	stream.indirect.scatter [tilespmem:s0], [sflag:$0x3], $0x80, s15, s31, $0xb8;
	[tilespmem:$0x1B080] =	vst v63  }
0x50: {  	_ =	swait.ge [sflag:s2], $0x2800  }
0x51: {  	[sflag:s2] =	ssyncset.done $0x0  }
0x52: {  	[sflag:s2] =	ssyncadd.s32 $0xFFFFD800  }
0x53: {  	[tilespmem:$0x2000] =	vst v14  }
0x54: {  	[tilespmem:$0x2010] =	vst v15  }
0x55: {  	[tilespmem:$0x2020] =	vst v16  }
0x56: {  	[tilespmem:$0x2030] =	vst v17  }
0x57: {  	[tilespmem:$0x2040] =	vst v18  }
0x58: {  	[spmem:s19] =	stream.indirect.scatter [tilespmem:s0], [sflag:$0x3], $0x80, s15, s31, $0xb8;
	[tilespmem:$0x1B080] =	vst v63  }
0x59: {  	_ =	swait.ge [sflag:s2], $0x2800  }
0x5a: {  	[sflag:s2] =	ssyncset.done $0x0  }
0x5b: {  	[sflag:s2] =	ssyncadd.s32 $0xFFFFD800  }
0x5c: {  	[tilespmem:$0x2000] =	vst v19  }
0x5d: {  	[tilespmem:$0x2010] =	vst v20  }
0x5e: {  	[tilespmem:$0x2020] =	vst v21  }
0x5f: {  	[tilespmem:$0x2030] =	vst v22  }
0x60: {  	[tilespmem:$0x2040] =	vst v23  }
0x61: {  	[spmem:s19] =	stream.indirect.scatter [tilespmem:s0], [sflag:$0x3], $0x80, s15, s31, $0xb8;
	[tilespmem:$0x1B080] =	vst v63  }
0x62: {  	_ =	swait.ge [sflag:s2], $0x2800  }
0x63: {  	[sflag:s2] =	ssyncset.done $0x0  }
0x64: {  	[sflag:s2] =	ssyncadd.s32 $0xFFFFD800  }
0x65: {  	[tilespmem:$0x2000] =	vst v24  }
0x66: {  	[tilespmem:$0x2010] =	vst v25  }
0x67: {  	[tilespmem:$0x2020] =	vst v27  }
0x68: {  	[tilespmem:$0x2030] =	vst v28  }
0x69: {  	[tilespmem:$0x2040] =	vst v29  }
0x6a: {  	[spmem:s19] =	stream.indirect.scatter [tilespmem:s0], [sflag:$0x3], $0x80, s15, s31, $0xb8;
	[tilespmem:$0x1B080] =	vst v63  }
0x6b: {  	_ =	swait.ge [sflag:s2], $0x2800  }
0x6c: {  	[sflag:s2] =	ssyncset.done $0x0  }
0x6d: {  	[sflag:s2] =	ssyncadd.s32 $0xFFFFD800  }
0x6e: {  	[tilespmem:$0x2000] =	vst v30  }
0x6f: {  	[tilespmem:$0x2010] =	vst v31  }
0x70: {  	[tilespmem:$0x2020] =	vst v32  }
0x71: {  	[tilespmem:$0x2030] =	vst v33  }
0x72: {  	[tilespmem:$0x2040] =	vst v34  }
0x73: {  	[spmem:s19] =	stream.indirect.scatter [tilespmem:s0], [sflag:$0x3], $0x80, s15, s31, $0xb8;
	[tilespmem:$0x1B080] =	vst v63  }
0x74: {  	_ =	swait.ge [sflag:s2], $0x2800  }
0x75: {  	[sflag:s2] =	ssyncset.done $0x0  }
0x76: {  	[sflag:s2] =	ssyncadd.s32 $0xFFFFD800  }
0x77: {  	[tilespmem:$0x2000] =	vst v35  }
0x78: {  	[tilespmem:$0x2010] =	vst v36  }
0x79: {  	[tilespmem:$0x2020] =	vst v37  }
0x7a: {  	[tilespmem:$0x2030] =	vst v38  }
0x7b: {  	[tilespmem:$0x2040] =	vst v39  }
0x7c: {  	[spmem:s19] =	stream.indirect.scatter [tilespmem:s0], [sflag:$0x3], $0x80, s15, s31, $0xb8;
	[tilespmem:$0x1B080] =	vst v63  }
0x7d: {  	_ =	swait.ge [sflag:s2], $0x2800  }
0x7e: {  	[sflag:s2] =	ssyncset.done $0x0  }
0x7f: {  	[sflag:s2] =	ssyncadd.s32 $0xFFFFD800  }
0x80: {  	s9 =	simm.s32 $0x0;
	[bflag:$0x0] =	sbarrier.arrive $0xFFFF  }
.LBB2_4:
0x81: {  	s10 =	sshll.u32 s9, $0xC  }
0x82: {  	s10 =	sadd.s32 s23, s10  }
0x83: {  	s10 =	sshrl.u32 s10, $0x3  }
0x84: {  	s11 =	sadd.s32 s16, s10  }
0x85: {  	[tilespmem:s1], [sflag:$0x3] =	stream.linear.gather [hbm4b:s11+s1], $0xC80, $0x38;
	[tilespmem:$0x1B080] =	vst v63  }
0x86: {  	_ =	swait.ge [sflag:s2], $0xC80  }
0x87: {  	[sflag:s2] =	ssyncset.done $0x0  }
0x88: {  	s10 =	sadd.s32 s22, s10;
	[sflag:s2] =	ssyncadd.s32 $0xFFFFF380  }
0x89: {  	[tilespmem:s3], [sflag:$0x3] =	stream.linear.gather [hbm4b:s10+s1], $0xC80, $0x38;
	[tilespmem:$0x1B080] =	vst v63  }
0x8a: {  	_ =	swait.ge [sflag:s2], $0xC80  }
0x8b: {  	[sflag:s2] =	ssyncset.done $0x0  }
0x8c: {  	[sflag:s2] =	ssyncadd.s32 $0xFFFFF380  }
0x8d: {  	[tilespmem:s0], [sflag:$0x1] =	stream.indirect.gather [hbm4b:s21+s31], $0x80, s1, s31, $0xb8;
	[tilespmem:$0x1B080] =	vst v63  }
0x8e: {  	s11 =	simm.s32 $0x80  }
0x8f: {  	[tilespmem:s4], [sflag:$0x2] =	stream.indirect.gather [hbm4b:s21+s31], $0x80, s11, s31, $0xb8;
	[tilespmem:$0x1B080] =	vst v63  }
0x90: {  	_ =	swait.ge [sflag:s5], $0x2800  }
0x91: {  	[sflag:s5] =	ssyncset.done $0x0  }
0x92: {  	s12 =	simm.s32 $0x1000;
	[sflag:s5] =	ssyncadd.s32 $0xFFFFD800  }
0x93: {  	[spmem:s19] =	stream.indirect.scatter.add.f32 [tilespmem:s0], [sflag:$0x3], $0x80, s12, s31, $0xb8;
	[tilespmem:$0x1B080] =	vst v63  }
0x94: {  	_ =	swait.ge [sflag:s2], $0x2800  }
0x95: {  	[sflag:s2] =	ssyncset.done $0x0  }
0x96: {  	s13 =	simm.s32 $0x100;
	[sflag:s2] =	ssyncadd.s32 $0xFFFFD800  }
0x97: {  	[tilespmem:s0], [sflag:$0x1] =	stream.indirect.gather [hbm4b:s21+s31], $0x80, s13, s31, $0xb8;
	[tilespmem:$0x1B080] =	vst v63  }
0x98: {  	_ =	swait.ge [sflag:s6], $0x2800  }
0x99: {  	[sflag:s6] =	ssyncset.done $0x0  }
0x9a: {  	s14 =	simm.s32 $0x1080;
	[sflag:s6] =	ssyncadd.s32 $0xFFFFD800  }
0x9b: {  	[spmem:s19] =	stream.indirect.scatter.add.f32 [tilespmem:s4], [sflag:$0x3], $0x80, s14, s31, $0xb8;
	[tilespmem:$0x1B080] =	vst v63  }
0x9c: {  	_ =	swait.ge [sflag:s2], $0x2800  }
0x9d: {  	s10 =	simm.s32 $0xFFFFF500;
	s11 =	simm.s32 $0xFFFFD800;
	[sflag:s2] =	ssyncset.done $0x0  }
.LBB2_5:
0x9e: {  	s12 =	sadd.s32 $0xC80, s10  }
0x9f: {  	[sflag:s2] =	ssyncadd.s32 $0xFFFFD800;
	s13 =	smov.u32 s11;
	s14 =	sadd.s32 $0x400, s11  }
0xa0: {  	[tilespmem:s4], [sflag:$0x2] =	stream.indirect.gather [hbm4b:s21+s31], $0x80, s12, s31, $0xb8;
	[tilespmem:$0x1B080] =	vst v63  }
0xa1: {  	p0 =	sne.s32 s11, $0xFFFFFC00;
	_ =	swait.ge [sflag:s5], $0x2800  }
0xa2: {  	[sflag:s5] =	ssyncset.done $0x0  }
0xa3: {  	s11 =	sadd.s32 $0x1C00, s10;
	[sflag:s5] =	ssyncadd.s32 $0xFFFFD800  }
0xa4: {  	[spmem:s19] =	stream.indirect.scatter.add.f32 [tilespmem:s0], [sflag:$0x3], $0x80, s11, s31, $0xb8;
	[tilespmem:$0x1B080] =	vst v63  }
0xa5: {  	_ =	swait.ge [sflag:s2], $0x2800  }
0xa6: {  	[sflag:s2] =	ssyncset.done $0x0  }
0xa7: {  	s11 =	sadd.s32 $0xD00, s10;
	[sflag:s2] =	ssyncadd.s32 $0xFFFFD800  }
0xa8: {  	[tilespmem:s0], [sflag:$0x1] =	stream.indirect.gather [hbm4b:s21+s31], $0x80, s11, s31, $0xb8;
	[tilespmem:$0x1B080] =	vst v63  }
0xa9: {  	_ =	swait.ge [sflag:s6], $0x2800  }
.Ltmp1:
0xaa: {  	[sflag:s6] =	ssyncset.done $0x0;
	(pc) =	sbr.rel @p0 .LBB2_5-.Ltmp1, $4  }
0xab: {  	s10 =	sadd.s32 $0x1C80, s10;
	[sflag:s6] =	ssyncadd.s32 $0xFFFFD800  }
0xac: {  	[spmem:s19] =	stream.indirect.scatter.add.f32 [tilespmem:s4], [sflag:$0x3], $0x80, s10, s31, $0xb8;
	[tilespmem:$0x1B080] =	vst v63  }
0xad: {  	_ =	swait.ge [sflag:s2], $0x2800  }
0xae: {  	s11 =	smov.u32 s14;
	s10 =	sshra.s32 s13, $0x2;
	[sflag:s2] =	ssyncset.done $0x0  }
0xaf: {  	s11 =	sadd.s32 $0xC80, s10;
	[sflag:s2] =	ssyncadd.s32 $0xFFFFD800  }
0xb0: {  	[tilespmem:s4], [sflag:$0x2] =	stream.indirect.gather [hbm4b:s21+s31], $0x80, s11, s31, $0xb8;
	[tilespmem:$0x1B080] =	vst v63  }
0xb1: {  	_ =	swait.ge [sflag:s5], $0x2800  }
0xb2: {  	[sflag:s5] =	ssyncset.done $0x0  }
0xb3: {  	s12 =	sadd.s32 $0x1C00, s10;
	[sflag:s5] =	ssyncadd.s32 $0xFFFFD800  }
0xb4: {  	[spmem:s19] =	stream.indirect.scatter.add.f32 [tilespmem:s0], [sflag:$0x3], $0x80, s12, s31, $0xb8;
	[tilespmem:$0x1B080] =	vst v63  }
0xb5: {  	_ =	swait.ge [sflag:s2], $0x2800  }
0xb6: {  	[sflag:s2] =	ssyncset.done $0x0  }
0xb7: {  	s13 =	sadd.s32 $0xD00, s10;
	[sflag:s2] =	ssyncadd.s32 $0xFFFFD800  }
0xb8: {  	[tilespmem:s0], [sflag:$0x1] =	stream.indirect.gather [hbm4b:s21+s31], $0x80, s13, s31, $0xb8;
	[tilespmem:$0x1B080] =	vst v63  }
0xb9: {  	_ =	swait.ge [sflag:s6], $0x2800  }
0xba: {  	[sflag:s6] =	ssyncset.done $0x0  }
0xbb: {  	s14 =	sadd.s32 $0x1C80, s10;
	[sflag:s6] =	ssyncadd.s32 $0xFFFFD800  }
0xbc: {  	[spmem:s19] =	stream.indirect.scatter.add.f32 [tilespmem:s4], [sflag:$0x3], $0x80, s14, s31, $0xb8;
	[tilespmem:$0x1B080] =	vst v63  }
0xbd: {  	_ =	swait.ge [sflag:s2], $0x2800  }
0xbe: {  	[sflag:s2] =	ssyncset.done $0x0  }
0xbf: {  	[sflag:s2] =	ssyncadd.s32 $0xFFFFD800  }
0xc0: {  	s9 =	sadd.s32 $0x1, s9;
	_ =	swait.ge [sflag:s5], $0x2800  }
0xc1: {  	p0 =	sne.s32 s9, $0x5;
	[sflag:s5] =	ssyncset.done $0x0  }
.Ltmp2:
0xc2: {  	[sflag:s5] =	ssyncadd.s32 $0xFFFFD800;
	(pc) =	sbr.rel @p0 .LBB2_4-.Ltmp2, $4  }
0xc3: {  	[spmem:s19] =	stream.indirect.scatter.add.f32 [tilespmem:s0], [sflag:$0x3], $0x80, s7, s31, $0xb8;
	[tilespmem:$0x1B080] =	vst v63  }
0xc4: {  	_ =	swait.ge [sflag:s2], $0x2800  }
0xc5: {  	[sflag:s2] =	ssyncset.done $0x0  }
0xc6: {  	[sflag:s2] =	ssyncadd.s32 $0xFFFFD800  }
0xc7: {  	[bflag:$0x0] =	sbarrier.arrive $0xFFFF  }
0xc8: {  	[tilespmem:$0x2000] =	vst v26  }
0xc9: {  	[tilespmem:$0x2010] =	vst v0  }
0xca: {  	[tilespmem:$0x2020] =	vst v1  }
0xcb: {  	[tilespmem:$0x2030] =	vst v2  }
0xcc: {  	[tilespmem:$0x2040] =	vst v3  }
0xcd: {  	[tilespmem:s0], [sflag:$0x1] =	stream.indirect.gather [spmem:s19], $0x80, s15, s31, $0xb8;
	[tilespmem:$0x1B080] =	vst v63  }
0xce: {  	_ =	swait.ge [sflag:s5], $0x2800  }
0xcf: {  	[sflag:s5] =	ssyncset.done $0x0  }
0xd0: {  	s9 =	simm.s32 $0x0;
	s10 =	rddreg [dreg:$0x4];
	[sflag:s5] =	ssyncadd.s32 $0xFFFFD800  }
0xd1: {  	[hbm4b:s10+s9] =	stream.linear.scatter [tilespmem:s0], [sflag:$0x3], $0x2800, $0x38;
	[tilespmem:$0x1B080] =	vst v63  }
0xd2: {  	_ =	swait.ge [sflag:s2], $0x2800  }
0xd3: {  	[sflag:s2] =	ssyncset.done $0x0  }
0xd4: {  	[sflag:s2] =	ssyncadd.s32 $0xFFFFD800  }
0xd5: {  	[tilespmem:$0x2000] =	vst v4  }
0xd6: {  	[tilespmem:$0x2010] =	vst v5  }
0xd7: {  	[tilespmem:$0x2020] =	vst v6  }
0xd8: {  	[tilespmem:$0x2030] =	vst v7  }
0xd9: {  	[tilespmem:$0x2040] =	vst v8  }
0xda: {  	[tilespmem:s0], [sflag:$0x1] =	stream.indirect.gather [spmem:s19], $0x80, s15, s31, $0xb8;
	[tilespmem:$0x1B080] =	vst v63  }
0xdb: {  	_ =	swait.ge [sflag:s5], $0x2800  }
0xdc: {  	[sflag:s5] =	ssyncset.done $0x0  }
0xdd: {  	s11 =	rddreg [dreg:$0x5];
	[sflag:s5] =	ssyncadd.s32 $0xFFFFD800  }
0xde: {  	[hbm4b:s11+s9] =	stream.linear.scatter [tilespmem:s0], [sflag:$0x3], $0x2800, $0x38;
	[tilespmem:$0x1B080] =	vst v63  }
0xdf: {  	_ =	swait.ge [sflag:s2], $0x2800  }
0xe0: {  	[sflag:s2] =	ssyncset.done $0x0  }
0xe1: {  	[sflag:s2] =	ssyncadd.s32 $0xFFFFD800  }
0xe2: {  	[tilespmem:$0x2000] =	vst v9  }
0xe3: {  	[tilespmem:$0x2010] =	vst v10  }
0xe4: {  	[tilespmem:$0x2020] =	vst v11  }
0xe5: {  	[tilespmem:$0x2030] =	vst v12  }
0xe6: {  	[tilespmem:$0x2040] =	vst v13  }
0xe7: {  	[tilespmem:s0], [sflag:$0x1] =	stream.indirect.gather [spmem:s19], $0x80, s15, s31, $0xb8;
	[tilespmem:$0x1B080] =	vst v63  }
0xe8: {  	_ =	swait.ge [sflag:s5], $0x2800  }
0xe9: {  	[sflag:s5] =	ssyncset.done $0x0  }
0xea: {  	s12 =	rddreg [dreg:$0x6];
	[sflag:s5] =	ssyncadd.s32 $0xFFFFD800  }
0xeb: {  	[hbm4b:s12+s9] =	stream.linear.scatter [tilespmem:s0], [sflag:$0x3], $0x2800, $0x38;
	[tilespmem:$0x1B080] =	vst v63  }
0xec: {  	_ =	swait.ge [sflag:s2], $0x2800  }
0xed: {  	[sflag:s2] =	ssyncset.done $0x0  }
0xee: {  	[sflag:s2] =	ssyncadd.s32 $0xFFFFD800  }
0xef: {  	[tilespmem:$0x2000] =	vst v14  }
0xf0: {  	[tilespmem:$0x2010] =	vst v15  }
0xf1: {  	[tilespmem:$0x2020] =	vst v16  }
0xf2: {  	[tilespmem:$0x2030] =	vst v17  }
0xf3: {  	[tilespmem:$0x2040] =	vst v18  }
0xf4: {  	[tilespmem:s0], [sflag:$0x1] =	stream.indirect.gather [spmem:s19], $0x80, s15, s31, $0xb8;
	[tilespmem:$0x1B080] =	vst v63  }
0xf5: {  	_ =	swait.ge [sflag:s5], $0x2800  }
0xf6: {  	[sflag:s5] =	ssyncset.done $0x0  }
0xf7: {  	s13 =	rddreg [dreg:$0x7];
	[sflag:s5] =	ssyncadd.s32 $0xFFFFD800  }
0xf8: {  	[hbm4b:s13+s9] =	stream.linear.scatter [tilespmem:s0], [sflag:$0x3], $0x2800, $0x38;
	[tilespmem:$0x1B080] =	vst v63  }
0xf9: {  	_ =	swait.ge [sflag:s2], $0x2800  }
0xfa: {  	[sflag:s2] =	ssyncset.done $0x0  }
0xfb: {  	[sflag:s2] =	ssyncadd.s32 $0xFFFFD800  }
0xfc: {  	[tilespmem:$0x2000] =	vst v19  }
0xfd: {  	[tilespmem:$0x2010] =	vst v20  }
0xfe: {  	[tilespmem:$0x2020] =	vst v21  }
0xff: {  	[tilespmem:$0x2030] =	vst v22  }
0x100: {  	[tilespmem:$0x2040] =	vst v23  }
0x101: {  	[tilespmem:s0], [sflag:$0x1] =	stream.indirect.gather [spmem:s19], $0x80, s15, s31, $0xb8;
	[tilespmem:$0x1B080] =	vst v63  }
0x102: {  	_ =	swait.ge [sflag:s5], $0x2800  }
0x103: {  	[sflag:s5] =	ssyncset.done $0x0  }
0x104: {  	s14 =	rddreg [dreg:$0x8];
	[sflag:s5] =	ssyncadd.s32 $0xFFFFD800  }
0x105: {  	[hbm4b:s14+s9] =	stream.linear.scatter [tilespmem:s0], [sflag:$0x3], $0x2800, $0x38;
	[tilespmem:$0x1B080] =	vst v63  }
0x106: {  	_ =	swait.ge [sflag:s2], $0x2800  }
0x107: {  	[sflag:s2] =	ssyncset.done $0x0  }
0x108: {  	[sflag:s2] =	ssyncadd.s32 $0xFFFFD800  }
0x109: {  	[tilespmem:$0x2000] =	vst v24  }
0x10a: {  	[tilespmem:$0x2010] =	vst v25  }
0x10b: {  	[tilespmem:$0x2020] =	vst v27  }
0x10c: {  	[tilespmem:$0x2030] =	vst v28  }
0x10d: {  	[tilespmem:$0x2040] =	vst v29  }
0x10e: {  	[tilespmem:s0], [sflag:$0x1] =	stream.indirect.gather [spmem:s19], $0x80, s15, s31, $0xb8;
	[tilespmem:$0x1B080] =	vst v63  }
0x10f: {  	_ =	swait.ge [sflag:s5], $0x2800  }
0x110: {  	[sflag:s5] =	ssyncset.done $0x0  }
0x111: {  	s11 =	rddreg [dreg:$0x9];
	[sflag:s5] =	ssyncadd.s32 $0xFFFFD800  }
0x112: {  	[hbm4b:s11+s9] =	stream.linear.scatter [tilespmem:s0], [sflag:$0x3], $0x2800, $0x38;
	[tilespmem:$0x1B080] =	vst v63  }
0x113: {  	_ =	swait.ge [sflag:s2], $0x2800  }
0x114: {  	[sflag:s2] =	ssyncset.done $0x0  }
0x115: {  	[sflag:s2] =	ssyncadd.s32 $0xFFFFD800  }
0x116: {  	[tilespmem:$0x2000] =	vst v30  }
0x117: {  	[tilespmem:$0x2010] =	vst v31  }
0x118: {  	[tilespmem:$0x2020] =	vst v32  }
0x119: {  	[tilespmem:$0x2030] =	vst v33  }
0x11a: {  	[tilespmem:$0x2040] =	vst v34  }
0x11b: {  	[tilespmem:s0], [sflag:$0x1] =	stream.indirect.gather [spmem:s19], $0x80, s15, s31, $0xb8;
	[tilespmem:$0x1B080] =	vst v63  }
0x11c: {  	_ =	swait.ge [sflag:s5], $0x2800  }
0x11d: {  	[sflag:s5] =	ssyncset.done $0x0  }
0x11e: {  	s12 =	rddreg [dreg:$0xa];
	[sflag:s5] =	ssyncadd.s32 $0xFFFFD800  }
0x11f: {  	[hbm4b:s12+s9] =	stream.linear.scatter [tilespmem:s0], [sflag:$0x3], $0x2800, $0x38;
	[tilespmem:$0x1B080] =	vst v63  }
0x120: {  	_ =	swait.ge [sflag:s2], $0x2800  }
0x121: {  	[sflag:s2] =	ssyncset.done $0x0  }
0x122: {  	[sflag:s2] =	ssyncadd.s32 $0xFFFFD800  }
0x123: {  	[tilespmem:$0x2000] =	vst v35  }
0x124: {  	[tilespmem:$0x2010] =	vst v36  }
0x125: {  	[tilespmem:$0x2020] =	vst v37  }
0x126: {  	[tilespmem:$0x2030] =	vst v38  }
0x127: {  	[tilespmem:$0x2040] =	vst v39  }
0x128: {  	[tilespmem:s0], [sflag:$0x1] =	stream.indirect.gather [spmem:s19], $0x80, s15, s31, $0xb8;
	[tilespmem:$0x1B080] =	vst v63  }
0x129: {  	_ =	swait.ge [sflag:s5], $0x2800  }
0x12a: {  	[sflag:s5] =	ssyncset.done $0x0  }
0x12b: {  	s13 =	rddreg [dreg:$0xb];
	[sflag:s5] =	ssyncadd.s32 $0xFFFFD800  }
0x12c: {  	[hbm4b:s13+s9] =	stream.linear.scatter [tilespmem:s0], [sflag:$0x3], $0x2800, $0x38;
	[tilespmem:$0x1B080] =	vst v63  }
0x12d: {  	_ =	swait.ge [sflag:s2], $0x2800  }
0x12e: {  	s14 =	sand.u32 $0xFE00, s9;
	[sflag:s2] =	ssyncset.done $0x0  }
0x12f: {  	s11 =	sand.u32 $0x70, s9;
	s12 =	sshrl.u32 s14, $0x2;
	[sflag:s2] =	ssyncadd.s32 $0xFFFFD800  }
0x130: {  	s10 =	simm.s32 $0x40;
	s11 =	sor.u32 s11, s12;
	[bflag:$0x0] =	sbarrier.arrive $0xFFFF  }
.LBB2_8:
0x131: {  	p0 =	sne.s32 s10, $0x9FC0  }
0x132: {  	[tilespmem:s11+$0x2080] =	vst v40;
	s9 =	sadd.s32 $0x10, s9;
	s11 =	smov.u32 s10;
	s10 =	sadd.s32 $0x40, s10  }
.Ltmp3:
0x133: {  	(pc) =	sbr.rel @p0 .LBB2_8-.Ltmp3, $4  }
0x134: {  	_ = 	snop  }
0x135: {  	s11 =	sand.u32 $0xFE00, s11  }
0x136: {  	s12 =	sand.u32 $0x70, s9;
	s11 =	sshrl.u32 s11, $0x2  }
0x137: {  	s11 =	sor.u32 s12, s11  }
0x138: {  	[tilespmem:s11+$0x2080] =	vst v40  }
0x139: {  	[tilespmem:$0x2000] =	vst v26  }
0x13a: {  	[tilespmem:$0x2010] =	vst v0  }
0x13b: {  	[tilespmem:$0x2020] =	vst v1  }
0x13c: {  	[tilespmem:$0x2030] =	vst v2  }
0x13d: {  	[tilespmem:$0x2040] =	vst v3  }
0x13e: {  	[spmem:s19] =	stream.indirect.scatter [tilespmem:s0], [sflag:$0x3], $0x80, s15, s31, $0xb8;
	[tilespmem:$0x1B080] =	vst v63  }
0x13f: {  	_ =	swait.ge [sflag:s2], $0x2800  }
0x140: {  	[sflag:s2] =	ssyncset.done $0x0  }
0x141: {  	[sflag:s2] =	ssyncadd.s32 $0xFFFFD800  }
0x142: {  	[tilespmem:$0x2000] =	vst v4  }
0x143: {  	[tilespmem:$0x2010] =	vst v5  }
0x144: {  	[tilespmem:$0x2020] =	vst v6  }
0x145: {  	[tilespmem:$0x2030] =	vst v7  }
0x146: {  	[tilespmem:$0x2040] =	vst v8  }
0x147: {  	[spmem:s19] =	stream.indirect.scatter [tilespmem:s0], [sflag:$0x3], $0x80, s15, s31, $0xb8;
	[tilespmem:$0x1B080] =	vst v63  }
0x148: {  	_ =	swait.ge [sflag:s2], $0x2800  }
0x149: {  	[sflag:s2] =	ssyncset.done $0x0  }
0x14a: {  	[sflag:s2] =	ssyncadd.s32 $0xFFFFD800  }
0x14b: {  	[tilespmem:$0x2000] =	vst v9  }
0x14c: {  	[tilespmem:$0x2010] =	vst v10  }
0x14d: {  	[tilespmem:$0x2020] =	vst v11  }
0x14e: {  	[tilespmem:$0x2030] =	vst v12  }
0x14f: {  	[tilespmem:$0x2040] =	vst v13  }
0x150: {  	[spmem:s19] =	stream.indirect.scatter [tilespmem:s0], [sflag:$0x3], $0x80, s15, s31, $0xb8;
	[tilespmem:$0x1B080] =	vst v63  }
0x151: {  	_ =	swait.ge [sflag:s2], $0x2800  }
0x152: {  	[sflag:s2] =	ssyncset.done $0x0  }
0x153: {  	[sflag:s2] =	ssyncadd.s32 $0xFFFFD800  }
0x154: {  	[tilespmem:$0x2000] =	vst v14  }
0x155: {  	[tilespmem:$0x2010] =	vst v15  }
0x156: {  	[tilespmem:$0x2020] =	vst v16  }
0x157: {  	[tilespmem:$0x2030] =	vst v17  }
0x158: {  	[tilespmem:$0x2040] =	vst v18  }
0x159: {  	[spmem:s19] =	stream.indirect.scatter [tilespmem:s0], [sflag:$0x3], $0x80, s15, s31, $0xb8;
	[tilespmem:$0x1B080] =	vst v63  }
0x15a: {  	_ =	swait.ge [sflag:s2], $0x2800  }
0x15b: {  	[sflag:s2] =	ssyncset.done $0x0  }
0x15c: {  	[sflag:s2] =	ssyncadd.s32 $0xFFFFD800  }
0x15d: {  	[tilespmem:$0x2000] =	vst v19  }
0x15e: {  	[tilespmem:$0x2010] =	vst v20  }
0x15f: {  	[tilespmem:$0x2020] =	vst v21  }
0x160: {  	[tilespmem:$0x2030] =	vst v22  }
0x161: {  	[tilespmem:$0x2040] =	vst v23  }
0x162: {  	[spmem:s19] =	stream.indirect.scatter [tilespmem:s0], [sflag:$0x3], $0x80, s15, s31, $0xb8;
	[tilespmem:$0x1B080] =	vst v63  }
0x163: {  	_ =	swait.ge [sflag:s2], $0x2800  }
0x164: {  	[sflag:s2] =	ssyncset.done $0x0  }
0x165: {  	[sflag:s2] =	ssyncadd.s32 $0xFFFFD800  }
0x166: {  	[tilespmem:$0x2000] =	vst v24  }
0x167: {  	[tilespmem:$0x2010] =	vst v25  }
0x168: {  	[tilespmem:$0x2020] =	vst v27  }
0x169: {  	[tilespmem:$0x2030] =	vst v28  }
0x16a: {  	[tilespmem:$0x2040] =	vst v29  }
0x16b: {  	[spmem:s19] =	stream.indirect.scatter [tilespmem:s0], [sflag:$0x3], $0x80, s15, s31, $0xb8;
	[tilespmem:$0x1B080] =	vst v63  }
0x16c: {  	_ =	swait.ge [sflag:s2], $0x2800  }
0x16d: {  	[sflag:s2] =	ssyncset.done $0x0  }
0x16e: {  	[sflag:s2] =	ssyncadd.s32 $0xFFFFD800  }
0x16f: {  	[tilespmem:$0x2000] =	vst v30  }
0x170: {  	[tilespmem:$0x2010] =	vst v31  }
0x171: {  	[tilespmem:$0x2020] =	vst v32  }
0x172: {  	[tilespmem:$0x2030] =	vst v33  }
0x173: {  	[tilespmem:$0x2040] =	vst v34  }
0x174: {  	[spmem:s19] =	stream.indirect.scatter [tilespmem:s0], [sflag:$0x3], $0x80, s15, s31, $0xb8;
	[tilespmem:$0x1B080] =	vst v63  }
0x175: {  	_ =	swait.ge [sflag:s2], $0x2800  }
0x176: {  	[sflag:s2] =	ssyncset.done $0x0  }
0x177: {  	[sflag:s2] =	ssyncadd.s32 $0xFFFFD800  }
0x178: {  	[tilespmem:$0x2000] =	vst v35  }
0x179: {  	[tilespmem:$0x2010] =	vst v36  }
0x17a: {  	[tilespmem:$0x2020] =	vst v37  }
0x17b: {  	[tilespmem:$0x2030] =	vst v38  }
0x17c: {  	[tilespmem:$0x2040] =	vst v39  }
0x17d: {  	[spmem:s19] =	stream.indirect.scatter [tilespmem:s0], [sflag:$0x3], $0x80, s15, s31, $0xb8;
	[tilespmem:$0x1B080] =	vst v63  }
0x17e: {  	s9 =	simm.s32 $0x0;
	_ =	swait.ge [sflag:s2], $0x2800  }
0x17f: {  	s10 =	sand.u32 $0xFE00, s9;
	[sflag:s2] =	ssyncset.done $0x0  }
0x180: {  	s14 =	sand.u32 $0x70, s9;
	s12 =	sshrl.u32 s10, $0x2;
	[sflag:s2] =	ssyncadd.s32 $0xFFFFD800  }
0x181: {  	s10 =	simm.s32 $0x40;
	s11 =	sor.u32 s14, s12;
	[bflag:$0x0] =	sbarrier.arrive $0xFFFF  }
.LBB2_10:
0x182: {  	p0 =	sne.s32 s10, $0x9FC0  }
0x183: {  	[tilespmem:s11+$0x2080] =	vst v41;
	s9 =	sadd.s32 $0x10, s9;
	s11 =	smov.u32 s10;
	s10 =	sadd.s32 $0x40, s10  }
.Ltmp4:
0x184: {  	(pc) =	sbr.rel @p0 .LBB2_10-.Ltmp4, $4  }
0x185: {  	_ = 	snop  }
0x186: {  	s11 =	sand.u32 $0xFE00, s11  }
0x187: {  	s12 =	sand.u32 $0x70, s9;
	s11 =	sshrl.u32 s11, $0x2  }
0x188: {  	s11 =	sor.u32 s12, s11  }
0x189: {  	[tilespmem:s11+$0x2080] =	vst v41;
	s9 =	simm.s32 $0x0  }
0x18a: {  	[tilespmem:s3], [sflag:$0x3] =	stream.linear.gather [hbm4b:s24+s9], $0xC80, $0x38;
	[tilespmem:$0x1B080] =	vst v63  }
0x18b: {  	_ =	swait.ge [sflag:s2], $0xC80  }
0x18c: {  	[sflag:s2] =	ssyncset.done $0x0  }
0x18d: {  	s14 =	simm.s32 $0x1000;
	[sflag:s2] =	ssyncadd.s32 $0xFFFFF380  }
0x18e: {  	[spmem:s19] =	stream.indirect.scatter.add.f32 [tilespmem:s0], [sflag:$0x3], $0x80, s14, s31, $0xb8;
	[tilespmem:$0x1B080] =	vst v63  }
0x18f: {  	s9 =	simm.s32 $0x200;
	_ =	swait.ge [sflag:s2], $0x2800  }
.LBB2_12:
0x190: {  	s10 =	sshra.s32 s9, $0x2;
	[sflag:s2] =	ssyncset.done $0x0;
	p0 =	sne.s32 s9, $0x3000  }
.Ltmp5:
0x191: {  	s10 =	sadd.s32 $0x1000, s10;
	[sflag:s2] =	ssyncadd.s32 $0xFFFFD800;
	(pc) =	sbr.rel @p0 .LBB2_12-.Ltmp5, $3  }
0x192: {  	[spmem:s19] =	stream.indirect.scatter.add.f32 [tilespmem:s0], [sflag:$0x3], $0x80, s10, s31, $0xb8;
	[tilespmem:$0x1B080] =	vst v63  }
0x193: {  	s9 =	sadd.s32 $0x200, s9;
	_ =	sdelay $0x1  }
0x194: {  	_ =	swait.ge [sflag:s2], $0x2800  }
0x195: {  	[sflag:s2] =	ssyncset.done $0x0  }
0x196: {  	s9 =	simm.s32 $0x0;
	[sflag:s2] =	ssyncadd.s32 $0xFFFFD800  }
0x197: {  	[tilespmem:s3], [sflag:$0x3] =	stream.linear.gather [hbm4b:s26+s9], $0xC80, $0x38;
	[tilespmem:$0x1B080] =	vst v63  }
0x198: {  	_ =	swait.ge [sflag:s2], $0xC80  }
0x199: {  	[sflag:s2] =	ssyncset.done $0x0  }
0x19a: {  	s14 =	simm.s32 $0x1000;
	[sflag:s2] =	ssyncadd.s32 $0xFFFFF380  }
0x19b: {  	[spmem:s19] =	stream.indirect.scatter.add.f32 [tilespmem:s0], [sflag:$0x3], $0x80, s14, s31, $0xb8;
	[tilespmem:$0x1B080] =	vst v63  }
0x19c: {  	s9 =	simm.s32 $0x200;
	_ =	swait.ge [sflag:s2], $0x2800  }
.LBB2_14:
0x19d: {  	s10 =	sshra.s32 s9, $0x2;
	[sflag:s2] =	ssyncset.done $0x0;
	p0 =	sne.s32 s9, $0x3000  }
.Ltmp6:
0x19e: {  	s10 =	sadd.s32 $0x1000, s10;
	[sflag:s2] =	ssyncadd.s32 $0xFFFFD800;
	(pc) =	sbr.rel @p0 .LBB2_14-.Ltmp6, $3  }
0x19f: {  	[spmem:s19] =	stream.indirect.scatter.add.f32 [tilespmem:s0], [sflag:$0x3], $0x80, s10, s31, $0xb8;
	[tilespmem:$0x1B080] =	vst v63  }
0x1a0: {  	s9 =	sadd.s32 $0x200, s9;
	_ =	sdelay $0x1  }
0x1a1: {  	_ =	swait.ge [sflag:s2], $0x2800  }
0x1a2: {  	[sflag:s2] =	ssyncset.done $0x0  }
0x1a3: {  	s9 =	simm.s32 $0x0;
	[sflag:s2] =	ssyncadd.s32 $0xFFFFD800  }
0x1a4: {  	[tilespmem:s3], [sflag:$0x3] =	stream.linear.gather [hbm4b:s28+s9], $0xC80, $0x38;
	[tilespmem:$0x1B080] =	vst v63  }
0x1a5: {  	_ =	swait.ge [sflag:s2], $0xC80  }
0x1a6: {  	[sflag:s2] =	ssyncset.done $0x0  }
0x1a7: {  	s14 =	simm.s32 $0x1000;
	[sflag:s2] =	ssyncadd.s32 $0xFFFFF380  }
0x1a8: {  	[spmem:s19] =	stream.indirect.scatter.add.f32 [tilespmem:s0], [sflag:$0x3], $0x80, s14, s31, $0xb8;
	[tilespmem:$0x1B080] =	vst v63  }
0x1a9: {  	s9 =	simm.s32 $0x200;
	_ =	swait.ge [sflag:s2], $0x2800  }
.LBB2_16:
0x1aa: {  	s10 =	sshra.s32 s9, $0x2;
	[sflag:s2] =	ssyncset.done $0x0;
	p0 =	sne.s32 s9, $0x3000  }
.Ltmp7:
0x1ab: {  	s10 =	sadd.s32 $0x1000, s10;
	[sflag:s2] =	ssyncadd.s32 $0xFFFFD800;
	(pc) =	sbr.rel @p0 .LBB2_16-.Ltmp7, $3  }
0x1ac: {  	[spmem:s19] =	stream.indirect.scatter.add.f32 [tilespmem:s0], [sflag:$0x3], $0x80, s10, s31, $0xb8;
	[tilespmem:$0x1B080] =	vst v63  }
0x1ad: {  	s9 =	sadd.s32 $0x200, s9;
	_ =	sdelay $0x1  }
0x1ae: {  	_ =	swait.ge [sflag:s2], $0x2800  }
0x1af: {  	[sflag:s2] =	ssyncset.done $0x0  }
0x1b0: {  	s9 =	simm.s32 $0x0;
	[sflag:s2] =	ssyncadd.s32 $0xFFFFD800  }
0x1b1: {  	[tilespmem:s3], [sflag:$0x3] =	stream.linear.gather [hbm4b:s29+s9], $0xC80, $0x38;
	[tilespmem:$0x1B080] =	vst v63  }
0x1b2: {  	_ =	swait.ge [sflag:s2], $0xC80  }
0x1b3: {  	[sflag:s2] =	ssyncset.done $0x0  }
0x1b4: {  	s14 =	simm.s32 $0x1000;
	[sflag:s2] =	ssyncadd.s32 $0xFFFFF380  }
0x1b5: {  	[spmem:s19] =	stream.indirect.scatter.add.f32 [tilespmem:s0], [sflag:$0x3], $0x80, s14, s31, $0xb8;
	[tilespmem:$0x1B080] =	vst v63  }
0x1b6: {  	s9 =	simm.s32 $0x200;
	_ =	swait.ge [sflag:s2], $0x2800  }
.LBB2_18:
0x1b7: {  	s10 =	sshra.s32 s9, $0x2;
	[sflag:s2] =	ssyncset.done $0x0;
	p0 =	sne.s32 s9, $0x3000  }
.Ltmp8:
0x1b8: {  	s10 =	sadd.s32 $0x1000, s10;
	[sflag:s2] =	ssyncadd.s32 $0xFFFFD800;
	(pc) =	sbr.rel @p0 .LBB2_18-.Ltmp8, $3  }
0x1b9: {  	[spmem:s19] =	stream.indirect.scatter.add.f32 [tilespmem:s0], [sflag:$0x3], $0x80, s10, s31, $0xb8;
	[tilespmem:$0x1B080] =	vst v63  }
0x1ba: {  	s9 =	sadd.s32 $0x200, s9;
	_ =	sdelay $0x1  }
0x1bb: {  	_ =	swait.ge [sflag:s2], $0x2800  }
0x1bc: {  	[sflag:s2] =	ssyncset.done $0x0  }
0x1bd: {  	s9 =	simm.s32 $0x0;
	[sflag:s2] =	ssyncadd.s32 $0xFFFFD800  }
0x1be: {  	[tilespmem:s3], [sflag:$0x3] =	stream.linear.gather [hbm4b:s30+s9], $0xC80, $0x38;
	[tilespmem:$0x1B080] =	vst v63  }
0x1bf: {  	_ =	swait.ge [sflag:s2], $0xC80  }
0x1c0: {  	[sflag:s2] =	ssyncset.done $0x0  }
0x1c1: {  	s14 =	simm.s32 $0x1000;
	[sflag:s2] =	ssyncadd.s32 $0xFFFFF380  }
0x1c2: {  	[spmem:s19] =	stream.indirect.scatter.add.f32 [tilespmem:s0], [sflag:$0x3], $0x80, s14, s31, $0xb8;
	[tilespmem:$0x1B080] =	vst v63  }
0x1c3: {  	s9 =	simm.s32 $0x200;
	_ =	swait.ge [sflag:s2], $0x2800  }
.LBB2_20:
0x1c4: {  	s10 =	sshra.s32 s9, $0x2;
	[sflag:s2] =	ssyncset.done $0x0;
	p0 =	sne.s32 s9, $0x3000  }
.Ltmp9:
0x1c5: {  	s10 =	sadd.s32 $0x1000, s10;
	[sflag:s2] =	ssyncadd.s32 $0xFFFFD800;
	(pc) =	sbr.rel @p0 .LBB2_20-.Ltmp9, $3  }
0x1c6: {  	[spmem:s19] =	stream.indirect.scatter.add.f32 [tilespmem:s0], [sflag:$0x3], $0x80, s10, s31, $0xb8;
	[tilespmem:$0x1B080] =	vst v63  }
0x1c7: {  	s9 =	sadd.s32 $0x200, s9;
	_ =	sdelay $0x1  }
0x1c8: {  	_ =	swait.ge [sflag:s2], $0x2800  }
0x1c9: {  	[sflag:s2] =	ssyncset.done $0x0  }
0x1ca: {  	[sflag:s2] =	ssyncadd.s32 $0xFFFFD800  }
0x1cb: {  	[bflag:$0x0] =	sbarrier.arrive $0xFFFF  }
0x1cc: {  	[tilespmem:$0x2000] =	vst v26  }
0x1cd: {  	[tilespmem:$0x2010] =	vst v0  }
0x1ce: {  	[tilespmem:$0x2020] =	vst v1  }
0x1cf: {  	[tilespmem:$0x2030] =	vst v2  }
0x1d0: {  	[tilespmem:$0x2040] =	vst v3  }
0x1d1: {  	[tilespmem:s0], [sflag:$0x1] =	stream.indirect.gather [spmem:s19], $0x80, s15, s31, $0xb8;
	[tilespmem:$0x1B080] =	vst v63  }
0x1d2: {  	_ =	swait.ge [sflag:s5], $0x2800  }
0x1d3: {  	[sflag:s5] =	ssyncset.done $0x0  }
0x1d4: {  	s9 =	rddreg [dreg:$0xc];
	[sflag:s5] =	ssyncadd.s32 $0xFFFFD800  }
0x1d5: {  	[hbm4b:s9+s1] =	stream.linear.scatter [tilespmem:s0], [sflag:$0x3], $0x2800, $0x38;
	[tilespmem:$0x1B080] =	vst v63  }
0x1d6: {  	_ =	swait.ge [sflag:s2], $0x2800  }
0x1d7: {  	[sflag:s2] =	ssyncset.done $0x0  }
0x1d8: {  	[sflag:s2] =	ssyncadd.s32 $0xFFFFD800  }
0x1d9: {  	[tilespmem:$0x2000] =	vst v4  }
0x1da: {  	[tilespmem:$0x2010] =	vst v5  }
0x1db: {  	[tilespmem:$0x2020] =	vst v6  }
0x1dc: {  	[tilespmem:$0x2030] =	vst v7  }
0x1dd: {  	[tilespmem:$0x2040] =	vst v8  }
0x1de: {  	[tilespmem:s0], [sflag:$0x1] =	stream.indirect.gather [spmem:s19], $0x80, s15, s31, $0xb8;
	[tilespmem:$0x1B080] =	vst v63  }
0x1df: {  	_ =	swait.ge [sflag:s5], $0x2800  }
0x1e0: {  	[sflag:s5] =	ssyncset.done $0x0  }
0x1e1: {  	s11 =	rddreg [dreg:$0xd];
	[sflag:s5] =	ssyncadd.s32 $0xFFFFD800  }
0x1e2: {  	[hbm4b:s11+s1] =	stream.linear.scatter [tilespmem:s0], [sflag:$0x3], $0x2800, $0x38;
	[tilespmem:$0x1B080] =	vst v63  }
0x1e3: {  	_ =	swait.ge [sflag:s2], $0x2800  }
0x1e4: {  	[sflag:s2] =	ssyncset.done $0x0  }
0x1e5: {  	[sflag:s2] =	ssyncadd.s32 $0xFFFFD800  }
0x1e6: {  	[tilespmem:$0x2000] =	vst v9  }
0x1e7: {  	[tilespmem:$0x2010] =	vst v10  }
0x1e8: {  	[tilespmem:$0x2020] =	vst v11  }
0x1e9: {  	[tilespmem:$0x2030] =	vst v12  }
0x1ea: {  	[tilespmem:$0x2040] =	vst v13  }
0x1eb: {  	[tilespmem:s0], [sflag:$0x1] =	stream.indirect.gather [spmem:s19], $0x80, s15, s31, $0xb8;
	[tilespmem:$0x1B080] =	vst v63  }
0x1ec: {  	_ =	swait.ge [sflag:s5], $0x2800  }
0x1ed: {  	[sflag:s5] =	ssyncset.done $0x0  }
0x1ee: {  	s12 =	rddreg [dreg:$0xe];
	[sflag:s5] =	ssyncadd.s32 $0xFFFFD800  }
0x1ef: {  	[hbm4b:s12+s1] =	stream.linear.scatter [tilespmem:s0], [sflag:$0x3], $0x2800, $0x38;
	[tilespmem:$0x1B080] =	vst v63  }
0x1f0: {  	_ =	swait.ge [sflag:s2], $0x2800  }
0x1f1: {  	[sflag:s2] =	ssyncset.done $0x0  }
0x1f2: {  	[sflag:s2] =	ssyncadd.s32 $0xFFFFD800  }
0x1f3: {  	[tilespmem:$0x2000] =	vst v14  }
0x1f4: {  	[tilespmem:$0x2010] =	vst v15  }
0x1f5: {  	[tilespmem:$0x2020] =	vst v16  }
0x1f6: {  	[tilespmem:$0x2030] =	vst v17  }
0x1f7: {  	[tilespmem:$0x2040] =	vst v18  }
0x1f8: {  	[tilespmem:s0], [sflag:$0x1] =	stream.indirect.gather [spmem:s19], $0x80, s15, s31, $0xb8;
	[tilespmem:$0x1B080] =	vst v63  }
0x1f9: {  	_ =	swait.ge [sflag:s5], $0x2800  }
0x1fa: {  	[sflag:s5] =	ssyncset.done $0x0  }
0x1fb: {  	s13 =	rddreg [dreg:$0xf];
	[sflag:s5] =	ssyncadd.s32 $0xFFFFD800  }
0x1fc: {  	[hbm4b:s13+s1] =	stream.linear.scatter [tilespmem:s0], [sflag:$0x3], $0x2800, $0x38;
	[tilespmem:$0x1B080] =	vst v63  }
0x1fd: {  	_ =	swait.ge [sflag:s2], $0x2800  }
0x1fe: {  	[sflag:s2] =	ssyncset.done $0x0  }
0x1ff: {  	[sflag:s2] =	ssyncadd.s32 $0xFFFFD800  }
0x200: {  	[tilespmem:$0x2000] =	vst v19  }
0x201: {  	[tilespmem:$0x2010] =	vst v20  }
0x202: {  	[tilespmem:$0x2020] =	vst v21  }
0x203: {  	[tilespmem:$0x2030] =	vst v22  }
0x204: {  	[tilespmem:$0x2040] =	vst v23  }
0x205: {  	[tilespmem:s0], [sflag:$0x1] =	stream.indirect.gather [spmem:s19], $0x80, s15, s31, $0xb8;
	[tilespmem:$0x1B080] =	vst v63  }
0x206: {  	_ =	swait.ge [sflag:s5], $0x2800  }
0x207: {  	[sflag:s5] =	ssyncset.done $0x0  }
0x208: {  	s14 =	rddreg [dreg:$0x10];
	[sflag:s5] =	ssyncadd.s32 $0xFFFFD800  }
0x209: {  	[hbm4b:s14+s1] =	stream.linear.scatter [tilespmem:s0], [sflag:$0x3], $0x2800, $0x38;
	[tilespmem:$0x1B080] =	vst v63  }
0x20a: {  	_ =	swait.ge [sflag:s2], $0x2800  }
0x20b: {  	[sflag:s2] =	ssyncset.done $0x0  }
0x20c: {  	[sflag:s2] =	ssyncadd.s32 $0xFFFFD800  }
0x20d: {  	[tilespmem:$0x2000] =	vst v24  }
0x20e: {  	[tilespmem:$0x2010] =	vst v25  }
0x20f: {  	[tilespmem:$0x2020] =	vst v27  }
0x210: {  	[tilespmem:$0x2030] =	vst v28  }
0x211: {  	[tilespmem:$0x2040] =	vst v29  }
0x212: {  	[tilespmem:s0], [sflag:$0x1] =	stream.indirect.gather [spmem:s19], $0x80, s15, s31, $0xb8;
	[tilespmem:$0x1B080] =	vst v63  }
0x213: {  	_ =	swait.ge [sflag:s5], $0x2800  }
0x214: {  	[sflag:s5] =	ssyncset.done $0x0  }
0x215: {  	[sflag:s5] =	ssyncadd.s32 $0xFFFFD800  }
0x216: {  	[hbm4b:s17+s1] =	stream.linear.scatter [tilespmem:s0], [sflag:$0x3], $0x2800, $0x38;
	[tilespmem:$0x1B080] =	vst v63  }
0x217: {  	_ =	swait.ge [sflag:s2], $0x2800  }
0x218: {  	[sflag:s2] =	ssyncset.done $0x0  }
0x219: {  	[sflag:s2] =	ssyncadd.s32 $0xFFFFD800  }
0x21a: {  	[tilespmem:$0x2000] =	vst v30  }
0x21b: {  	[tilespmem:$0x2010] =	vst v31  }
0x21c: {  	[tilespmem:$0x2020] =	vst v32  }
0x21d: {  	[tilespmem:$0x2030] =	vst v33  }
0x21e: {  	[tilespmem:$0x2040] =	vst v34  }
0x21f: {  	[tilespmem:s0], [sflag:$0x1] =	stream.indirect.gather [spmem:s19], $0x80, s15, s31, $0xb8;
	[tilespmem:$0x1B080] =	vst v63  }
0x220: {  	_ =	swait.ge [sflag:s5], $0x2800  }
0x221: {  	[sflag:s5] =	ssyncset.done $0x0  }
0x222: {  	[sflag:s5] =	ssyncadd.s32 $0xFFFFD800  }
0x223: {  	[hbm4b:s18+s1] =	stream.linear.scatter [tilespmem:s0], [sflag:$0x3], $0x2800, $0x38;
	[tilespmem:$0x1B080] =	vst v63  }
0x224: {  	_ =	swait.ge [sflag:s2], $0x2800  }
0x225: {  	[sflag:s2] =	ssyncset.done $0x0  }
0x226: {  	[sflag:s2] =	ssyncadd.s32 $0xFFFFD800  }
0x227: {  	[tilespmem:$0x2000] =	vst v35  }
0x228: {  	[tilespmem:$0x2010] =	vst v36  }
0x229: {  	[tilespmem:$0x2020] =	vst v37  }
0x22a: {  	[tilespmem:$0x2030] =	vst v38  }
0x22b: {  	[tilespmem:$0x2040] =	vst v39  }
0x22c: {  	[tilespmem:s0], [sflag:$0x1] =	stream.indirect.gather [spmem:s19], $0x80, s15, s31, $0xb8;
	[tilespmem:$0x1B080] =	vst v63  }
0x22d: {  	s8 =	sadd.s32 $0x1, s8;
	_ =	swait.ge [sflag:s5], $0x2800  }
0x22e: {  	p0 =	sne.s32 s8, s25;
	[sflag:s5] =	ssyncset.done $0x0  }
.Ltmp10:
0x22f: {  	[sflag:s5] =	ssyncadd.s32 $0xFFFFD800;
	(pc) =	sbr.rel @p0 .LBB2_1-.Ltmp10, $4  }
0x230: {  	[hbm4b:s20+s1] =	stream.linear.scatter [tilespmem:s0], [sflag:$0x3], $0x2800, $0x38;
	[tilespmem:$0x1B080] =	vst v63  }
0x231: {  	_ =	swait.ge [sflag:s2], $0x2800  }
0x232: {  	[sflag:s2] =	ssyncset.done $0x0  }
0x233: {  	[sflag:s2] =	ssyncadd.s32 $0xFFFFD800  }
0x234: {  	_ =	sfence.sel $0x180000  }
0x235: {  	[bflag:$0x0] =	sbarrier.arrive $0xFFFF  }
0x236: {  	_ =	strace $0x90000047  }
0x237: {  	s0 =	stileid.u32;
	[bflag:$0x2] =	sbarrier.arrive $0xFFFF  }
0x238: {  	p0 =	sne.s32 s0, $0x0;
	s0 =	rddreg [dreg:$0x3]  }
0x239: {  	s0 =	sadd.s32 @!p0 $0x100000, s0  }
0x23a: {  	[sflag:s0] =	ssyncadd.tile.s32 @!p0 $0x1;
	_ =	shalt  }
.Lfunc_end2:
_tile_overlayer_lowered:
.L_overlay_start_2:
0x23b: {  	(tag) =	ssettag $0x2  }
0x23c: {  	s0 =	rddreg [dreg:$0x0];
	s2 =	stileid.u32  }
0x23d: {  	s1 =	rddreg [dreg:$0x1];
	p0 =	sne.s32 s2, $0x0  }
0x23e: {  	s3 =	rddreg [dreg:$0x2];
	[bflag:$0x3] =	sbarrier.arrive $0xFFFF;
	s2 =	simm.s32 @!p0 $0x1C03  }
0x23f: {  	[timem:s3], [sflag:s2] =	dma.local @!p0 [hbm:s0], s1  }
0x240: {  	s0 =	simm.s32 @!p0 $0x3  }
0x241: {  	_ =	swait.ge @!p0 [sflag:s0], s1  }
0x242: {  	s1 =	ssub.s32 @!p0 $0x0, s1;
	[sflag:s0] =	ssyncset.done @!p0 $0x0  }
0x243: {  	[sflag:s0] =	ssyncadd.s32 @!p0 s1  }
0x244: {  	[bflag:$0x3] =	sbarrier.arrive $0xFFFF  }
0x245: {  	_ =	shalt  }

// kernel: kernel.9.cloned.1.call-start
scs
__scs_entry_jumppad:
0x0: {  	(pc) =	sbr.rel $0x88, $3  }
0x1: {  	(tag) =	ssettag $0x0;
	lr =	simm.s32 $0x1  }
0x2: {  	[smem:$0x3F99] =	sst lr;
	_ =	strace $0xD0000000  }
0x3: {  	_ = 	snop  }
0x4: {  	_ = 	snop  }
0x5: {  	_ = 	snop  }
0x6: {  	_ = 	snop  }
0x7: {  	_ = 	snop  }
__scs_overlays_trampoline_lowered:
0x8: {  	[smem:$0x3FA8] =	sst s0  }
0x9: {  	[smem:$0x3FA9] =	sst s1  }
0xa: {  	[smem:$0x3FAA] =	sst s2  }
0xb: {  	[smem:$0x3FAB] =	sst s3  }
0xc: {  	[smem:$0x3FAC] =	sst s4  }
0xd: {  	[smem:$0x3FAD] =	sst s5  }
0xe: {  	[smem:$0x3FAE] =	sst s6  }
0xf: {  	[smem:$0x3FAF] =	sst s7  }
0x10: {  	[smem:$0x3FB0] =	sst s8  }
0x11: {  	[smem:$0x3FB1] =	sst s9;
	s0 =	simm.s32 @!p0 $0x0  }
0x12: {  	s1 =	sld [smem:$0x3F97];
	s0 =	simm.s32 @p0 $0x1  }
0x13: {  	[smem:$0x3FB2] =	sst s0;
	s0 =	simm.s32 @!p1 $0x0  }
0x14: {  	s2 =	sld [smem:$0x3F96];
	s0 =	simm.s32 @p1 $0x1  }
0x15: {  	[smem:$0x3FB3] =	sst s0;
	s0 =	simm.s32 @!p2 $0x0  }
0x16: {  	s3 =	sld [smem:$0x3FDB];
	s0 =	simm.s32 @p2 $0x1  }
0x17: {  	s4 =	simm.s32 $0x1BF5;
	[smem:$0x3FB5] =	sst s0  }
0x18: {  	s0 =	sld [smem:$0x3F98];
	_ =	swait.ge [sflag:s4], $0x0  }
0x19: {  	s7 =	sld [smem:$0x3F99]  }
0x1a: {  	s8 =	sadd.s32 $0xFFFFE003, lr  }
0x1b: {  	s9 =	sadd.s32 $0xFFFFFEF7, lr;
	s5 =	simm.s32 $0xFFFFFFFF;
	p2 =	slt.u32 s8, $0xFFFFF086  }
0x1c: {  	p1 =	slt.u32 s9, $0xF7A;
	s5 =	simm.s32 @!p2 $0x0  }
0x1d: {  	s5 =	simm.s32 @p1 $0x1;
	p0 =	seq.s32 s7, s2  }
0x1e: {  	s7 =	smul.u32 @!p0 $0xF7A, s2;
	p2 =	seq.s32 @!p0 s5, $0x0  }
0x1f: {  	s9 =	smul.u32 $0xF7A, s1;
	s8 =	simm.s32 @!p0 $0x1BF5;
	p2 =	por !p2, p0  }
0x20: {  	[sflag:s8] =	ssyncset.s32 @!p0 $0xFFFFF086;
	s6 =	sadd.s32 @!p0 s3, s7;
	s7 =	simm.s32 @!p0 $0x108  }
0x21: {  	s3 =	sadd.s32 s3, s9;
	s6 =	sadd.s32 @!p0 $0x88, s6;
	s7 =	simm.s32 @p2 $0x1082  }
0x22: {  	[simem:s7], [sflag:s8] =	dma.local @!p0 [hbm:s6], $0xF7A  }
0x23: {  	s9 =	sor.u32 $0xD0000000, s2;
	s6 =	simm.s32 $0x108;
	_ =	swait.ge @!p0 [sflag:s8], $0x0  }
0x24: {  	s3 =	sadd.s32 $0x88, s3;
	s6 =	simm.s32 @!p1 $0x1082;
	[sflag:s4] =	ssyncset.s32 $0xFFFFF086  }
0x25: {  	[simem:s6], [sflag:s4] =	dma.local [hbm:s3], $0xF7A  }
0x26: {  	[smem:$0x3F99] =	sst s1;
	(tag) =	ssettag s2;
	_ =	strace s9  }
0x27: {  	s1 =	sld [smem:$0x3FA9]  }
0x28: {  	s2 =	sld [smem:$0x3FAA]  }
0x29: {  	s4 =	sld [smem:$0x3FAC]  }
0x2a: {  	p0 =	seq.s32 s5, $0x0;
	s5 =	sld [smem:$0x3FAD]  }
0x2b: {  	s6 =	sld [smem:$0x3FAE]  }
0x2c: {  	s7 =	sld [smem:$0x3FAF]  }
0x2d: {  	s3 =	simm.s32 $0x108;
	s8 =	sld [smem:$0x3FB0]  }
0x2e: {  	s3 =	simm.s32 @!p0 $0x1082;
	s9 =	sld [smem:$0x3FB1]  }
0x2f: {  	lr =	sadd.s32 s0, s3;
	s0 =	sld [smem:$0x3FA8]  }
0x30: {  	s3 =	sld [smem:$0x3FAB]  }
0x31: {  	[smem:$0x3FB4] =	sst s10  }
0x32: {  	s10 =	sld [smem:$0x3FB2];
	_ =	sdelay $0x3  }
0x33: {  	p0 =	seq.s32 s10, $0x1;
	s10 =	sld [smem:$0x3FB4];
	_ =	sdelay $0x3  }
0x34: {  	[smem:$0x3FB4] =	sst s10  }
0x35: {  	s10 =	sld [smem:$0x3FB3];
	_ =	sdelay $0x3  }
0x36: {  	p1 =	seq.s32 s10, $0x1;
	s10 =	sld [smem:$0x3FB4];
	_ =	sdelay $0x3  }
0x37: {  	[smem:$0x3FB4] =	sst s10  }
0x38: {  	s10 =	sld [smem:$0x3FB5]  }
0x39: {  	_ = 	snop;
	(pc) =	sbr.ind lr, $3  }
0x3a: {  	_ = 	snop  }
0x3b: {  	_ = 	snop  }
0x3c: {  	p2 =	seq.s32 s10, $0x1;
	s10 =	sld [smem:$0x3FB4]  }
0x3d: {  	_ =	shalt  }
0x3e: {  	_ =	shalt  }
0x3f: {  	_ =	shalt  }
0x40: {  	_ =	shalt  }
0x41: {  	_ =	shalt  }
0x42: {  	_ =	shalt  }
0x43: {  	_ =	shalt  }
0x44: {  	_ =	shalt  }
0x45: {  	_ =	shalt  }
0x46: {  	_ =	shalt  }
0x47: {  	_ =	shalt  }
0x48: {  	_ =	shalt  }
0x49: {  	_ =	shalt  }
0x4a: {  	_ =	shalt  }
0x4b: {  	_ =	shalt  }
0x4c: {  	_ =	shalt  }
0x4d: {  	_ =	shalt  }
0x4e: {  	_ =	shalt  }
0x4f: {  	_ =	shalt  }
0x50: {  	_ =	shalt  }
0x51: {  	_ =	shalt  }
0x52: {  	_ =	shalt  }
0x53: {  	_ =	shalt  }
0x54: {  	_ =	shalt  }
0x55: {  	_ =	shalt  }
0x56: {  	_ =	shalt  }
0x57: {  	_ =	shalt  }
0x58: {  	_ =	shalt  }
0x59: {  	_ =	shalt  }
0x5a: {  	_ =	shalt  }
0x5b: {  	_ =	shalt  }
0x5c: {  	_ =	shalt  }
0x5d: {  	_ =	shalt  }
0x5e: {  	_ =	shalt  }
0x5f: {  	_ =	shalt  }
0x60: {  	_ =	shalt  }
0x61: {  	_ =	shalt  }
0x62: {  	_ =	shalt  }
0x63: {  	_ =	shalt  }
0x64: {  	_ =	shalt  }
0x65: {  	_ =	shalt  }
0x66: {  	_ =	shalt  }
0x67: {  	_ =	shalt  }
0x68: {  	_ =	shalt  }
0x69: {  	_ =	shalt  }
0x6a: {  	_ =	shalt  }
0x6b: {  	_ =	shalt  }
0x6c: {  	_ =	shalt  }
0x6d: {  	_ =	shalt  }
0x6e: {  	_ =	shalt  }
0x6f: {  	_ =	shalt  }
0x70: {  	_ =	shalt  }
0x71: {  	_ =	shalt  }
0x72: {  	_ =	shalt  }
0x73: {  	_ =	shalt  }
0x74: {  	_ =	shalt  }
0x75: {  	_ =	shalt  }
0x76: {  	_ =	shalt  }
0x77: {  	_ =	shalt  }
0x78: {  	_ =	shalt  }
0x79: {  	_ =	shalt  }
0x7a: {  	_ =	shalt  }
0x7b: {  	_ =	shalt  }
0x7c: {  	_ =	shalt  }
0x7d: {  	_ =	shalt  }
0x7e: {  	_ =	shalt  }
0x7f: {  	_ =	shalt  }
0x80: {  	_ =	shalt  }
0x81: {  	_ =	shalt  }
0x82: {  	_ =	shalt  }
0x83: {  	_ =	shalt  }
0x84: {  	_ =	shalt  }
0x85: {  	_ =	shalt  }
0x86: {  	_ =	shalt  }
0x87: {  	_ =	shalt  }
.Lfunc_end0:
.L_simem_size_0:
called_computation.1_lowered:
.L_overlay_start_0:
0x88: {  	s2 =	sld [smem:$0x3FD9]  }
0x89: {  	s3 =	sld [smem:$0x3FFE];
	_ =	sdelay $0x1  }
0x8a: {  	s1 =	srdreg.scid  }
0x8b: {  	s0 =	sand.u32 $0x1, s1  }
0x8c: {  	s17 =	sshll.u32 s0, $0xA;
	s2 =	sadd.s32 s3, s2  }
0x8d: {  	s2 =	sadd.s32 s2, s17  }
0x8e: {  	[smem:$0x3FC0] =	sst s2  }
0x8f: {  	_ = 	snop  }
0x90: {  	s2 =	sld [smem:$0x3FD0];
	(tm) =	ssettm $0x1  }
0x91: {  	s18 =	sld [smem:$0x3FFB];
	_ =	sdelay $0x3  }
0x92: {  	_ =	strace s18  }
0x93: {  	s3 =	sld [smem:$0x3FFC];
	_ =	sdelay $0x3  }
0x94: {  	_ =	strace s3  }
0x95: {  	s3 =	sld [smem:$0x3FFD];
	_ =	sdelay $0x3  }
0x96: {  	_ =	strace s3  }
0x97: {  	_ =	strace $0x8FFFFFFF  }
0x98: {  	s19 =	sld [smem:$0x3FDB];
	_ =	sdelay $0x1  }
0x99: {  	s4 =	simm.s32 $_scs_section_size  }
0x9a: {  	s5 =	simm.s32 $_size__tile_overlayer_lowered;
	s6 =	simm.s32 $_tile_overlayer_lowered  }
0x9b: {  	s22 =	simm.s32 $0x1BFF;
	s21 =	sshll.u32 s6, $0x1;
	s3 =	sadd.s32 s4, s19  }
0x9c: {  	s7 =	simm.s32 $0x0;
	s20 =	sshll.u32 s5, $0x1;
	s5 =	sadd.s32 s21, s3  }
0x9d: {  	[timem:s7], [sflag:s22] =	dma.local [hbm:s5], s20  }
0x9e: {  	_ =	swait.ge [sflag:s22], s20  }
0x9f: {  	s4 =	ssub.s32 $0x0, s20;
	[sflag:s22] =	ssyncset.done $0x0  }
0xa0: {  	[sflag:s22] =	ssyncadd.s32 s4;
	_ =	sdelay $0x1  }
0xa1: {  	s23 =	simm.s32 $0x1B8B  }
0xa2: {  	_ =	swait.ge [sflag:s23], $0x1  }
0xa3: {  	[sflag:s23] =	ssyncset.done $0x0  }
0xa4: {  	s25 =	simm.s32 $0x1B8E;
	s24 =	sld [smem:$0x3FFE];
	[sflag:s23] =	ssyncadd.s32 $0xFFFFFFFF  }
0xa5: {  	s26 =	simm.s32 $execute0_lowered;
	[smem:$0x3FD2] =	sst s25  }
0xa6: {  	s5 =	sshll.u32 s26, $0x1;
	_ =	strace $0x80000049;
	[dreg:$0x1] =	wrdreg $0xFFFFFFFF  }
0xa7: {  	s28 =	simm.s32 $_size_execute0_lowered;
	s3 =	sadd.s32 s3, s5;
	[dreg:$0x0] =	wrdreg $0x0  }
0xa8: {  	s5 =	sshll.u32 s28, $0x1;
	[dreg:$0x2] =	wrdreg s3  }
0xa9: {  	[dreg:$0x3] =	wrdreg s5  }
0xaa: {  	[dreg:$0x4] =	wrdreg $0xC0  }
0xab: {  	_ =	task [dreg:s7], $0x5FFFF  }
0xac: {  	[dreg:$0x1] =	wrdreg $0xFFFFFFFF  }
0xad: {  	[dreg:$0x0] =	wrdreg $0x60  }
0xae: {  	[dreg:$0x2] =	wrdreg s24  }
0xaf: {  	[dreg:$0x3] =	wrdreg s2  }
0xb0: {  	[dreg:$0x4] =	wrdreg $0x70800  }
0xb1: {  	[dreg:$0x5] =	wrdreg $0x9  }
0xb2: {  	_ =	task.clear_ibuf [dreg:s7], $0x6FFFF;
	_ =	strace $0x90000049  }
0xb3: {  	s29 =	simm.s32 $0x9;
	_ =	strace $0x8000004B  }
0xb4: {  	_ =	swait.ge [sflag:s29], $0x1  }
0xb5: {  	[sflag:s29] =	ssyncadd.s32 $0xFFFFFFFF  }
0xb6: {  	_ =	strace $0x9000004B  }
0xb7: {  	_ =	sfence  }
0xb8: {  	s30 =	sld [smem:$0x0];
	_ =	sdelay $0x2  }
0xb9: {  	s31 =	sshll.u32 s1, $0xD;
	s1 =	sshrl.u32 s1, $0x2  }
0xba: {  	s3 =	sand.u32 $0x4000, s31;
	s1 =	sadd.s32 s1, s30  }
0xbb: {  	s0 =	sor.u32 s3, s0;
	s1 =	sshll.u32 s1, $0x11  }
0xbc: {  	s0 =	sor.u32 s1, s0  }
0xbd: {  	s0 =	sadd.s32 $0x8F2B, s0  }
0xbe: {  	[sflag:s0] =	ssyncadd.remote.s32 $0x1  }
0xbf: {  	_ =	sfence.sel $0xFFFF  }
0xc0: {  	[dreg:$0x0] =	wrdreg $0xFFFFFFFF;
	(pc) =	sbr.abs _section_cstart, $3  }
0xc1: {  	[dreg:$0x1] =	wrdreg $0xFFFFFFFF  }
0xc2: {  	_ =	task.clear_ibuf [dreg:s7], $0x2FFFF;
	_ =	strace $0x9FFFFFFF  }
0xc3: {  	(tm) =	ssettm $0x7FFFFFFF  }
tec
execute0_lowered:
.L_overlay_start_1:
0x0: {  	(tag) =	ssettag $0x1  }
0x1: {  	s17 =	rddreg [dreg:$0x0]  }
0x2: {  	s1 =	rddreg [dreg:$0x1]  }
0x3: {  	s2 =	rddreg [dreg:$0x2]  }
0x4: {  	s3 =	srdreg.scid;
	s0 =	stileid.u32  }
0x5: {  	s4 =	simm.s32 $0x0;
	s6 =	sand.u32 $0x1, s3;
	s7 =	smul.u32 $0x280, s0  }
0x6: {  	[smem:$0x7FF] =	sst s4;
	s5 =	sadd.s32 $0x16C00, s17;
	s31 =	smul.u32 $0x14000, s0  }
0x7: {  	s8 =	ssub.s32 $0x2, s6;
	_ =	strace $0x8000004A;
	s24 =	sshll.u32 s6, $0x4  }
0x8: {  	s6 =	smul.u32 $0x140000, s6;
	s9 =	sshrl.u32 s8, $0x1;
	s25 =	sor.u32 $0x50, s7  }
0x9: {  	s23 =	sadd.s32 $0xA0, s7;
	s15 =	sadd.s32 $0xF0, s7;
	s21 =	sadd.s32 $0x140, s7  }
0xa: {  	s10 =	sadd.s32 $0x190, s7;
	s3 =	sadd.s32 $0x1E0, s7;
	s12 =	sadd.s32 $0x230, s7  }
0xb: {  	s0 =	sor.u32 s0, s24;
	s24 =	sadd.s32 $0xB0, s7;
	[dreg:$0x8] =	wrdreg s10  }
0xc: {  	s30 =	ssub.s32 s8, s9;
	[dreg:$0x6] =	wrdreg s3;
	s11 =	sshll.u32 s25, $0x7  }
0xd: {  	[dreg:$0x5] =	wrdreg s12;
	s9 =	sadd.s32 s31, s6;
	s18 =	sshll.u32 s23, $0x7  }
0xe: {  	s13 =	sshll.u32 s15, $0x7;
	s14 =	sshll.u32 s21, $0x7;
	[dreg:$0x10] =	wrdreg s0  }
0xf: {  	v39 =	vlaneseq.u32;
	s26 =	sshll.u32 s10, $0x7;
	s28 =	sshll.u32 s3, $0x7;
	[dreg:$0x4] =	wrdreg s30  }
0x10: {  	s3 =	sor.u32 $0x70, s7;
	v4 =	vor.u32 s25, v39;
	s25 =	sadd.s32 $0x1B0, s7;
	[dreg:$0xf] =	wrdreg s9  }
0x11: {  	s8 =	sadd.s32 $0x80, s7;
	s16 =	sadd.s32 s6, s11;
	v27 =	vor.u32 s25, v39;
	s25 =	rddreg [dreg:$0x6]  }
0x12: {  	s10 =	sadd.s32 $0xC0, s7;
	s19 =	sadd.s32 s6, s18;
	[dreg:$0xe] =	wrdreg s16  }
0x13: {  	s0 =	sadd.s32 $0x1F0, s7;
	s20 =	sadd.s32 s6, s13;
	[dreg:$0xc] =	wrdreg s19  }
0x14: {  	v9 =	vor.u32 s23, v39;
	s23 =	sadd.s32 $0x220, s7;
	s22 =	sadd.s32 s6, s14;
	[dreg:$0xd] =	wrdreg s20  }
0x15: {  	v10 =	vor.u32 s24, v39;
	s24 =	sadd.s32 $0x240, s7;
	s29 =	sadd.s32 s6, s26;
	[dreg:$0xb] =	wrdreg s22  }
0x16: {  	s18 =	sshll.u32 s12, $0x7;
	s30 =	sadd.s32 s6, s28;
	[dreg:$0x9] =	wrdreg s29  }
0x17: {  	s26 =	sor.u32 $0x10, s7;
	s28 =	sor.u32 $0x20, s7;
	[dreg:$0xa] =	wrdreg s30  }
0x18: {  	s9 =	sadd.s32 $0x90, s7;
	s12 =	sadd.s32 $0xE0, s7;
	v11 =	vor.u32 s10, v39;
	s10 =	rddreg [dreg:$0xf]  }
0x19: {  	s11 =	sadd.s32 $0xD0, s7;
	s31 =	sadd.s32 s6, s18;
	v14 =	vor.u32 s12, v39;
	s12 =	rddreg [dreg:$0x10]  }
0x1a: {  	s13 =	sadd.s32 $0x100, s7;
	v8 =	vor.u32 s9, v39;
	s9 =	sadd.s32 $0x250, s7;
	[dreg:$0x7] =	wrdreg s31  }
0x1b: {  	s14 =	sadd.s32 $0x130, s7;
	v6 =	vor.u32 s3, v39;
	s3 =	sadd.s32 $0x200, s7;
	[dreg:$0x11] =	wrdreg s9  }
0x1c: {  	v34 =	vor.u32 s23, v39;
	v36 =	vor.u32 s24, v39;
	s23 =	simm.s32 $0x1;
	s24 =	simm.s32 $0x2;
	v16 =	vor.u32 s13, v39;
	s13 =	rddreg [dreg:$0xe]  }
0x1d: {  	v15 =	vor.u32 s15, v39;
	s6 =	sadd.s32 $0x2C00, s17;
	s16 =	sadd.s32 $0x120, s7;
	s15 =	rddreg [dreg:$0xc]  }
0x1e: {  	s17 =	sadd.s32 $0x3EC00, s17;
	s18 =	sadd.s32 $0x110, s7;
	v18 =	vor.u32 s16, v39;
	s16 =	rddreg [dreg:$0xd]  }
0x1f: {  	s29 =	sor.u32 $0x30, s7;
	s19 =	sadd.s32 $0x150, s7;
	v17 =	vor.u32 s18, v39;
	s18 =	rddreg [dreg:$0xb]  }
0x20: {  	s30 =	sor.u32 $0x40, s7;
	s20 =	sadd.s32 $0x160, s7;
	v21 =	vor.u32 s19, v39;
	s19 =	rddreg [dreg:$0x8]  }
0x21: {  	v0 =	vor.u32 s26, v39;
	v1 =	vor.u32 s28, v39;
	s26 =	sadd.s32 $0x170, s7;
	s28 =	sadd.s32 $0x180, s7;
	v22 =	vor.u32 s20, v39;
	s20 =	rddreg [dreg:$0x9]  }
0x22: {  	v20 =	vor.u32 s21, v39;
	s22 =	sadd.s32 $0x1A0, s7;
	v30 =	vor.u32 s25, v39;
	s25 =	simm.s32 $0x1C00;
	s21 =	rddreg [dreg:$0xa]  }
0x23: {  	s31 =	sor.u32 $0x60, s7;
	v2 =	vor.u32 s29, v39;
	s29 =	sadd.s32 $0x1C0, s7;
	v23 =	vor.u32 s26, v39;
	s26 =	rddreg [dreg:$0x4]  }
0x24: {  	v3 =	vor.u32 s30, v39;
	s30 =	sadd.s32 $0x1D0, s7;
	s9 =	sadd.s32 $0x260, s7;
	v24 =	vor.u32 s28, v39;
	s28 =	rddreg [dreg:$0x5]  }
0x25: {  	v12 =	vor.u32 s11, v39;
	s11 =	sshrl.u32 s10, $0x3;
	v5 =	vor.u32 s31, v39;
	s31 =	sadd.s32 $0x210, s7;
	[dreg:$0x12] =	wrdreg s9  }
0x26: {  	v13 =	vor.u32 s7, v39;
	v7 =	vor.u32 s8, v39;
	s7 =	sadd.s32 $0x270, s7;
	s8 =	sadd.s32 s17, s11;
	s9 =	sshrl.u32 s13, $0x3  }
0x27: {  	s10 =	sshrl.u32 s15, $0x3;
	s11 =	sshrl.u32 s16, $0x3;
	s13 =	sshrl.u32 s20, $0x3  }
0x28: {  	v19 =	vor.u32 s14, v39;
	v26 =	vor.u32 s22, v39;
	s14 =	sshrl.u32 s21, $0x3;
	s22 =	rddreg [dreg:$0x7];
	s16 =	smax.u32 s26, $0x1  }
0x29: {  	v25 =	vor.u32 s19, v39;
	v28 =	vor.u32 s29, v39;
	s19 =	simm.s32 $0x2080;
	s20 =	simm.s32 $0x3;
	s29 =	rddreg [dreg:$0x11]  }
0x2a: {  	s21 =	simm.s32 $0x1000;
	s26 =	simm.s32 $0x0;
	[dreg:$0x13] =	wrdreg s7  }
0x2b: {  	s7 =	smul.u32 $0x5000, s12;
	s9 =	sadd.s32 s17, s9;
	s10 =	sadd.s32 s17, s10  }
0x2c: {  	s11 =	sadd.s32 s17, s11;
	s12 =	sshrl.u32 s18, $0x3;
	s13 =	sadd.s32 s17, s13  }
0x2d: {  	v40 =	vimm.f32 $0.0e+00;
	v31 =	vor.u32 s0, v39;
	v29 =	vor.u32 s30, v39;
	s14 =	sadd.s32 s17, s14;
	s15 =	sshrl.u32 s22, $0x3;
	s30 =	rddreg [dreg:$0x12]  }
0x2e: {  	v32 =	vor.u32 s3, v39;
	v35 =	vor.u32 s28, v39;
	v33 =	vor.u32 s31, v39;
	s18 =	simm.s32 $0x2000;
	s22 =	simm.s32 $0x4880;
	s31 =	rddreg [dreg:$0x13]  }
0x2f: {  	v37 =	vor.u32 s29, v39;
	s12 =	sadd.s32 s17, s12;
	s15 =	sadd.s32 s17, s15;
	s17 =	simm.s32 $0x50;
	v38 =	vor.u32 s30, v39;
	v39 =	vor.u32 s31, v39  }
.LBB2_1:
0x30: {  	s0 =	sand.u32 $0xFE00, s4  }
0x31: {  	s3 =	sand.u32 $0x70, s4;
	s0 =	sshrl.u32 s0, $0x2  }
0x32: {  	s28 =	simm.s32 $0x40;
	s29 =	simm.s32 $0x0;
	s30 =	sor.u32 s3, s0  }
.LBB2_2:
0x33: {  	p0 =	sne.s32 s28, $0x9FC0  }
0x34: {  	[tilespmem:s30+$0x2080] =	vst v40;
	s29 =	sadd.s32 $0x10, s29;
	s0 =	smov.u32 s28;
	s28 =	sadd.s32 $0x40, s28  }
.Ltmp0:
0x35: {  	(pc) =	sbr.rel @p0 .LBB2_2-.Ltmp0, $4  }
0x36: {  	_ = 	snop  }
0x37: {  	s0 =	sand.u32 $0xFE00, s0  }
0x38: {  	s3 =	sand.u32 $0x70, s29;
	s0 =	sshrl.u32 s0, $0x2  }
0x39: {  	s30 =	sor.u32 s3, s0  }
0x3a: {  	[tilespmem:s30+$0x2080] =	vst v40  }
0x3b: {  	[tilespmem:$0x2000] =	vst v13  }
0x3c: {  	[tilespmem:$0x2010] =	vst v0  }
0x3d: {  	[tilespmem:$0x2020] =	vst v1  }
0x3e: {  	[tilespmem:$0x2030] =	vst v2  }
0x3f: {  	[tilespmem:$0x2040] =	vst v3  }
0x40: {  	[spmem:s2] =	stream.indirect.scatter [tilespmem:s19], [sflag:$0x3], $0x80, s18, s17, $0xb8;
	[tilespmem:$0x1B080] =	vst v63  }
0x41: {  	_ =	swait.ge [sflag:s20], $0x2800  }
0x42: {  	[sflag:s20] =	ssyncset.done $0x0  }
0x43: {  	[sflag:s20] =	ssyncadd.s32 $0xFFFFD800  }
0x44: {  	[tilespmem:$0x2000] =	vst v4  }
0x45: {  	[tilespmem:$0x2010] =	vst v5  }
0x46: {  	[tilespmem:$0x2020] =	vst v6  }
0x47: {  	[tilespmem:$0x2030] =	vst v7  }
0x48: {  	[tilespmem:$0x2040] =	vst v8  }
0x49: {  	[spmem:s2] =	stream.indirect.scatter [tilespmem:s19], [sflag:$0x3], $0x80, s18, s17, $0xb8;
	[tilespmem:$0x1B080] =	vst v63  }
0x4a: {  	_ =	swait.ge [sflag:s20], $0x2800  }
0x4b: {  	[sflag:s20] =	ssyncset.done $0x0  }
0x4c: {  	[sflag:s20] =	ssyncadd.s32 $0xFFFFD800  }
0x4d: {  	[tilespmem:$0x2000] =	vst v9  }
0x4e: {  	[tilespmem:$0x2010] =	vst v10  }
0x4f: {  	[tilespmem:$0x2020] =	vst v11  }
0x50: {  	[tilespmem:$0x2030] =	vst v12  }
0x51: {  	[tilespmem:$0x2040] =	vst v14  }
0x52: {  	[spmem:s2] =	stream.indirect.scatter [tilespmem:s19], [sflag:$0x3], $0x80, s18, s17, $0xb8;
	[tilespmem:$0x1B080] =	vst v63  }
0x53: {  	_ =	swait.ge [sflag:s20], $0x2800  }
0x54: {  	[sflag:s20] =	ssyncset.done $0x0  }
0x55: {  	[sflag:s20] =	ssyncadd.s32 $0xFFFFD800  }
0x56: {  	[tilespmem:$0x2000] =	vst v15  }
0x57: {  	[tilespmem:$0x2010] =	vst v16  }
0x58: {  	[tilespmem:$0x2020] =	vst v17  }
0x59: {  	[tilespmem:$0x2030] =	vst v18  }
0x5a: {  	[tilespmem:$0x2040] =	vst v19  }
0x5b: {  	[spmem:s2] =	stream.indirect.scatter [tilespmem:s19], [sflag:$0x3], $0x80, s18, s17, $0xb8;
	[tilespmem:$0x1B080] =	vst v63  }
0x5c: {  	_ =	swait.ge [sflag:s20], $0x2800  }
0x5d: {  	[sflag:s20] =	ssyncset.done $0x0  }
0x5e: {  	[sflag:s20] =	ssyncadd.s32 $0xFFFFD800  }
0x5f: {  	[tilespmem:$0x2000] =	vst v20  }
0x60: {  	[tilespmem:$0x2010] =	vst v21  }
0x61: {  	[tilespmem:$0x2020] =	vst v22  }
0x62: {  	[tilespmem:$0x2030] =	vst v23  }
0x63: {  	[tilespmem:$0x2040] =	vst v24  }
0x64: {  	[spmem:s2] =	stream.indirect.scatter [tilespmem:s19], [sflag:$0x3], $0x80, s18, s17, $0xb8;
	[tilespmem:$0x1B080] =	vst v63  }
0x65: {  	_ =	swait.ge [sflag:s20], $0x2800  }
0x66: {  	[sflag:s20] =	ssyncset.done $0x0  }
0x67: {  	[sflag:s20] =	ssyncadd.s32 $0xFFFFD800  }
0x68: {  	[tilespmem:$0x2000] =	vst v25  }
0x69: {  	[tilespmem:$0x2010] =	vst v26  }
0x6a: {  	[tilespmem:$0x2020] =	vst v27  }
0x6b: {  	[tilespmem:$0x2030] =	vst v28  }
0x6c: {  	[tilespmem:$0x2040] =	vst v29  }
0x6d: {  	[spmem:s2] =	stream.indirect.scatter [tilespmem:s19], [sflag:$0x3], $0x80, s18, s17, $0xb8;
	[tilespmem:$0x1B080] =	vst v63  }
0x6e: {  	_ =	swait.ge [sflag:s20], $0x2800  }
0x6f: {  	[sflag:s20] =	ssyncset.done $0x0  }
0x70: {  	[sflag:s20] =	ssyncadd.s32 $0xFFFFD800  }
0x71: {  	[tilespmem:$0x2000] =	vst v30  }
0x72: {  	[tilespmem:$0x2010] =	vst v31  }
0x73: {  	[tilespmem:$0x2020] =	vst v32  }
0x74: {  	[tilespmem:$0x2030] =	vst v33  }
0x75: {  	[tilespmem:$0x2040] =	vst v34  }
0x76: {  	[spmem:s2] =	stream.indirect.scatter [tilespmem:s19], [sflag:$0x3], $0x80, s18, s17, $0xb8;
	[tilespmem:$0x1B080] =	vst v63  }
0x77: {  	_ =	swait.ge [sflag:s20], $0x2800  }
0x78: {  	[sflag:s20] =	ssyncset.done $0x0  }
0x79: {  	[sflag:s20] =	ssyncadd.s32 $0xFFFFD800  }
0x7a: {  	[tilespmem:$0x2000] =	vst v35  }
0x7b: {  	[tilespmem:$0x2010] =	vst v36  }
0x7c: {  	[tilespmem:$0x2020] =	vst v37  }
0x7d: {  	[tilespmem:$0x2030] =	vst v38  }
0x7e: {  	[tilespmem:$0x2040] =	vst v39  }
0x7f: {  	[spmem:s2] =	stream.indirect.scatter [tilespmem:s19], [sflag:$0x3], $0x80, s18, s17, $0xb8;
	[tilespmem:$0x1B080] =	vst v63  }
0x80: {  	_ =	swait.ge [sflag:s20], $0x2800  }
0x81: {  	[sflag:s20] =	ssyncset.done $0x0  }
0x82: {  	[sflag:s20] =	ssyncadd.s32 $0xFFFFD800  }
0x83: {  	s28 =	simm.s32 $0x0;
	[bflag:$0x0] =	sbarrier.arrive $0xFFFF  }
.LBB2_4:
0x84: {  	s0 =	sshll.u32 s28, $0xC  }
0x85: {  	s0 =	sadd.s32 s7, s0  }
0x86: {  	s0 =	sshrl.u32 s0, $0x3  }
0x87: {  	s3 =	sadd.s32 s1, s0  }
0x88: {  	[tilespmem:s4], [sflag:$0x3] =	stream.linear.gather [hbm4b:s3+s4], $0xC80, $0x38;
	[tilespmem:$0x1B080] =	vst v63  }
0x89: {  	_ =	swait.ge [sflag:s20], $0xC80  }
0x8a: {  	[sflag:s20] =	ssyncset.done $0x0  }
0x8b: {  	s0 =	sadd.s32 s6, s0;
	[sflag:s20] =	ssyncadd.s32 $0xFFFFF380  }
0x8c: {  	[tilespmem:s21], [sflag:$0x3] =	stream.linear.gather [hbm4b:s0+s4], $0xC80, $0x38;
	[tilespmem:$0x1B080] =	vst v63  }
0x8d: {  	_ =	swait.ge [sflag:s20], $0xC80  }
0x8e: {  	[sflag:s20] =	ssyncset.done $0x0  }
0x8f: {  	[sflag:s20] =	ssyncadd.s32 $0xFFFFF380  }
0x90: {  	[tilespmem:s19], [sflag:$0x1] =	stream.indirect.gather [hbm4b:s5+s17], $0x80, s4, s17, $0xb8;
	[tilespmem:$0x1B080] =	vst v63  }
0x91: {  	s3 =	simm.s32 $0x80  }
0x92: {  	[tilespmem:s22], [sflag:$0x2] =	stream.indirect.gather [hbm4b:s5+s17], $0x80, s3, s17, $0xb8;
	[tilespmem:$0x1B080] =	vst v63  }
0x93: {  	_ =	swait.ge [sflag:s23], $0x2800  }
0x94: {  	[sflag:s23] =	ssyncset.done $0x0  }
0x95: {  	s31 =	simm.s32 $0x1000;
	[sflag:s23] =	ssyncadd.s32 $0xFFFFD800  }
0x96: {  	[spmem:s2] =	stream.indirect.scatter.add.f32 [tilespmem:s19], [sflag:$0x3], $0x80, s31, s17, $0xb8;
	[tilespmem:$0x1B080] =	vst v63  }
0x97: {  	_ =	swait.ge [sflag:s20], $0x2800  }
0x98: {  	[sflag:s20] =	ssyncset.done $0x0  }
0x99: {  	s3 =	simm.s32 $0x100;
	[sflag:s20] =	ssyncadd.s32 $0xFFFFD800  }
0x9a: {  	[tilespmem:s19], [sflag:$0x1] =	stream.indirect.gather [hbm4b:s5+s17], $0x80, s3, s17, $0xb8;
	[tilespmem:$0x1B080] =	vst v63  }
0x9b: {  	_ =	swait.ge [sflag:s24], $0x2800  }
0x9c: {  	[sflag:s24] =	ssyncset.done $0x0  }
0x9d: {  	s31 =	simm.s32 $0x1080;
	[sflag:s24] =	ssyncadd.s32 $0xFFFFD800  }
0x9e: {  	[spmem:s2] =	stream.indirect.scatter.add.f32 [tilespmem:s22], [sflag:$0x3], $0x80, s31, s17, $0xb8;
	[tilespmem:$0x1B080] =	vst v63  }
0x9f: {  	_ =	swait.ge [sflag:s20], $0x2800  }
0xa0: {  	s30 =	simm.s32 $0xFFFFD800;
	s29 =	simm.s32 $0xFFFFF500;
	[sflag:s20] =	ssyncset.done $0x0  }
.LBB2_5:
0xa1: {  	s0 =	sadd.s32 $0xC80, s29  }
0xa2: {  	[sflag:s20] =	ssyncadd.s32 $0xFFFFD800;
	s3 =	smov.u32 s30;
	s31 =	sadd.s32 $0x400, s30  }
0xa3: {  	[tilespmem:s22], [sflag:$0x2] =	stream.indirect.gather [hbm4b:s5+s17], $0x80, s0, s17, $0xb8;
	[tilespmem:$0x1B080] =	vst v63  }
0xa4: {  	p0 =	sne.s32 s30, $0xFFFFFC00;
	_ =	swait.ge [sflag:s23], $0x2800  }
0xa5: {  	[sflag:s23] =	ssyncset.done $0x0  }
0xa6: {  	s0 =	sadd.s32 $0x1C00, s29;
	[sflag:s23] =	ssyncadd.s32 $0xFFFFD800  }
0xa7: {  	[spmem:s2] =	stream.indirect.scatter.add.f32 [tilespmem:s19], [sflag:$0x3], $0x80, s0, s17, $0xb8;
	[tilespmem:$0x1B080] =	vst v63  }
0xa8: {  	_ =	swait.ge [sflag:s20], $0x2800  }
0xa9: {  	[sflag:s20] =	ssyncset.done $0x0  }
0xaa: {  	s0 =	sadd.s32 $0xD00, s29;
	[sflag:s20] =	ssyncadd.s32 $0xFFFFD800  }
0xab: {  	[tilespmem:s19], [sflag:$0x1] =	stream.indirect.gather [hbm4b:s5+s17], $0x80, s0, s17, $0xb8;
	[tilespmem:$0x1B080] =	vst v63  }
0xac: {  	_ =	swait.ge [sflag:s24], $0x2800  }
.Ltmp1:
0xad: {  	[sflag:s24] =	ssyncset.done $0x0;
	(pc) =	sbr.rel @p0 .LBB2_5-.Ltmp1, $4  }
0xae: {  	s0 =	sadd.s32 $0x1C80, s29;
	[sflag:s24] =	ssyncadd.s32 $0xFFFFD800  }
0xaf: {  	[spmem:s2] =	stream.indirect.scatter.add.f32 [tilespmem:s22], [sflag:$0x3], $0x80, s0, s17, $0xb8;
	[tilespmem:$0x1B080] =	vst v63  }
0xb0: {  	_ =	swait.ge [sflag:s20], $0x2800  }
0xb1: {  	s30 =	smov.u32 s31;
	s29 =	sshra.s32 s3, $0x2;
	[sflag:s20] =	ssyncset.done $0x0  }
0xb2: {  	s0 =	sadd.s32 $0xC80, s29;
	[sflag:s20] =	ssyncadd.s32 $0xFFFFD800  }
0xb3: {  	[tilespmem:s22], [sflag:$0x2] =	stream.indirect.gather [hbm4b:s5+s17], $0x80, s0, s17, $0xb8;
	[tilespmem:$0x1B080] =	vst v63  }
0xb4: {  	_ =	swait.ge [sflag:s23], $0x2800  }
0xb5: {  	[sflag:s23] =	ssyncset.done $0x0  }
0xb6: {  	s3 =	sadd.s32 $0x1C00, s29;
	[sflag:s23] =	ssyncadd.s32 $0xFFFFD800  }
0xb7: {  	[spmem:s2] =	stream.indirect.scatter.add.f32 [tilespmem:s19], [sflag:$0x3], $0x80, s3, s17, $0xb8;
	[tilespmem:$0x1B080] =	vst v63  }
0xb8: {  	_ =	swait.ge [sflag:s20], $0x2800  }
0xb9: {  	[sflag:s20] =	ssyncset.done $0x0  }
0xba: {  	s30 =	sadd.s32 $0xD00, s29;
	[sflag:s20] =	ssyncadd.s32 $0xFFFFD800  }
0xbb: {  	[tilespmem:s19], [sflag:$0x1] =	stream.indirect.gather [hbm4b:s5+s17], $0x80, s30, s17, $0xb8;
	[tilespmem:$0x1B080] =	vst v63  }
0xbc: {  	_ =	swait.ge [sflag:s24], $0x2800  }
0xbd: {  	[sflag:s24] =	ssyncset.done $0x0  }
0xbe: {  	s31 =	sadd.s32 $0x1C80, s29;
	[sflag:s24] =	ssyncadd.s32 $0xFFFFD800  }
0xbf: {  	[spmem:s2] =	stream.indirect.scatter.add.f32 [tilespmem:s22], [sflag:$0x3], $0x80, s31, s17, $0xb8;
	[tilespmem:$0x1B080] =	vst v63  }
0xc0: {  	_ =	swait.ge [sflag:s20], $0x2800  }
0xc1: {  	[sflag:s20] =	ssyncset.done $0x0  }
0xc2: {  	[sflag:s20] =	ssyncadd.s32 $0xFFFFD800  }
0xc3: {  	s28 =	sadd.s32 $0x1, s28;
	_ =	swait.ge [sflag:s23], $0x2800  }
0xc4: {  	p0 =	sne.s32 s28, $0x5;
	[sflag:s23] =	ssyncset.done $0x0  }
.Ltmp2:
0xc5: {  	[sflag:s23] =	ssyncadd.s32 $0xFFFFD800;
	(pc) =	sbr.rel @p0 .LBB2_4-.Ltmp2, $4  }
0xc6: {  	[spmem:s2] =	stream.indirect.scatter.add.f32 [tilespmem:s19], [sflag:$0x3], $0x80, s25, s17, $0xb8;
	[tilespmem:$0x1B080] =	vst v63  }
0xc7: {  	_ =	swait.ge [sflag:s20], $0x2800  }
0xc8: {  	[sflag:s20] =	ssyncset.done $0x0  }
0xc9: {  	[sflag:s20] =	ssyncadd.s32 $0xFFFFD800  }
0xca: {  	[bflag:$0x0] =	sbarrier.arrive $0xFFFF  }
0xcb: {  	[tilespmem:$0x2000] =	vst v13  }
0xcc: {  	[tilespmem:$0x2010] =	vst v0  }
0xcd: {  	[tilespmem:$0x2020] =	vst v1  }
0xce: {  	[tilespmem:$0x2030] =	vst v2  }
0xcf: {  	[tilespmem:$0x2040] =	vst v3  }
0xd0: {  	[tilespmem:s19], [sflag:$0x1] =	stream.indirect.gather [spmem:s2], $0x80, s18, s17, $0xb8;
	[tilespmem:$0x1B080] =	vst v63  }
0xd1: {  	_ =	swait.ge [sflag:s23], $0x2800  }
0xd2: {  	[sflag:s23] =	ssyncset.done $0x0  }
0xd3: {  	[sflag:s23] =	ssyncadd.s32 $0xFFFFD800  }
0xd4: {  	[hbm4b:s8+s4] =	stream.linear.scatter [tilespmem:s19], [sflag:$0x3], $0x2800, $0x38;
	[tilespmem:$0x1B080] =	vst v63  }
0xd5: {  	_ =	swait.ge [sflag:s20], $0x2800  }
0xd6: {  	[sflag:s20] =	ssyncset.done $0x0  }
0xd7: {  	[sflag:s20] =	ssyncadd.s32 $0xFFFFD800  }
0xd8: {  	[tilespmem:$0x2000] =	vst v4  }
0xd9: {  	[tilespmem:$0x2010] =	vst v5  }
0xda: {  	[tilespmem:$0x2020] =	vst v6  }
0xdb: {  	[tilespmem:$0x2030] =	vst v7  }
0xdc: {  	[tilespmem:$0x2040] =	vst v8  }
0xdd: {  	[tilespmem:s19], [sflag:$0x1] =	stream.indirect.gather [spmem:s2], $0x80, s18, s17, $0xb8;
	[tilespmem:$0x1B080] =	vst v63  }
0xde: {  	_ =	swait.ge [sflag:s23], $0x2800  }
0xdf: {  	[sflag:s23] =	ssyncset.done $0x0  }
0xe0: {  	[sflag:s23] =	ssyncadd.s32 $0xFFFFD800  }
0xe1: {  	[hbm4b:s9+s4] =	stream.linear.scatter [tilespmem:s19], [sflag:$0x3], $0x2800, $0x38;
	[tilespmem:$0x1B080] =	vst v63  }
0xe2: {  	_ =	swait.ge [sflag:s20], $0x2800  }
0xe3: {  	[sflag:s20] =	ssyncset.done $0x0  }
0xe4: {  	[sflag:s20] =	ssyncadd.s32 $0xFFFFD800  }
0xe5: {  	[tilespmem:$0x2000] =	vst v9  }
0xe6: {  	[tilespmem:$0x2010] =	vst v10  }
0xe7: {  	[tilespmem:$0x2020] =	vst v11  }
0xe8: {  	[tilespmem:$0x2030] =	vst v12  }
0xe9: {  	[tilespmem:$0x2040] =	vst v14  }
0xea: {  	[tilespmem:s19], [sflag:$0x1] =	stream.indirect.gather [spmem:s2], $0x80, s18, s17, $0xb8;
	[tilespmem:$0x1B080] =	vst v63  }
0xeb: {  	_ =	swait.ge [sflag:s23], $0x2800  }
0xec: {  	[sflag:s23] =	ssyncset.done $0x0  }
0xed: {  	[sflag:s23] =	ssyncadd.s32 $0xFFFFD800  }
0xee: {  	[hbm4b:s10+s4] =	stream.linear.scatter [tilespmem:s19], [sflag:$0x3], $0x2800, $0x38;
	[tilespmem:$0x1B080] =	vst v63  }
0xef: {  	_ =	swait.ge [sflag:s20], $0x2800  }
0xf0: {  	[sflag:s20] =	ssyncset.done $0x0  }
0xf1: {  	[sflag:s20] =	ssyncadd.s32 $0xFFFFD800  }
0xf2: {  	[tilespmem:$0x2000] =	vst v15  }
0xf3: {  	[tilespmem:$0x2010] =	vst v16  }
0xf4: {  	[tilespmem:$0x2020] =	vst v17  }
0xf5: {  	[tilespmem:$0x2030] =	vst v18  }
0xf6: {  	[tilespmem:$0x2040] =	vst v19  }
0xf7: {  	[tilespmem:s19], [sflag:$0x1] =	stream.indirect.gather [spmem:s2], $0x80, s18, s17, $0xb8;
	[tilespmem:$0x1B080] =	vst v63  }
0xf8: {  	_ =	swait.ge [sflag:s23], $0x2800  }
0xf9: {  	[sflag:s23] =	ssyncset.done $0x0  }
0xfa: {  	[sflag:s23] =	ssyncadd.s32 $0xFFFFD800  }
0xfb: {  	[hbm4b:s11+s4] =	stream.linear.scatter [tilespmem:s19], [sflag:$0x3], $0x2800, $0x38;
	[tilespmem:$0x1B080] =	vst v63  }
0xfc: {  	_ =	swait.ge [sflag:s20], $0x2800  }
0xfd: {  	[sflag:s20] =	ssyncset.done $0x0  }
0xfe: {  	[sflag:s20] =	ssyncadd.s32 $0xFFFFD800  }
0xff: {  	[tilespmem:$0x2000] =	vst v20  }
0x100: {  	[tilespmem:$0x2010] =	vst v21  }
0x101: {  	[tilespmem:$0x2020] =	vst v22  }
0x102: {  	[tilespmem:$0x2030] =	vst v23  }
0x103: {  	[tilespmem:$0x2040] =	vst v24  }
0x104: {  	[tilespmem:s19], [sflag:$0x1] =	stream.indirect.gather [spmem:s2], $0x80, s18, s17, $0xb8;
	[tilespmem:$0x1B080] =	vst v63  }
0x105: {  	_ =	swait.ge [sflag:s23], $0x2800  }
0x106: {  	[sflag:s23] =	ssyncset.done $0x0  }
0x107: {  	[sflag:s23] =	ssyncadd.s32 $0xFFFFD800  }
0x108: {  	[hbm4b:s12+s4] =	stream.linear.scatter [tilespmem:s19], [sflag:$0x3], $0x2800, $0x38;
	[tilespmem:$0x1B080] =	vst v63  }
0x109: {  	_ =	swait.ge [sflag:s20], $0x2800  }
0x10a: {  	[sflag:s20] =	ssyncset.done $0x0  }
0x10b: {  	[sflag:s20] =	ssyncadd.s32 $0xFFFFD800  }
0x10c: {  	[tilespmem:$0x2000] =	vst v25  }
0x10d: {  	[tilespmem:$0x2010] =	vst v26  }
0x10e: {  	[tilespmem:$0x2020] =	vst v27  }
0x10f: {  	[tilespmem:$0x2030] =	vst v28  }
0x110: {  	[tilespmem:$0x2040] =	vst v29  }
0x111: {  	[tilespmem:s19], [sflag:$0x1] =	stream.indirect.gather [spmem:s2], $0x80, s18, s17, $0xb8;
	[tilespmem:$0x1B080] =	vst v63  }
0x112: {  	_ =	swait.ge [sflag:s23], $0x2800  }
0x113: {  	[sflag:s23] =	ssyncset.done $0x0  }
0x114: {  	[sflag:s23] =	ssyncadd.s32 $0xFFFFD800  }
0x115: {  	[hbm4b:s13+s4] =	stream.linear.scatter [tilespmem:s19], [sflag:$0x3], $0x2800, $0x38;
	[tilespmem:$0x1B080] =	vst v63  }
0x116: {  	_ =	swait.ge [sflag:s20], $0x2800  }
0x117: {  	[sflag:s20] =	ssyncset.done $0x0  }
0x118: {  	[sflag:s20] =	ssyncadd.s32 $0xFFFFD800  }
0x119: {  	[tilespmem:$0x2000] =	vst v30  }
0x11a: {  	[tilespmem:$0x2010] =	vst v31  }
0x11b: {  	[tilespmem:$0x2020] =	vst v32  }
0x11c: {  	[tilespmem:$0x2030] =	vst v33  }
0x11d: {  	[tilespmem:$0x2040] =	vst v34  }
0x11e: {  	[tilespmem:s19], [sflag:$0x1] =	stream.indirect.gather [spmem:s2], $0x80, s18, s17, $0xb8;
	[tilespmem:$0x1B080] =	vst v63  }
0x11f: {  	_ =	swait.ge [sflag:s23], $0x2800  }
0x120: {  	[sflag:s23] =	ssyncset.done $0x0  }
0x121: {  	[sflag:s23] =	ssyncadd.s32 $0xFFFFD800  }
0x122: {  	[hbm4b:s14+s4] =	stream.linear.scatter [tilespmem:s19], [sflag:$0x3], $0x2800, $0x38;
	[tilespmem:$0x1B080] =	vst v63  }
0x123: {  	_ =	swait.ge [sflag:s20], $0x2800  }
0x124: {  	[sflag:s20] =	ssyncset.done $0x0  }
0x125: {  	[sflag:s20] =	ssyncadd.s32 $0xFFFFD800  }
0x126: {  	[tilespmem:$0x2000] =	vst v35  }
0x127: {  	[tilespmem:$0x2010] =	vst v36  }
0x128: {  	[tilespmem:$0x2020] =	vst v37  }
0x129: {  	[tilespmem:$0x2030] =	vst v38  }
0x12a: {  	[tilespmem:$0x2040] =	vst v39  }
0x12b: {  	[tilespmem:s19], [sflag:$0x1] =	stream.indirect.gather [spmem:s2], $0x80, s18, s17, $0xb8;
	[tilespmem:$0x1B080] =	vst v63  }
0x12c: {  	s26 =	sadd.s32 $0x1, s26;
	_ =	swait.ge [sflag:s23], $0x2800  }
0x12d: {  	p0 =	sne.s32 s26, s16;
	[sflag:s23] =	ssyncset.done $0x0  }
.Ltmp3:
0x12e: {  	[sflag:s23] =	ssyncadd.s32 $0xFFFFD800;
	(pc) =	sbr.rel @p0 .LBB2_1-.Ltmp3, $4  }
0x12f: {  	[hbm4b:s15+s4] =	stream.linear.scatter [tilespmem:s19], [sflag:$0x3], $0x2800, $0x38;
	[tilespmem:$0x1B080] =	vst v63  }
0x130: {  	_ =	swait.ge [sflag:s20], $0x2800  }
0x131: {  	[sflag:s20] =	ssyncset.done $0x0  }
0x132: {  	[sflag:s20] =	ssyncadd.s32 $0xFFFFD800  }
0x133: {  	_ =	sfence.sel $0x180000  }
0x134: {  	[bflag:$0x0] =	sbarrier.arrive $0xFFFF  }
0x135: {  	_ =	strace $0x9000004A  }
0x136: {  	s0 =	stileid.u32;
	[bflag:$0x2] =	sbarrier.arrive $0xFFFF  }
0x137: {  	p0 =	sne.s32 s0, $0x0;
	s0 =	rddreg [dreg:$0x3]  }
0x138: {  	s0 =	sadd.s32 @!p0 $0x100000, s0  }
0x139: {  	[sflag:s0] =	ssyncadd.tile.s32 @!p0 $0x1;
	_ =	shalt  }
.Lfunc_end2:
_tile_overlayer_lowered:
.L_overlay_start_2:
0x13a: {  	(tag) =	ssettag $0x2  }
0x13b: {  	s0 =	rddreg [dreg:$0x0];
	s2 =	stileid.u32  }
0x13c: {  	s1 =	rddreg [dreg:$0x1];
	p0 =	sne.s32 s2, $0x0  }
0x13d: {  	s3 =	rddreg [dreg:$0x2];
	[bflag:$0x3] =	sbarrier.arrive $0xFFFF;
	s2 =	simm.s32 @!p0 $0x1C03  }
0x13e: {  	[timem:s3], [sflag:s2] =	dma.local @!p0 [hbm:s0], s1  }
0x13f: {  	s0 =	simm.s32 @!p0 $0x3  }
0x140: {  	_ =	swait.ge @!p0 [sflag:s0], s1  }
0x141: {  	s1 =	ssub.s32 @!p0 $0x0, s1;
	[sflag:s0] =	ssyncset.done @!p0 $0x0  }
0x142: {  	[sflag:s0] =	ssyncadd.s32 @!p0 s1  }
0x143: {  	[bflag:$0x3] =	sbarrier.arrive $0xFFFF  }
0x144: {  	_ =	shalt  }

</sc_bundles>
